<compile_context>
chip_gen: v7x
topology: tpu7x:2x2x1
jax: 0.10.2.dev20260603
libtpu: 0.0.44.dev20260713+nightly
codegen_flags: <defaults>
</compile_context>

<pallas_src>
import functools

import jax
import jax.numpy as jnp
from jax import lax
from jax.experimental import pallas as pl
from jax.experimental.pallas import tpu as pltpu
from jax.experimental.pallas import tpu_sc as plsc

NC, NS, LANES = 2, 16, 16
NW = NC * NS
CHUNK = 128
DEG_W = 16


def _cdiv(a, b):
    return (a + b - 1) // b


def _mesh():
    return plsc.VectorSubcoreMesh(
        core_axis_name="c", subcore_axis_name="s",
        num_cores=NC, num_subcores=NS)


def _make_sc_degree(n_pad, cptot, dw=128):
    cpt = cptot // NW
    rpt = n_pad // NS
    kcol = dw // LANES
    bw = dw // 8

    def body(src_hbm, dst_hbm, out_hbm, idx_v, ones_v, acc_sh):
        cid = lax.axis_index("c")
        sid = lax.axis_index("s")
        wid = cid * NS + sid
        base = sid * rpt

        def zero_row(r, _):
            for k in range(kcol):
                ones_v[r, pl.ds(k * LANES, LANES)] = jnp.zeros(
                    (LANES,), jnp.float32)
            return 0
        lax.fori_loop(0, CHUNK, zero_row, 0)
        off = 0
        while off < rpt:
            m = min(CHUNK, rpt - off)
            pltpu.sync_copy(ones_v.at[pl.ds(0, m)],
                            acc_sh.at[pl.ds(base + off, m)])
            off += m
        plsc.subcore_barrier()

        for d in range(6):
            et, dr = divmod(d, 2)
            lo, hi = d * bw, (d + 1) * bw

            def fill_row(r, _):
                for k in range(kcol):
                    col = lax.iota(jnp.int32, LANES) + k * LANES
                    v = jnp.where((col >= lo) & (col < hi), 1.0, 0.0)
                    ones_v[r, pl.ds(k * LANES, LANES)] = v.astype(jnp.float32)
                return 0
            lax.fori_loop(0, CHUNK, fill_row, 0)

            ih = src_hbm if dr == 0 else dst_hbm
            pltpu.sync_copy(ih.at[et, pl.ds(wid * cpt, cpt)], idx_v)

            def scat(j, _):
                pltpu.sync_copy(ones_v, acc_sh.at[idx_v.at[j]], add=True)
                return 0
            lax.fori_loop(0, cpt, scat, 0)

        plsc.subcore_barrier()
        pltpu.sync_copy(acc_sh.at[pl.ds(base, rpt)],
                        out_hbm.at[cid, pl.ds(base, rpt)])

    return pl.kernel(
        body,
        out_type=jax.ShapeDtypeStruct((NC, n_pad, dw), jnp.float32),
        mesh=_mesh(),
        scratch_types=[
            pltpu.VMEM((cpt, CHUNK), jnp.int32),
            pltpu.VMEM((CHUNK, dw), jnp.float32),
            pltpu.VMEM_SHARED((n_pad, dw), jnp.float32),
        ])


def _make_sc_agg(n_pad, dh, cptot):
    cpt = cptot // NW
    rpt = n_pad // NS
    rounds = cpt // 2
    kcol = dh // LANES

    def body(t0, t1, t2, src_hbm, dst_hbm, o0, o1, o2,
             idx_s, idx_d, rb0, rb1, acc_sh, g0, g1, s0, s1):
        cid = lax.axis_index("c")
        sid = lax.axis_index("s")
        wid = cid * NS + sid
        base = sid * rpt
        tbls = (t0, t1, t2)
        outs = (o0, o1, o2)

        for et in range(3):
            tbl = tbls[et]

            def zr(r, _):
                for k in range(kcol):
                    rb0[r, pl.ds(k * LANES, LANES)] = jnp.zeros(
                        (LANES,), jnp.float32)
                return 0
            lax.fori_loop(0, CHUNK, zr, 0)
            off = 0
            while off < rpt:
                m = min(CHUNK, rpt - off)
                pltpu.sync_copy(rb0.at[pl.ds(0, m)],
                                acc_sh.at[pl.ds(base + off, m)])
                off += m
            plsc.subcore_barrier()

            pltpu.sync_copy(src_hbm.at[et, pl.ds(wid * cpt, cpt)], idx_s)
            pltpu.sync_copy(dst_hbm.at[et, pl.ds(wid * cpt, cpt)], idx_d)

            pltpu.async_copy(tbl.at[idx_s.at[0]], rb0, g0)
            pltpu.async_copy(tbl.at[idx_s.at[1]], rb1, g1)

            def step(t, _):
                j0 = 2 * t
                j1 = 2 * t + 1
                pltpu.make_async_copy(tbl.at[idx_s.at[0]], rb0, g0).wait()
                pltpu.sync_copy(rb0, acc_sh.at[idx_d.at[j0]], add=True)
                pltpu.async_copy(
                    tbl.at[idx_s.at[lax.rem(j0 + 2, cpt)]], rb0, g0)
                pltpu.make_async_copy(tbl.at[idx_s.at[1]], rb1, g1).wait()
                pltpu.sync_copy(rb1, acc_sh.at[idx_d.at[j1]], add=True)
                pltpu.async_copy(
                    tbl.at[idx_s.at[lax.rem(j1 + 2, cpt)]], rb1, g1)
                return 0
            lax.fori_loop(0, rounds, step, 0)
            pltpu.make_async_copy(tbl.at[idx_s.at[0]], rb0, g0).wait()
            pltpu.make_async_copy(tbl.at[idx_s.at[1]], rb1, g1).wait()
            plsc.subcore_barrier()
            pltpu.sync_copy(acc_sh.at[pl.ds(base, rpt)],
                            outs[et].at[cid, pl.ds(base, rpt)])
            plsc.subcore_barrier()

    st = jax.ShapeDtypeStruct((NC, n_pad, dh), jnp.float32)
    return pl.kernel(
        body,
        out_type=(st, st, st),
        mesh=_mesh(),
        scratch_types=[
            pltpu.VMEM((cpt, CHUNK), jnp.int32),
            pltpu.VMEM((cpt, CHUNK), jnp.int32),
            pltpu.VMEM((CHUNK, dh), jnp.float32),
            pltpu.VMEM((CHUNK, dh), jnp.float32),
            pltpu.VMEM_SHARED((n_pad, dh), jnp.float32),
            pltpu.SemaphoreType.DMA,
            pltpu.SemaphoreType.DMA,
            pltpu.SemaphoreType.DMA,
            pltpu.SemaphoreType.DMA,
        ])


def _tc_deg_finalize(dp2, n):
    def body(d_ref, out_ref):
        v = d_ref[...]
        for d in range(6):
            s = v[d, :] + v[6 + d, :]
            out_ref[d, :] = lax.rsqrt(jnp.maximum(s[:n], 1.0))
        out_ref[6, :] = jnp.zeros((n,), jnp.float32)
        out_ref[7, :] = jnp.zeros((n,), jnp.float32)
    return pl.pallas_call(
        body, out_shape=jax.ShapeDtypeStruct((8, n), jnp.float32))(dp2)


def _tc_scale(h, dinv, n_pad):
    n, dh = h.shape

    def body(h_ref, di_ref, t0, t1, t2):
        hv = h_ref[...]
        for et, tr in enumerate((t0, t1, t2)):
            tr[:n, :] = hv * di_ref[:, 2 * et][:, None]
            tr[n:, :] = jnp.zeros((n_pad - n, dh), jnp.float32)
    st = jax.ShapeDtypeStruct((n_pad, dh), jnp.float32)
    return pl.pallas_call(body, out_shape=(st, st, st))(h, dinv)


def _tc_norm_scale(h_pre, stats, gamma, beta, dinv, n_pad):
    n, dh = h_pre.shape

    def body(h_ref, st_ref, g_ref, b_ref, di_ref, t0, t1, t2):
        mean = st_ref[0, :] / n
        var = st_ref[1, :] / n - mean * mean
        hn = ((h_ref[...] - mean[None, :]) * lax.rsqrt(var + 1e-5)[None, :]
              * g_ref[...] + b_ref[...])
        for et, tr in enumerate((t0, t1, t2)):
            tr[:n, :] = hn * di_ref[:, 2 * et][:, None]
            tr[n:, :] = jnp.zeros((n_pad - n, dh), jnp.float32)
    st = jax.ShapeDtypeStruct((n_pad, dh), jnp.float32)
    return pl.pallas_call(body, out_shape=(st, st, st))(
        h_pre, stats, gamma, beta, dinv)


def _tc_combine(p0, p1, p2, dinv, Wst, bt, fcW, fcb):
    n = dinv.shape[0]
    dh = fcW.shape[0]
    R = 1000
    grid = n // R

    def body(p0_ref, p1_ref, p2_ref, di_ref, w_ref, bt_ref, fcw_ref, fcb_ref,
             h_ref, st_ref):
        i = pl.program_id(0)
        acc = jnp.zeros((R, dh), jnp.float32)
        for et, pr in enumerate((p0_ref, p1_ref, p2_ref)):
            a = (pr[0] + pr[1]) * di_ref[:, 2 * et + 1][:, None]
            acc = acc + jnp.dot(a, w_ref[et],
                                preferred_element_type=jnp.float32)
        o1 = acc + bt_ref[...]
        h = jnp.dot(o1, fcw_ref[...], preferred_element_type=jnp.float32)
        h = jnp.maximum(h + fcb_ref[...], 0.0)
        h_ref[...] = h

        @pl.when(i == 0)
        def _():
            st_ref[...] = jnp.zeros((2, dh), jnp.float32)
        st_ref[...] += jnp.stack([jnp.sum(h, axis=0),
                                  jnp.sum(h * h, axis=0)])

    return pl.pallas_call(
        body,
        grid=(grid,),
        in_specs=[
            pl.BlockSpec((NC, R, dh), lambda i: (0, i, 0)),
            pl.BlockSpec((NC, R, dh), lambda i: (0, i, 0)),
            pl.BlockSpec((NC, R, dh), lambda i: (0, i, 0)),
            pl.BlockSpec((R, 8), lambda i: (i, 0)),
            pl.BlockSpec((3, dh, dh), lambda i: (0, 0, 0)),
            pl.BlockSpec((1, dh), lambda i: (0, 0)),
            pl.BlockSpec((dh, dh), lambda i: (0, 0)),
            pl.BlockSpec((1, dh), lambda i: (0, 0)),
        ],
        out_specs=[
            pl.BlockSpec((R, dh), lambda i: (i, 0)),
            pl.BlockSpec((2, dh), lambda i: (0, 0)),
        ],
        out_shape=[
            jax.ShapeDtypeStruct((n, dh), jnp.float32),
            jax.ShapeDtypeStruct((2, dh), jnp.float32),
        ],
    )(p0, p1, p2, dinv, Wst, bt, fcW, fcb)


def _tc_norm_final(h_pre, stats, gamma, beta):
    n, dh = h_pre.shape

    def body(h_ref, st_ref, g_ref, b_ref, out_ref):
        mean = st_ref[0, :] / n
        var = st_ref[1, :] / n - mean * mean
        out_ref[...] = ((h_ref[...] - mean[None, :])
                        * lax.rsqrt(var + 1e-5)[None, :]
                        * g_ref[...] + b_ref[...])
    return pl.pallas_call(
        body, out_shape=jax.ShapeDtypeStruct((n, dh), jnp.float32))(
            h_pre, stats, gamma, beta)


def kernel(x, params, edge_index_residue, edge_index_seq, edge_index_knn):
    n, _ = x.shape
    dh = params[0]['fcW'].shape[0]
    e = edge_index_residue.shape[1]
    n_pad = _cdiv(n + 1, NS * 8) * (NS * 8)
    e_pad = _cdiv(e, NW * CHUNK) * (NW * CHUNK)
    cptot = e_pad // CHUNK

    cpt = cptot // NW

    def prep(ei):
        pad = e_pad - e
        spread = n + (jnp.arange(pad, dtype=jnp.int32) % (n_pad - n))
        s = jnp.concatenate([ei[0].astype(jnp.int32), spread])
        d = jnp.concatenate([ei[1].astype(jnp.int32), spread])

        def shuf(a):
            return (a.reshape(cptot, CHUNK).reshape(cpt, NW, CHUNK)
                    .transpose(1, 0, 2).reshape(cptot, CHUNK))
        return shuf(s), shuf(d)

    s0, d0 = prep(edge_index_residue)
    s1, d1 = prep(edge_index_seq)
    s2, d2 = prep(edge_index_knn)
    src3 = jnp.stack([s0, s1, s2])
    dst3 = jnp.stack([d0, d1, d2])

    sc_degree = _make_sc_degree(n_pad, cptot)
    sc_agg = _make_sc_agg(n_pad, dh, cptot)

    dp = sc_degree(src3, dst3)
    dp2 = jnp.transpose(dp[:, :, 0:6 * 16:16],
                        (0, 2, 1)).reshape(2 * 6, n_pad)
    dinv = _tc_deg_finalize(dp2, n).T

    h_pre = stats = gamma = beta = None
    for l, p in enumerate(params):
        Wst = jnp.stack([p['W_residue'], p['W_seq'], p['W_knn']])
        bt = (p['b_residue'] + p['b_seq'] + p['b_knn']).reshape(1, dh)
        if l == 0:
            t0, t1, t2 = _tc_scale(x, dinv, n_pad)
        else:
            t0, t1, t2 = _tc_norm_scale(h_pre, stats, gamma, beta, dinv, n_pad)
        p0, p1, p2 = sc_agg(t0, t1, t2, src3, dst3)
        h_pre, stats = _tc_combine(p0, p1, p2, dinv, Wst, bt,
                                   p['fcW'], p['fcb'].reshape(1, dh))
        gamma = p['gamma'].reshape(1, dh)
        beta = p['beta'].reshape(1, dh)
    return _tc_norm_final(h_pre, stats, gamma, beta)

# --- scband reference (transcript-rebuilt; emitter-appended) ---
"""Pipeline reference for scband-gnnencoder-8581344657809 (READ-ONLY COPY).

The authoritative reference and input builder live on the scoring server;
editing this copy changes nothing except your own understanding.
"""

import jax, jax.numpy as jnp
import numpy as np

N = 10000
E = 160000
DIN = 128
DH = 128
L = 2
ETYPES = ('residue', 'seq', 'knn')


def setup_inputs(seed: int = 0) -> dict:
    key = jax.random.key(seed)
    ks = jax.random.split(key, 20)
    x = jax.random.normal(ks[0], (N, DIN), dtype=jnp.float32)
    ei_res = jax.random.randint(ks[1], (2, E), 0, N, dtype=jnp.int64)
    ei_seq = jax.random.randint(ks[2], (2, E), 0, N, dtype=jnp.int64)
    ei_knn = jax.random.randint(ks[3], (2, E), 0, N, dtype=jnp.int64)
    params = []
    i = 4
    for l in range(L):
        din = DIN if l == 0 else DH
        layer = {}
        for et in ETYPES:
            layer['W_' + et] = jax.random.normal(ks[i], (din, DH), dtype=jnp.float32) * (1.0 / np.sqrt(din)); i += 1
            layer['b_' + et] = jnp.zeros((DH,), dtype=jnp.float32)
        layer['fcW'] = jax.random.normal(ks[i], (DH, DH), dtype=jnp.float32) * (1.0 / np.sqrt(DH)); i += 1
        layer['fcb'] = jnp.zeros((DH,), dtype=jnp.float32)
        layer['gamma'] = jnp.ones((DH,), dtype=jnp.float32)
        layer['beta'] = jnp.zeros((DH,), dtype=jnp.float32)
        params.append(layer)
    return {'x': x, 'params': params, 'edge_index_residue': ei_res,
            'edge_index_seq': ei_seq, 'edge_index_knn': ei_knn}


def _graph_conv(x, W, b, ei, n):
    # DGL GraphConv with norm='both': D_out^{-1/2} then A^T scatter-add then D_in^{-1/2}
    src, dst = ei[0], ei[1]
    deg_out = jnp.clip(jnp.bincount(src, length=n), 1).astype(x.dtype)
    deg_in = jnp.clip(jnp.bincount(dst, length=n), 1).astype(x.dtype)
    h = x * (deg_out ** -0.5)[:, None]
    h = h @ W
    agg = jax.ops.segment_sum(h[src], dst, num_segments=n)
    return agg * (deg_in ** -0.5)[:, None] + b


def reference(x, params, edge_index_residue, edge_index_seq, edge_index_knn):
    eis = {'residue': edge_index_residue, 'seq': edge_index_seq, 'knn': edge_index_knn}
    n = x.shape[0]
    h = x
    for l, p in enumerate(params):
        # HeteroGraphConv with aggregate='sum'
        out = jnp.zeros((n, p['fcW'].shape[0]), dtype=h.dtype)
        for et in ETYPES:
            out = out + _graph_conv(h, p['W_' + et], p['b_' + et], eis[et], n)
        h = out @ p['fcW'] + p['fcb']
        h = jax.nn.relu(h)
        mean = jnp.mean(h, axis=0)
        var = jnp.var(h, axis=0)
        h = (h - mean) / jnp.sqrt(var + 1e-5) * p['gamma'] + p['beta']
        # dropout omitted (eval-mode / deterministic reference)
    return h

if __name__ == "__main__":
    import jax
    _d = setup_inputs()
    print(jax.jit(kernel)(*tuple(_d.values())))

</pallas_src>

<mosaic_0001>
#map = affine_map<(d0, d1) -> (0, 0, 0)>
module attributes {stable_mosaic.version = 14 : i64} {
  func.func @body(%arg0: i32, %arg1: i32, %arg2: memref<3x1280x128xi32, #tpu.memory_space<hbm>>, %arg3: memref<3x1280x128xi32, #tpu.memory_space<hbm>>, %arg4: memref<2x10112x128xf32, #tpu.memory_space<hbm>>, %arg5: memref<40x128xi32, #tpu.memory_space<vmem>>, %arg6: memref<128x128xf32, #tpu.memory_space<vmem>>, %arg7: memref<10112x128xf32, #tpu.memory_space<vmem_shared>>) attributes {dimension_semantics = [#tpu.dimension_semantics<core_parallel>, #tpu.dimension_semantics<subcore_parallel>], iteration_bounds = array<i64: 2, 16>, scalar_prefetch = 0 : i64, scratch_operands = 3 : i64, tpu.core_type = #tpu.core_type<sc_vector_subcore>, window_params = [{transform_indices = #map}, {transform_indices = #map}, {transform_indices = #map}]} {
    %mul3A = arith.constant 16 : i32
    %mul3A_0 = arith.muli %arg0, %mul3A : i32
    %add3A = arith.addi %mul3A_0, %arg1 : i32
    %mul3A_1 = arith.constant 632 : i32
    %mul3A_2 = arith.muli %arg1, %mul3A_1 : i32
    %scan3A = arith.constant 0 : i32
    %scan3A_3 = arith.constant 0 : i32
    %scan3A_4 = arith.constant 128 : i32
    %scan3A_5 = arith.addi %scan3A_3, %scan3A_4 : i32
    %scan3A_6 = arith.constant 1 : i32
    %scan3A_7 = scf.for %scan3A_121 = %scan3A_3 to %scan3A_5 step %scan3A_6 iter_args(%scan3A_122 = %scan3A) -> (i32)  : i32 {
      %broadcast_in_dim3A = arith.constant 0.000000e+00 : f32
      %broadcast_in_dim3A_123 = vector.broadcast %broadcast_in_dim3A : f32 to vector<16xf32>
      %swap3A = arith.index_cast %scan3A_121 : i32 to index
      %swap3A_124 = arith.constant 0 : index
      %swap3A_125 = tpu.vector_load %arg6[%swap3A, %swap3A_124] {strides = array<i32>} : memref<128x128xf32, #tpu.memory_space<vmem>>, vector<1x16xf32>,
      %swap3A_126 = vector.shape_cast %swap3A_125 : vector<1x16xf32> to vector<16xf32>
      %swap3A_127 = vector.shape_cast %broadcast_in_dim3A_123 : vector<16xf32> to vector<1x16xf32>
      tpu.vector_store %arg6[%swap3A, %swap3A_124], %swap3A_127 {strides = array<i32>} : memref<128x128xf32, #tpu.memory_space<vmem>>, vector<1x16xf32>,
      %broadcast_in_dim3A_128 = arith.constant 0.000000e+00 : f32
      %broadcast_in_dim3A_129 = vector.broadcast %broadcast_in_dim3A_128 : f32 to vector<16xf32>
      %swap3A_130 = arith.index_cast %scan3A_121 : i32 to index
      %swap3A_131 = arith.constant 16 : index
      %swap3A_132 = tpu.vector_load %arg6[%swap3A_130, %swap3A_131] {strides = array<i32>} : memref<128x128xf32, #tpu.memory_space<vmem>>, vector<1x16xf32>,
      %swap3A_133 = vector.shape_cast %swap3A_132 : vector<1x16xf32> to vector<16xf32>
      %swap3A_134 = vector.shape_cast %broadcast_in_dim3A_129 : vector<16xf32> to vector<1x16xf32>
      tpu.vector_store %arg6[%swap3A_130, %swap3A_131], %swap3A_134 {strides = array<i32>} : memref<128x128xf32, #tpu.memory_space<vmem>>, vector<1x16xf32>,
      %broadcast_in_dim3A_135 = arith.constant 0.000000e+00 : f32
      %broadcast_in_dim3A_136 = vector.broadcast %broadcast_in_dim3A_135 : f32 to vector<16xf32>
      %swap3A_137 = arith.index_cast %scan3A_121 : i32 to index
      %swap3A_138 = arith.constant 32 : index
      %swap3A_139 = tpu.vector_load %arg6[%swap3A_137, %swap3A_138] {strides = array<i32>} : memref<128x128xf32, #tpu.memory_space<vmem>>, vector<1x16xf32>,
      %swap3A_140 = vector.shape_cast %swap3A_139 : vector<1x16xf32> to vector<16xf32>
      %swap3A_141 = vector.shape_cast %broadcast_in_dim3A_136 : vector<16xf32> to vector<1x16xf32>
      tpu.vector_store %arg6[%swap3A_137, %swap3A_138], %swap3A_141 {strides = array<i32>} : memref<128x128xf32, #tpu.memory_space<vmem>>, vector<1x16xf32>,
      %broadcast_in_dim3A_142 = arith.constant 0.000000e+00 : f32
      %broadcast_in_dim3A_143 = vector.broadcast %broadcast_in_dim3A_142 : f32 to vector<16xf32>
      %swap3A_144 = arith.index_cast %scan3A_121 : i32 to index
      %swap3A_145 = arith.constant 48 : index
      %swap3A_146 = tpu.vector_load %arg6[%swap3A_144, %swap3A_145] {strides = array<i32>} : memref<128x128xf32, #tpu.memory_space<vmem>>, vector<1x16xf32>,
      %swap3A_147 = vector.shape_cast %swap3A_146 : vector<1x16xf32> to vector<16xf32>
      %swap3A_148 = vector.shape_cast %broadcast_in_dim3A_143 : vector<16xf32> to vector<1x16xf32>
      tpu.vector_store %arg6[%swap3A_144, %swap3A_145], %swap3A_148 {strides = array<i32>} : memref<128x128xf32, #tpu.memory_space<vmem>>, vector<1x16xf32>,
      %broadcast_in_dim3A_149 = arith.constant 0.000000e+00 : f32
      %broadcast_in_dim3A_150 = vector.broadcast %broadcast_in_dim3A_149 : f32 to vector<16xf32>
      %swap3A_151 = arith.index_cast %scan3A_121 : i32 to index
      %swap3A_152 = arith.constant 64 : index
      %swap3A_153 = tpu.vector_load %arg6[%swap3A_151, %swap3A_152] {strides = array<i32>} : memref<128x128xf32, #tpu.memory_space<vmem>>, vector<1x16xf32>,
      %swap3A_154 = vector.shape_cast %swap3A_153 : vector<1x16xf32> to vector<16xf32>
      %swap3A_155 = vector.shape_cast %broadcast_in_dim3A_150 : vector<16xf32> to vector<1x16xf32>
      tpu.vector_store %arg6[%swap3A_151, %swap3A_152], %swap3A_155 {strides = array<i32>} : memref<128x128xf32, #tpu.memory_space<vmem>>, vector<1x16xf32>,
      %broadcast_in_dim3A_156 = arith.constant 0.000000e+00 : f32
      %broadcast_in_dim3A_157 = vector.broadcast %broadcast_in_dim3A_156 : f32 to vector<16xf32>
      %swap3A_158 = arith.index_cast %scan3A_121 : i32 to index
      %swap3A_159 = arith.constant 80 : index
      %swap3A_160 = tpu.vector_load %arg6[%swap3A_158, %swap3A_159] {strides = array<i32>} : memref<128x128xf32, #tpu.memory_space<vmem>>, vector<1x16xf32>,
      %swap3A_161 = vector.shape_cast %swap3A_160 : vector<1x16xf32> to vector<16xf32>
      %swap3A_162 = vector.shape_cast %broadcast_in_dim3A_157 : vector<16xf32> to vector<1x16xf32>
      tpu.vector_store %arg6[%swap3A_158, %swap3A_159], %swap3A_162 {strides = array<i32>} : memref<128x128xf32, #tpu.memory_space<vmem>>, vector<1x16xf32>,
      %broadcast_in_dim3A_163 = arith.constant 0.000000e+00 : f32
      %broadcast_in_dim3A_164 = vector.broadcast %broadcast_in_dim3A_163 : f32 to vector<16xf32>
      %swap3A_165 = arith.index_cast %scan3A_121 : i32 to index
      %swap3A_166 = arith.constant 96 : index
      %swap3A_167 = tpu.vector_load %arg6[%swap3A_165, %swap3A_166] {strides = array<i32>} : memref<128x128xf32, #tpu.memory_space<vmem>>, vector<1x16xf32>,
      %swap3A_168 = vector.shape_cast %swap3A_167 : vector<1x16xf32> to vector<16xf32>
      %swap3A_169 = vector.shape_cast %broadcast_in_dim3A_164 : vector<16xf32> to vector<1x16xf32>
      tpu.vector_store %arg6[%swap3A_165, %swap3A_166], %swap3A_169 {strides = array<i32>} : memref<128x128xf32, #tpu.memory_space<vmem>>, vector<1x16xf32>,
      %broadcast_in_dim3A_170 = arith.constant 0.000000e+00 : f32
      %broadcast_in_dim3A_171 = vector.broadcast %broadcast_in_dim3A_170 : f32 to vector<16xf32>
      %swap3A_172 = arith.index_cast %scan3A_121 : i32 to index
      %swap3A_173 = arith.constant 112 : index
      %swap3A_174 = tpu.vector_load %arg6[%swap3A_172, %swap3A_173] {strides = array<i32>} : memref<128x128xf32, #tpu.memory_space<vmem>>, vector<1x16xf32>,
      %swap3A_175 = vector.shape_cast %swap3A_174 : vector<1x16xf32> to vector<16xf32>
      %swap3A_176 = vector.shape_cast %broadcast_in_dim3A_171 : vector<16xf32> to vector<1x16xf32>
      tpu.vector_store %arg6[%swap3A_172, %swap3A_173], %swap3A_176 {strides = array<i32>} : memref<128x128xf32, #tpu.memory_space<vmem>>, vector<1x16xf32>,
      %scan3A_177 = arith.constant 0 : i32
      scf.yield %scan3A_177 : i32
    }
    %scan3A_8 = arith.constant 128 : i32
    %add3A_9 = arith.constant 0 : i32
    %add3A_10 = arith.addi %mul3A_2, %add3A_9 : i32
    "tpu.region"() ({
      %run_scoped3A_121 = tpu.sem_alloc : memref<!tpu.dma_semaphore, #tpu.memory_space<semaphore_mem>>
      %dma_start3A = arith.constant 0 : i32
      %dma_start3A_122 = arith.constant 0 : i32
      %dma_start3A_123 = tpu.memref_slice %arg6[%dma_start3A, %dma_start3A_122] : memref<128x128xf32, #tpu.memory_space<vmem>> -> memref<128x128xf32, #tpu.memory_space<vmem>>
      %dma_start3A_124 = arith.constant 0 : i32
      %dma_start3A_125 = tpu.memref_slice %arg7[%add3A_10, %dma_start3A_124] : memref<10112x128xf32, #tpu.memory_space<vmem_shared>> -> memref<128x128xf32, #tpu.memory_space<vmem_shared>>
      %dma_start3A_126 = arith.constant 0 : i32
      %dma_start3A_127 = tpu.memref_slice %arg7[%add3A_10, %dma_start3A_126] : memref<10112x128xf32, #tpu.memory_space<vmem_shared>> -> memref<128x128xf32, #tpu.memory_space<vmem_shared>>
      %dma_start3A_128 = arith.constant 0 : i32
      %dma_start3A_129 = arith.constant 0 : i32
      %dma_start3A_130 = tpu.memref_slice %arg6[%dma_start3A_128, %dma_start3A_129] : memref<128x128xf32, #tpu.memory_space<vmem>> -> memref<128x128xf32, #tpu.memory_space<vmem>>
      tpu.enqueue_dma source(%dma_start3A_130 : memref<128x128xf32, #tpu.memory_space<vmem>>) target(%dma_start3A_127 : memref<128x128xf32, #tpu.memory_space<vmem_shared>>) target_semaphore(%run_scoped3A_121 : memref<!tpu.dma_semaphore, #tpu.memory_space<semaphore_mem>>)
      %dma_wait3A = arith.constant 0 : i32
      %dma_wait3A_131 = arith.constant 0 : i32
      %dma_wait3A_132 = tpu.memref_slice %arg6[%dma_wait3A, %dma_wait3A_131] : memref<128x128xf32, #tpu.memory_space<vmem>> -> memref<128x128xf32, #tpu.memory_space<vmem>>
      %dma_wait3A_133 = arith.constant 0 : i32
      %dma_wait3A_134 = tpu.memref_slice %arg7[%add3A_10, %dma_wait3A_133] : memref<10112x128xf32, #tpu.memory_space<vmem_shared>> -> memref<128x128xf32, #tpu.memory_space<vmem_shared>>
      %dma_wait3A_135 = arith.constant 0 : i32
      %dma_wait3A_136 = tpu.memref_slice %arg7[%add3A_10, %dma_wait3A_135] : memref<10112x128xf32, #tpu.memory_space<vmem_shared>> -> memref<128x128xf32, #tpu.memory_space<vmem_shared>>
      %dma_wait3A_137 = arith.constant 0 : i32
      %dma_wait3A_138 = arith.constant 0 : i32
      %dma_wait3A_139 = tpu.memref_slice %arg6[%dma_wait3A_137, %dma_wait3A_138] : memref<128x128xf32, #tpu.memory_space<vmem>> -> memref<128x128xf32, #tpu.memory_space<vmem>>
      tpu.wait_dma2 semaphore(%run_scoped3A_121 : memref<!tpu.dma_semaphore, #tpu.memory_space<semaphore_mem>>) src(%dma_wait3A_139 : memref<128x128xf32, #tpu.memory_space<vmem>>) dst(%dma_wait3A_136 : memref<128x128xf32, #tpu.memory_space<vmem_shared>>)
      tpu.yield
    }) : () -> ()
    %add3A_11 = arith.constant 128 : i32
    %add3A_12 = arith.addi %mul3A_2, %add3A_11 : i32
    "tpu.region"() ({
      %run_scoped3A_121 = tpu.sem_alloc : memref<!tpu.dma_semaphore, #tpu.memory_space<semaphore_mem>>
      %dma_start3A = arith.constant 0 : i32
      %dma_start3A_122 = arith.constant 0 : i32
      %dma_start3A_123 = tpu.memref_slice %arg6[%dma_start3A, %dma_start3A_122] : memref<128x128xf32, #tpu.memory_space<vmem>> -> memref<128x128xf32, #tpu.memory_space<vmem>>
      %dma_start3A_124 = arith.constant 0 : i32
      %dma_start3A_125 = tpu.memref_slice %arg7[%add3A_12, %dma_start3A_124] : memref<10112x128xf32, #tpu.memory_space<vmem_shared>> -> memref<128x128xf32, #tpu.memory_space<vmem_shared>>
      %dma_start3A_126 = arith.constant 0 : i32
      %dma_start3A_127 = tpu.memref_slice %arg7[%add3A_12, %dma_start3A_126] : memref<10112x128xf32, #tpu.memory_space<vmem_shared>> -> memref<128x128xf32, #tpu.memory_space<vmem_shared>>
      %dma_start3A_128 = arith.constant 0 : i32
      %dma_start3A_129 = arith.constant 0 : i32
      %dma_start3A_130 = tpu.memref_slice %arg6[%dma_start3A_128, %dma_start3A_129] : memref<128x128xf32, #tpu.memory_space<vmem>> -> memref<128x128xf32, #tpu.memory_space<vmem>>
      tpu.enqueue_dma source(%dma_start3A_130 : memref<128x128xf32, #tpu.memory_space<vmem>>) target(%dma_start3A_127 : memref<128x128xf32, #tpu.memory_space<vmem_shared>>) target_semaphore(%run_scoped3A_121 : memref<!tpu.dma_semaphore, #tpu.memory_space<semaphore_mem>>)
      %dma_wait3A = arith.constant 0 : i32
      %dma_wait3A_131 = arith.constant 0 : i32
      %dma_wait3A_132 = tpu.memref_slice %arg6[%dma_wait3A, %dma_wait3A_131] : memref<128x128xf32, #tpu.memory_space<vmem>> -> memref<128x128xf32, #tpu.memory_space<vmem>>
      %dma_wait3A_133 = arith.constant 0 : i32
      %dma_wait3A_134 = tpu.memref_slice %arg7[%add3A_12, %dma_wait3A_133] : memref<10112x128xf32, #tpu.memory_space<vmem_shared>> -> memref<128x128xf32, #tpu.memory_space<vmem_shared>>
      %dma_wait3A_135 = arith.constant 0 : i32
      %dma_wait3A_136 = tpu.memref_slice %arg7[%add3A_12, %dma_wait3A_135] : memref<10112x128xf32, #tpu.memory_space<vmem_shared>> -> memref<128x128xf32, #tpu.memory_space<vmem_shared>>
      %dma_wait3A_137 = arith.constant 0 : i32
      %dma_wait3A_138 = arith.constant 0 : i32
      %dma_wait3A_139 = tpu.memref_slice %arg6[%dma_wait3A_137, %dma_wait3A_138] : memref<128x128xf32, #tpu.memory_space<vmem>> -> memref<128x128xf32, #tpu.memory_space<vmem>>
      tpu.wait_dma2 semaphore(%run_scoped3A_121 : memref<!tpu.dma_semaphore, #tpu.memory_space<semaphore_mem>>) src(%dma_wait3A_139 : memref<128x128xf32, #tpu.memory_space<vmem>>) dst(%dma_wait3A_136 : memref<128x128xf32, #tpu.memory_space<vmem_shared>>)
      tpu.yield
    }) : () -> ()
    %add3A_13 = arith.constant 256 : i32
    %add3A_14 = arith.addi %mul3A_2, %add3A_13 : i32
    "tpu.region"() ({
      %run_scoped3A_121 = tpu.sem_alloc : memref<!tpu.dma_semaphore, #tpu.memory_space<semaphore_mem>>
      %dma_start3A = arith.constant 0 : i32
      %dma_start3A_122 = arith.constant 0 : i32
      %dma_start3A_123 = tpu.memref_slice %arg6[%dma_start3A, %dma_start3A_122] : memref<128x128xf32, #tpu.memory_space<vmem>> -> memref<128x128xf32, #tpu.memory_space<vmem>>
      %dma_start3A_124 = arith.constant 0 : i32
      %dma_start3A_125 = tpu.memref_slice %arg7[%add3A_14, %dma_start3A_124] : memref<10112x128xf32, #tpu.memory_space<vmem_shared>> -> memref<128x128xf32, #tpu.memory_space<vmem_shared>>
      %dma_start3A_126 = arith.constant 0 : i32
      %dma_start3A_127 = tpu.memref_slice %arg7[%add3A_14, %dma_start3A_126] : memref<10112x128xf32, #tpu.memory_space<vmem_shared>> -> memref<128x128xf32, #tpu.memory_space<vmem_shared>>
      %dma_start3A_128 = arith.constant 0 : i32
      %dma_start3A_129 = arith.constant 0 : i32
      %dma_start3A_130 = tpu.memref_slice %arg6[%dma_start3A_128, %dma_start3A_129] : memref<128x128xf32, #tpu.memory_space<vmem>> -> memref<128x128xf32, #tpu.memory_space<vmem>>
      tpu.enqueue_dma source(%dma_start3A_130 : memref<128x128xf32, #tpu.memory_space<vmem>>) target(%dma_start3A_127 : memref<128x128xf32, #tpu.memory_space<vmem_shared>>) target_semaphore(%run_scoped3A_121 : memref<!tpu.dma_semaphore, #tpu.memory_space<semaphore_mem>>)
      %dma_wait3A = arith.constant 0 : i32
      %dma_wait3A_131 = arith.constant 0 : i32
      %dma_wait3A_132 = tpu.memref_slice %arg6[%dma_wait3A, %dma_wait3A_131] : memref<128x128xf32, #tpu.memory_space<vmem>> -> memref<128x128xf32, #tpu.memory_space<vmem>>
      %dma_wait3A_133 = arith.constant 0 : i32
      %dma_wait3A_134 = tpu.memref_slice %arg7[%add3A_14, %dma_wait3A_133] : memref<10112x128xf32, #tpu.memory_space<vmem_shared>> -> memref<128x128xf32, #tpu.memory_space<vmem_shared>>
      %dma_wait3A_135 = arith.constant 0 : i32
      %dma_wait3A_136 = tpu.memref_slice %arg7[%add3A_14, %dma_wait3A_135] : memref<10112x128xf32, #tpu.memory_space<vmem_shared>> -> memref<128x128xf32, #tpu.memory_space<vmem_shared>>
      %dma_wait3A_137 = arith.constant 0 : i32
      %dma_wait3A_138 = arith.constant 0 : i32
      %dma_wait3A_139 = tpu.memref_slice %arg6[%dma_wait3A_137, %dma_wait3A_138] : memref<128x128xf32, #tpu.memory_space<vmem>> -> memref<128x128xf32, #tpu.memory_space<vmem>>
      tpu.wait_dma2 semaphore(%run_scoped3A_121 : memref<!tpu.dma_semaphore, #tpu.memory_space<semaphore_mem>>) src(%dma_wait3A_139 : memref<128x128xf32, #tpu.memory_space<vmem>>) dst(%dma_wait3A_136 : memref<128x128xf32, #tpu.memory_space<vmem_shared>>)
      tpu.yield
    }) : () -> ()
    %add3A_15 = arith.constant 384 : i32
    %add3A_16 = arith.addi %mul3A_2, %add3A_15 : i32
    "tpu.region"() ({
      %run_scoped3A_121 = tpu.sem_alloc : memref<!tpu.dma_semaphore, #tpu.memory_space<semaphore_mem>>
      %dma_start3A = arith.constant 0 : i32
      %dma_start3A_122 = arith.constant 0 : i32
      %dma_start3A_123 = tpu.memref_slice %arg6[%dma_start3A, %dma_start3A_122] : memref<128x128xf32, #tpu.memory_space<vmem>> -> memref<128x128xf32, #tpu.memory_space<vmem>>
      %dma_start3A_124 = arith.constant 0 : i32
      %dma_start3A_125 = tpu.memref_slice %arg7[%add3A_16, %dma_start3A_124] : memref<10112x128xf32, #tpu.memory_space<vmem_shared>> -> memref<128x128xf32, #tpu.memory_space<vmem_shared>>
      %dma_start3A_126 = arith.constant 0 : i32
      %dma_start3A_127 = tpu.memref_slice %arg7[%add3A_16, %dma_start3A_126] : memref<10112x128xf32, #tpu.memory_space<vmem_shared>> -> memref<128x128xf32, #tpu.memory_space<vmem_shared>>
      %dma_start3A_128 = arith.constant 0 : i32
      %dma_start3A_129 = arith.constant 0 : i32
      %dma_start3A_130 = tpu.memref_slice %arg6[%dma_start3A_128, %dma_start3A_129] : memref<128x128xf32, #tpu.memory_space<vmem>> -> memref<128x128xf32, #tpu.memory_space<vmem>>
      tpu.enqueue_dma source(%dma_start3A_130 : memref<128x128xf32, #tpu.memory_space<vmem>>) target(%dma_start3A_127 : memref<128x128xf32, #tpu.memory_space<vmem_shared>>) target_semaphore(%run_scoped3A_121 : memref<!tpu.dma_semaphore, #tpu.memory_space<semaphore_mem>>)
      %dma_wait3A = arith.constant 0 : i32
      %dma_wait3A_131 = arith.constant 0 : i32
      %dma_wait3A_132 = tpu.memref_slice %arg6[%dma_wait3A, %dma_wait3A_131] : memref<128x128xf32, #tpu.memory_space<vmem>> -> memref<128x128xf32, #tpu.memory_space<vmem>>
      %dma_wait3A_133 = arith.constant 0 : i32
      %dma_wait3A_134 = tpu.memref_slice %arg7[%add3A_16, %dma_wait3A_133] : memref<10112x128xf32, #tpu.memory_space<vmem_shared>> -> memref<128x128xf32, #tpu.memory_space<vmem_shared>>
      %dma_wait3A_135 = arith.constant 0 : i32
      %dma_wait3A_136 = tpu.memref_slice %arg7[%add3A_16, %dma_wait3A_135] : memref<10112x128xf32, #tpu.memory_space<vmem_shared>> -> memref<128x128xf32, #tpu.memory_space<vmem_shared>>
      %dma_wait3A_137 = arith.constant 0 : i32
      %dma_wait3A_138 = arith.constant 0 : i32
      %dma_wait3A_139 = tpu.memref_slice %arg6[%dma_wait3A_137, %dma_wait3A_138] : memref<128x128xf32, #tpu.memory_space<vmem>> -> memref<128x128xf32, #tpu.memory_space<vmem>>
      tpu.wait_dma2 semaphore(%run_scoped3A_121 : memref<!tpu.dma_semaphore, #tpu.memory_space<semaphore_mem>>) src(%dma_wait3A_139 : memref<128x128xf32, #tpu.memory_space<vmem>>) dst(%dma_wait3A_136 : memref<128x128xf32, #tpu.memory_space<vmem_shared>>)
      tpu.yield
    }) : () -> ()
    %add3A_17 = arith.constant 512 : i32
    %add3A_18 = arith.addi %mul3A_2, %add3A_17 : i32
    "tpu.region"() ({
      %run_scoped3A_121 = tpu.sem_alloc : memref<!tpu.dma_semaphore, #tpu.memory_space<semaphore_mem>>
      %dma_start3A = arith.constant 0 : i32
      %dma_start3A_122 = arith.constant 0 : i32
      %dma_start3A_123 = tpu.memref_slice %arg6[%dma_start3A, %dma_start3A_122] : memref<128x128xf32, #tpu.memory_space<vmem>> -> memref<120x128xf32, #tpu.memory_space<vmem>>
      %dma_start3A_124 = arith.constant 0 : i32
      %dma_start3A_125 = tpu.memref_slice %arg7[%add3A_18, %dma_start3A_124] : memref<10112x128xf32, #tpu.memory_space<vmem_shared>> -> memref<120x128xf32, #tpu.memory_space<vmem_shared>>
      %dma_start3A_126 = arith.constant 0 : i32
      %dma_start3A_127 = tpu.memref_slice %arg7[%add3A_18, %dma_start3A_126] : memref<10112x128xf32, #tpu.memory_space<vmem_shared>> -> memref<120x128xf32, #tpu.memory_space<vmem_shared>>
      %dma_start3A_128 = arith.constant 0 : i32
      %dma_start3A_129 = arith.constant 0 : i32
      %dma_start3A_130 = tpu.memref_slice %arg6[%dma_start3A_128, %dma_start3A_129] : memref<128x128xf32, #tpu.memory_space<vmem>> -> memref<120x128xf32, #tpu.memory_space<vmem>>
      tpu.enqueue_dma source(%dma_start3A_130 : memref<120x128xf32, #tpu.memory_space<vmem>>) target(%dma_start3A_127 : memref<120x128xf32, #tpu.memory_space<vmem_shared>>) target_semaphore(%run_scoped3A_121 : memref<!tpu.dma_semaphore, #tpu.memory_space<semaphore_mem>>)
      %dma_wait3A = arith.constant 0 : i32
      %dma_wait3A_131 = arith.constant 0 : i32
      %dma_wait3A_132 = tpu.memref_slice %arg6[%dma_wait3A, %dma_wait3A_131] : memref<128x128xf32, #tpu.memory_space<vmem>> -> memref<120x128xf32, #tpu.memory_space<vmem>>
      %dma_wait3A_133 = arith.constant 0 : i32
      %dma_wait3A_134 = tpu.memref_slice %arg7[%add3A_18, %dma_wait3A_133] : memref<10112x128xf32, #tpu.memory_space<vmem_shared>> -> memref<120x128xf32, #tpu.memory_space<vmem_shared>>
      %dma_wait3A_135 = arith.constant 0 : i32
      %dma_wait3A_136 = tpu.memref_slice %arg7[%add3A_18, %dma_wait3A_135] : memref<10112x128xf32, #tpu.memory_space<vmem_shared>> -> memref<120x128xf32, #tpu.memory_space<vmem_shared>>
      %dma_wait3A_137 = arith.constant 0 : i32
      %dma_wait3A_138 = arith.constant 0 : i32
      %dma_wait3A_139 = tpu.memref_slice %arg6[%dma_wait3A_137, %dma_wait3A_138] : memref<128x128xf32, #tpu.memory_space<vmem>> -> memref<120x128xf32, #tpu.memory_space<vmem>>
      tpu.wait_dma2 semaphore(%run_scoped3A_121 : memref<!tpu.dma_semaphore, #tpu.memory_space<semaphore_mem>>) src(%dma_wait3A_139 : memref<120x128xf32, #tpu.memory_space<vmem>>) dst(%dma_wait3A_136 : memref<120x128xf32, #tpu.memory_space<vmem_shared>>)
      tpu.yield
    }) : () -> ()
    %barrier3A = arith.constant 0 : index
    tpu.barrier barrier_id(%barrier3A)
    %scan3A_19 = arith.constant 0 : i32
    %scan3A_20 = arith.constant 0 : i32
    %scan3A_21 = arith.constant 128 : i32
    %scan3A_22 = arith.addi %scan3A_20, %scan3A_21 : i32
    %scan3A_23 = arith.constant 1 : i32
    %scan3A_24 = scf.for %scan3A_121 = %scan3A_20 to %scan3A_22 step %scan3A_23 iter_args(%scan3A_122 = %scan3A_19) -> (i32)  : i32 {
      %iota3A = tpu.iota {dimensions = array<i32: 0>} : vector<16xi32>
      %add3A_123 = arith.constant 0 : i32
      %add3A_124 = vector.broadcast %add3A_123 : i32 to vector<16xi32>
      %add3A_125 = arith.addi %iota3A, %add3A_124 : vector<16xi32>
      %ge3A = arith.constant 0 : i32
      %ge3A_126 = vector.broadcast %ge3A : i32 to vector<16xi32>
      %ge3A_127 = arith.cmpi sge, %add3A_125, %ge3A_126 : vector<16xi32>
      %lt3A = arith.constant 16 : i32
      %lt3A_128 = vector.broadcast %lt3A : i32 to vector<16xi32>
      %lt3A_129 = arith.cmpi slt, %add3A_125, %lt3A_128 : vector<16xi32>
      %and3A = arith.andi %ge3A_127, %lt3A_129 : vector<16xi1>
      %jit3A = arith.constant 1.000000e+00 : f32
      %jit3A_130 = arith.constant 0.000000e+00 : f32
      %broadcast_in_dim3A = vector.broadcast %jit3A : f32 to vector<16xf32>
      %broadcast_in_dim3A_131 = vector.broadcast %jit3A_130 : f32 to vector<16xf32>
      %select_n3A = arith.select %and3A, %broadcast_in_dim3A, %broadcast_in_dim3A_131 : vector<16xi1>, vector<16xf32>
      %swap3A = arith.index_cast %scan3A_121 : i32 to index
      %swap3A_132 = arith.constant 0 : index
      %swap3A_133 = tpu.vector_load %arg6[%swap3A, %swap3A_132] {strides = array<i32>} : memref<128x128xf32, #tpu.memory_space<vmem>>, vector<1x16xf32>,
      %swap3A_134 = vector.shape_cast %swap3A_133 : vector<1x16xf32> to vector<16xf32>
      %swap3A_135 = vector.shape_cast %select_n3A : vector<16xf32> to vector<1x16xf32>
      tpu.vector_store %arg6[%swap3A, %swap3A_132], %swap3A_135 {strides = array<i32>} : memref<128x128xf32, #tpu.memory_space<vmem>>, vector<1x16xf32>,
      %iota3A_136 = tpu.iota {dimensions = array<i32: 0>} : vector<16xi32>
      %add3A_137 = arith.constant 16 : i32
      %add3A_138 = vector.broadcast %add3A_137 : i32 to vector<16xi32>
      %add3A_139 = arith.addi %iota3A_136, %add3A_138 : vector<16xi32>
      %ge3A_140 = arith.constant 0 : i32
      %ge3A_141 = vector.broadcast %ge3A_140 : i32 to vector<16xi32>
      %ge3A_142 = arith.cmpi sge, %add3A_139, %ge3A_141 : vector<16xi32>
      %lt3A_143 = arith.constant 16 : i32
      %lt3A_144 = vector.broadcast %lt3A_143 : i32 to vector<16xi32>
      %lt3A_145 = arith.cmpi slt, %add3A_139, %lt3A_144 : vector<16xi32>
      %and3A_146 = arith.andi %ge3A_142, %lt3A_145 : vector<16xi1>
      %jit3A_147 = arith.constant 1.000000e+00 : f32
      %jit3A_148 = arith.constant 0.000000e+00 : f32
      %broadcast_in_dim3A_149 = vector.broadcast %jit3A_147 : f32 to vector<16xf32>
      %broadcast_in_dim3A_150 = vector.broadcast %jit3A_148 : f32 to vector<16xf32>
      %select_n3A_151 = arith.select %and3A_146, %broadcast_in_dim3A_149, %broadcast_in_dim3A_150 : vector<16xi1>, vector<16xf32>
      %swap3A_152 = arith.index_cast %scan3A_121 : i32 to index
      %swap3A_153 = arith.constant 16 : index
      %swap3A_154 = tpu.vector_load %arg6[%swap3A_152, %swap3A_153] {strides = array<i32>} : memref<128x128xf32, #tpu.memory_space<vmem>>, vector<1x16xf32>,
      %swap3A_155 = vector.shape_cast %swap3A_154 : vector<1x16xf32> to vector<16xf32>
      %swap3A_156 = vector.shape_cast %select_n3A_151 : vector<16xf32> to vector<1x16xf32>
      tpu.vector_store %arg6[%swap3A_152, %swap3A_153], %swap3A_156 {strides = array<i32>} : memref<128x128xf32, #tpu.memory_space<vmem>>, vector<1x16xf32>,
      %iota3A_157 = tpu.iota {dimensions = array<i32: 0>} : vector<16xi32>
      %add3A_158 = arith.constant 32 : i32
      %add3A_159 = vector.broadcast %add3A_158 : i32 to vector<16xi32>
      %add3A_160 = arith.addi %iota3A_157, %add3A_159 : vector<16xi32>
      %ge3A_161 = arith.constant 0 : i32
      %ge3A_162 = vector.broadcast %ge3A_161 : i32 to vector<16xi32>
      %ge3A_163 = arith.cmpi sge, %add3A_160, %ge3A_162 : vector<16xi32>
      %lt3A_164 = arith.constant 16 : i32
      %lt3A_165 = vector.broadcast %lt3A_164 : i32 to vector<16xi32>
      %lt3A_166 = arith.cmpi slt, %add3A_160, %lt3A_165 : vector<16xi32>
      %and3A_167 = arith.andi %ge3A_163, %lt3A_166 : vector<16xi1>
      %jit3A_168 = arith.constant 1.000000e+00 : f32
      %jit3A_169 = arith.constant 0.000000e+00 : f32
      %broadcast_in_dim3A_170 = vector.broadcast %jit3A_168 : f32 to vector<16xf32>
      %broadcast_in_dim3A_171 = vector.broadcast %jit3A_169 : f32 to vector<16xf32>
      %select_n3A_172 = arith.select %and3A_167, %broadcast_in_dim3A_170, %broadcast_in_dim3A_171 : vector<16xi1>, vector<16xf32>
      %swap3A_173 = arith.index_cast %scan3A_121 : i32 to index
      %swap3A_174 = arith.constant 32 : index
      %swap3A_175 = tpu.vector_load %arg6[%swap3A_173, %swap3A_174] {strides = array<i32>} : memref<128x128xf32, #tpu.memory_space<vmem>>, vector<1x16xf32>,
      %swap3A_176 = vector.shape_cast %swap3A_175 : vector<1x16xf32> to vector<16xf32>
      %swap3A_177 = vector.shape_cast %select_n3A_172 : vector<16xf32> to vector<1x16xf32>
      tpu.vector_store %arg6[%swap3A_173, %swap3A_174], %swap3A_177 {strides = array<i32>} : memref<128x128xf32, #tpu.memory_space<vmem>>, vector<1x16xf32>,
      %iota3A_178 = tpu.iota {dimensions = array<i32: 0>} : vector<16xi32>
      %add3A_179 = arith.constant 48 : i32
      %add3A_180 = vector.broadcast %add3A_179 : i32 to vector<16xi32>
      %add3A_181 = arith.addi %iota3A_178, %add3A_180 : vector<16xi32>
      %ge3A_182 = arith.constant 0 : i32
      %ge3A_183 = vector.broadcast %ge3A_182 : i32 to vector<16xi32>
      %ge3A_184 = arith.cmpi sge, %add3A_181, %ge3A_183 : vector<16xi32>
      %lt3A_185 = arith.constant 16 : i32
      %lt3A_186 = vector.broadcast %lt3A_185 : i32 to vector<16xi32>
      %lt3A_187 = arith.cmpi slt, %add3A_181, %lt3A_186 : vector<16xi32>
      %and3A_188 = arith.andi %ge3A_184, %lt3A_187 : vector<16xi1>
      %jit3A_189 = arith.constant 1.000000e+00 : f32
      %jit3A_190 = arith.constant 0.000000e+00 : f32
      %broadcast_in_dim3A_191 = vector.broadcast %jit3A_189 : f32 to vector<16xf32>
      %broadcast_in_dim3A_192 = vector.broadcast %jit3A_190 : f32 to vector<16xf32>
      %select_n3A_193 = arith.select %and3A_188, %broadcast_in_dim3A_191, %broadcast_in_dim3A_192 : vector<16xi1>, vector<16xf32>
      %swap3A_194 = arith.index_cast %scan3A_121 : i32 to index
      %swap3A_195 = arith.constant 48 : index
      %swap3A_196 = tpu.vector_load %arg6[%swap3A_194, %swap3A_195] {strides = array<i32>} : memref<128x128xf32, #tpu.memory_space<vmem>>, vector<1x16xf32>,
      %swap3A_197 = vector.shape_cast %swap3A_196 : vector<1x16xf32> to vector<16xf32>
      %swap3A_198 = vector.shape_cast %select_n3A_193 : vector<16xf32> to vector<1x16xf32>
      tpu.vector_store %arg6[%swap3A_194, %swap3A_195], %swap3A_198 {strides = array<i32>} : memref<128x128xf32, #tpu.memory_space<vmem>>, vector<1x16xf32>,
      %iota3A_199 = tpu.iota {dimensions = array<i32: 0>} : vector<16xi32>
      %add3A_200 = arith.constant 64 : i32
      %add3A_201 = vector.broadcast %add3A_200 : i32 to vector<16xi32>
      %add3A_202 = arith.addi %iota3A_199, %add3A_201 : vector<16xi32>
      %ge3A_203 = arith.constant 0 : i32
      %ge3A_204 = vector.broadcast %ge3A_203 : i32 to vector<16xi32>
      %ge3A_205 = arith.cmpi sge, %add3A_202, %ge3A_204 : vector<16xi32>
      %lt3A_206 = arith.constant 16 : i32
      %lt3A_207 = vector.broadcast %lt3A_206 : i32 to vector<16xi32>
      %lt3A_208 = arith.cmpi slt, %add3A_202, %lt3A_207 : vector<16xi32>
      %and3A_209 = arith.andi %ge3A_205, %lt3A_208 : vector<16xi1>
      %jit3A_210 = arith.constant 1.000000e+00 : f32
      %jit3A_211 = arith.constant 0.000000e+00 : f32
      %broadcast_in_dim3A_212 = vector.broadcast %jit3A_210 : f32 to vector<16xf32>
      %broadcast_in_dim3A_213 = vector.broadcast %jit3A_211 : f32 to vector<16xf32>
      %select_n3A_214 = arith.select %and3A_209, %broadcast_in_dim3A_212, %broadcast_in_dim3A_213 : vector<16xi1>, vector<16xf32>
      %swap3A_215 = arith.index_cast %scan3A_121 : i32 to index
      %swap3A_216 = arith.constant 64 : index
      %swap3A_217 = tpu.vector_load %arg6[%swap3A_215, %swap3A_216] {strides = array<i32>} : memref<128x128xf32, #tpu.memory_space<vmem>>, vector<1x16xf32>,
      %swap3A_218 = vector.shape_cast %swap3A_217 : vector<1x16xf32> to vector<16xf32>
      %swap3A_219 = vector.shape_cast %select_n3A_214 : vector<16xf32> to vector<1x16xf32>
      tpu.vector_store %arg6[%swap3A_215, %swap3A_216], %swap3A_219 {strides = array<i32>} : memref<128x128xf32, #tpu.memory_space<vmem>>, vector<1x16xf32>,
      %iota3A_220 = tpu.iota {dimensions = array<i32: 0>} : vector<16xi32>
      %add3A_221 = arith.constant 80 : i32
      %add3A_222 = vector.broadcast %add3A_221 : i32 to vector<16xi32>
      %add3A_223 = arith.addi %iota3A_220, %add3A_222 : vector<16xi32>
      %ge3A_224 = arith.constant 0 : i32
      %ge3A_225 = vector.broadcast %ge3A_224 : i32 to vector<16xi32>
      %ge3A_226 = arith.cmpi sge, %add3A_223, %ge3A_225 : vector<16xi32>
      %lt3A_227 = arith.constant 16 : i32
      %lt3A_228 = vector.broadcast %lt3A_227 : i32 to vector<16xi32>
      %lt3A_229 = arith.cmpi slt, %add3A_223, %lt3A_228 : vector<16xi32>
      %and3A_230 = arith.andi %ge3A_226, %lt3A_229 : vector<16xi1>
      %jit3A_231 = arith.constant 1.000000e+00 : f32
      %jit3A_232 = arith.constant 0.000000e+00 : f32
      %broadcast_in_dim3A_233 = vector.broadcast %jit3A_231 : f32 to vector<16xf32>
      %broadcast_in_dim3A_234 = vector.broadcast %jit3A_232 : f32 to vector<16xf32>
      %select_n3A_235 = arith.select %and3A_230, %broadcast_in_dim3A_233, %broadcast_in_dim3A_234 : vector<16xi1>, vector<16xf32>
      %swap3A_236 = arith.index_cast %scan3A_121 : i32 to index
      %swap3A_237 = arith.constant 80 : index
      %swap3A_238 = tpu.vector_load %arg6[%swap3A_236, %swap3A_237] {strides = array<i32>} : memref<128x128xf32, #tpu.memory_space<vmem>>, vector<1x16xf32>,
      %swap3A_239 = vector.shape_cast %swap3A_238 : vector<1x16xf32> to vector<16xf32>
      %swap3A_240 = vector.shape_cast %select_n3A_235 : vector<16xf32> to vector<1x16xf32>
      tpu.vector_store %arg6[%swap3A_236, %swap3A_237], %swap3A_240 {strides = array<i32>} : memref<128x128xf32, #tpu.memory_space<vmem>>, vector<1x16xf32>,
      %iota3A_241 = tpu.iota {dimensions = array<i32: 0>} : vector<16xi32>
      %add3A_242 = arith.constant 96 : i32
      %add3A_243 = vector.broadcast %add3A_242 : i32 to vector<16xi32>
      %add3A_244 = arith.addi %iota3A_241, %add3A_243 : vector<16xi32>
      %ge3A_245 = arith.constant 0 : i32
      %ge3A_246 = vector.broadcast %ge3A_245 : i32 to vector<16xi32>
      %ge3A_247 = arith.cmpi sge, %add3A_244, %ge3A_246 : vector<16xi32>
      %lt3A_248 = arith.constant 16 : i32
      %lt3A_249 = vector.broadcast %lt3A_248 : i32 to vector<16xi32>
      %lt3A_250 = arith.cmpi slt, %add3A_244, %lt3A_249 : vector<16xi32>
      %and3A_251 = arith.andi %ge3A_247, %lt3A_250 : vector<16xi1>
      %jit3A_252 = arith.constant 1.000000e+00 : f32
      %jit3A_253 = arith.constant 0.000000e+00 : f32
      %broadcast_in_dim3A_254 = vector.broadcast %jit3A_252 : f32 to vector<16xf32>
      %broadcast_in_dim3A_255 = vector.broadcast %jit3A_253 : f32 to vector<16xf32>
      %select_n3A_256 = arith.select %and3A_251, %broadcast_in_dim3A_254, %broadcast_in_dim3A_255 : vector<16xi1>, vector<16xf32>
      %swap3A_257 = arith.index_cast %scan3A_121 : i32 to index
      %swap3A_258 = arith.constant 96 : index
      %swap3A_259 = tpu.vector_load %arg6[%swap3A_257, %swap3A_258] {strides = array<i32>} : memref<128x128xf32, #tpu.memory_space<vmem>>, vector<1x16xf32>,
      %swap3A_260 = vector.shape_cast %swap3A_259 : vector<1x16xf32> to vector<16xf32>
      %swap3A_261 = vector.shape_cast %select_n3A_256 : vector<16xf32> to vector<1x16xf32>
      tpu.vector_store %arg6[%swap3A_257, %swap3A_258], %swap3A_261 {strides = array<i32>} : memref<128x128xf32, #tpu.memory_space<vmem>>, vector<1x16xf32>,
      %iota3A_262 = tpu.iota {dimensions = array<i32: 0>} : vector<16xi32>
      %add3A_263 = arith.constant 112 : i32
      %add3A_264 = vector.broadcast %add3A_263 : i32 to vector<16xi32>
      %add3A_265 = arith.addi %iota3A_262, %add3A_264 : vector<16xi32>
      %ge3A_266 = arith.constant 0 : i32
      %ge3A_267 = vector.broadcast %ge3A_266 : i32 to vector<16xi32>
      %ge3A_268 = arith.cmpi sge, %add3A_265, %ge3A_267 : vector<16xi32>
      %lt3A_269 = arith.constant 16 : i32
      %lt3A_270 = vector.broadcast %lt3A_269 : i32 to vector<16xi32>
      %lt3A_271 = arith.cmpi slt, %add3A_265, %lt3A_270 : vector<16xi32>
      %and3A_272 = arith.andi %ge3A_268, %lt3A_271 : vector<16xi1>
      %jit3A_273 = arith.constant 1.000000e+00 : f32
      %jit3A_274 = arith.constant 0.000000e+00 : f32
      %broadcast_in_dim3A_275 = vector.broadcast %jit3A_273 : f32 to vector<16xf32>
      %broadcast_in_dim3A_276 = vector.broadcast %jit3A_274 : f32 to vector<16xf32>
      %select_n3A_277 = arith.select %and3A_272, %broadcast_in_dim3A_275, %broadcast_in_dim3A_276 : vector<16xi1>, vector<16xf32>
      %swap3A_278 = arith.index_cast %scan3A_121 : i32 to index
      %swap3A_279 = arith.constant 112 : index
      %swap3A_280 = tpu.vector_load %arg6[%swap3A_278, %swap3A_279] {strides = array<i32>} : memref<128x128xf32, #tpu.memory_space<vmem>>, vector<1x16xf32>,
      %swap3A_281 = vector.shape_cast %swap3A_280 : vector<1x16xf32> to vector<16xf32>
      %swap3A_282 = vector.shape_cast %select_n3A_277 : vector<16xf32> to vector<1x16xf32>
      tpu.vector_store %arg6[%swap3A_278, %swap3A_279], %swap3A_282 {strides = array<i32>} : memref<128x128xf32, #tpu.memory_space<vmem>>, vector<1x16xf32>,
      %scan3A_283 = arith.constant 0 : i32
      scf.yield %scan3A_283 : i32
    }
    %scan3A_25 = arith.constant 128 : i32
    %mul3A_26 = arith.constant 40 : i32
    %mul3A_27 = arith.muli %add3A, %mul3A_26 : i32
    %run_scoped3A = arith.constant 0 : i32
    "tpu.region"() ({
      %run_scoped3A_121 = tpu.sem_alloc : memref<!tpu.dma_semaphore, #tpu.memory_space<semaphore_mem>>
      %dma_start3A = arith.constant 0 : i32
      %dma_start3A_122 = tpu.memref_slice %arg2[%run_scoped3A, %mul3A_27, %dma_start3A] : memref<3x1280x128xi32, #tpu.memory_space<hbm>> -> memref<1x40x128xi32, #tpu.memory_space<hbm>>
      %dma_start3A_123 = tpu.memref_squeeze %dma_start3A_122 : memref<1x40x128xi32, #tpu.memory_space<hbm>> -> memref<40x128xi32, #tpu.memory_space<hbm>>
      %dma_start3A_124 = arith.constant 0 : i32
      %dma_start3A_125 = tpu.memref_slice %arg2[%run_scoped3A, %mul3A_27, %dma_start3A_124] : memref<3x1280x128xi32, #tpu.memory_space<hbm>> -> memref<1x40x128xi32, #tpu.memory_space<hbm>>
      %dma_start3A_126 = tpu.memref_squeeze %dma_start3A_125 : memref<1x40x128xi32, #tpu.memory_space<hbm>> -> memref<40x128xi32, #tpu.memory_space<hbm>>
      tpu.enqueue_dma source(%dma_start3A_126 : memref<40x128xi32, #tpu.memory_space<hbm>>) target(%arg5 : memref<40x128xi32, #tpu.memory_space<vmem>>) target_semaphore(%run_scoped3A_121 : memref<!tpu.dma_semaphore, #tpu.memory_space<semaphore_mem>>)
      %dma_wait3A = arith.constant 0 : i32
      %dma_wait3A_127 = tpu.memref_slice %arg2[%run_scoped3A, %mul3A_27, %dma_wait3A] : memref<3x1280x128xi32, #tpu.memory_space<hbm>> -> memref<1x40x128xi32, #tpu.memory_space<hbm>>
      %dma_wait3A_128 = tpu.memref_squeeze %dma_wait3A_127 : memref<1x40x128xi32, #tpu.memory_space<hbm>> -> memref<40x128xi32, #tpu.memory_space<hbm>>
      %dma_wait3A_129 = arith.constant 0 : i32
      %dma_wait3A_130 = tpu.memref_slice %arg2[%run_scoped3A, %mul3A_27, %dma_wait3A_129] : memref<3x1280x128xi32, #tpu.memory_space<hbm>> -> memref<1x40x128xi32, #tpu.memory_space<hbm>>
      %dma_wait3A_131 = tpu.memref_squeeze %dma_wait3A_130 : memref<1x40x128xi32, #tpu.memory_space<hbm>> -> memref<40x128xi32, #tpu.memory_space<hbm>>
      tpu.wait_dma2 semaphore(%run_scoped3A_121 : memref<!tpu.dma_semaphore, #tpu.memory_space<semaphore_mem>>) src(%dma_wait3A_131 : memref<40x128xi32, #tpu.memory_space<hbm>>) dst(%arg5 : memref<40x128xi32, #tpu.memory_space<vmem>>)
      tpu.yield
    }) : () -> ()
    %scan3A_28 = arith.constant 0 : i32
    %scan3A_29 = arith.constant 0 : i32
    %scan3A_30 = arith.constant 40 : i32
    %scan3A_31 = arith.addi %scan3A_29, %scan3A_30 : i32
    %scan3A_32 = arith.constant 1 : i32
    %scan3A_33 = scf.for %scan3A_121 = %scan3A_29 to %scan3A_31 step %scan3A_32 iter_args(%scan3A_122 = %scan3A_28) -> (i32)  : i32 {
      "tpu.region"() ({
        %run_scoped3A_124 = tpu.sem_alloc : memref<!tpu.dma_semaphore, #tpu.memory_space<semaphore_mem>>
        %dma_start3A = arith.constant 0 : i32
        %dma_start3A_125 = tpu.memref_slice %arg5[%scan3A_121, %dma_start3A] : memref<40x128xi32, #tpu.memory_space<vmem>> -> memref<1x128xi32, #tpu.memory_space<vmem>>
        %dma_start3A_126 = tpu.memref_squeeze %dma_start3A_125 : memref<1x128xi32, #tpu.memory_space<vmem>> -> memref<128xi32, #tpu.memory_space<vmem>>
        %dma_start3A_127 = arith.constant 0 : i32
        %dma_start3A_128 = arith.constant 0 : i32
        %dma_start3A_129 = tpu.memref_slice %arg7[%dma_start3A_127, %dma_start3A_128] : memref<10112x128xf32, #tpu.memory_space<vmem_shared>> -> memref<10112x128xf32, #tpu.memory_space<vmem_shared>>
        tpu.enqueue_indirect_dma source(%arg6 : memref<128x128xf32, #tpu.memory_space<vmem>>) target(%dma_start3A_129 : memref<10112x128xf32, #tpu.memory_space<vmem_shared>>) offsets(%dma_start3A_126 : memref<128xi32, #tpu.memory_space<vmem>>) semaphore(%run_scoped3A_124 : memref<!tpu.dma_semaphore, #tpu.memory_space<semaphore_mem>>) {add = true}
        %dma_wait3A = arith.constant 0 : i32
        %dma_wait3A_130 = tpu.memref_slice %arg5[%scan3A_121, %dma_wait3A] : memref<40x128xi32, #tpu.memory_space<vmem>> -> memref<1x128xi32, #tpu.memory_space<vmem>>
        %dma_wait3A_131 = tpu.memref_squeeze %dma_wait3A_130 : memref<1x128xi32, #tpu.memory_space<vmem>> -> memref<128xi32, #tpu.memory_space<vmem>>
        %dma_wait3A_132 = arith.constant 0 : i32
        %dma_wait3A_133 = arith.constant 0 : i32
        %dma_wait3A_134 = tpu.memref_slice %arg7[%dma_wait3A_132, %dma_wait3A_133] : memref<10112x128xf32, #tpu.memory_space<vmem_shared>> -> memref<10112x128xf32, #tpu.memory_space<vmem_shared>>
        tpu.wait_indirect_dma semaphore(%run_scoped3A_124 : memref<!tpu.dma_semaphore, #tpu.memory_space<semaphore_mem>>) src(%arg6 : memref<128x128xf32, #tpu.memory_space<vmem>>) dst(%dma_wait3A_134 : memref<10112x128xf32, #tpu.memory_space<vmem_shared>>)
        tpu.yield
      }) : () -> ()
      %scan3A_123 = arith.constant 0 : i32
      scf.yield %scan3A_123 : i32
    }
    %scan3A_34 = arith.constant 40 : i32
    %scan3A_35 = arith.constant 0 : i32
    %scan3A_36 = arith.constant 0 : i32
    %scan3A_37 = arith.constant 128 : i32
    %scan3A_38 = arith.addi %scan3A_36, %scan3A_37 : i32
    %scan3A_39 = arith.constant 1 : i32
    %scan3A_40 = scf.for %scan3A_121 = %scan3A_36 to %scan3A_38 step %scan3A_39 iter_args(%scan3A_122 = %scan3A_35) -> (i32)  : i32 {
      %iota3A = tpu.iota {dimensions = array<i32: 0>} : vector<16xi32>
      %add3A_123 = arith.constant 0 : i32
      %add3A_124 = vector.broadcast %add3A_123 : i32 to vector<16xi32>
      %add3A_125 = arith.addi %iota3A, %add3A_124 : vector<16xi32>
      %ge3A = arith.constant 16 : i32
      %ge3A_126 = vector.broadcast %ge3A : i32 to vector<16xi32>
      %ge3A_127 = arith.cmpi sge, %add3A_125, %ge3A_126 : vector<16xi32>
      %lt3A = arith.constant 32 : i32
      %lt3A_128 = vector.broadcast %lt3A : i32 to vector<16xi32>
      %lt3A_129 = arith.cmpi slt, %add3A_125, %lt3A_128 : vector<16xi32>
      %and3A = arith.andi %ge3A_127, %lt3A_129 : vector<16xi1>
      %jit3A = arith.constant 1.000000e+00 : f32
      %jit3A_130 = arith.constant 0.000000e+00 : f32
      %broadcast_in_dim3A = vector.broadcast %jit3A : f32 to vector<16xf32>
      %broadcast_in_dim3A_131 = vector.broadcast %jit3A_130 : f32 to vector<16xf32>
      %select_n3A = arith.select %and3A, %broadcast_in_dim3A, %broadcast_in_dim3A_131 : vector<16xi1>, vector<16xf32>
      %swap3A = arith.index_cast %scan3A_121 : i32 to index
      %swap3A_132 = arith.constant 0 : index
      %swap3A_133 = tpu.vector_load %arg6[%swap3A, %swap3A_132] {strides = array<i32>} : memref<128x128xf32, #tpu.memory_space<vmem>>, vector<1x16xf32>,
      %swap3A_134 = vector.shape_cast %swap3A_133 : vector<1x16xf32> to vector<16xf32>
      %swap3A_135 = vector.shape_cast %select_n3A : vector<16xf32> to vector<1x16xf32>
      tpu.vector_store %arg6[%swap3A, %swap3A_132], %swap3A_135 {strides = array<i32>} : memref<128x128xf32, #tpu.memory_space<vmem>>, vector<1x16xf32>,
      %iota3A_136 = tpu.iota {dimensions = array<i32: 0>} : vector<16xi32>
      %add3A_137 = arith.constant 16 : i32
      %add3A_138 = vector.broadcast %add3A_137 : i32 to vector<16xi32>
      %add3A_139 = arith.addi %iota3A_136, %add3A_138 : vector<16xi32>
      %ge3A_140 = arith.constant 16 : i32
      %ge3A_141 = vector.broadcast %ge3A_140 : i32 to vector<16xi32>
      %ge3A_142 = arith.cmpi sge, %add3A_139, %ge3A_141 : vector<16xi32>
      %lt3A_143 = arith.constant 32 : i32
      %lt3A_144 = vector.broadcast %lt3A_143 : i32 to vector<16xi32>
      %lt3A_145 = arith.cmpi slt, %add3A_139, %lt3A_144 : vector<16xi32>
      %and3A_146 = arith.andi %ge3A_142, %lt3A_145 : vector<16xi1>
      %jit3A_147 = arith.constant 1.000000e+00 : f32
      %jit3A_148 = arith.constant 0.000000e+00 : f32
      %broadcast_in_dim3A_149 = vector.broadcast %jit3A_147 : f32 to vector<16xf32>
      %broadcast_in_dim3A_150 = vector.broadcast %jit3A_148 : f32 to vector<16xf32>
      %select_n3A_151 = arith.select %and3A_146, %broadcast_in_dim3A_149, %broadcast_in_dim3A_150 : vector<16xi1>, vector<16xf32>
      %swap3A_152 = arith.index_cast %scan3A_121 : i32 to index
      %swap3A_153 = arith.constant 16 : index
      %swap3A_154 = tpu.vector_load %arg6[%swap3A_152, %swap3A_153] {strides = array<i32>} : memref<128x128xf32, #tpu.memory_space<vmem>>, vector<1x16xf32>,
      %swap3A_155 = vector.shape_cast %swap3A_154 : vector<1x16xf32> to vector<16xf32>
      %swap3A_156 = vector.shape_cast %select_n3A_151 : vector<16xf32> to vector<1x16xf32>
      tpu.vector_store %arg6[%swap3A_152, %swap3A_153], %swap3A_156 {strides = array<i32>} : memref<128x128xf32, #tpu.memory_space<vmem>>, vector<1x16xf32>,
      %iota3A_157 = tpu.iota {dimensions = array<i32: 0>} : vector<16xi32>
      %add3A_158 = arith.constant 32 : i32
      %add3A_159 = vector.broadcast %add3A_158 : i32 to vector<16xi32>
      %add3A_160 = arith.addi %iota3A_157, %add3A_159 : vector<16xi32>
      %ge3A_161 = arith.constant 16 : i32
      %ge3A_162 = vector.broadcast %ge3A_161 : i32 to vector<16xi32>
      %ge3A_163 = arith.cmpi sge, %add3A_160, %ge3A_162 : vector<16xi32>
      %lt3A_164 = arith.constant 32 : i32
      %lt3A_165 = vector.broadcast %lt3A_164 : i32 to vector<16xi32>
      %lt3A_166 = arith.cmpi slt, %add3A_160, %lt3A_165 : vector<16xi32>
      %and3A_167 = arith.andi %ge3A_163, %lt3A_166 : vector<16xi1>
      %jit3A_168 = arith.constant 1.000000e+00 : f32
      %jit3A_169 = arith.constant 0.000000e+00 : f32
      %broadcast_in_dim3A_170 = vector.broadcast %jit3A_168 : f32 to vector<16xf32>
      %broadcast_in_dim3A_171 = vector.broadcast %jit3A_169 : f32 to vector<16xf32>
      %select_n3A_172 = arith.select %and3A_167, %broadcast_in_dim3A_170, %broadcast_in_dim3A_171 : vector<16xi1>, vector<16xf32>
      %swap3A_173 = arith.index_cast %scan3A_121 : i32 to index
      %swap3A_174 = arith.constant 32 : index
      %swap3A_175 = tpu.vector_load %arg6[%swap3A_173, %swap3A_174] {strides = array<i32>} : memref<128x128xf32, #tpu.memory_space<vmem>>, vector<1x16xf32>,
      %swap3A_176 = vector.shape_cast %swap3A_175 : vector<1x16xf32> to vector<16xf32>
      %swap3A_177 = vector.shape_cast %select_n3A_172 : vector<16xf32> to vector<1x16xf32>
      tpu.vector_store %arg6[%swap3A_173, %swap3A_174], %swap3A_177 {strides = array<i32>} : memref<128x128xf32, #tpu.memory_space<vmem>>, vector<1x16xf32>,
      %iota3A_178 = tpu.iota {dimensions = array<i32: 0>} : vector<16xi32>
      %add3A_179 = arith.constant 48 : i32
      %add3A_180 = vector.broadcast %add3A_179 : i32 to vector<16xi32>
      %add3A_181 = arith.addi %iota3A_178, %add3A_180 : vector<16xi32>
      %ge3A_182 = arith.constant 16 : i32
      %ge3A_183 = vector.broadcast %ge3A_182 : i32 to vector<16xi32>
      %ge3A_184 = arith.cmpi sge, %add3A_181, %ge3A_183 : vector<16xi32>
      %lt3A_185 = arith.constant 32 : i32
      %lt3A_186 = vector.broadcast %lt3A_185 : i32 to vector<16xi32>
      %lt3A_187 = arith.cmpi slt, %add3A_181, %lt3A_186 : vector<16xi32>
      %and3A_188 = arith.andi %ge3A_184, %lt3A_187 : vector<16xi1>
      %jit3A_189 = arith.constant 1.000000e+00 : f32
      %jit3A_190 = arith.constant 0.000000e+00 : f32
      %broadcast_in_dim3A_191 = vector.broadcast %jit3A_189 : f32 to vector<16xf32>
      %broadcast_in_dim3A_192 = vector.broadcast %jit3A_190 : f32 to vector<16xf32>
      %select_n3A_193 = arith.select %and3A_188, %broadcast_in_dim3A_191, %broadcast_in_dim3A_192 : vector<16xi1>, vector<16xf32>
      %swap3A_194 = arith.index_cast %scan3A_121 : i32 to index
      %swap3A_195 = arith.constant 48 : index
      %swap3A_196 = tpu.vector_load %arg6[%swap3A_194, %swap3A_195] {strides = array<i32>} : memref<128x128xf32, #tpu.memory_space<vmem>>, vector<1x16xf32>,
      %swap3A_197 = vector.shape_cast %swap3A_196 : vector<1x16xf32> to vector<16xf32>
      %swap3A_198 = vector.shape_cast %select_n3A_193 : vector<16xf32> to vector<1x16xf32>
      tpu.vector_store %arg6[%swap3A_194, %swap3A_195], %swap3A_198 {strides = array<i32>} : memref<128x128xf32, #tpu.memory_space<vmem>>, vector<1x16xf32>,
      %iota3A_199 = tpu.iota {dimensions = array<i32: 0>} : vector<16xi32>
      %add3A_200 = arith.constant 64 : i32
      %add3A_201 = vector.broadcast %add3A_200 : i32 to vector<16xi32>
      %add3A_202 = arith.addi %iota3A_199, %add3A_201 : vector<16xi32>
      %ge3A_203 = arith.constant 16 : i32
      %ge3A_204 = vector.broadcast %ge3A_203 : i32 to vector<16xi32>
      %ge3A_205 = arith.cmpi sge, %add3A_202, %ge3A_204 : vector<16xi32>
      %lt3A_206 = arith.constant 32 : i32
      %lt3A_207 = vector.broadcast %lt3A_206 : i32 to vector<16xi32>
      %lt3A_208 = arith.cmpi slt, %add3A_202, %lt3A_207 : vector<16xi32>
      %and3A_209 = arith.andi %ge3A_205, %lt3A_208 : vector<16xi1>
      %jit3A_210 = arith.constant 1.000000e+00 : f32
      %jit3A_211 = arith.constant 0.000000e+00 : f32
      %broadcast_in_dim3A_212 = vector.broadcast %jit3A_210 : f32 to vector<16xf32>
      %broadcast_in_dim3A_213 = vector.broadcast %jit3A_211 : f32 to vector<16xf32>
      %select_n3A_214 = arith.select %and3A_209, %broadcast_in_dim3A_212, %broadcast_in_dim3A_213 : vector<16xi1>, vector<16xf32>
      %swap3A_215 = arith.index_cast %scan3A_121 : i32 to index
      %swap3A_216 = arith.constant 64 : index
      %swap3A_217 = tpu.vector_load %arg6[%swap3A_215, %swap3A_216] {strides = array<i32>} : memref<128x128xf32, #tpu.memory_space<vmem>>, vector<1x16xf32>,
      %swap3A_218 = vector.shape_cast %swap3A_217 : vector<1x16xf32> to vector<16xf32>
      %swap3A_219 = vector.shape_cast %select_n3A_214 : vector<16xf32> to vector<1x16xf32>
      tpu.vector_store %arg6[%swap3A_215, %swap3A_216], %swap3A_219 {strides = array<i32>} : memref<128x128xf32, #tpu.memory_space<vmem>>, vector<1x16xf32>,
      %iota3A_220 = tpu.iota {dimensions = array<i32: 0>} : vector<16xi32>
      %add3A_221 = arith.constant 80 : i32
      %add3A_222 = vector.broadcast %add3A_221 : i32 to vector<16xi32>
      %add3A_223 = arith.addi %iota3A_220, %add3A_222 : vector<16xi32>
      %ge3A_224 = arith.constant 16 : i32
      %ge3A_225 = vector.broadcast %ge3A_224 : i32 to vector<16xi32>
      %ge3A_226 = arith.cmpi sge, %add3A_223, %ge3A_225 : vector<16xi32>
      %lt3A_227 = arith.constant 32 : i32
      %lt3A_228 = vector.broadcast %lt3A_227 : i32 to vector<16xi32>
      %lt3A_229 = arith.cmpi slt, %add3A_223, %lt3A_228 : vector<16xi32>
      %and3A_230 = arith.andi %ge3A_226, %lt3A_229 : vector<16xi1>
      %jit3A_231 = arith.constant 1.000000e+00 : f32
      %jit3A_232 = arith.constant 0.000000e+00 : f32
      %broadcast_in_dim3A_233 = vector.broadcast %jit3A_231 : f32 to vector<16xf32>
      %broadcast_in_dim3A_234 = vector.broadcast %jit3A_232 : f32 to vector<16xf32>
      %select_n3A_235 = arith.select %and3A_230, %broadcast_in_dim3A_233, %broadcast_in_dim3A_234 : vector<16xi1>, vector<16xf32>
      %swap3A_236 = arith.index_cast %scan3A_121 : i32 to index
      %swap3A_237 = arith.constant 80 : index
      %swap3A_238 = tpu.vector_load %arg6[%swap3A_236, %swap3A_237] {strides = array<i32>} : memref<128x128xf32, #tpu.memory_space<vmem>>, vector<1x16xf32>,
      %swap3A_239 = vector.shape_cast %swap3A_238 : vector<1x16xf32> to vector<16xf32>
      %swap3A_240 = vector.shape_cast %select_n3A_235 : vector<16xf32> to vector<1x16xf32>
      tpu.vector_store %arg6[%swap3A_236, %swap3A_237], %swap3A_240 {strides = array<i32>} : memref<128x128xf32, #tpu.memory_space<vmem>>, vector<1x16xf32>,
      %iota3A_241 = tpu.iota {dimensions = array<i32: 0>} : vector<16xi32>
      %add3A_242 = arith.constant 96 : i32
      %add3A_243 = vector.broadcast %add3A_242 : i32 to vector<16xi32>
      %add3A_244 = arith.addi %iota3A_241, %add3A_243 : vector<16xi32>
      %ge3A_245 = arith.constant 16 : i32
      %ge3A_246 = vector.broadcast %ge3A_245 : i32 to vector<16xi32>
      %ge3A_247 = arith.cmpi sge, %add3A_244, %ge3A_246 : vector<16xi32>
      %lt3A_248 = arith.constant 32 : i32
      %lt3A_249 = vector.broadcast %lt3A_248 : i32 to vector<16xi32>
      %lt3A_250 = arith.cmpi slt, %add3A_244, %lt3A_249 : vector<16xi32>
      %and3A_251 = arith.andi %ge3A_247, %lt3A_250 : vector<16xi1>
      %jit3A_252 = arith.constant 1.000000e+00 : f32
      %jit3A_253 = arith.constant 0.000000e+00 : f32
      %broadcast_in_dim3A_254 = vector.broadcast %jit3A_252 : f32 to vector<16xf32>
      %broadcast_in_dim3A_255 = vector.broadcast %jit3A_253 : f32 to vector<16xf32>
      %select_n3A_256 = arith.select %and3A_251, %broadcast_in_dim3A_254, %broadcast_in_dim3A_255 : vector<16xi1>, vector<16xf32>
      %swap3A_257 = arith.index_cast %scan3A_121 : i32 to index
      %swap3A_258 = arith.constant 96 : index
      %swap3A_259 = tpu.vector_load %arg6[%swap3A_257, %swap3A_258] {strides = array<i32>} : memref<128x128xf32, #tpu.memory_space<vmem>>, vector<1x16xf32>,
      %swap3A_260 = vector.shape_cast %swap3A_259 : vector<1x16xf32> to vector<16xf32>
      %swap3A_261 = vector.shape_cast %select_n3A_256 : vector<16xf32> to vector<1x16xf32>
      tpu.vector_store %arg6[%swap3A_257, %swap3A_258], %swap3A_261 {strides = array<i32>} : memref<128x128xf32, #tpu.memory_space<vmem>>, vector<1x16xf32>,
      %iota3A_262 = tpu.iota {dimensions = array<i32: 0>} : vector<16xi32>
      %add3A_263 = arith.constant 112 : i32
      %add3A_264 = vector.broadcast %add3A_263 : i32 to vector<16xi32>
      %add3A_265 = arith.addi %iota3A_262, %add3A_264 : vector<16xi32>
      %ge3A_266 = arith.constant 16 : i32
      %ge3A_267 = vector.broadcast %ge3A_266 : i32 to vector<16xi32>
      %ge3A_268 = arith.cmpi sge, %add3A_265, %ge3A_267 : vector<16xi32>
      %lt3A_269 = arith.constant 32 : i32
      %lt3A_270 = vector.broadcast %lt3A_269 : i32 to vector<16xi32>
      %lt3A_271 = arith.cmpi slt, %add3A_265, %lt3A_270 : vector<16xi32>
      %and3A_272 = arith.andi %ge3A_268, %lt3A_271 : vector<16xi1>
      %jit3A_273 = arith.constant 1.000000e+00 : f32
      %jit3A_274 = arith.constant 0.000000e+00 : f32
      %broadcast_in_dim3A_275 = vector.broadcast %jit3A_273 : f32 to vector<16xf32>
      %broadcast_in_dim3A_276 = vector.broadcast %jit3A_274 : f32 to vector<16xf32>
      %select_n3A_277 = arith.select %and3A_272, %broadcast_in_dim3A_275, %broadcast_in_dim3A_276 : vector<16xi1>, vector<16xf32>
      %swap3A_278 = arith.index_cast %scan3A_121 : i32 to index
      %swap3A_279 = arith.constant 112 : index
      %swap3A_280 = tpu.vector_load %arg6[%swap3A_278, %swap3A_279] {strides = array<i32>} : memref<128x128xf32, #tpu.memory_space<vmem>>, vector<1x16xf32>,
      %swap3A_281 = vector.shape_cast %swap3A_280 : vector<1x16xf32> to vector<16xf32>
      %swap3A_282 = vector.shape_cast %select_n3A_277 : vector<16xf32> to vector<1x16xf32>
      tpu.vector_store %arg6[%swap3A_278, %swap3A_279], %swap3A_282 {strides = array<i32>} : memref<128x128xf32, #tpu.memory_space<vmem>>, vector<1x16xf32>,
      %scan3A_283 = arith.constant 0 : i32
      scf.yield %scan3A_283 : i32
    }
    %scan3A_41 = arith.constant 128 : i32
    %mul3A_42 = arith.constant 40 : i32
    %mul3A_43 = arith.muli %add3A, %mul3A_42 : i32
    %run_scoped3A_44 = arith.constant 0 : i32
    "tpu.region"() ({
      %run_scoped3A_121 = tpu.sem_alloc : memref<!tpu.dma_semaphore, #tpu.memory_space<semaphore_mem>>
      %dma_start3A = arith.constant 0 : i32
      %dma_start3A_122 = tpu.memref_slice %arg3[%run_scoped3A_44, %mul3A_43, %dma_start3A] : memref<3x1280x128xi32, #tpu.memory_space<hbm>> -> memref<1x40x128xi32, #tpu.memory_space<hbm>>
      %dma_start3A_123 = tpu.memref_squeeze %dma_start3A_122 : memref<1x40x128xi32, #tpu.memory_space<hbm>> -> memref<40x128xi32, #tpu.memory_space<hbm>>
      %dma_start3A_124 = arith.constant 0 : i32
      %dma_start3A_125 = tpu.memref_slice %arg3[%run_scoped3A_44, %mul3A_43, %dma_start3A_124] : memref<3x1280x128xi32, #tpu.memory_space<hbm>> -> memref<1x40x128xi32, #tpu.memory_space<hbm>>
      %dma_start3A_126 = tpu.memref_squeeze %dma_start3A_125 : memref<1x40x128xi32, #tpu.memory_space<hbm>> -> memref<40x128xi32, #tpu.memory_space<hbm>>
      tpu.enqueue_dma source(%dma_start3A_126 : memref<40x128xi32, #tpu.memory_space<hbm>>) target(%arg5 : memref<40x128xi32, #tpu.memory_space<vmem>>) target_semaphore(%run_scoped3A_121 : memref<!tpu.dma_semaphore, #tpu.memory_space<semaphore_mem>>)
      %dma_wait3A = arith.constant 0 : i32
      %dma_wait3A_127 = tpu.memref_slice %arg3[%run_scoped3A_44, %mul3A_43, %dma_wait3A] : memref<3x1280x128xi32, #tpu.memory_space<hbm>> -> memref<1x40x128xi32, #tpu.memory_space<hbm>>
      %dma_wait3A_128 = tpu.memref_squeeze %dma_wait3A_127 : memref<1x40x128xi32, #tpu.memory_space<hbm>> -> memref<40x128xi32, #tpu.memory_space<hbm>>
      %dma_wait3A_129 = arith.constant 0 : i32
      %dma_wait3A_130 = tpu.memref_slice %arg3[%run_scoped3A_44, %mul3A_43, %dma_wait3A_129] : memref<3x1280x128xi32, #tpu.memory_space<hbm>> -> memref<1x40x128xi32, #tpu.memory_space<hbm>>
      %dma_wait3A_131 = tpu.memref_squeeze %dma_wait3A_130 : memref<1x40x128xi32, #tpu.memory_space<hbm>> -> memref<40x128xi32, #tpu.memory_space<hbm>>
      tpu.wait_dma2 semaphore(%run_scoped3A_121 : memref<!tpu.dma_semaphore, #tpu.memory_space<semaphore_mem>>) src(%dma_wait3A_131 : memref<40x128xi32, #tpu.memory_space<hbm>>) dst(%arg5 : memref<40x128xi32, #tpu.memory_space<vmem>>)
      tpu.yield
    }) : () -> ()
    %scan3A_45 = arith.constant 0 : i32
    %scan3A_46 = arith.constant 0 : i32
    %scan3A_47 = arith.constant 40 : i32
    %scan3A_48 = arith.addi %scan3A_46, %scan3A_47 : i32
    %scan3A_49 = arith.constant 1 : i32
    %scan3A_50 = scf.for %scan3A_121 = %scan3A_46 to %scan3A_48 step %scan3A_49 iter_args(%scan3A_122 = %scan3A_45) -> (i32)  : i32 {
      "tpu.region"() ({
        %run_scoped3A_124 = tpu.sem_alloc : memref<!tpu.dma_semaphore, #tpu.memory_space<semaphore_mem>>
        %dma_start3A = arith.constant 0 : i32
        %dma_start3A_125 = tpu.memref_slice %arg5[%scan3A_121, %dma_start3A] : memref<40x128xi32, #tpu.memory_space<vmem>> -> memref<1x128xi32, #tpu.memory_space<vmem>>
        %dma_start3A_126 = tpu.memref_squeeze %dma_start3A_125 : memref<1x128xi32, #tpu.memory_space<vmem>> -> memref<128xi32, #tpu.memory_space<vmem>>
        %dma_start3A_127 = arith.constant 0 : i32
        %dma_start3A_128 = arith.constant 0 : i32
        %dma_start3A_129 = tpu.memref_slice %arg7[%dma_start3A_127, %dma_start3A_128] : memref<10112x128xf32, #tpu.memory_space<vmem_shared>> -> memref<10112x128xf32, #tpu.memory_space<vmem_shared>>
        tpu.enqueue_indirect_dma source(%arg6 : memref<128x128xf32, #tpu.memory_space<vmem>>) target(%dma_start3A_129 : memref<10112x128xf32, #tpu.memory_space<vmem_shared>>) offsets(%dma_start3A_126 : memref<128xi32, #tpu.memory_space<vmem>>) semaphore(%run_scoped3A_124 : memref<!tpu.dma_semaphore, #tpu.memory_space<semaphore_mem>>) {add = true}
        %dma_wait3A = arith.constant 0 : i32
        %dma_wait3A_130 = tpu.memref_slice %arg5[%scan3A_121, %dma_wait3A] : memref<40x128xi32, #tpu.memory_space<vmem>> -> memref<1x128xi32, #tpu.memory_space<vmem>>
        %dma_wait3A_131 = tpu.memref_squeeze %dma_wait3A_130 : memref<1x128xi32, #tpu.memory_space<vmem>> -> memref<128xi32, #tpu.memory_space<vmem>>
        %dma_wait3A_132 = arith.constant 0 : i32
        %dma_wait3A_133 = arith.constant 0 : i32
        %dma_wait3A_134 = tpu.memref_slice %arg7[%dma_wait3A_132, %dma_wait3A_133] : memref<10112x128xf32, #tpu.memory_space<vmem_shared>> -> memref<10112x128xf32, #tpu.memory_space<vmem_shared>>
        tpu.wait_indirect_dma semaphore(%run_scoped3A_124 : memref<!tpu.dma_semaphore, #tpu.memory_space<semaphore_mem>>) src(%arg6 : memref<128x128xf32, #tpu.memory_space<vmem>>) dst(%dma_wait3A_134 : memref<10112x128xf32, #tpu.memory_space<vmem_shared>>)
        tpu.yield
      }) : () -> ()
      %scan3A_123 = arith.constant 0 : i32
      scf.yield %scan3A_123 : i32
    }
    %scan3A_51 = arith.constant 40 : i32
    %scan3A_52 = arith.constant 0 : i32
    %scan3A_53 = arith.constant 0 : i32
    %scan3A_54 = arith.constant 128 : i32
    %scan3A_55 = arith.addi %scan3A_53, %scan3A_54 : i32
    %scan3A_56 = arith.constant 1 : i32
    %scan3A_57 = scf.for %scan3A_121 = %scan3A_53 to %scan3A_55 step %scan3A_56 iter_args(%scan3A_122 = %scan3A_52) -> (i32)  : i32 {
      %iota3A = tpu.iota {dimensions = array<i32: 0>} : vector<16xi32>
      %add3A_123 = arith.constant 0 : i32
      %add3A_124 = vector.broadcast %add3A_123 : i32 to vector<16xi32>
      %add3A_125 = arith.addi %iota3A, %add3A_124 : vector<16xi32>
      %ge3A = arith.constant 32 : i32
      %ge3A_126 = vector.broadcast %ge3A : i32 to vector<16xi32>
      %ge3A_127 = arith.cmpi sge, %add3A_125, %ge3A_126 : vector<16xi32>
      %lt3A = arith.constant 48 : i32
      %lt3A_128 = vector.broadcast %lt3A : i32 to vector<16xi32>
      %lt3A_129 = arith.cmpi slt, %add3A_125, %lt3A_128 : vector<16xi32>
      %and3A = arith.andi %ge3A_127, %lt3A_129 : vector<16xi1>
      %jit3A = arith.constant 1.000000e+00 : f32
      %jit3A_130 = arith.constant 0.000000e+00 : f32
      %broadcast_in_dim3A = vector.broadcast %jit3A : f32 to vector<16xf32>
      %broadcast_in_dim3A_131 = vector.broadcast %jit3A_130 : f32 to vector<16xf32>
      %select_n3A = arith.select %and3A, %broadcast_in_dim3A, %broadcast_in_dim3A_131 : vector<16xi1>, vector<16xf32>
      %swap3A = arith.index_cast %scan3A_121 : i32 to index
      %swap3A_132 = arith.constant 0 : index
      %swap3A_133 = tpu.vector_load %arg6[%swap3A, %swap3A_132] {strides = array<i32>} : memref<128x128xf32, #tpu.memory_space<vmem>>, vector<1x16xf32>,
      %swap3A_134 = vector.shape_cast %swap3A_133 : vector<1x16xf32> to vector<16xf32>
      %swap3A_135 = vector.shape_cast %select_n3A : vector<16xf32> to vector<1x16xf32>
      tpu.vector_store %arg6[%swap3A, %swap3A_132], %swap3A_135 {strides = array<i32>} : memref<128x128xf32, #tpu.memory_space<vmem>>, vector<1x16xf32>,
      %iota3A_136 = tpu.iota {dimensions = array<i32: 0>} : vector<16xi32>
      %add3A_137 = arith.constant 16 : i32
      %add3A_138 = vector.broadcast %add3A_137 : i32 to vector<16xi32>
      %add3A_139 = arith.addi %iota3A_136, %add3A_138 : vector<16xi32>
      %ge3A_140 = arith.constant 32 : i32
      %ge3A_141 = vector.broadcast %ge3A_140 : i32 to vector<16xi32>
      %ge3A_142 = arith.cmpi sge, %add3A_139, %ge3A_141 : vector<16xi32>
      %lt3A_143 = arith.constant 48 : i32
      %lt3A_144 = vector.broadcast %lt3A_143 : i32 to vector<16xi32>
      %lt3A_145 = arith.cmpi slt, %add3A_139, %lt3A_144 : vector<16xi32>
      %and3A_146 = arith.andi %ge3A_142, %lt3A_145 : vector<16xi1>
      %jit3A_147 = arith.constant 1.000000e+00 : f32
      %jit3A_148 = arith.constant 0.000000e+00 : f32
      %broadcast_in_dim3A_149 = vector.broadcast %jit3A_147 : f32 to vector<16xf32>
      %broadcast_in_dim3A_150 = vector.broadcast %jit3A_148 : f32 to vector<16xf32>
      %select_n3A_151 = arith.select %and3A_146, %broadcast_in_dim3A_149, %broadcast_in_dim3A_150 : vector<16xi1>, vector<16xf32>
      %swap3A_152 = arith.index_cast %scan3A_121 : i32 to index
      %swap3A_153 = arith.constant 16 : index
      %swap3A_154 = tpu.vector_load %arg6[%swap3A_152, %swap3A_153] {strides = array<i32>} : memref<128x128xf32, #tpu.memory_space<vmem>>, vector<1x16xf32>,
      %swap3A_155 = vector.shape_cast %swap3A_154 : vector<1x16xf32> to vector<16xf32>
      %swap3A_156 = vector.shape_cast %select_n3A_151 : vector<16xf32> to vector<1x16xf32>
      tpu.vector_store %arg6[%swap3A_152, %swap3A_153], %swap3A_156 {strides = array<i32>} : memref<128x128xf32, #tpu.memory_space<vmem>>, vector<1x16xf32>,
      %iota3A_157 = tpu.iota {dimensions = array<i32: 0>} : vector<16xi32>
      %add3A_158 = arith.constant 32 : i32
      %add3A_159 = vector.broadcast %add3A_158 : i32 to vector<16xi32>
      %add3A_160 = arith.addi %iota3A_157, %add3A_159 : vector<16xi32>
      %ge3A_161 = arith.constant 32 : i32
      %ge3A_162 = vector.broadcast %ge3A_161 : i32 to vector<16xi32>
      %ge3A_163 = arith.cmpi sge, %add3A_160, %ge3A_162 : vector<16xi32>
      %lt3A_164 = arith.constant 48 : i32
      %lt3A_165 = vector.broadcast %lt3A_164 : i32 to vector<16xi32>
      %lt3A_166 = arith.cmpi slt, %add3A_160, %lt3A_165 : vector<16xi32>
      %and3A_167 = arith.andi %ge3A_163, %lt3A_166 : vector<16xi1>
      %jit3A_168 = arith.constant 1.000000e+00 : f32
      %jit3A_169 = arith.constant 0.000000e+00 : f32
      %broadcast_in_dim3A_170 = vector.broadcast %jit3A_168 : f32 to vector<16xf32>
      %broadcast_in_dim3A_171 = vector.broadcast %jit3A_169 : f32 to vector<16xf32>
      %select_n3A_172 = arith.select %and3A_167, %broadcast_in_dim3A_170, %broadcast_in_dim3A_171 : vector<16xi1>, vector<16xf32>
      %swap3A_173 = arith.index_cast %scan3A_121 : i32 to index
      %swap3A_174 = arith.constant 32 : index
      %swap3A_175 = tpu.vector_load %arg6[%swap3A_173, %swap3A_174] {strides = array<i32>} : memref<128x128xf32, #tpu.memory_space<vmem>>, vector<1x16xf32>,
      %swap3A_176 = vector.shape_cast %swap3A_175 : vector<1x16xf32> to vector<16xf32>
      %swap3A_177 = vector.shape_cast %select_n3A_172 : vector<16xf32> to vector<1x16xf32>
      tpu.vector_store %arg6[%swap3A_173, %swap3A_174], %swap3A_177 {strides = array<i32>} : memref<128x128xf32, #tpu.memory_space<vmem>>, vector<1x16xf32>,
      %iota3A_178 = tpu.iota {dimensions = array<i32: 0>} : vector<16xi32>
      %add3A_179 = arith.constant 48 : i32
      %add3A_180 = vector.broadcast %add3A_179 : i32 to vector<16xi32>
      %add3A_181 = arith.addi %iota3A_178, %add3A_180 : vector<16xi32>
      %ge3A_182 = arith.constant 32 : i32
      %ge3A_183 = vector.broadcast %ge3A_182 : i32 to vector<16xi32>
      %ge3A_184 = arith.cmpi sge, %add3A_181, %ge3A_183 : vector<16xi32>
      %lt3A_185 = arith.constant 48 : i32
      %lt3A_186 = vector.broadcast %lt3A_185 : i32 to vector<16xi32>
      %lt3A_187 = arith.cmpi slt, %add3A_181, %lt3A_186 : vector<16xi32>
      %and3A_188 = arith.andi %ge3A_184, %lt3A_187 : vector<16xi1>
      %jit3A_189 = arith.constant 1.000000e+00 : f32
      %jit3A_190 = arith.constant 0.000000e+00 : f32
      %broadcast_in_dim3A_191 = vector.broadcast %jit3A_189 : f32 to vector<16xf32>
      %broadcast_in_dim3A_192 = vector.broadcast %jit3A_190 : f32 to vector<16xf32>
      %select_n3A_193 = arith.select %and3A_188, %broadcast_in_dim3A_191, %broadcast_in_dim3A_192 : vector<16xi1>, vector<16xf32>
      %swap3A_194 = arith.index_cast %scan3A_121 : i32 to index
      %swap3A_195 = arith.constant 48 : index
      %swap3A_196 = tpu.vector_load %arg6[%swap3A_194, %swap3A_195] {strides = array<i32>} : memref<128x128xf32, #tpu.memory_space<vmem>>, vector<1x16xf32>,
      %swap3A_197 = vector.shape_cast %swap3A_196 : vector<1x16xf32> to vector<16xf32>
      %swap3A_198 = vector.shape_cast %select_n3A_193 : vector<16xf32> to vector<1x16xf32>
      tpu.vector_store %arg6[%swap3A_194, %swap3A_195], %swap3A_198 {strides = array<i32>} : memref<128x128xf32, #tpu.memory_space<vmem>>, vector<1x16xf32>,
      %iota3A_199 = tpu.iota {dimensions = array<i32: 0>} : vector<16xi32>
      %add3A_200 = arith.constant 64 : i32
      %add3A_201 = vector.broadcast %add3A_200 : i32 to vector<16xi32>
      %add3A_202 = arith.addi %iota3A_199, %add3A_201 : vector<16xi32>
      %ge3A_203 = arith.constant 32 : i32
      %ge3A_204 = vector.broadcast %ge3A_203 : i32 to vector<16xi32>
      %ge3A_205 = arith.cmpi sge, %add3A_202, %ge3A_204 : vector<16xi32>
      %lt3A_206 = arith.constant 48 : i32
      %lt3A_207 = vector.broadcast %lt3A_206 : i32 to vector<16xi32>
      %lt3A_208 = arith.cmpi slt, %add3A_202, %lt3A_207 : vector<16xi32>
      %and3A_209 = arith.andi %ge3A_205, %lt3A_208 : vector<16xi1>
      %jit3A_210 = arith.constant 1.000000e+00 : f32
      %jit3A_211 = arith.constant 0.000000e+00 : f32
      %broadcast_in_dim3A_212 = vector.broadcast %jit3A_210 : f32 to vector<16xf32>
      %broadcast_in_dim3A_213 = vector.broadcast %jit3A_211 : f32 to vector<16xf32>
      %select_n3A_214 = arith.select %and3A_209, %broadcast_in_dim3A_212, %broadcast_in_dim3A_213 : vector<16xi1>, vector<16xf32>
      %swap3A_215 = arith.index_cast %scan3A_121 : i32 to index
      %swap3A_216 = arith.constant 64 : index
      %swap3A_217 = tpu.vector_load %arg6[%swap3A_215, %swap3A_216] {strides = array<i32>} : memref<128x128xf32, #tpu.memory_space<vmem>>, vector<1x16xf32>,
      %swap3A_218 = vector.shape_cast %swap3A_217 : vector<1x16xf32> to vector<16xf32>
      %swap3A_219 = vector.shape_cast %select_n3A_214 : vector<16xf32> to vector<1x16xf32>
      tpu.vector_store %arg6[%swap3A_215, %swap3A_216], %swap3A_219 {strides = array<i32>} : memref<128x128xf32, #tpu.memory_space<vmem>>, vector<1x16xf32>,
      %iota3A_220 = tpu.iota {dimensions = array<i32: 0>} : vector<16xi32>
      %add3A_221 = arith.constant 80 : i32
      %add3A_222 = vector.broadcast %add3A_221 : i32 to vector<16xi32>
      %add3A_223 = arith.addi %iota3A_220, %add3A_222 : vector<16xi32>
      %ge3A_224 = arith.constant 32 : i32
      %ge3A_225 = vector.broadcast %ge3A_224 : i32 to vector<16xi32>
      %ge3A_226 = arith.cmpi sge, %add3A_223, %ge3A_225 : vector<16xi32>
      %lt3A_227 = arith.constant 48 : i32
      %lt3A_228 = vector.broadcast %lt3A_227 : i32 to vector<16xi32>
      %lt3A_229 = arith.cmpi slt, %add3A_223, %lt3A_228 : vector<16xi32>
      %and3A_230 = arith.andi %ge3A_226, %lt3A_229 : vector<16xi1>
      %jit3A_231 = arith.constant 1.000000e+00 : f32
      %jit3A_232 = arith.constant 0.000000e+00 : f32
      %broadcast_in_dim3A_233 = vector.broadcast %jit3A_231 : f32 to vector<16xf32>
      %broadcast_in_dim3A_234 = vector.broadcast %jit3A_232 : f32 to vector<16xf32>
      %select_n3A_235 = arith.select %and3A_230, %broadcast_in_dim3A_233, %broadcast_in_dim3A_234 : vector<16xi1>, vector<16xf32>
      %swap3A_236 = arith.index_cast %scan3A_121 : i32 to index
      %swap3A_237 = arith.constant 80 : index
      %swap3A_238 = tpu.vector_load %arg6[%swap3A_236, %swap3A_237] {strides = array<i32>} : memref<128x128xf32, #tpu.memory_space<vmem>>, vector<1x16xf32>,
      %swap3A_239 = vector.shape_cast %swap3A_238 : vector<1x16xf32> to vector<16xf32>
      %swap3A_240 = vector.shape_cast %select_n3A_235 : vector<16xf32> to vector<1x16xf32>
      tpu.vector_store %arg6[%swap3A_236, %swap3A_237], %swap3A_240 {strides = array<i32>} : memref<128x128xf32, #tpu.memory_space<vmem>>, vector<1x16xf32>,
      %iota3A_241 = tpu.iota {dimensions = array<i32: 0>} : vector<16xi32>
      %add3A_242 = arith.constant 96 : i32
      %add3A_243 = vector.broadcast %add3A_242 : i32 to vector<16xi32>
      %add3A_244 = arith.addi %iota3A_241, %add3A_243 : vector<16xi32>
      %ge3A_245 = arith.constant 32 : i32
      %ge3A_246 = vector.broadcast %ge3A_245 : i32 to vector<16xi32>
      %ge3A_247 = arith.cmpi sge, %add3A_244, %ge3A_246 : vector<16xi32>
      %lt3A_248 = arith.constant 48 : i32
      %lt3A_249 = vector.broadcast %lt3A_248 : i32 to vector<16xi32>
      %lt3A_250 = arith.cmpi slt, %add3A_244, %lt3A_249 : vector<16xi32>
      %and3A_251 = arith.andi %ge3A_247, %lt3A_250 : vector<16xi1>
      %jit3A_252 = arith.constant 1.000000e+00 : f32
      %jit3A_253 = arith.constant 0.000000e+00 : f32
      %broadcast_in_dim3A_254 = vector.broadcast %jit3A_252 : f32 to vector<16xf32>
      %broadcast_in_dim3A_255 = vector.broadcast %jit3A_253 : f32 to vector<16xf32>
      %select_n3A_256 = arith.select %and3A_251, %broadcast_in_dim3A_254, %broadcast_in_dim3A_255 : vector<16xi1>, vector<16xf32>
      %swap3A_257 = arith.index_cast %scan3A_121 : i32 to index
      %swap3A_258 = arith.constant 96 : index
      %swap3A_259 = tpu.vector_load %arg6[%swap3A_257, %swap3A_258] {strides = array<i32>} : memref<128x128xf32, #tpu.memory_space<vmem>>, vector<1x16xf32>,
      %swap3A_260 = vector.shape_cast %swap3A_259 : vector<1x16xf32> to vector<16xf32>
      %swap3A_261 = vector.shape_cast %select_n3A_256 : vector<16xf32> to vector<1x16xf32>
      tpu.vector_store %arg6[%swap3A_257, %swap3A_258], %swap3A_261 {strides = array<i32>} : memref<128x128xf32, #tpu.memory_space<vmem>>, vector<1x16xf32>,
      %iota3A_262 = tpu.iota {dimensions = array<i32: 0>} : vector<16xi32>
      %add3A_263 = arith.constant 112 : i32
      %add3A_264 = vector.broadcast %add3A_263 : i32 to vector<16xi32>
      %add3A_265 = arith.addi %iota3A_262, %add3A_264 : vector<16xi32>
      %ge3A_266 = arith.constant 32 : i32
      %ge3A_267 = vector.broadcast %ge3A_266 : i32 to vector<16xi32>
      %ge3A_268 = arith.cmpi sge, %add3A_265, %ge3A_267 : vector<16xi32>
      %lt3A_269 = arith.constant 48 : i32
      %lt3A_270 = vector.broadcast %lt3A_269 : i32 to vector<16xi32>
      %lt3A_271 = arith.cmpi slt, %add3A_265, %lt3A_270 : vector<16xi32>
      %and3A_272 = arith.andi %ge3A_268, %lt3A_271 : vector<16xi1>
      %jit3A_273 = arith.constant 1.000000e+00 : f32
      %jit3A_274 = arith.constant 0.000000e+00 : f32
      %broadcast_in_dim3A_275 = vector.broadcast %jit3A_273 : f32 to vector<16xf32>
      %broadcast_in_dim3A_276 = vector.broadcast %jit3A_274 : f32 to vector<16xf32>
      %select_n3A_277 = arith.select %and3A_272, %broadcast_in_dim3A_275, %broadcast_in_dim3A_276 : vector<16xi1>, vector<16xf32>
      %swap3A_278 = arith.index_cast %scan3A_121 : i32 to index
      %swap3A_279 = arith.constant 112 : index
      %swap3A_280 = tpu.vector_load %arg6[%swap3A_278, %swap3A_279] {strides = array<i32>} : memref<128x128xf32, #tpu.memory_space<vmem>>, vector<1x16xf32>,
      %swap3A_281 = vector.shape_cast %swap3A_280 : vector<1x16xf32> to vector<16xf32>
      %swap3A_282 = vector.shape_cast %select_n3A_277 : vector<16xf32> to vector<1x16xf32>
      tpu.vector_store %arg6[%swap3A_278, %swap3A_279], %swap3A_282 {strides = array<i32>} : memref<128x128xf32, #tpu.memory_space<vmem>>, vector<1x16xf32>,
      %scan3A_283 = arith.constant 0 : i32
      scf.yield %scan3A_283 : i32
    }
    %scan3A_58 = arith.constant 128 : i32
    %mul3A_59 = arith.constant 40 : i32
    %mul3A_60 = arith.muli %add3A, %mul3A_59 : i32
    %run_scoped3A_61 = arith.constant 1 : i32
    "tpu.region"() ({
      %run_scoped3A_121 = tpu.sem_alloc : memref<!tpu.dma_semaphore, #tpu.memory_space<semaphore_mem>>
      %dma_start3A = arith.constant 0 : i32
      %dma_start3A_122 = tpu.memref_slice %arg2[%run_scoped3A_61, %mul3A_60, %dma_start3A] : memref<3x1280x128xi32, #tpu.memory_space<hbm>> -> memref<1x40x128xi32, #tpu.memory_space<hbm>>
      %dma_start3A_123 = tpu.memref_squeeze %dma_start3A_122 : memref<1x40x128xi32, #tpu.memory_space<hbm>> -> memref<40x128xi32, #tpu.memory_space<hbm>>
      %dma_start3A_124 = arith.constant 0 : i32
      %dma_start3A_125 = tpu.memref_slice %arg2[%run_scoped3A_61, %mul3A_60, %dma_start3A_124] : memref<3x1280x128xi32, #tpu.memory_space<hbm>> -> memref<1x40x128xi32, #tpu.memory_space<hbm>>
      %dma_start3A_126 = tpu.memref_squeeze %dma_start3A_125 : memref<1x40x128xi32, #tpu.memory_space<hbm>> -> memref<40x128xi32, #tpu.memory_space<hbm>>
      tpu.enqueue_dma source(%dma_start3A_126 : memref<40x128xi32, #tpu.memory_space<hbm>>) target(%arg5 : memref<40x128xi32, #tpu.memory_space<vmem>>) target_semaphore(%run_scoped3A_121 : memref<!tpu.dma_semaphore, #tpu.memory_space<semaphore_mem>>)
      %dma_wait3A = arith.constant 0 : i32
      %dma_wait3A_127 = tpu.memref_slice %arg2[%run_scoped3A_61, %mul3A_60, %dma_wait3A] : memref<3x1280x128xi32, #tpu.memory_space<hbm>> -> memref<1x40x128xi32, #tpu.memory_space<hbm>>
      %dma_wait3A_128 = tpu.memref_squeeze %dma_wait3A_127 : memref<1x40x128xi32, #tpu.memory_space<hbm>> -> memref<40x128xi32, #tpu.memory_space<hbm>>
      %dma_wait3A_129 = arith.constant 0 : i32
      %dma_wait3A_130 = tpu.memref_slice %arg2[%run_scoped3A_61, %mul3A_60, %dma_wait3A_129] : memref<3x1280x128xi32, #tpu.memory_space<hbm>> -> memref<1x40x128xi32, #tpu.memory_space<hbm>>
      %dma_wait3A_131 = tpu.memref_squeeze %dma_wait3A_130 : memref<1x40x128xi32, #tpu.memory_space<hbm>> -> memref<40x128xi32, #tpu.memory_space<hbm>>
      tpu.wait_dma2 semaphore(%run_scoped3A_121 : memref<!tpu.dma_semaphore, #tpu.memory_space<semaphore_mem>>) src(%dma_wait3A_131 : memref<40x128xi32, #tpu.memory_space<hbm>>) dst(%arg5 : memref<40x128xi32, #tpu.memory_space<vmem>>)
      tpu.yield
    }) : () -> ()
    %scan3A_62 = arith.constant 0 : i32
    %scan3A_63 = arith.constant 0 : i32
    %scan3A_64 = arith.constant 40 : i32
    %scan3A_65 = arith.addi %scan3A_63, %scan3A_64 : i32
    %scan3A_66 = arith.constant 1 : i32
    %scan3A_67 = scf.for %scan3A_121 = %scan3A_63 to %scan3A_65 step %scan3A_66 iter_args(%scan3A_122 = %scan3A_62) -> (i32)  : i32 {
      "tpu.region"() ({
        %run_scoped3A_124 = tpu.sem_alloc : memref<!tpu.dma_semaphore, #tpu.memory_space<semaphore_mem>>
        %dma_start3A = arith.constant 0 : i32
        %dma_start3A_125 = tpu.memref_slice %arg5[%scan3A_121, %dma_start3A] : memref<40x128xi32, #tpu.memory_space<vmem>> -> memref<1x128xi32, #tpu.memory_space<vmem>>
        %dma_start3A_126 = tpu.memref_squeeze %dma_start3A_125 : memref<1x128xi32, #tpu.memory_space<vmem>> -> memref<128xi32, #tpu.memory_space<vmem>>
        %dma_start3A_127 = arith.constant 0 : i32
        %dma_start3A_128 = arith.constant 0 : i32
        %dma_start3A_129 = tpu.memref_slice %arg7[%dma_start3A_127, %dma_start3A_128] : memref<10112x128xf32, #tpu.memory_space<vmem_shared>> -> memref<10112x128xf32, #tpu.memory_space<vmem_shared>>
        tpu.enqueue_indirect_dma source(%arg6 : memref<128x128xf32, #tpu.memory_space<vmem>>) target(%dma_start3A_129 : memref<10112x128xf32, #tpu.memory_space<vmem_shared>>) offsets(%dma_start3A_126 : memref<128xi32, #tpu.memory_space<vmem>>) semaphore(%run_scoped3A_124 : memref<!tpu.dma_semaphore, #tpu.memory_space<semaphore_mem>>) {add = true}
        %dma_wait3A = arith.constant 0 : i32
        %dma_wait3A_130 = tpu.memref_slice %arg5[%scan3A_121, %dma_wait3A] : memref<40x128xi32, #tpu.memory_space<vmem>> -> memref<1x128xi32, #tpu.memory_space<vmem>>
        %dma_wait3A_131 = tpu.memref_squeeze %dma_wait3A_130 : memref<1x128xi32, #tpu.memory_space<vmem>> -> memref<128xi32, #tpu.memory_space<vmem>>
        %dma_wait3A_132 = arith.constant 0 : i32
        %dma_wait3A_133 = arith.constant 0 : i32
        %dma_wait3A_134 = tpu.memref_slice %arg7[%dma_wait3A_132, %dma_wait3A_133] : memref<10112x128xf32, #tpu.memory_space<vmem_shared>> -> memref<10112x128xf32, #tpu.memory_space<vmem_shared>>
        tpu.wait_indirect_dma semaphore(%run_scoped3A_124 : memref<!tpu.dma_semaphore, #tpu.memory_space<semaphore_mem>>) src(%arg6 : memref<128x128xf32, #tpu.memory_space<vmem>>) dst(%dma_wait3A_134 : memref<10112x128xf32, #tpu.memory_space<vmem_shared>>)
        tpu.yield
      }) : () -> ()
      %scan3A_123 = arith.constant 0 : i32
      scf.yield %scan3A_123 : i32
    }
    %scan3A_68 = arith.constant 40 : i32
    %scan3A_69 = arith.constant 0 : i32
    %scan3A_70 = arith.constant 0 : i32
    %scan3A_71 = arith.constant 128 : i32
    %scan3A_72 = arith.addi %scan3A_70, %scan3A_71 : i32
    %scan3A_73 = arith.constant 1 : i32
    %scan3A_74 = scf.for %scan3A_121 = %scan3A_70 to %scan3A_72 step %scan3A_73 iter_args(%scan3A_122 = %scan3A_69) -> (i32)  : i32 {
      %iota3A = tpu.iota {dimensions = array<i32: 0>} : vector<16xi32>
      %add3A_123 = arith.constant 0 : i32
      %add3A_124 = vector.broadcast %add3A_123 : i32 to vector<16xi32>
      %add3A_125 = arith.addi %iota3A, %add3A_124 : vector<16xi32>
      %ge3A = arith.constant 48 : i32
      %ge3A_126 = vector.broadcast %ge3A : i32 to vector<16xi32>
      %ge3A_127 = arith.cmpi sge, %add3A_125, %ge3A_126 : vector<16xi32>
      %lt3A = arith.constant 64 : i32
      %lt3A_128 = vector.broadcast %lt3A : i32 to vector<16xi32>
      %lt3A_129 = arith.cmpi slt, %add3A_125, %lt3A_128 : vector<16xi32>
      %and3A = arith.andi %ge3A_127, %lt3A_129 : vector<16xi1>
      %jit3A = arith.constant 1.000000e+00 : f32
      %jit3A_130 = arith.constant 0.000000e+00 : f32
      %broadcast_in_dim3A = vector.broadcast %jit3A : f32 to vector<16xf32>
      %broadcast_in_dim3A_131 = vector.broadcast %jit3A_130 : f32 to vector<16xf32>
      %select_n3A = arith.select %and3A, %broadcast_in_dim3A, %broadcast_in_dim3A_131 : vector<16xi1>, vector<16xf32>
      %swap3A = arith.index_cast %scan3A_121 : i32 to index
      %swap3A_132 = arith.constant 0 : index
      %swap3A_133 = tpu.vector_load %arg6[%swap3A, %swap3A_132] {strides = array<i32>} : memref<128x128xf32, #tpu.memory_space<vmem>>, vector<1x16xf32>,
      %swap3A_134 = vector.shape_cast %swap3A_133 : vector<1x16xf32> to vector<16xf32>
      %swap3A_135 = vector.shape_cast %select_n3A : vector<16xf32> to vector<1x16xf32>
      tpu.vector_store %arg6[%swap3A, %swap3A_132], %swap3A_135 {strides = array<i32>} : memref<128x128xf32, #tpu.memory_space<vmem>>, vector<1x16xf32>,
      %iota3A_136 = tpu.iota {dimensions = array<i32: 0>} : vector<16xi32>
      %add3A_137 = arith.constant 16 : i32
      %add3A_138 = vector.broadcast %add3A_137 : i32 to vector<16xi32>
      %add3A_139 = arith.addi %iota3A_136, %add3A_138 : vector<16xi32>
      %ge3A_140 = arith.constant 48 : i32
      %ge3A_141 = vector.broadcast %ge3A_140 : i32 to vector<16xi32>
      %ge3A_142 = arith.cmpi sge, %add3A_139, %ge3A_141 : vector<16xi32>
      %lt3A_143 = arith.constant 64 : i32
      %lt3A_144 = vector.broadcast %lt3A_143 : i32 to vector<16xi32>
      %lt3A_145 = arith.cmpi slt, %add3A_139, %lt3A_144 : vector<16xi32>
      %and3A_146 = arith.andi %ge3A_142, %lt3A_145 : vector<16xi1>
      %jit3A_147 = arith.constant 1.000000e+00 : f32
      %jit3A_148 = arith.constant 0.000000e+00 : f32
      %broadcast_in_dim3A_149 = vector.broadcast %jit3A_147 : f32 to vector<16xf32>
      %broadcast_in_dim3A_150 = vector.broadcast %jit3A_148 : f32 to vector<16xf32>
      %select_n3A_151 = arith.select %and3A_146, %broadcast_in_dim3A_149, %broadcast_in_dim3A_150 : vector<16xi1>, vector<16xf32>
      %swap3A_152 = arith.index_cast %scan3A_121 : i32 to index
      %swap3A_153 = arith.constant 16 : index
      %swap3A_154 = tpu.vector_load %arg6[%swap3A_152, %swap3A_153] {strides = array<i32>} : memref<128x128xf32, #tpu.memory_space<vmem>>, vector<1x16xf32>,
      %swap3A_155 = vector.shape_cast %swap3A_154 : vector<1x16xf32> to vector<16xf32>
      %swap3A_156 = vector.shape_cast %select_n3A_151 : vector<16xf32> to vector<1x16xf32>
      tpu.vector_store %arg6[%swap3A_152, %swap3A_153], %swap3A_156 {strides = array<i32>} : memref<128x128xf32, #tpu.memory_space<vmem>>, vector<1x16xf32>,
      %iota3A_157 = tpu.iota {dimensions = array<i32: 0>} : vector<16xi32>
      %add3A_158 = arith.constant 32 : i32
      %add3A_159 = vector.broadcast %add3A_158 : i32 to vector<16xi32>
      %add3A_160 = arith.addi %iota3A_157, %add3A_159 : vector<16xi32>
      %ge3A_161 = arith.constant 48 : i32
      %ge3A_162 = vector.broadcast %ge3A_161 : i32 to vector<16xi32>
      %ge3A_163 = arith.cmpi sge, %add3A_160, %ge3A_162 : vector<16xi32>
      %lt3A_164 = arith.constant 64 : i32
      %lt3A_165 = vector.broadcast %lt3A_164 : i32 to vector<16xi32>
      %lt3A_166 = arith.cmpi slt, %add3A_160, %lt3A_165 : vector<16xi32>
      %and3A_167 = arith.andi %ge3A_163, %lt3A_166 : vector<16xi1>
      %jit3A_168 = arith.constant 1.000000e+00 : f32
      %jit3A_169 = arith.constant 0.000000e+00 : f32
      %broadcast_in_dim3A_170 = vector.broadcast %jit3A_168 : f32 to vector<16xf32>
      %broadcast_in_dim3A_171 = vector.broadcast %jit3A_169 : f32 to vector<16xf32>
      %select_n3A_172 = arith.select %and3A_167, %broadcast_in_dim3A_170, %broadcast_in_dim3A_171 : vector<16xi1>, vector<16xf32>
      %swap3A_173 = arith.index_cast %scan3A_121 : i32 to index
      %swap3A_174 = arith.constant 32 : index
      %swap3A_175 = tpu.vector_load %arg6[%swap3A_173, %swap3A_174] {strides = array<i32>} : memref<128x128xf32, #tpu.memory_space<vmem>>, vector<1x16xf32>,
      %swap3A_176 = vector.shape_cast %swap3A_175 : vector<1x16xf32> to vector<16xf32>
      %swap3A_177 = vector.shape_cast %select_n3A_172 : vector<16xf32> to vector<1x16xf32>
      tpu.vector_store %arg6[%swap3A_173, %swap3A_174], %swap3A_177 {strides = array<i32>} : memref<128x128xf32, #tpu.memory_space<vmem>>, vector<1x16xf32>,
      %iota3A_178 = tpu.iota {dimensions = array<i32: 0>} : vector<16xi32>
      %add3A_179 = arith.constant 48 : i32
      %add3A_180 = vector.broadcast %add3A_179 : i32 to vector<16xi32>
      %add3A_181 = arith.addi %iota3A_178, %add3A_180 : vector<16xi32>
      %ge3A_182 = arith.constant 48 : i32
      %ge3A_183 = vector.broadcast %ge3A_182 : i32 to vector<16xi32>
      %ge3A_184 = arith.cmpi sge, %add3A_181, %ge3A_183 : vector<16xi32>
      %lt3A_185 = arith.constant 64 : i32
      %lt3A_186 = vector.broadcast %lt3A_185 : i32 to vector<16xi32>
      %lt3A_187 = arith.cmpi slt, %add3A_181, %lt3A_186 : vector<16xi32>
      %and3A_188 = arith.andi %ge3A_184, %lt3A_187 : vector<16xi1>
      %jit3A_189 = arith.constant 1.000000e+00 : f32
      %jit3A_190 = arith.constant 0.000000e+00 : f32
      %broadcast_in_dim3A_191 = vector.broadcast %jit3A_189 : f32 to vector<16xf32>
      %broadcast_in_dim3A_192 = vector.broadcast %jit3A_190 : f32 to vector<16xf32>
      %select_n3A_193 = arith.select %and3A_188, %broadcast_in_dim3A_191, %broadcast_in_dim3A_192 : vector<16xi1>, vector<16xf32>
      %swap3A_194 = arith.index_cast %scan3A_121 : i32 to index
      %swap3A_195 = arith.constant 48 : index
      %swap3A_196 = tpu.vector_load %arg6[%swap3A_194, %swap3A_195] {strides = array<i32>} : memref<128x128xf32, #tpu.memory_space<vmem>>, vector<1x16xf32>,
      %swap3A_197 = vector.shape_cast %swap3A_196 : vector<1x16xf32> to vector<16xf32>
      %swap3A_198 = vector.shape_cast %select_n3A_193 : vector<16xf32> to vector<1x16xf32>
      tpu.vector_store %arg6[%swap3A_194, %swap3A_195], %swap3A_198 {strides = array<i32>} : memref<128x128xf32, #tpu.memory_space<vmem>>, vector<1x16xf32>,
      %iota3A_199 = tpu.iota {dimensions = array<i32: 0>} : vector<16xi32>
      %add3A_200 = arith.constant 64 : i32
      %add3A_201 = vector.broadcast %add3A_200 : i32 to vector<16xi32>
      %add3A_202 = arith.addi %iota3A_199, %add3A_201 : vector<16xi32>
      %ge3A_203 = arith.constant 48 : i32
      %ge3A_204 = vector.broadcast %ge3A_203 : i32 to vector<16xi32>
      %ge3A_205 = arith.cmpi sge, %add3A_202, %ge3A_204 : vector<16xi32>
      %lt3A_206 = arith.constant 64 : i32
      %lt3A_207 = vector.broadcast %lt3A_206 : i32 to vector<16xi32>
      %lt3A_208 = arith.cmpi slt, %add3A_202, %lt3A_207 : vector<16xi32>
      %and3A_209 = arith.andi %ge3A_205, %lt3A_208 : vector<16xi1>
      %jit3A_210 = arith.constant 1.000000e+00 : f32
      %jit3A_211 = arith.constant 0.000000e+00 : f32
      %broadcast_in_dim3A_212 = vector.broadcast %jit3A_210 : f32 to vector<16xf32>
      %broadcast_in_dim3A_213 = vector.broadcast %jit3A_211 : f32 to vector<16xf32>
      %select_n3A_214 = arith.select %and3A_209, %broadcast_in_dim3A_212, %broadcast_in_dim3A_213 : vector<16xi1>, vector<16xf32>
      %swap3A_215 = arith.index_cast %scan3A_121 : i32 to index
      %swap3A_216 = arith.constant 64 : index
      %swap3A_217 = tpu.vector_load %arg6[%swap3A_215, %swap3A_216] {strides = array<i32>} : memref<128x128xf32, #tpu.memory_space<vmem>>, vector<1x16xf32>,
      %swap3A_218 = vector.shape_cast %swap3A_217 : vector<1x16xf32> to vector<16xf32>
      %swap3A_219 = vector.shape_cast %select_n3A_214 : vector<16xf32> to vector<1x16xf32>
      tpu.vector_store %arg6[%swap3A_215, %swap3A_216], %swap3A_219 {strides = array<i32>} : memref<128x128xf32, #tpu.memory_space<vmem>>, vector<1x16xf32>,
      %iota3A_220 = tpu.iota {dimensions = array<i32: 0>} : vector<16xi32>
      %add3A_221 = arith.constant 80 : i32
      %add3A_222 = vector.broadcast %add3A_221 : i32 to vector<16xi32>
      %add3A_223 = arith.addi %iota3A_220, %add3A_222 : vector<16xi32>
      %ge3A_224 = arith.constant 48 : i32
      %ge3A_225 = vector.broadcast %ge3A_224 : i32 to vector<16xi32>
      %ge3A_226 = arith.cmpi sge, %add3A_223, %ge3A_225 : vector<16xi32>
      %lt3A_227 = arith.constant 64 : i32
      %lt3A_228 = vector.broadcast %lt3A_227 : i32 to vector<16xi32>
      %lt3A_229 = arith.cmpi slt, %add3A_223, %lt3A_228 : vector<16xi32>
      %and3A_230 = arith.andi %ge3A_226, %lt3A_229 : vector<16xi1>
      %jit3A_231 = arith.constant 1.000000e+00 : f32
      %jit3A_232 = arith.constant 0.000000e+00 : f32
      %broadcast_in_dim3A_233 = vector.broadcast %jit3A_231 : f32 to vector<16xf32>
      %broadcast_in_dim3A_234 = vector.broadcast %jit3A_232 : f32 to vector<16xf32>
      %select_n3A_235 = arith.select %and3A_230, %broadcast_in_dim3A_233, %broadcast_in_dim3A_234 : vector<16xi1>, vector<16xf32>
      %swap3A_236 = arith.index_cast %scan3A_121 : i32 to index
      %swap3A_237 = arith.constant 80 : index
      %swap3A_238 = tpu.vector_load %arg6[%swap3A_236, %swap3A_237] {strides = array<i32>} : memref<128x128xf32, #tpu.memory_space<vmem>>, vector<1x16xf32>,
      %swap3A_239 = vector.shape_cast %swap3A_238 : vector<1x16xf32> to vector<16xf32>
      %swap3A_240 = vector.shape_cast %select_n3A_235 : vector<16xf32> to vector<1x16xf32>
      tpu.vector_store %arg6[%swap3A_236, %swap3A_237], %swap3A_240 {strides = array<i32>} : memref<128x128xf32, #tpu.memory_space<vmem>>, vector<1x16xf32>,
      %iota3A_241 = tpu.iota {dimensions = array<i32: 0>} : vector<16xi32>
      %add3A_242 = arith.constant 96 : i32
      %add3A_243 = vector.broadcast %add3A_242 : i32 to vector<16xi32>
      %add3A_244 = arith.addi %iota3A_241, %add3A_243 : vector<16xi32>
      %ge3A_245 = arith.constant 48 : i32
      %ge3A_246 = vector.broadcast %ge3A_245 : i32 to vector<16xi32>
      %ge3A_247 = arith.cmpi sge, %add3A_244, %ge3A_246 : vector<16xi32>
      %lt3A_248 = arith.constant 64 : i32
      %lt3A_249 = vector.broadcast %lt3A_248 : i32 to vector<16xi32>
      %lt3A_250 = arith.cmpi slt, %add3A_244, %lt3A_249 : vector<16xi32>
      %and3A_251 = arith.andi %ge3A_247, %lt3A_250 : vector<16xi1>
      %jit3A_252 = arith.constant 1.000000e+00 : f32
      %jit3A_253 = arith.constant 0.000000e+00 : f32
      %broadcast_in_dim3A_254 = vector.broadcast %jit3A_252 : f32 to vector<16xf32>
      %broadcast_in_dim3A_255 = vector.broadcast %jit3A_253 : f32 to vector<16xf32>
      %select_n3A_256 = arith.select %and3A_251, %broadcast_in_dim3A_254, %broadcast_in_dim3A_255 : vector<16xi1>, vector<16xf32>
      %swap3A_257 = arith.index_cast %scan3A_121 : i32 to index
      %swap3A_258 = arith.constant 96 : index
      %swap3A_259 = tpu.vector_load %arg6[%swap3A_257, %swap3A_258] {strides = array<i32>} : memref<128x128xf32, #tpu.memory_space<vmem>>, vector<1x16xf32>,
      %swap3A_260 = vector.shape_cast %swap3A_259 : vector<1x16xf32> to vector<16xf32>
      %swap3A_261 = vector.shape_cast %select_n3A_256 : vector<16xf32> to vector<1x16xf32>
      tpu.vector_store %arg6[%swap3A_257, %swap3A_258], %swap3A_261 {strides = array<i32>} : memref<128x128xf32, #tpu.memory_space<vmem>>, vector<1x16xf32>,
      %iota3A_262 = tpu.iota {dimensions = array<i32: 0>} : vector<16xi32>
      %add3A_263 = arith.constant 112 : i32
      %add3A_264 = vector.broadcast %add3A_263 : i32 to vector<16xi32>
      %add3A_265 = arith.addi %iota3A_262, %add3A_264 : vector<16xi32>
      %ge3A_266 = arith.constant 48 : i32
      %ge3A_267 = vector.broadcast %ge3A_266 : i32 to vector<16xi32>
      %ge3A_268 = arith.cmpi sge, %add3A_265, %ge3A_267 : vector<16xi32>
      %lt3A_269 = arith.constant 64 : i32
      %lt3A_270 = vector.broadcast %lt3A_269 : i32 to vector<16xi32>
      %lt3A_271 = arith.cmpi slt, %add3A_265, %lt3A_270 : vector<16xi32>
      %and3A_272 = arith.andi %ge3A_268, %lt3A_271 : vector<16xi1>
      %jit3A_273 = arith.constant 1.000000e+00 : f32
      %jit3A_274 = arith.constant 0.000000e+00 : f32
      %broadcast_in_dim3A_275 = vector.broadcast %jit3A_273 : f32 to vector<16xf32>
      %broadcast_in_dim3A_276 = vector.broadcast %jit3A_274 : f32 to vector<16xf32>
      %select_n3A_277 = arith.select %and3A_272, %broadcast_in_dim3A_275, %broadcast_in_dim3A_276 : vector<16xi1>, vector<16xf32>
      %swap3A_278 = arith.index_cast %scan3A_121 : i32 to index
      %swap3A_279 = arith.constant 112 : index
      %swap3A_280 = tpu.vector_load %arg6[%swap3A_278, %swap3A_279] {strides = array<i32>} : memref<128x128xf32, #tpu.memory_space<vmem>>, vector<1x16xf32>,
      %swap3A_281 = vector.shape_cast %swap3A_280 : vector<1x16xf32> to vector<16xf32>
      %swap3A_282 = vector.shape_cast %select_n3A_277 : vector<16xf32> to vector<1x16xf32>
      tpu.vector_store %arg6[%swap3A_278, %swap3A_279], %swap3A_282 {strides = array<i32>} : memref<128x128xf32, #tpu.memory_space<vmem>>, vector<1x16xf32>,
      %scan3A_283 = arith.constant 0 : i32
      scf.yield %scan3A_283 : i32
    }
    %scan3A_75 = arith.constant 128 : i32
    %mul3A_76 = arith.constant 40 : i32
    %mul3A_77 = arith.muli %add3A, %mul3A_76 : i32
    %run_scoped3A_78 = arith.constant 1 : i32
    "tpu.region"() ({
      %run_scoped3A_121 = tpu.sem_alloc : memref<!tpu.dma_semaphore, #tpu.memory_space<semaphore_mem>>
      %dma_start3A = arith.constant 0 : i32
      %dma_start3A_122 = tpu.memref_slice %arg3[%run_scoped3A_78, %mul3A_77, %dma_start3A] : memref<3x1280x128xi32, #tpu.memory_space<hbm>> -> memref<1x40x128xi32, #tpu.memory_space<hbm>>
      %dma_start3A_123 = tpu.memref_squeeze %dma_start3A_122 : memref<1x40x128xi32, #tpu.memory_space<hbm>> -> memref<40x128xi32, #tpu.memory_space<hbm>>
      %dma_start3A_124 = arith.constant 0 : i32
      %dma_start3A_125 = tpu.memref_slice %arg3[%run_scoped3A_78, %mul3A_77, %dma_start3A_124] : memref<3x1280x128xi32, #tpu.memory_space<hbm>> -> memref<1x40x128xi32, #tpu.memory_space<hbm>>
      %dma_start3A_126 = tpu.memref_squeeze %dma_start3A_125 : memref<1x40x128xi32, #tpu.memory_space<hbm>> -> memref<40x128xi32, #tpu.memory_space<hbm>>
      tpu.enqueue_dma source(%dma_start3A_126 : memref<40x128xi32, #tpu.memory_space<hbm>>) target(%arg5 : memref<40x128xi32, #tpu.memory_space<vmem>>) target_semaphore(%run_scoped3A_121 : memref<!tpu.dma_semaphore, #tpu.memory_space<semaphore_mem>>)
      %dma_wait3A = arith.constant 0 : i32
      %dma_wait3A_127 = tpu.memref_slice %arg3[%run_scoped3A_78, %mul3A_77, %dma_wait3A] : memref<3x1280x128xi32, #tpu.memory_space<hbm>> -> memref<1x40x128xi32, #tpu.memory_space<hbm>>
      %dma_wait3A_128 = tpu.memref_squeeze %dma_wait3A_127 : memref<1x40x128xi32, #tpu.memory_space<hbm>> -> memref<40x128xi32, #tpu.memory_space<hbm>>
      %dma_wait3A_129 = arith.constant 0 : i32
      %dma_wait3A_130 = tpu.memref_slice %arg3[%run_scoped3A_78, %mul3A_77, %dma_wait3A_129] : memref<3x1280x128xi32, #tpu.memory_space<hbm>> -> memref<1x40x128xi32, #tpu.memory_space<hbm>>
      %dma_wait3A_131 = tpu.memref_squeeze %dma_wait3A_130 : memref<1x40x128xi32, #tpu.memory_space<hbm>> -> memref<40x128xi32, #tpu.memory_space<hbm>>
      tpu.wait_dma2 semaphore(%run_scoped3A_121 : memref<!tpu.dma_semaphore, #tpu.memory_space<semaphore_mem>>) src(%dma_wait3A_131 : memref<40x128xi32, #tpu.memory_space<hbm>>) dst(%arg5 : memref<40x128xi32, #tpu.memory_space<vmem>>)
      tpu.yield
    }) : () -> ()
    %scan3A_79 = arith.constant 0 : i32
    %scan3A_80 = arith.constant 0 : i32
    %scan3A_81 = arith.constant 40 : i32
    %scan3A_82 = arith.addi %scan3A_80, %scan3A_81 : i32
    %scan3A_83 = arith.constant 1 : i32
    %scan3A_84 = scf.for %scan3A_121 = %scan3A_80 to %scan3A_82 step %scan3A_83 iter_args(%scan3A_122 = %scan3A_79) -> (i32)  : i32 {
      "tpu.region"() ({
        %run_scoped3A_124 = tpu.sem_alloc : memref<!tpu.dma_semaphore, #tpu.memory_space<semaphore_mem>>
        %dma_start3A = arith.constant 0 : i32
        %dma_start3A_125 = tpu.memref_slice %arg5[%scan3A_121, %dma_start3A] : memref<40x128xi32, #tpu.memory_space<vmem>> -> memref<1x128xi32, #tpu.memory_space<vmem>>
        %dma_start3A_126 = tpu.memref_squeeze %dma_start3A_125 : memref<1x128xi32, #tpu.memory_space<vmem>> -> memref<128xi32, #tpu.memory_space<vmem>>
        %dma_start3A_127 = arith.constant 0 : i32
        %dma_start3A_128 = arith.constant 0 : i32
        %dma_start3A_129 = tpu.memref_slice %arg7[%dma_start3A_127, %dma_start3A_128] : memref<10112x128xf32, #tpu.memory_space<vmem_shared>> -> memref<10112x128xf32, #tpu.memory_space<vmem_shared>>
        tpu.enqueue_indirect_dma source(%arg6 : memref<128x128xf32, #tpu.memory_space<vmem>>) target(%dma_start3A_129 : memref<10112x128xf32, #tpu.memory_space<vmem_shared>>) offsets(%dma_start3A_126 : memref<128xi32, #tpu.memory_space<vmem>>) semaphore(%run_scoped3A_124 : memref<!tpu.dma_semaphore, #tpu.memory_space<semaphore_mem>>) {add = true}
        %dma_wait3A = arith.constant 0 : i32
        %dma_wait3A_130 = tpu.memref_slice %arg5[%scan3A_121, %dma_wait3A] : memref<40x128xi32, #tpu.memory_space<vmem>> -> memref<1x128xi32, #tpu.memory_space<vmem>>
        %dma_wait3A_131 = tpu.memref_squeeze %dma_wait3A_130 : memref<1x128xi32, #tpu.memory_space<vmem>> -> memref<128xi32, #tpu.memory_space<vmem>>
        %dma_wait3A_132 = arith.constant 0 : i32
        %dma_wait3A_133 = arith.constant 0 : i32
        %dma_wait3A_134 = tpu.memref_slice %arg7[%dma_wait3A_132, %dma_wait3A_133] : memref<10112x128xf32, #tpu.memory_space<vmem_shared>> -> memref<10112x128xf32, #tpu.memory_space<vmem_shared>>
        tpu.wait_indirect_dma semaphore(%run_scoped3A_124 : memref<!tpu.dma_semaphore, #tpu.memory_space<semaphore_mem>>) src(%arg6 : memref<128x128xf32, #tpu.memory_space<vmem>>) dst(%dma_wait3A_134 : memref<10112x128xf32, #tpu.memory_space<vmem_shared>>)
        tpu.yield
      }) : () -> ()
      %scan3A_123 = arith.constant 0 : i32
      scf.yield %scan3A_123 : i32
    }
    %scan3A_85 = arith.constant 40 : i32
    %scan3A_86 = arith.constant 0 : i32
    %scan3A_87 = arith.constant 0 : i32
    %scan3A_88 = arith.constant 128 : i32
    %scan3A_89 = arith.addi %scan3A_87, %scan3A_88 : i32
    %scan3A_90 = arith.constant 1 : i32
    %scan3A_91 = scf.for %scan3A_121 = %scan3A_87 to %scan3A_89 step %scan3A_90 iter_args(%scan3A_122 = %scan3A_86) -> (i32)  : i32 {
      %iota3A = tpu.iota {dimensions = array<i32: 0>} : vector<16xi32>
      %add3A_123 = arith.constant 0 : i32
      %add3A_124 = vector.broadcast %add3A_123 : i32 to vector<16xi32>
      %add3A_125 = arith.addi %iota3A, %add3A_124 : vector<16xi32>
      %ge3A = arith.constant 64 : i32
      %ge3A_126 = vector.broadcast %ge3A : i32 to vector<16xi32>
      %ge3A_127 = arith.cmpi sge, %add3A_125, %ge3A_126 : vector<16xi32>
      %lt3A = arith.constant 80 : i32
      %lt3A_128 = vector.broadcast %lt3A : i32 to vector<16xi32>
      %lt3A_129 = arith.cmpi slt, %add3A_125, %lt3A_128 : vector<16xi32>
      %and3A = arith.andi %ge3A_127, %lt3A_129 : vector<16xi1>
      %jit3A = arith.constant 1.000000e+00 : f32
      %jit3A_130 = arith.constant 0.000000e+00 : f32
      %broadcast_in_dim3A = vector.broadcast %jit3A : f32 to vector<16xf32>
      %broadcast_in_dim3A_131 = vector.broadcast %jit3A_130 : f32 to vector<16xf32>
      %select_n3A = arith.select %and3A, %broadcast_in_dim3A, %broadcast_in_dim3A_131 : vector<16xi1>, vector<16xf32>
      %swap3A = arith.index_cast %scan3A_121 : i32 to index
      %swap3A_132 = arith.constant 0 : index
      %swap3A_133 = tpu.vector_load %arg6[%swap3A, %swap3A_132] {strides = array<i32>} : memref<128x128xf32, #tpu.memory_space<vmem>>, vector<1x16xf32>,
      %swap3A_134 = vector.shape_cast %swap3A_133 : vector<1x16xf32> to vector<16xf32>
      %swap3A_135 = vector.shape_cast %select_n3A : vector<16xf32> to vector<1x16xf32>
      tpu.vector_store %arg6[%swap3A, %swap3A_132], %swap3A_135 {strides = array<i32>} : memref<128x128xf32, #tpu.memory_space<vmem>>, vector<1x16xf32>,
      %iota3A_136 = tpu.iota {dimensions = array<i32: 0>} : vector<16xi32>
      %add3A_137 = arith.constant 16 : i32
      %add3A_138 = vector.broadcast %add3A_137 : i32 to vector<16xi32>
      %add3A_139 = arith.addi %iota3A_136, %add3A_138 : vector<16xi32>
      %ge3A_140 = arith.constant 64 : i32
      %ge3A_141 = vector.broadcast %ge3A_140 : i32 to vector<16xi32>
      %ge3A_142 = arith.cmpi sge, %add3A_139, %ge3A_141 : vector<16xi32>
      %lt3A_143 = arith.constant 80 : i32
      %lt3A_144 = vector.broadcast %lt3A_143 : i32 to vector<16xi32>
      %lt3A_145 = arith.cmpi slt, %add3A_139, %lt3A_144 : vector<16xi32>
      %and3A_146 = arith.andi %ge3A_142, %lt3A_145 : vector<16xi1>
      %jit3A_147 = arith.constant 1.000000e+00 : f32
      %jit3A_148 = arith.constant 0.000000e+00 : f32
      %broadcast_in_dim3A_149 = vector.broadcast %jit3A_147 : f32 to vector<16xf32>
      %broadcast_in_dim3A_150 = vector.broadcast %jit3A_148 : f32 to vector<16xf32>
      %select_n3A_151 = arith.select %and3A_146, %broadcast_in_dim3A_149, %broadcast_in_dim3A_150 : vector<16xi1>, vector<16xf32>
      %swap3A_152 = arith.index_cast %scan3A_121 : i32 to index
      %swap3A_153 = arith.constant 16 : index
      %swap3A_154 = tpu.vector_load %arg6[%swap3A_152, %swap3A_153] {strides = array<i32>} : memref<128x128xf32, #tpu.memory_space<vmem>>, vector<1x16xf32>,
      %swap3A_155 = vector.shape_cast %swap3A_154 : vector<1x16xf32> to vector<16xf32>
      %swap3A_156 = vector.shape_cast %select_n3A_151 : vector<16xf32> to vector<1x16xf32>
      tpu.vector_store %arg6[%swap3A_152, %swap3A_153], %swap3A_156 {strides = array<i32>} : memref<128x128xf32, #tpu.memory_space<vmem>>, vector<1x16xf32>,
      %iota3A_157 = tpu.iota {dimensions = array<i32: 0>} : vector<16xi32>
      %add3A_158 = arith.constant 32 : i32
      %add3A_159 = vector.broadcast %add3A_158 : i32 to vector<16xi32>
      %add3A_160 = arith.addi %iota3A_157, %add3A_159 : vector<16xi32>
      %ge3A_161 = arith.constant 64 : i32
      %ge3A_162 = vector.broadcast %ge3A_161 : i32 to vector<16xi32>
      %ge3A_163 = arith.cmpi sge, %add3A_160, %ge3A_162 : vector<16xi32>
      %lt3A_164 = arith.constant 80 : i32
      %lt3A_165 = vector.broadcast %lt3A_164 : i32 to vector<16xi32>
      %lt3A_166 = arith.cmpi slt, %add3A_160, %lt3A_165 : vector<16xi32>
      %and3A_167 = arith.andi %ge3A_163, %lt3A_166 : vector<16xi1>
      %jit3A_168 = arith.constant 1.000000e+00 : f32
      %jit3A_169 = arith.constant 0.000000e+00 : f32
      %broadcast_in_dim3A_170 = vector.broadcast %jit3A_168 : f32 to vector<16xf32>
      %broadcast_in_dim3A_171 = vector.broadcast %jit3A_169 : f32 to vector<16xf32>
      %select_n3A_172 = arith.select %and3A_167, %broadcast_in_dim3A_170, %broadcast_in_dim3A_171 : vector<16xi1>, vector<16xf32>
      %swap3A_173 = arith.index_cast %scan3A_121 : i32 to index
      %swap3A_174 = arith.constant 32 : index
      %swap3A_175 = tpu.vector_load %arg6[%swap3A_173, %swap3A_174] {strides = array<i32>} : memref<128x128xf32, #tpu.memory_space<vmem>>, vector<1x16xf32>,
      %swap3A_176 = vector.shape_cast %swap3A_175 : vector<1x16xf32> to vector<16xf32>
      %swap3A_177 = vector.shape_cast %select_n3A_172 : vector<16xf32> to vector<1x16xf32>
      tpu.vector_store %arg6[%swap3A_173, %swap3A_174], %swap3A_177 {strides = array<i32>} : memref<128x128xf32, #tpu.memory_space<vmem>>, vector<1x16xf32>,
      %iota3A_178 = tpu.iota {dimensions = array<i32: 0>} : vector<16xi32>
      %add3A_179 = arith.constant 48 : i32
      %add3A_180 = vector.broadcast %add3A_179 : i32 to vector<16xi32>
      %add3A_181 = arith.addi %iota3A_178, %add3A_180 : vector<16xi32>
      %ge3A_182 = arith.constant 64 : i32
      %ge3A_183 = vector.broadcast %ge3A_182 : i32 to vector<16xi32>
      %ge3A_184 = arith.cmpi sge, %add3A_181, %ge3A_183 : vector<16xi32>
      %lt3A_185 = arith.constant 80 : i32
      %lt3A_186 = vector.broadcast %lt3A_185 : i32 to vector<16xi32>
      %lt3A_187 = arith.cmpi slt, %add3A_181, %lt3A_186 : vector<16xi32>
      %and3A_188 = arith.andi %ge3A_184, %lt3A_187 : vector<16xi1>
      %jit3A_189 = arith.constant 1.000000e+00 : f32
      %jit3A_190 = arith.constant 0.000000e+00 : f32
      %broadcast_in_dim3A_191 = vector.broadcast %jit3A_189 : f32 to vector<16xf32>
      %broadcast_in_dim3A_192 = vector.broadcast %jit3A_190 : f32 to vector<16xf32>
      %select_n3A_193 = arith.select %and3A_188, %broadcast_in_dim3A_191, %broadcast_in_dim3A_192 : vector<16xi1>, vector<16xf32>
      %swap3A_194 = arith.index_cast %scan3A_121 : i32 to index
      %swap3A_195 = arith.constant 48 : index
      %swap3A_196 = tpu.vector_load %arg6[%swap3A_194, %swap3A_195] {strides = array<i32>} : memref<128x128xf32, #tpu.memory_space<vmem>>, vector<1x16xf32>,
      %swap3A_197 = vector.shape_cast %swap3A_196 : vector<1x16xf32> to vector<16xf32>
      %swap3A_198 = vector.shape_cast %select_n3A_193 : vector<16xf32> to vector<1x16xf32>
      tpu.vector_store %arg6[%swap3A_194, %swap3A_195], %swap3A_198 {strides = array<i32>} : memref<128x128xf32, #tpu.memory_space<vmem>>, vector<1x16xf32>,
      %iota3A_199 = tpu.iota {dimensions = array<i32: 0>} : vector<16xi32>
      %add3A_200 = arith.constant 64 : i32
      %add3A_201 = vector.broadcast %add3A_200 : i32 to vector<16xi32>
      %add3A_202 = arith.addi %iota3A_199, %add3A_201 : vector<16xi32>
      %ge3A_203 = arith.constant 64 : i32
      %ge3A_204 = vector.broadcast %ge3A_203 : i32 to vector<16xi32>
      %ge3A_205 = arith.cmpi sge, %add3A_202, %ge3A_204 : vector<16xi32>
      %lt3A_206 = arith.constant 80 : i32
      %lt3A_207 = vector.broadcast %lt3A_206 : i32 to vector<16xi32>
      %lt3A_208 = arith.cmpi slt, %add3A_202, %lt3A_207 : vector<16xi32>
      %and3A_209 = arith.andi %ge3A_205, %lt3A_208 : vector<16xi1>
      %jit3A_210 = arith.constant 1.000000e+00 : f32
      %jit3A_211 = arith.constant 0.000000e+00 : f32
      %broadcast_in_dim3A_212 = vector.broadcast %jit3A_210 : f32 to vector<16xf32>
      %broadcast_in_dim3A_213 = vector.broadcast %jit3A_211 : f32 to vector<16xf32>
      %select_n3A_214 = arith.select %and3A_209, %broadcast_in_dim3A_212, %broadcast_in_dim3A_213 : vector<16xi1>, vector<16xf32>
      %swap3A_215 = arith.index_cast %scan3A_121 : i32 to index
      %swap3A_216 = arith.constant 64 : index
      %swap3A_217 = tpu.vector_load %arg6[%swap3A_215, %swap3A_216] {strides = array<i32>} : memref<128x128xf32, #tpu.memory_space<vmem>>, vector<1x16xf32>,
      %swap3A_218 = vector.shape_cast %swap3A_217 : vector<1x16xf32> to vector<16xf32>
      %swap3A_219 = vector.shape_cast %select_n3A_214 : vector<16xf32> to vector<1x16xf32>
      tpu.vector_store %arg6[%swap3A_215, %swap3A_216], %swap3A_219 {strides = array<i32>} : memref<128x128xf32, #tpu.memory_space<vmem>>, vector<1x16xf32>,
      %iota3A_220 = tpu.iota {dimensions = array<i32: 0>} : vector<16xi32>
      %add3A_221 = arith.constant 80 : i32
      %add3A_222 = vector.broadcast %add3A_221 : i32 to vector<16xi32>
      %add3A_223 = arith.addi %iota3A_220, %add3A_222 : vector<16xi32>
      %ge3A_224 = arith.constant 64 : i32
      %ge3A_225 = vector.broadcast %ge3A_224 : i32 to vector<16xi32>
      %ge3A_226 = arith.cmpi sge, %add3A_223, %ge3A_225 : vector<16xi32>
      %lt3A_227 = arith.constant 80 : i32
      %lt3A_228 = vector.broadcast %lt3A_227 : i32 to vector<16xi32>
      %lt3A_229 = arith.cmpi slt, %add3A_223, %lt3A_228 : vector<16xi32>
      %and3A_230 = arith.andi %ge3A_226, %lt3A_229 : vector<16xi1>
      %jit3A_231 = arith.constant 1.000000e+00 : f32
      %jit3A_232 = arith.constant 0.000000e+00 : f32
      %broadcast_in_dim3A_233 = vector.broadcast %jit3A_231 : f32 to vector<16xf32>
      %broadcast_in_dim3A_234 = vector.broadcast %jit3A_232 : f32 to vector<16xf32>
      %select_n3A_235 = arith.select %and3A_230, %broadcast_in_dim3A_233, %broadcast_in_dim3A_234 : vector<16xi1>, vector<16xf32>
      %swap3A_236 = arith.index_cast %scan3A_121 : i32 to index
      %swap3A_237 = arith.constant 80 : index
      %swap3A_238 = tpu.vector_load %arg6[%swap3A_236, %swap3A_237] {strides = array<i32>} : memref<128x128xf32, #tpu.memory_space<vmem>>, vector<1x16xf32>,
      %swap3A_239 = vector.shape_cast %swap3A_238 : vector<1x16xf32> to vector<16xf32>
      %swap3A_240 = vector.shape_cast %select_n3A_235 : vector<16xf32> to vector<1x16xf32>
      tpu.vector_store %arg6[%swap3A_236, %swap3A_237], %swap3A_240 {strides = array<i32>} : memref<128x128xf32, #tpu.memory_space<vmem>>, vector<1x16xf32>,
      %iota3A_241 = tpu.iota {dimensions = array<i32: 0>} : vector<16xi32>
      %add3A_242 = arith.constant 96 : i32
      %add3A_243 = vector.broadcast %add3A_242 : i32 to vector<16xi32>
      %add3A_244 = arith.addi %iota3A_241, %add3A_243 : vector<16xi32>
      %ge3A_245 = arith.constant 64 : i32
      %ge3A_246 = vector.broadcast %ge3A_245 : i32 to vector<16xi32>
      %ge3A_247 = arith.cmpi sge, %add3A_244, %ge3A_246 : vector<16xi32>
      %lt3A_248 = arith.constant 80 : i32
      %lt3A_249 = vector.broadcast %lt3A_248 : i32 to vector<16xi32>
      %lt3A_250 = arith.cmpi slt, %add3A_244, %lt3A_249 : vector<16xi32>
      %and3A_251 = arith.andi %ge3A_247, %lt3A_250 : vector<16xi1>
      %jit3A_252 = arith.constant 1.000000e+00 : f32
      %jit3A_253 = arith.constant 0.000000e+00 : f32
      %broadcast_in_dim3A_254 = vector.broadcast %jit3A_252 : f32 to vector<16xf32>
      %broadcast_in_dim3A_255 = vector.broadcast %jit3A_253 : f32 to vector<16xf32>
      %select_n3A_256 = arith.select %and3A_251, %broadcast_in_dim3A_254, %broadcast_in_dim3A_255 : vector<16xi1>, vector<16xf32>
      %swap3A_257 = arith.index_cast %scan3A_121 : i32 to index
      %swap3A_258 = arith.constant 96 : index
      %swap3A_259 = tpu.vector_load %arg6[%swap3A_257, %swap3A_258] {strides = array<i32>} : memref<128x128xf32, #tpu.memory_space<vmem>>, vector<1x16xf32>,
      %swap3A_260 = vector.shape_cast %swap3A_259 : vector<1x16xf32> to vector<16xf32>
      %swap3A_261 = vector.shape_cast %select_n3A_256 : vector<16xf32> to vector<1x16xf32>
      tpu.vector_store %arg6[%swap3A_257, %swap3A_258], %swap3A_261 {strides = array<i32>} : memref<128x128xf32, #tpu.memory_space<vmem>>, vector<1x16xf32>,
      %iota3A_262 = tpu.iota {dimensions = array<i32: 0>} : vector<16xi32>
      %add3A_263 = arith.constant 112 : i32
      %add3A_264 = vector.broadcast %add3A_263 : i32 to vector<16xi32>
      %add3A_265 = arith.addi %iota3A_262, %add3A_264 : vector<16xi32>
      %ge3A_266 = arith.constant 64 : i32
      %ge3A_267 = vector.broadcast %ge3A_266 : i32 to vector<16xi32>
      %ge3A_268 = arith.cmpi sge, %add3A_265, %ge3A_267 : vector<16xi32>
      %lt3A_269 = arith.constant 80 : i32
      %lt3A_270 = vector.broadcast %lt3A_269 : i32 to vector<16xi32>
      %lt3A_271 = arith.cmpi slt, %add3A_265, %lt3A_270 : vector<16xi32>
      %and3A_272 = arith.andi %ge3A_268, %lt3A_271 : vector<16xi1>
      %jit3A_273 = arith.constant 1.000000e+00 : f32
      %jit3A_274 = arith.constant 0.000000e+00 : f32
      %broadcast_in_dim3A_275 = vector.broadcast %jit3A_273 : f32 to vector<16xf32>
      %broadcast_in_dim3A_276 = vector.broadcast %jit3A_274 : f32 to vector<16xf32>
      %select_n3A_277 = arith.select %and3A_272, %broadcast_in_dim3A_275, %broadcast_in_dim3A_276 : vector<16xi1>, vector<16xf32>
      %swap3A_278 = arith.index_cast %scan3A_121 : i32 to index
      %swap3A_279 = arith.constant 112 : index
      %swap3A_280 = tpu.vector_load %arg6[%swap3A_278, %swap3A_279] {strides = array<i32>} : memref<128x128xf32, #tpu.memory_space<vmem>>, vector<1x16xf32>,
      %swap3A_281 = vector.shape_cast %swap3A_280 : vector<1x16xf32> to vector<16xf32>
      %swap3A_282 = vector.shape_cast %select_n3A_277 : vector<16xf32> to vector<1x16xf32>
      tpu.vector_store %arg6[%swap3A_278, %swap3A_279], %swap3A_282 {strides = array<i32>} : memref<128x128xf32, #tpu.memory_space<vmem>>, vector<1x16xf32>,
      %scan3A_283 = arith.constant 0 : i32
      scf.yield %scan3A_283 : i32
    }
    %scan3A_92 = arith.constant 128 : i32
    %mul3A_93 = arith.constant 40 : i32
    %mul3A_94 = arith.muli %add3A, %mul3A_93 : i32
    %run_scoped3A_95 = arith.constant 2 : i32
    "tpu.region"() ({
      %run_scoped3A_121 = tpu.sem_alloc : memref<!tpu.dma_semaphore, #tpu.memory_space<semaphore_mem>>
      %dma_start3A = arith.constant 0 : i32
      %dma_start3A_122 = tpu.memref_slice %arg2[%run_scoped3A_95, %mul3A_94, %dma_start3A] : memref<3x1280x128xi32, #tpu.memory_space<hbm>> -> memref<1x40x128xi32, #tpu.memory_space<hbm>>
      %dma_start3A_123 = tpu.memref_squeeze %dma_start3A_122 : memref<1x40x128xi32, #tpu.memory_space<hbm>> -> memref<40x128xi32, #tpu.memory_space<hbm>>
      %dma_start3A_124 = arith.constant 0 : i32
      %dma_start3A_125 = tpu.memref_slice %arg2[%run_scoped3A_95, %mul3A_94, %dma_start3A_124] : memref<3x1280x128xi32, #tpu.memory_space<hbm>> -> memref<1x40x128xi32, #tpu.memory_space<hbm>>
      %dma_start3A_126 = tpu.memref_squeeze %dma_start3A_125 : memref<1x40x128xi32, #tpu.memory_space<hbm>> -> memref<40x128xi32, #tpu.memory_space<hbm>>
      tpu.enqueue_dma source(%dma_start3A_126 : memref<40x128xi32, #tpu.memory_space<hbm>>) target(%arg5 : memref<40x128xi32, #tpu.memory_space<vmem>>) target_semaphore(%run_scoped3A_121 : memref<!tpu.dma_semaphore, #tpu.memory_space<semaphore_mem>>)
      %dma_wait3A = arith.constant 0 : i32
      %dma_wait3A_127 = tpu.memref_slice %arg2[%run_scoped3A_95, %mul3A_94, %dma_wait3A] : memref<3x1280x128xi32, #tpu.memory_space<hbm>> -> memref<1x40x128xi32, #tpu.memory_space<hbm>>
      %dma_wait3A_128 = tpu.memref_squeeze %dma_wait3A_127 : memref<1x40x128xi32, #tpu.memory_space<hbm>> -> memref<40x128xi32, #tpu.memory_space<hbm>>
      %dma_wait3A_129 = arith.constant 0 : i32
      %dma_wait3A_130 = tpu.memref_slice %arg2[%run_scoped3A_95, %mul3A_94, %dma_wait3A_129] : memref<3x1280x128xi32, #tpu.memory_space<hbm>> -> memref<1x40x128xi32, #tpu.memory_space<hbm>>
      %dma_wait3A_131 = tpu.memref_squeeze %dma_wait3A_130 : memref<1x40x128xi32, #tpu.memory_space<hbm>> -> memref<40x128xi32, #tpu.memory_space<hbm>>
      tpu.wait_dma2 semaphore(%run_scoped3A_121 : memref<!tpu.dma_semaphore, #tpu.memory_space<semaphore_mem>>) src(%dma_wait3A_131 : memref<40x128xi32, #tpu.memory_space<hbm>>) dst(%arg5 : memref<40x128xi32, #tpu.memory_space<vmem>>)
      tpu.yield
    }) : () -> ()
    %scan3A_96 = arith.constant 0 : i32
    %scan3A_97 = arith.constant 0 : i32
    %scan3A_98 = arith.constant 40 : i32
    %scan3A_99 = arith.addi %scan3A_97, %scan3A_98 : i32
    %scan3A_100 = arith.constant 1 : i32
    %scan3A_101 = scf.for %scan3A_121 = %scan3A_97 to %scan3A_99 step %scan3A_100 iter_args(%scan3A_122 = %scan3A_96) -> (i32)  : i32 {
      "tpu.region"() ({
        %run_scoped3A_124 = tpu.sem_alloc : memref<!tpu.dma_semaphore, #tpu.memory_space<semaphore_mem>>
        %dma_start3A = arith.constant 0 : i32
        %dma_start3A_125 = tpu.memref_slice %arg5[%scan3A_121, %dma_start3A] : memref<40x128xi32, #tpu.memory_space<vmem>> -> memref<1x128xi32, #tpu.memory_space<vmem>>
        %dma_start3A_126 = tpu.memref_squeeze %dma_start3A_125 : memref<1x128xi32, #tpu.memory_space<vmem>> -> memref<128xi32, #tpu.memory_space<vmem>>
        %dma_start3A_127 = arith.constant 0 : i32
        %dma_start3A_128 = arith.constant 0 : i32
        %dma_start3A_129 = tpu.memref_slice %arg7[%dma_start3A_127, %dma_start3A_128] : memref<10112x128xf32, #tpu.memory_space<vmem_shared>> -> memref<10112x128xf32, #tpu.memory_space<vmem_shared>>
        tpu.enqueue_indirect_dma source(%arg6 : memref<128x128xf32, #tpu.memory_space<vmem>>) target(%dma_start3A_129 : memref<10112x128xf32, #tpu.memory_space<vmem_shared>>) offsets(%dma_start3A_126 : memref<128xi32, #tpu.memory_space<vmem>>) semaphore(%run_scoped3A_124 : memref<!tpu.dma_semaphore, #tpu.memory_space<semaphore_mem>>) {add = true}
        %dma_wait3A = arith.constant 0 : i32
        %dma_wait3A_130 = tpu.memref_slice %arg5[%scan3A_121, %dma_wait3A] : memref<40x128xi32, #tpu.memory_space<vmem>> -> memref<1x128xi32, #tpu.memory_space<vmem>>
        %dma_wait3A_131 = tpu.memref_squeeze %dma_wait3A_130 : memref<1x128xi32, #tpu.memory_space<vmem>> -> memref<128xi32, #tpu.memory_space<vmem>>
        %dma_wait3A_132 = arith.constant 0 : i32
        %dma_wait3A_133 = arith.constant 0 : i32
        %dma_wait3A_134 = tpu.memref_slice %arg7[%dma_wait3A_132, %dma_wait3A_133] : memref<10112x128xf32, #tpu.memory_space<vmem_shared>> -> memref<10112x128xf32, #tpu.memory_space<vmem_shared>>
        tpu.wait_indirect_dma semaphore(%run_scoped3A_124 : memref<!tpu.dma_semaphore, #tpu.memory_space<semaphore_mem>>) src(%arg6 : memref<128x128xf32, #tpu.memory_space<vmem>>) dst(%dma_wait3A_134 : memref<10112x128xf32, #tpu.memory_space<vmem_shared>>)
        tpu.yield
      }) : () -> ()
      %scan3A_123 = arith.constant 0 : i32
      scf.yield %scan3A_123 : i32
    }
    %scan3A_102 = arith.constant 40 : i32
    %scan3A_103 = arith.constant 0 : i32
    %scan3A_104 = arith.constant 0 : i32
    %scan3A_105 = arith.constant 128 : i32
    %scan3A_106 = arith.addi %scan3A_104, %scan3A_105 : i32
    %scan3A_107 = arith.constant 1 : i32
    %scan3A_108 = scf.for %scan3A_121 = %scan3A_104 to %scan3A_106 step %scan3A_107 iter_args(%scan3A_122 = %scan3A_103) -> (i32)  : i32 {
      %iota3A = tpu.iota {dimensions = array<i32: 0>} : vector<16xi32>
      %add3A_123 = arith.constant 0 : i32
      %add3A_124 = vector.broadcast %add3A_123 : i32 to vector<16xi32>
      %add3A_125 = arith.addi %iota3A, %add3A_124 : vector<16xi32>
      %ge3A = arith.constant 80 : i32
      %ge3A_126 = vector.broadcast %ge3A : i32 to vector<16xi32>
      %ge3A_127 = arith.cmpi sge, %add3A_125, %ge3A_126 : vector<16xi32>
      %lt3A = arith.constant 96 : i32
      %lt3A_128 = vector.broadcast %lt3A : i32 to vector<16xi32>
      %lt3A_129 = arith.cmpi slt, %add3A_125, %lt3A_128 : vector<16xi32>
      %and3A = arith.andi %ge3A_127, %lt3A_129 : vector<16xi1>
      %jit3A = arith.constant 1.000000e+00 : f32
      %jit3A_130 = arith.constant 0.000000e+00 : f32
      %broadcast_in_dim3A = vector.broadcast %jit3A : f32 to vector<16xf32>
      %broadcast_in_dim3A_131 = vector.broadcast %jit3A_130 : f32 to vector<16xf32>
      %select_n3A = arith.select %and3A, %broadcast_in_dim3A, %broadcast_in_dim3A_131 : vector<16xi1>, vector<16xf32>
      %swap3A = arith.index_cast %scan3A_121 : i32 to index
      %swap3A_132 = arith.constant 0 : index
      %swap3A_133 = tpu.vector_load %arg6[%swap3A, %swap3A_132] {strides = array<i32>} : memref<128x128xf32, #tpu.memory_space<vmem>>, vector<1x16xf32>,
      %swap3A_134 = vector.shape_cast %swap3A_133 : vector<1x16xf32> to vector<16xf32>
      %swap3A_135 = vector.shape_cast %select_n3A : vector<16xf32> to vector<1x16xf32>
      tpu.vector_store %arg6[%swap3A, %swap3A_132], %swap3A_135 {strides = array<i32>} : memref<128x128xf32, #tpu.memory_space<vmem>>, vector<1x16xf32>,
      %iota3A_136 = tpu.iota {dimensions = array<i32: 0>} : vector<16xi32>
      %add3A_137 = arith.constant 16 : i32
      %add3A_138 = vector.broadcast %add3A_137 : i32 to vector<16xi32>
      %add3A_139 = arith.addi %iota3A_136, %add3A_138 : vector<16xi32>
      %ge3A_140 = arith.constant 80 : i32
      %ge3A_141 = vector.broadcast %ge3A_140 : i32 to vector<16xi32>
      %ge3A_142 = arith.cmpi sge, %add3A_139, %ge3A_141 : vector<16xi32>
      %lt3A_143 = arith.constant 96 : i32
      %lt3A_144 = vector.broadcast %lt3A_143 : i32 to vector<16xi32>
      %lt3A_145 = arith.cmpi slt, %add3A_139, %lt3A_144 : vector<16xi32>
      %and3A_146 = arith.andi %ge3A_142, %lt3A_145 : vector<16xi1>
      %jit3A_147 = arith.constant 1.000000e+00 : f32
      %jit3A_148 = arith.constant 0.000000e+00 : f32
      %broadcast_in_dim3A_149 = vector.broadcast %jit3A_147 : f32 to vector<16xf32>
      %broadcast_in_dim3A_150 = vector.broadcast %jit3A_148 : f32 to vector<16xf32>
      %select_n3A_151 = arith.select %and3A_146, %broadcast_in_dim3A_149, %broadcast_in_dim3A_150 : vector<16xi1>, vector<16xf32>
      %swap3A_152 = arith.index_cast %scan3A_121 : i32 to index
      %swap3A_153 = arith.constant 16 : index
      %swap3A_154 = tpu.vector_load %arg6[%swap3A_152, %swap3A_153] {strides = array<i32>} : memref<128x128xf32, #tpu.memory_space<vmem>>, vector<1x16xf32>,
      %swap3A_155 = vector.shape_cast %swap3A_154 : vector<1x16xf32> to vector<16xf32>
      %swap3A_156 = vector.shape_cast %select_n3A_151 : vector<16xf32> to vector<1x16xf32>
      tpu.vector_store %arg6[%swap3A_152, %swap3A_153], %swap3A_156 {strides = array<i32>} : memref<128x128xf32, #tpu.memory_space<vmem>>, vector<1x16xf32>,
      %iota3A_157 = tpu.iota {dimensions = array<i32: 0>} : vector<16xi32>
      %add3A_158 = arith.constant 32 : i32
      %add3A_159 = vector.broadcast %add3A_158 : i32 to vector<16xi32>
      %add3A_160 = arith.addi %iota3A_157, %add3A_159 : vector<16xi32>
      %ge3A_161 = arith.constant 80 : i32
      %ge3A_162 = vector.broadcast %ge3A_161 : i32 to vector<16xi32>
      %ge3A_163 = arith.cmpi sge, %add3A_160, %ge3A_162 : vector<16xi32>
      %lt3A_164 = arith.constant 96 : i32
      %lt3A_165 = vector.broadcast %lt3A_164 : i32 to vector<16xi32>
      %lt3A_166 = arith.cmpi slt, %add3A_160, %lt3A_165 : vector<16xi32>
      %and3A_167 = arith.andi %ge3A_163, %lt3A_166 : vector<16xi1>
      %jit3A_168 = arith.constant 1.000000e+00 : f32
      %jit3A_169 = arith.constant 0.000000e+00 : f32
      %broadcast_in_dim3A_170 = vector.broadcast %jit3A_168 : f32 to vector<16xf32>
      %broadcast_in_dim3A_171 = vector.broadcast %jit3A_169 : f32 to vector<16xf32>
      %select_n3A_172 = arith.select %and3A_167, %broadcast_in_dim3A_170, %broadcast_in_dim3A_171 : vector<16xi1>, vector<16xf32>
      %swap3A_173 = arith.index_cast %scan3A_121 : i32 to index
      %swap3A_174 = arith.constant 32 : index
      %swap3A_175 = tpu.vector_load %arg6[%swap3A_173, %swap3A_174] {strides = array<i32>} : memref<128x128xf32, #tpu.memory_space<vmem>>, vector<1x16xf32>,
      %swap3A_176 = vector.shape_cast %swap3A_175 : vector<1x16xf32> to vector<16xf32>
      %swap3A_177 = vector.shape_cast %select_n3A_172 : vector<16xf32> to vector<1x16xf32>
      tpu.vector_store %arg6[%swap3A_173, %swap3A_174], %swap3A_177 {strides = array<i32>} : memref<128x128xf32, #tpu.memory_space<vmem>>, vector<1x16xf32>,
      %iota3A_178 = tpu.iota {dimensions = array<i32: 0>} : vector<16xi32>
      %add3A_179 = arith.constant 48 : i32
      %add3A_180 = vector.broadcast %add3A_179 : i32 to vector<16xi32>
      %add3A_181 = arith.addi %iota3A_178, %add3A_180 : vector<16xi32>
      %ge3A_182 = arith.constant 80 : i32
      %ge3A_183 = vector.broadcast %ge3A_182 : i32 to vector<16xi32>
      %ge3A_184 = arith.cmpi sge, %add3A_181, %ge3A_183 : vector<16xi32>
      %lt3A_185 = arith.constant 96 : i32
      %lt3A_186 = vector.broadcast %lt3A_185 : i32 to vector<16xi32>
      %lt3A_187 = arith.cmpi slt, %add3A_181, %lt3A_186 : vector<16xi32>
      %and3A_188 = arith.andi %ge3A_184, %lt3A_187 : vector<16xi1>
      %jit3A_189 = arith.constant 1.000000e+00 : f32
      %jit3A_190 = arith.constant 0.000000e+00 : f32
      %broadcast_in_dim3A_191 = vector.broadcast %jit3A_189 : f32 to vector<16xf32>
      %broadcast_in_dim3A_192 = vector.broadcast %jit3A_190 : f32 to vector<16xf32>
      %select_n3A_193 = arith.select %and3A_188, %broadcast_in_dim3A_191, %broadcast_in_dim3A_192 : vector<16xi1>, vector<16xf32>
      %swap3A_194 = arith.index_cast %scan3A_121 : i32 to index
      %swap3A_195 = arith.constant 48 : index
      %swap3A_196 = tpu.vector_load %arg6[%swap3A_194, %swap3A_195] {strides = array<i32>} : memref<128x128xf32, #tpu.memory_space<vmem>>, vector<1x16xf32>,
      %swap3A_197 = vector.shape_cast %swap3A_196 : vector<1x16xf32> to vector<16xf32>
      %swap3A_198 = vector.shape_cast %select_n3A_193 : vector<16xf32> to vector<1x16xf32>
      tpu.vector_store %arg6[%swap3A_194, %swap3A_195], %swap3A_198 {strides = array<i32>} : memref<128x128xf32, #tpu.memory_space<vmem>>, vector<1x16xf32>,
      %iota3A_199 = tpu.iota {dimensions = array<i32: 0>} : vector<16xi32>
      %add3A_200 = arith.constant 64 : i32
      %add3A_201 = vector.broadcast %add3A_200 : i32 to vector<16xi32>
      %add3A_202 = arith.addi %iota3A_199, %add3A_201 : vector<16xi32>
      %ge3A_203 = arith.constant 80 : i32
      %ge3A_204 = vector.broadcast %ge3A_203 : i32 to vector<16xi32>
      %ge3A_205 = arith.cmpi sge, %add3A_202, %ge3A_204 : vector<16xi32>
      %lt3A_206 = arith.constant 96 : i32
      %lt3A_207 = vector.broadcast %lt3A_206 : i32 to vector<16xi32>
      %lt3A_208 = arith.cmpi slt, %add3A_202, %lt3A_207 : vector<16xi32>
      %and3A_209 = arith.andi %ge3A_205, %lt3A_208 : vector<16xi1>
      %jit3A_210 = arith.constant 1.000000e+00 : f32
      %jit3A_211 = arith.constant 0.000000e+00 : f32
      %broadcast_in_dim3A_212 = vector.broadcast %jit3A_210 : f32 to vector<16xf32>
      %broadcast_in_dim3A_213 = vector.broadcast %jit3A_211 : f32 to vector<16xf32>
      %select_n3A_214 = arith.select %and3A_209, %broadcast_in_dim3A_212, %broadcast_in_dim3A_213 : vector<16xi1>, vector<16xf32>
      %swap3A_215 = arith.index_cast %scan3A_121 : i32 to index
      %swap3A_216 = arith.constant 64 : index
      %swap3A_217 = tpu.vector_load %arg6[%swap3A_215, %swap3A_216] {strides = array<i32>} : memref<128x128xf32, #tpu.memory_space<vmem>>, vector<1x16xf32>,
      %swap3A_218 = vector.shape_cast %swap3A_217 : vector<1x16xf32> to vector<16xf32>
      %swap3A_219 = vector.shape_cast %select_n3A_214 : vector<16xf32> to vector<1x16xf32>
      tpu.vector_store %arg6[%swap3A_215, %swap3A_216], %swap3A_219 {strides = array<i32>} : memref<128x128xf32, #tpu.memory_space<vmem>>, vector<1x16xf32>,
      %iota3A_220 = tpu.iota {dimensions = array<i32: 0>} : vector<16xi32>
      %add3A_221 = arith.constant 80 : i32
      %add3A_222 = vector.broadcast %add3A_221 : i32 to vector<16xi32>
      %add3A_223 = arith.addi %iota3A_220, %add3A_222 : vector<16xi32>
      %ge3A_224 = arith.constant 80 : i32
      %ge3A_225 = vector.broadcast %ge3A_224 : i32 to vector<16xi32>
      %ge3A_226 = arith.cmpi sge, %add3A_223, %ge3A_225 : vector<16xi32>
      %lt3A_227 = arith.constant 96 : i32
      %lt3A_228 = vector.broadcast %lt3A_227 : i32 to vector<16xi32>
      %lt3A_229 = arith.cmpi slt, %add3A_223, %lt3A_228 : vector<16xi32>
      %and3A_230 = arith.andi %ge3A_226, %lt3A_229 : vector<16xi1>
      %jit3A_231 = arith.constant 1.000000e+00 : f32
      %jit3A_232 = arith.constant 0.000000e+00 : f32
      %broadcast_in_dim3A_233 = vector.broadcast %jit3A_231 : f32 to vector<16xf32>
      %broadcast_in_dim3A_234 = vector.broadcast %jit3A_232 : f32 to vector<16xf32>
      %select_n3A_235 = arith.select %and3A_230, %broadcast_in_dim3A_233, %broadcast_in_dim3A_234 : vector<16xi1>, vector<16xf32>
      %swap3A_236 = arith.index_cast %scan3A_121 : i32 to index
      %swap3A_237 = arith.constant 80 : index
      %swap3A_238 = tpu.vector_load %arg6[%swap3A_236, %swap3A_237] {strides = array<i32>} : memref<128x128xf32, #tpu.memory_space<vmem>>, vector<1x16xf32>,
      %swap3A_239 = vector.shape_cast %swap3A_238 : vector<1x16xf32> to vector<16xf32>
      %swap3A_240 = vector.shape_cast %select_n3A_235 : vector<16xf32> to vector<1x16xf32>
      tpu.vector_store %arg6[%swap3A_236, %swap3A_237], %swap3A_240 {strides = array<i32>} : memref<128x128xf32, #tpu.memory_space<vmem>>, vector<1x16xf32>,
      %iota3A_241 = tpu.iota {dimensions = array<i32: 0>} : vector<16xi32>
      %add3A_242 = arith.constant 96 : i32
      %add3A_243 = vector.broadcast %add3A_242 : i32 to vector<16xi32>
      %add3A_244 = arith.addi %iota3A_241, %add3A_243 : vector<16xi32>
      %ge3A_245 = arith.constant 80 : i32
      %ge3A_246 = vector.broadcast %ge3A_245 : i32 to vector<16xi32>
      %ge3A_247 = arith.cmpi sge, %add3A_244, %ge3A_246 : vector<16xi32>
      %lt3A_248 = arith.constant 96 : i32
      %lt3A_249 = vector.broadcast %lt3A_248 : i32 to vector<16xi32>
      %lt3A_250 = arith.cmpi slt, %add3A_244, %lt3A_249 : vector<16xi32>
      %and3A_251 = arith.andi %ge3A_247, %lt3A_250 : vector<16xi1>
      %jit3A_252 = arith.constant 1.000000e+00 : f32
      %jit3A_253 = arith.constant 0.000000e+00 : f32
      %broadcast_in_dim3A_254 = vector.broadcast %jit3A_252 : f32 to vector<16xf32>
      %broadcast_in_dim3A_255 = vector.broadcast %jit3A_253 : f32 to vector<16xf32>
      %select_n3A_256 = arith.select %and3A_251, %broadcast_in_dim3A_254, %broadcast_in_dim3A_255 : vector<16xi1>, vector<16xf32>
      %swap3A_257 = arith.index_cast %scan3A_121 : i32 to index
      %swap3A_258 = arith.constant 96 : index
      %swap3A_259 = tpu.vector_load %arg6[%swap3A_257, %swap3A_258] {strides = array<i32>} : memref<128x128xf32, #tpu.memory_space<vmem>>, vector<1x16xf32>,
      %swap3A_260 = vector.shape_cast %swap3A_259 : vector<1x16xf32> to vector<16xf32>
      %swap3A_261 = vector.shape_cast %select_n3A_256 : vector<16xf32> to vector<1x16xf32>
      tpu.vector_store %arg6[%swap3A_257, %swap3A_258], %swap3A_261 {strides = array<i32>} : memref<128x128xf32, #tpu.memory_space<vmem>>, vector<1x16xf32>,
      %iota3A_262 = tpu.iota {dimensions = array<i32: 0>} : vector<16xi32>
      %add3A_263 = arith.constant 112 : i32
      %add3A_264 = vector.broadcast %add3A_263 : i32 to vector<16xi32>
      %add3A_265 = arith.addi %iota3A_262, %add3A_264 : vector<16xi32>
      %ge3A_266 = arith.constant 80 : i32
      %ge3A_267 = vector.broadcast %ge3A_266 : i32 to vector<16xi32>
      %ge3A_268 = arith.cmpi sge, %add3A_265, %ge3A_267 : vector<16xi32>
      %lt3A_269 = arith.constant 96 : i32
      %lt3A_270 = vector.broadcast %lt3A_269 : i32 to vector<16xi32>
      %lt3A_271 = arith.cmpi slt, %add3A_265, %lt3A_270 : vector<16xi32>
      %and3A_272 = arith.andi %ge3A_268, %lt3A_271 : vector<16xi1>
      %jit3A_273 = arith.constant 1.000000e+00 : f32
      %jit3A_274 = arith.constant 0.000000e+00 : f32
      %broadcast_in_dim3A_275 = vector.broadcast %jit3A_273 : f32 to vector<16xf32>
      %broadcast_in_dim3A_276 = vector.broadcast %jit3A_274 : f32 to vector<16xf32>
      %select_n3A_277 = arith.select %and3A_272, %broadcast_in_dim3A_275, %broadcast_in_dim3A_276 : vector<16xi1>, vector<16xf32>
      %swap3A_278 = arith.index_cast %scan3A_121 : i32 to index
      %swap3A_279 = arith.constant 112 : index
      %swap3A_280 = tpu.vector_load %arg6[%swap3A_278, %swap3A_279] {strides = array<i32>} : memref<128x128xf32, #tpu.memory_space<vmem>>, vector<1x16xf32>,
      %swap3A_281 = vector.shape_cast %swap3A_280 : vector<1x16xf32> to vector<16xf32>
      %swap3A_282 = vector.shape_cast %select_n3A_277 : vector<16xf32> to vector<1x16xf32>
      tpu.vector_store %arg6[%swap3A_278, %swap3A_279], %swap3A_282 {strides = array<i32>} : memref<128x128xf32, #tpu.memory_space<vmem>>, vector<1x16xf32>,
      %scan3A_283 = arith.constant 0 : i32
      scf.yield %scan3A_283 : i32
    }
    %scan3A_109 = arith.constant 128 : i32
    %mul3A_110 = arith.constant 40 : i32
    %mul3A_111 = arith.muli %add3A, %mul3A_110 : i32
    %run_scoped3A_112 = arith.constant 2 : i32
    "tpu.region"() ({
      %run_scoped3A_121 = tpu.sem_alloc : memref<!tpu.dma_semaphore, #tpu.memory_space<semaphore_mem>>
      %dma_start3A = arith.constant 0 : i32
      %dma_start3A_122 = tpu.memref_slice %arg3[%run_scoped3A_112, %mul3A_111, %dma_start3A] : memref<3x1280x128xi32, #tpu.memory_space<hbm>> -> memref<1x40x128xi32, #tpu.memory_space<hbm>>
      %dma_start3A_123 = tpu.memref_squeeze %dma_start3A_122 : memref<1x40x128xi32, #tpu.memory_space<hbm>> -> memref<40x128xi32, #tpu.memory_space<hbm>>
      %dma_start3A_124 = arith.constant 0 : i32
      %dma_start3A_125 = tpu.memref_slice %arg3[%run_scoped3A_112, %mul3A_111, %dma_start3A_124] : memref<3x1280x128xi32, #tpu.memory_space<hbm>> -> memref<1x40x128xi32, #tpu.memory_space<hbm>>
      %dma_start3A_126 = tpu.memref_squeeze %dma_start3A_125 : memref<1x40x128xi32, #tpu.memory_space<hbm>> -> memref<40x128xi32, #tpu.memory_space<hbm>>
      tpu.enqueue_dma source(%dma_start3A_126 : memref<40x128xi32, #tpu.memory_space<hbm>>) target(%arg5 : memref<40x128xi32, #tpu.memory_space<vmem>>) target_semaphore(%run_scoped3A_121 : memref<!tpu.dma_semaphore, #tpu.memory_space<semaphore_mem>>)
      %dma_wait3A = arith.constant 0 : i32
      %dma_wait3A_127 = tpu.memref_slice %arg3[%run_scoped3A_112, %mul3A_111, %dma_wait3A] : memref<3x1280x128xi32, #tpu.memory_space<hbm>> -> memref<1x40x128xi32, #tpu.memory_space<hbm>>
      %dma_wait3A_128 = tpu.memref_squeeze %dma_wait3A_127 : memref<1x40x128xi32, #tpu.memory_space<hbm>> -> memref<40x128xi32, #tpu.memory_space<hbm>>
      %dma_wait3A_129 = arith.constant 0 : i32
      %dma_wait3A_130 = tpu.memref_slice %arg3[%run_scoped3A_112, %mul3A_111, %dma_wait3A_129] : memref<3x1280x128xi32, #tpu.memory_space<hbm>> -> memref<1x40x128xi32, #tpu.memory_space<hbm>>
      %dma_wait3A_131 = tpu.memref_squeeze %dma_wait3A_130 : memref<1x40x128xi32, #tpu.memory_space<hbm>> -> memref<40x128xi32, #tpu.memory_space<hbm>>
      tpu.wait_dma2 semaphore(%run_scoped3A_121 : memref<!tpu.dma_semaphore, #tpu.memory_space<semaphore_mem>>) src(%dma_wait3A_131 : memref<40x128xi32, #tpu.memory_space<hbm>>) dst(%arg5 : memref<40x128xi32, #tpu.memory_space<vmem>>)
      tpu.yield
    }) : () -> ()
    %scan3A_113 = arith.constant 0 : i32
    %scan3A_114 = arith.constant 0 : i32
    %scan3A_115 = arith.constant 40 : i32
    %scan3A_116 = arith.addi %scan3A_114, %scan3A_115 : i32
    %scan3A_117 = arith.constant 1 : i32
    %scan3A_118 = scf.for %scan3A_121 = %scan3A_114 to %scan3A_116 step %scan3A_117 iter_args(%scan3A_122 = %scan3A_113) -> (i32)  : i32 {
      "tpu.region"() ({
        %run_scoped3A_124 = tpu.sem_alloc : memref<!tpu.dma_semaphore, #tpu.memory_space<semaphore_mem>>
        %dma_start3A = arith.constant 0 : i32
        %dma_start3A_125 = tpu.memref_slice %arg5[%scan3A_121, %dma_start3A] : memref<40x128xi32, #tpu.memory_space<vmem>> -> memref<1x128xi32, #tpu.memory_space<vmem>>
        %dma_start3A_126 = tpu.memref_squeeze %dma_start3A_125 : memref<1x128xi32, #tpu.memory_space<vmem>> -> memref<128xi32, #tpu.memory_space<vmem>>
        %dma_start3A_127 = arith.constant 0 : i32
        %dma_start3A_128 = arith.constant 0 : i32
        %dma_start3A_129 = tpu.memref_slice %arg7[%dma_start3A_127, %dma_start3A_128] : memref<10112x128xf32, #tpu.memory_space<vmem_shared>> -> memref<10112x128xf32, #tpu.memory_space<vmem_shared>>
        tpu.enqueue_indirect_dma source(%arg6 : memref<128x128xf32, #tpu.memory_space<vmem>>) target(%dma_start3A_129 : memref<10112x128xf32, #tpu.memory_space<vmem_shared>>) offsets(%dma_start3A_126 : memref<128xi32, #tpu.memory_space<vmem>>) semaphore(%run_scoped3A_124 : memref<!tpu.dma_semaphore, #tpu.memory_space<semaphore_mem>>) {add = true}
        %dma_wait3A = arith.constant 0 : i32
        %dma_wait3A_130 = tpu.memref_slice %arg5[%scan3A_121, %dma_wait3A] : memref<40x128xi32, #tpu.memory_space<vmem>> -> memref<1x128xi32, #tpu.memory_space<vmem>>
        %dma_wait3A_131 = tpu.memref_squeeze %dma_wait3A_130 : memref<1x128xi32, #tpu.memory_space<vmem>> -> memref<128xi32, #tpu.memory_space<vmem>>
        %dma_wait3A_132 = arith.constant 0 : i32
        %dma_wait3A_133 = arith.constant 0 : i32
        %dma_wait3A_134 = tpu.memref_slice %arg7[%dma_wait3A_132, %dma_wait3A_133] : memref<10112x128xf32, #tpu.memory_space<vmem_shared>> -> memref<10112x128xf32, #tpu.memory_space<vmem_shared>>
        tpu.wait_indirect_dma semaphore(%run_scoped3A_124 : memref<!tpu.dma_semaphore, #tpu.memory_space<semaphore_mem>>) src(%arg6 : memref<128x128xf32, #tpu.memory_space<vmem>>) dst(%dma_wait3A_134 : memref<10112x128xf32, #tpu.memory_space<vmem_shared>>)
        tpu.yield
      }) : () -> ()
      %scan3A_123 = arith.constant 0 : i32
      scf.yield %scan3A_123 : i32
    }
    %scan3A_119 = arith.constant 40 : i32
    %barrier3A_120 = arith.constant 0 : index
    tpu.barrier barrier_id(%barrier3A_120)
    "tpu.region"() ({
      %run_scoped3A_121 = tpu.sem_alloc : memref<!tpu.dma_semaphore, #tpu.memory_space<semaphore_mem>>
      %dma_start3A = arith.constant 0 : i32
      %dma_start3A_122 = tpu.memref_slice %arg4[%arg0, %mul3A_2, %dma_start3A] : memref<2x10112x128xf32, #tpu.memory_space<hbm>> -> memref<1x632x128xf32, #tpu.memory_space<hbm>>
      %dma_start3A_123 = tpu.memref_squeeze %dma_start3A_122 : memref<1x632x128xf32, #tpu.memory_space<hbm>> -> memref<632x128xf32, #tpu.memory_space<hbm>>
      %dma_start3A_124 = arith.constant 0 : i32
      %dma_start3A_125 = tpu.memref_slice %arg7[%mul3A_2, %dma_start3A_124] : memref<10112x128xf32, #tpu.memory_space<vmem_shared>> -> memref<632x128xf32, #tpu.memory_space<vmem_shared>>
      tpu.enqueue_dma source(%dma_start3A_125 : memref<632x128xf32, #tpu.memory_space<vmem_shared>>) target(%dma_start3A_123 : memref<632x128xf32, #tpu.memory_space<hbm>>) target_semaphore(%run_scoped3A_121 : memref<!tpu.dma_semaphore, #tpu.memory_space<semaphore_mem>>)
      %dma_wait3A = arith.constant 0 : i32
      %dma_wait3A_126 = tpu.memref_slice %arg4[%arg0, %mul3A_2, %dma_wait3A] : memref<2x10112x128xf32, #tpu.memory_space<hbm>> -> memref<1x632x128xf32, #tpu.memory_space<hbm>>
      %dma_wait3A_127 = tpu.memref_squeeze %dma_wait3A_126 : memref<1x632x128xf32, #tpu.memory_space<hbm>> -> memref<632x128xf32, #tpu.memory_space<hbm>>
      %dma_wait3A_128 = arith.constant 0 : i32
      %dma_wait3A_129 = tpu.memref_slice %arg7[%mul3A_2, %dma_wait3A_128] : memref<10112x128xf32, #tpu.memory_space<vmem_shared>> -> memref<632x128xf32, #tpu.memory_space<vmem_shared>>
      tpu.wait_dma2 semaphore(%run_scoped3A_121 : memref<!tpu.dma_semaphore, #tpu.memory_space<semaphore_mem>>) src(%dma_wait3A_129 : memref<632x128xf32, #tpu.memory_space<vmem_shared>>) dst(%dma_wait3A_127 : memref<632x128xf32, #tpu.memory_space<hbm>>)
      tpu.yield
    }) : () -> ()
    return
  }
}

#map = affine_map<(d0, d1) -> (0, 0)>
#map1 = affine_map<(d0, d1) -> (0, 0, 0)>
module attributes {stable_mosaic.version = 14 : i64} {
  func.func @body(%arg0: i32, %arg1: i32, %arg2: memref<10112x128xf32, #tpu.memory_space<hbm>>, %arg3: memref<10112x128xf32, #tpu.memory_space<hbm>>, %arg4: memref<10112x128xf32, #tpu.memory_space<hbm>>, %arg5: memref<3x1280x128xi32, #tpu.memory_space<hbm>>, %arg6: memref<3x1280x128xi32, #tpu.memory_space<hbm>>, %arg7: memref<2x10112x128xf32, #tpu.memory_space<hbm>>, %arg8: memref<2x10112x128xf32, #tpu.memory_space<hbm>>, %arg9: memref<2x10112x128xf32, #tpu.memory_space<hbm>>, %arg10: memref<40x128xi32, #tpu.memory_space<vmem>>, %arg11: memref<40x128xi32, #tpu.memory_space<vmem>>, %arg12: memref<128x128xf32, #tpu.memory_space<vmem>>, %arg13: memref<128x128xf32, #tpu.memory_space<vmem>>, %arg14: memref<10112x128xf32, #tpu.memory_space<vmem_shared>>, %arg15: memref<!tpu.dma_semaphore, #tpu.memory_space<semaphore_mem>>, %arg16: memref<!tpu.dma_semaphore, #tpu.memory_space<semaphore_mem>>, %arg17: memref<!tpu.dma_semaphore, #tpu.memory_space<semaphore_mem>>, %arg18: memref<!tpu.dma_semaphore, #tpu.memory_space<semaphore_mem>>) attributes {dimension_semantics = [#tpu.dimension_semantics<core_parallel>, #tpu.dimension_semantics<subcore_parallel>], iteration_bounds = array<i64: 2, 16>, scalar_prefetch = 0 : i64, scratch_operands = 9 : i64, tpu.core_type = #tpu.core_type<sc_vector_subcore>, window_params = [{transform_indices = #map}, {transform_indices = #map}, {transform_indices = #map}, {transform_indices = #map1}, {transform_indices = #map1}, {transform_indices = #map1}, {transform_indices = #map1}, {transform_indices = #map1}]} {
    %mul3A = arith.constant 16 : i32
    %mul3A_0 = arith.muli %arg0, %mul3A : i32
    %add3A = arith.addi %mul3A_0, %arg1 : i32
    %mul3A_1 = arith.constant 632 : i32
    %mul3A_2 = arith.muli %arg1, %mul3A_1 : i32
    %scan3A = arith.constant 0 : i32
    %scan3A_3 = arith.constant 0 : i32
    %scan3A_4 = arith.constant 128 : i32
    %scan3A_5 = arith.addi %scan3A_3, %scan3A_4 : i32
    %scan3A_6 = arith.constant 1 : i32
    %scan3A_7 = scf.for %scan3A_181 = %scan3A_3 to %scan3A_5 step %scan3A_6 iter_args(%scan3A_182 = %scan3A) -> (i32)  : i32 {
      %broadcast_in_dim3A = arith.constant 0.000000e+00 : f32
      %broadcast_in_dim3A_183 = vector.broadcast %broadcast_in_dim3A : f32 to vector<16xf32>
      %swap3A = arith.index_cast %scan3A_181 : i32 to index
      %swap3A_184 = arith.constant 0 : index
      %swap3A_185 = tpu.vector_load %arg12[%swap3A, %swap3A_184] {strides = array<i32>} : memref<128x128xf32, #tpu.memory_space<vmem>>, vector<1x16xf32>,
      %swap3A_186 = vector.shape_cast %swap3A_185 : vector<1x16xf32> to vector<16xf32>
      %swap3A_187 = vector.shape_cast %broadcast_in_dim3A_183 : vector<16xf32> to vector<1x16xf32>
      tpu.vector_store %arg12[%swap3A, %swap3A_184], %swap3A_187 {strides = array<i32>} : memref<128x128xf32, #tpu.memory_space<vmem>>, vector<1x16xf32>,
      %broadcast_in_dim3A_188 = arith.constant 0.000000e+00 : f32
      %broadcast_in_dim3A_189 = vector.broadcast %broadcast_in_dim3A_188 : f32 to vector<16xf32>
      %swap3A_190 = arith.index_cast %scan3A_181 : i32 to index
      %swap3A_191 = arith.constant 16 : index
      %swap3A_192 = tpu.vector_load %arg12[%swap3A_190, %swap3A_191] {strides = array<i32>} : memref<128x128xf32, #tpu.memory_space<vmem>>, vector<1x16xf32>,
      %swap3A_193 = vector.shape_cast %swap3A_192 : vector<1x16xf32> to vector<16xf32>
      %swap3A_194 = vector.shape_cast %broadcast_in_dim3A_189 : vector<16xf32> to vector<1x16xf32>
      tpu.vector_store %arg12[%swap3A_190, %swap3A_191], %swap3A_194 {strides = array<i32>} : memref<128x128xf32, #tpu.memory_space<vmem>>, vector<1x16xf32>,
      %broadcast_in_dim3A_195 = arith.constant 0.000000e+00 : f32
      %broadcast_in_dim3A_196 = vector.broadcast %broadcast_in_dim3A_195 : f32 to vector<16xf32>
      %swap3A_197 = arith.index_cast %scan3A_181 : i32 to index
      %swap3A_198 = arith.constant 32 : index
      %swap3A_199 = tpu.vector_load %arg12[%swap3A_197, %swap3A_198] {strides = array<i32>} : memref<128x128xf32, #tpu.memory_space<vmem>>, vector<1x16xf32>,
      %swap3A_200 = vector.shape_cast %swap3A_199 : vector<1x16xf32> to vector<16xf32>
      %swap3A_201 = vector.shape_cast %broadcast_in_dim3A_196 : vector<16xf32> to vector<1x16xf32>
      tpu.vector_store %arg12[%swap3A_197, %swap3A_198], %swap3A_201 {strides = array<i32>} : memref<128x128xf32, #tpu.memory_space<vmem>>, vector<1x16xf32>,
      %broadcast_in_dim3A_202 = arith.constant 0.000000e+00 : f32
      %broadcast_in_dim3A_203 = vector.broadcast %broadcast_in_dim3A_202 : f32 to vector<16xf32>
      %swap3A_204 = arith.index_cast %scan3A_181 : i32 to index
      %swap3A_205 = arith.constant 48 : index
      %swap3A_206 = tpu.vector_load %arg12[%swap3A_204, %swap3A_205] {strides = array<i32>} : memref<128x128xf32, #tpu.memory_space<vmem>>, vector<1x16xf32>,
      %swap3A_207 = vector.shape_cast %swap3A_206 : vector<1x16xf32> to vector<16xf32>
      %swap3A_208 = vector.shape_cast %broadcast_in_dim3A_203 : vector<16xf32> to vector<1x16xf32>
      tpu.vector_store %arg12[%swap3A_204, %swap3A_205], %swap3A_208 {strides = array<i32>} : memref<128x128xf32, #tpu.memory_space<vmem>>, vector<1x16xf32>,
      %broadcast_in_dim3A_209 = arith.constant 0.000000e+00 : f32
      %broadcast_in_dim3A_210 = vector.broadcast %broadcast_in_dim3A_209 : f32 to vector<16xf32>
      %swap3A_211 = arith.index_cast %scan3A_181 : i32 to index
      %swap3A_212 = arith.constant 64 : index
      %swap3A_213 = tpu.vector_load %arg12[%swap3A_211, %swap3A_212] {strides = array<i32>} : memref<128x128xf32, #tpu.memory_space<vmem>>, vector<1x16xf32>,
      %swap3A_214 = vector.shape_cast %swap3A_213 : vector<1x16xf32> to vector<16xf32>
      %swap3A_215 = vector.shape_cast %broadcast_in_dim3A_210 : vector<16xf32> to vector<1x16xf32>
      tpu.vector_store %arg12[%swap3A_211, %swap3A_212], %swap3A_215 {strides = array<i32>} : memref<128x128xf32, #tpu.memory_space<vmem>>, vector<1x16xf32>,
      %broadcast_in_dim3A_216 = arith.constant 0.000000e+00 : f32
      %broadcast_in_dim3A_217 = vector.broadcast %broadcast_in_dim3A_216 : f32 to vector<16xf32>
      %swap3A_218 = arith.index_cast %scan3A_181 : i32 to index
      %swap3A_219 = arith.constant 80 : index
      %swap3A_220 = tpu.vector_load %arg12[%swap3A_218, %swap3A_219] {strides = array<i32>} : memref<128x128xf32, #tpu.memory_space<vmem>>, vector<1x16xf32>,
      %swap3A_221 = vector.shape_cast %swap3A_220 : vector<1x16xf32> to vector<16xf32>
      %swap3A_222 = vector.shape_cast %broadcast_in_dim3A_217 : vector<16xf32> to vector<1x16xf32>
      tpu.vector_store %arg12[%swap3A_218, %swap3A_219], %swap3A_222 {strides = array<i32>} : memref<128x128xf32, #tpu.memory_space<vmem>>, vector<1x16xf32>,
      %broadcast_in_dim3A_223 = arith.constant 0.000000e+00 : f32
      %broadcast_in_dim3A_224 = vector.broadcast %broadcast_in_dim3A_223 : f32 to vector<16xf32>
      %swap3A_225 = arith.index_cast %scan3A_181 : i32 to index
      %swap3A_226 = arith.constant 96 : index
      %swap3A_227 = tpu.vector_load %arg12[%swap3A_225, %swap3A_226] {strides = array<i32>} : memref<128x128xf32, #tpu.memory_space<vmem>>, vector<1x16xf32>,
      %swap3A_228 = vector.shape_cast %swap3A_227 : vector<1x16xf32> to vector<16xf32>
      %swap3A_229 = vector.shape_cast %broadcast_in_dim3A_224 : vector<16xf32> to vector<1x16xf32>
      tpu.vector_store %arg12[%swap3A_225, %swap3A_226], %swap3A_229 {strides = array<i32>} : memref<128x128xf32, #tpu.memory_space<vmem>>, vector<1x16xf32>,
      %broadcast_in_dim3A_230 = arith.constant 0.000000e+00 : f32
      %broadcast_in_dim3A_231 = vector.broadcast %broadcast_in_dim3A_230 : f32 to vector<16xf32>
      %swap3A_232 = arith.index_cast %scan3A_181 : i32 to index
      %swap3A_233 = arith.constant 112 : index
      %swap3A_234 = tpu.vector_load %arg12[%swap3A_232, %swap3A_233] {strides = array<i32>} : memref<128x128xf32, #tpu.memory_space<vmem>>, vector<1x16xf32>,
      %swap3A_235 = vector.shape_cast %swap3A_234 : vector<1x16xf32> to vector<16xf32>
      %swap3A_236 = vector.shape_cast %broadcast_in_dim3A_231 : vector<16xf32> to vector<1x16xf32>
      tpu.vector_store %arg12[%swap3A_232, %swap3A_233], %swap3A_236 {strides = array<i32>} : memref<128x128xf32, #tpu.memory_space<vmem>>, vector<1x16xf32>,
      %scan3A_237 = arith.constant 0 : i32
      scf.yield %scan3A_237 : i32
    }
    %scan3A_8 = arith.constant 128 : i32
    %add3A_9 = arith.constant 0 : i32
    %add3A_10 = arith.addi %mul3A_2, %add3A_9 : i32
    "tpu.region"() ({
      %run_scoped3A_181 = tpu.sem_alloc : memref<!tpu.dma_semaphore, #tpu.memory_space<semaphore_mem>>
      %dma_start3A_182 = arith.constant 0 : i32
      %dma_start3A_183 = arith.constant 0 : i32
      %dma_start3A_184 = tpu.memref_slice %arg12[%dma_start3A_182, %dma_start3A_183] : memref<128x128xf32, #tpu.memory_space<vmem>> -> memref<128x128xf32, #tpu.memory_space<vmem>>
      %dma_start3A_185 = arith.constant 0 : i32
      %dma_start3A_186 = tpu.memref_slice %arg14[%add3A_10, %dma_start3A_185] : memref<10112x128xf32, #tpu.memory_space<vmem_shared>> -> memref<128x128xf32, #tpu.memory_space<vmem_shared>>
      %dma_start3A_187 = arith.constant 0 : i32
      %dma_start3A_188 = tpu.memref_slice %arg14[%add3A_10, %dma_start3A_187] : memref<10112x128xf32, #tpu.memory_space<vmem_shared>> -> memref<128x128xf32, #tpu.memory_space<vmem_shared>>
      %dma_start3A_189 = arith.constant 0 : i32
      %dma_start3A_190 = arith.constant 0 : i32
      %dma_start3A_191 = tpu.memref_slice %arg12[%dma_start3A_189, %dma_start3A_190] : memref<128x128xf32, #tpu.memory_space<vmem>> -> memref<128x128xf32, #tpu.memory_space<vmem>>
      tpu.enqueue_dma source(%dma_start3A_191 : memref<128x128xf32, #tpu.memory_space<vmem>>) target(%dma_start3A_188 : memref<128x128xf32, #tpu.memory_space<vmem_shared>>) target_semaphore(%run_scoped3A_181 : memref<!tpu.dma_semaphore, #tpu.memory_space<semaphore_mem>>)
      %dma_wait3A_192 = arith.constant 0 : i32
      %dma_wait3A_193 = arith.constant 0 : i32
      %dma_wait3A_194 = tpu.memref_slice %arg12[%dma_wait3A_192, %dma_wait3A_193] : memref<128x128xf32, #tpu.memory_space<vmem>> -> memref<128x128xf32, #tpu.memory_space<vmem>>
      %dma_wait3A_195 = arith.constant 0 : i32
      %dma_wait3A_196 = tpu.memref_slice %arg14[%add3A_10, %dma_wait3A_195] : memref<10112x128xf32, #tpu.memory_space<vmem_shared>> -> memref<128x128xf32, #tpu.memory_space<vmem_shared>>
      %dma_wait3A_197 = arith.constant 0 : i32
      %dma_wait3A_198 = tpu.memref_slice %arg14[%add3A_10, %dma_wait3A_197] : memref<10112x128xf32, #tpu.memory_space<vmem_shared>> -> memref<128x128xf32, #tpu.memory_space<vmem_shared>>
      %dma_wait3A_199 = arith.constant 0 : i32
      %dma_wait3A_200 = arith.constant 0 : i32
      %dma_wait3A_201 = tpu.memref_slice %arg12[%dma_wait3A_199, %dma_wait3A_200] : memref<128x128xf32, #tpu.memory_space<vmem>> -> memref<128x128xf32, #tpu.memory_space<vmem>>
      tpu.wait_dma2 semaphore(%run_scoped3A_181 : memref<!tpu.dma_semaphore, #tpu.memory_space<semaphore_mem>>) src(%dma_wait3A_201 : memref<128x128xf32, #tpu.memory_space<vmem>>) dst(%dma_wait3A_198 : memref<128x128xf32, #tpu.memory_space<vmem_shared>>)
      tpu.yield
    }) : () -> ()
    %add3A_11 = arith.constant 128 : i32
    %add3A_12 = arith.addi %mul3A_2, %add3A_11 : i32
    "tpu.region"() ({
      %run_scoped3A_181 = tpu.sem_alloc : memref<!tpu.dma_semaphore, #tpu.memory_space<semaphore_mem>>
      %dma_start3A_182 = arith.constant 0 : i32
      %dma_start3A_183 = arith.constant 0 : i32
      %dma_start3A_184 = tpu.memref_slice %arg12[%dma_start3A_182, %dma_start3A_183] : memref<128x128xf32, #tpu.memory_space<vmem>> -> memref<128x128xf32, #tpu.memory_space<vmem>>
      %dma_start3A_185 = arith.constant 0 : i32
      %dma_start3A_186 = tpu.memref_slice %arg14[%add3A_12, %dma_start3A_185] : memref<10112x128xf32, #tpu.memory_space<vmem_shared>> -> memref<128x128xf32, #tpu.memory_space<vmem_shared>>
      %dma_start3A_187 = arith.constant 0 : i32
      %dma_start3A_188 = tpu.memref_slice %arg14[%add3A_12, %dma_start3A_187] : memref<10112x128xf32, #tpu.memory_space<vmem_shared>> -> memref<128x128xf32, #tpu.memory_space<vmem_shared>>
      %dma_start3A_189 = arith.constant 0 : i32
      %dma_start3A_190 = arith.constant 0 : i32
      %dma_start3A_191 = tpu.memref_slice %arg12[%dma_start3A_189, %dma_start3A_190] : memref<128x128xf32, #tpu.memory_space<vmem>> -> memref<128x128xf32, #tpu.memory_space<vmem>>
      tpu.enqueue_dma source(%dma_start3A_191 : memref<128x128xf32, #tpu.memory_space<vmem>>) target(%dma_start3A_188 : memref<128x128xf32, #tpu.memory_space<vmem_shared>>) target_semaphore(%run_scoped3A_181 : memref<!tpu.dma_semaphore, #tpu.memory_space<semaphore_mem>>)
      %dma_wait3A_192 = arith.constant 0 : i32
      %dma_wait3A_193 = arith.constant 0 : i32
      %dma_wait3A_194 = tpu.memref_slice %arg12[%dma_wait3A_192, %dma_wait3A_193] : memref<128x128xf32, #tpu.memory_space<vmem>> -> memref<128x128xf32, #tpu.memory_space<vmem>>
      %dma_wait3A_195 = arith.constant 0 : i32
      %dma_wait3A_196 = tpu.memref_slice %arg14[%add3A_12, %dma_wait3A_195] : memref<10112x128xf32, #tpu.memory_space<vmem_shared>> -> memref<128x128xf32, #tpu.memory_space<vmem_shared>>
      %dma_wait3A_197 = arith.constant 0 : i32
      %dma_wait3A_198 = tpu.memref_slice %arg14[%add3A_12, %dma_wait3A_197] : memref<10112x128xf32, #tpu.memory_space<vmem_shared>> -> memref<128x128xf32, #tpu.memory_space<vmem_shared>>
      %dma_wait3A_199 = arith.constant 0 : i32
      %dma_wait3A_200 = arith.constant 0 : i32
      %dma_wait3A_201 = tpu.memref_slice %arg12[%dma_wait3A_199, %dma_wait3A_200] : memref<128x128xf32, #tpu.memory_space<vmem>> -> memref<128x128xf32, #tpu.memory_space<vmem>>
      tpu.wait_dma2 semaphore(%run_scoped3A_181 : memref<!tpu.dma_semaphore, #tpu.memory_space<semaphore_mem>>) src(%dma_wait3A_201 : memref<128x128xf32, #tpu.memory_space<vmem>>) dst(%dma_wait3A_198 : memref<128x128xf32, #tpu.memory_space<vmem_shared>>)
      tpu.yield
    }) : () -> ()
    %add3A_13 = arith.constant 256 : i32
    %add3A_14 = arith.addi %mul3A_2, %add3A_13 : i32
    "tpu.region"() ({
      %run_scoped3A_181 = tpu.sem_alloc : memref<!tpu.dma_semaphore, #tpu.memory_space<semaphore_mem>>
      %dma_start3A_182 = arith.constant 0 : i32
      %dma_start3A_183 = arith.constant 0 : i32
      %dma_start3A_184 = tpu.memref_slice %arg12[%dma_start3A_182, %dma_start3A_183] : memref<128x128xf32, #tpu.memory_space<vmem>> -> memref<128x128xf32, #tpu.memory_space<vmem>>
      %dma_start3A_185 = arith.constant 0 : i32
      %dma_start3A_186 = tpu.memref_slice %arg14[%add3A_14, %dma_start3A_185] : memref<10112x128xf32, #tpu.memory_space<vmem_shared>> -> memref<128x128xf32, #tpu.memory_space<vmem_shared>>
      %dma_start3A_187 = arith.constant 0 : i32
      %dma_start3A_188 = tpu.memref_slice %arg14[%add3A_14, %dma_start3A_187] : memref<10112x128xf32, #tpu.memory_space<vmem_shared>> -> memref<128x128xf32, #tpu.memory_space<vmem_shared>>
      %dma_start3A_189 = arith.constant 0 : i32
      %dma_start3A_190 = arith.constant 0 : i32
      %dma_start3A_191 = tpu.memref_slice %arg12[%dma_start3A_189, %dma_start3A_190] : memref<128x128xf32, #tpu.memory_space<vmem>> -> memref<128x128xf32, #tpu.memory_space<vmem>>
      tpu.enqueue_dma source(%dma_start3A_191 : memref<128x128xf32, #tpu.memory_space<vmem>>) target(%dma_start3A_188 : memref<128x128xf32, #tpu.memory_space<vmem_shared>>) target_semaphore(%run_scoped3A_181 : memref<!tpu.dma_semaphore, #tpu.memory_space<semaphore_mem>>)
      %dma_wait3A_192 = arith.constant 0 : i32
      %dma_wait3A_193 = arith.constant 0 : i32
      %dma_wait3A_194 = tpu.memref_slice %arg12[%dma_wait3A_192, %dma_wait3A_193] : memref<128x128xf32, #tpu.memory_space<vmem>> -> memref<128x128xf32, #tpu.memory_space<vmem>>
      %dma_wait3A_195 = arith.constant 0 : i32
      %dma_wait3A_196 = tpu.memref_slice %arg14[%add3A_14, %dma_wait3A_195] : memref<10112x128xf32, #tpu.memory_space<vmem_shared>> -> memref<128x128xf32, #tpu.memory_space<vmem_shared>>
      %dma_wait3A_197 = arith.constant 0 : i32
      %dma_wait3A_198 = tpu.memref_slice %arg14[%add3A_14, %dma_wait3A_197] : memref<10112x128xf32, #tpu.memory_space<vmem_shared>> -> memref<128x128xf32, #tpu.memory_space<vmem_shared>>
      %dma_wait3A_199 = arith.constant 0 : i32
      %dma_wait3A_200 = arith.constant 0 : i32
      %dma_wait3A_201 = tpu.memref_slice %arg12[%dma_wait3A_199, %dma_wait3A_200] : memref<128x128xf32, #tpu.memory_space<vmem>> -> memref<128x128xf32, #tpu.memory_space<vmem>>
      tpu.wait_dma2 semaphore(%run_scoped3A_181 : memref<!tpu.dma_semaphore, #tpu.memory_space<semaphore_mem>>) src(%dma_wait3A_201 : memref<128x128xf32, #tpu.memory_space<vmem>>) dst(%dma_wait3A_198 : memref<128x128xf32, #tpu.memory_space<vmem_shared>>)
      tpu.yield
    }) : () -> ()
    %add3A_15 = arith.constant 384 : i32
    %add3A_16 = arith.addi %mul3A_2, %add3A_15 : i32
    "tpu.region"() ({
      %run_scoped3A_181 = tpu.sem_alloc : memref<!tpu.dma_semaphore, #tpu.memory_space<semaphore_mem>>
      %dma_start3A_182 = arith.constant 0 : i32
      %dma_start3A_183 = arith.constant 0 : i32
      %dma_start3A_184 = tpu.memref_slice %arg12[%dma_start3A_182, %dma_start3A_183] : memref<128x128xf32, #tpu.memory_space<vmem>> -> memref<128x128xf32, #tpu.memory_space<vmem>>
      %dma_start3A_185 = arith.constant 0 : i32
      %dma_start3A_186 = tpu.memref_slice %arg14[%add3A_16, %dma_start3A_185] : memref<10112x128xf32, #tpu.memory_space<vmem_shared>> -> memref<128x128xf32, #tpu.memory_space<vmem_shared>>
      %dma_start3A_187 = arith.constant 0 : i32
      %dma_start3A_188 = tpu.memref_slice %arg14[%add3A_16, %dma_start3A_187] : memref<10112x128xf32, #tpu.memory_space<vmem_shared>> -> memref<128x128xf32, #tpu.memory_space<vmem_shared>>
      %dma_start3A_189 = arith.constant 0 : i32
      %dma_start3A_190 = arith.constant 0 : i32
      %dma_start3A_191 = tpu.memref_slice %arg12[%dma_start3A_189, %dma_start3A_190] : memref<128x128xf32, #tpu.memory_space<vmem>> -> memref<128x128xf32, #tpu.memory_space<vmem>>
      tpu.enqueue_dma source(%dma_start3A_191 : memref<128x128xf32, #tpu.memory_space<vmem>>) target(%dma_start3A_188 : memref<128x128xf32, #tpu.memory_space<vmem_shared>>) target_semaphore(%run_scoped3A_181 : memref<!tpu.dma_semaphore, #tpu.memory_space<semaphore_mem>>)
      %dma_wait3A_192 = arith.constant 0 : i32
      %dma_wait3A_193 = arith.constant 0 : i32
      %dma_wait3A_194 = tpu.memref_slice %arg12[%dma_wait3A_192, %dma_wait3A_193] : memref<128x128xf32, #tpu.memory_space<vmem>> -> memref<128x128xf32, #tpu.memory_space<vmem>>
      %dma_wait3A_195 = arith.constant 0 : i32
      %dma_wait3A_196 = tpu.memref_slice %arg14[%add3A_16, %dma_wait3A_195] : memref<10112x128xf32, #tpu.memory_space<vmem_shared>> -> memref<128x128xf32, #tpu.memory_space<vmem_shared>>
      %dma_wait3A_197 = arith.constant 0 : i32
      %dma_wait3A_198 = tpu.memref_slice %arg14[%add3A_16, %dma_wait3A_197] : memref<10112x128xf32, #tpu.memory_space<vmem_shared>> -> memref<128x128xf32, #tpu.memory_space<vmem_shared>>
      %dma_wait3A_199 = arith.constant 0 : i32
      %dma_wait3A_200 = arith.constant 0 : i32
      %dma_wait3A_201 = tpu.memref_slice %arg12[%dma_wait3A_199, %dma_wait3A_200] : memref<128x128xf32, #tpu.memory_space<vmem>> -> memref<128x128xf32, #tpu.memory_space<vmem>>
      tpu.wait_dma2 semaphore(%run_scoped3A_181 : memref<!tpu.dma_semaphore, #tpu.memory_space<semaphore_mem>>) src(%dma_wait3A_201 : memref<128x128xf32, #tpu.memory_space<vmem>>) dst(%dma_wait3A_198 : memref<128x128xf32, #tpu.memory_space<vmem_shared>>)
      tpu.yield
    }) : () -> ()
    %add3A_17 = arith.constant 512 : i32
    %add3A_18 = arith.addi %mul3A_2, %add3A_17 : i32
    "tpu.region"() ({
      %run_scoped3A_181 = tpu.sem_alloc : memref<!tpu.dma_semaphore, #tpu.memory_space<semaphore_mem>>
      %dma_start3A_182 = arith.constant 0 : i32
      %dma_start3A_183 = arith.constant 0 : i32
      %dma_start3A_184 = tpu.memref_slice %arg12[%dma_start3A_182, %dma_start3A_183] : memref<128x128xf32, #tpu.memory_space<vmem>> -> memref<120x128xf32, #tpu.memory_space<vmem>>
      %dma_start3A_185 = arith.constant 0 : i32
      %dma_start3A_186 = tpu.memref_slice %arg14[%add3A_18, %dma_start3A_185] : memref<10112x128xf32, #tpu.memory_space<vmem_shared>> -> memref<120x128xf32, #tpu.memory_space<vmem_shared>>
      %dma_start3A_187 = arith.constant 0 : i32
      %dma_start3A_188 = tpu.memref_slice %arg14[%add3A_18, %dma_start3A_187] : memref<10112x128xf32, #tpu.memory_space<vmem_shared>> -> memref<120x128xf32, #tpu.memory_space<vmem_shared>>
      %dma_start3A_189 = arith.constant 0 : i32
      %dma_start3A_190 = arith.constant 0 : i32
      %dma_start3A_191 = tpu.memref_slice %arg12[%dma_start3A_189, %dma_start3A_190] : memref<128x128xf32, #tpu.memory_space<vmem>> -> memref<120x128xf32, #tpu.memory_space<vmem>>
      tpu.enqueue_dma source(%dma_start3A_191 : memref<120x128xf32, #tpu.memory_space<vmem>>) target(%dma_start3A_188 : memref<120x128xf32, #tpu.memory_space<vmem_shared>>) target_semaphore(%run_scoped3A_181 : memref<!tpu.dma_semaphore, #tpu.memory_space<semaphore_mem>>)
      %dma_wait3A_192 = arith.constant 0 : i32
      %dma_wait3A_193 = arith.constant 0 : i32
      %dma_wait3A_194 = tpu.memref_slice %arg12[%dma_wait3A_192, %dma_wait3A_193] : memref<128x128xf32, #tpu.memory_space<vmem>> -> memref<120x128xf32, #tpu.memory_space<vmem>>
      %dma_wait3A_195 = arith.constant 0 : i32
      %dma_wait3A_196 = tpu.memref_slice %arg14[%add3A_18, %dma_wait3A_195] : memref<10112x128xf32, #tpu.memory_space<vmem_shared>> -> memref<120x128xf32, #tpu.memory_space<vmem_shared>>
      %dma_wait3A_197 = arith.constant 0 : i32
      %dma_wait3A_198 = tpu.memref_slice %arg14[%add3A_18, %dma_wait3A_197] : memref<10112x128xf32, #tpu.memory_space<vmem_shared>> -> memref<120x128xf32, #tpu.memory_space<vmem_shared>>
      %dma_wait3A_199 = arith.constant 0 : i32
      %dma_wait3A_200 = arith.constant 0 : i32
      %dma_wait3A_201 = tpu.memref_slice %arg12[%dma_wait3A_199, %dma_wait3A_200] : memref<128x128xf32, #tpu.memory_space<vmem>> -> memref<120x128xf32, #tpu.memory_space<vmem>>
      tpu.wait_dma2 semaphore(%run_scoped3A_181 : memref<!tpu.dma_semaphore, #tpu.memory_space<semaphore_mem>>) src(%dma_wait3A_201 : memref<120x128xf32, #tpu.memory_space<vmem>>) dst(%dma_wait3A_198 : memref<120x128xf32, #tpu.memory_space<vmem_shared>>)
      tpu.yield
    }) : () -> ()
    %barrier3A = arith.constant 0 : index
    tpu.barrier barrier_id(%barrier3A)
    %mul3A_19 = arith.constant 40 : i32
    %mul3A_20 = arith.muli %add3A, %mul3A_19 : i32
    %run_scoped3A = arith.constant 0 : i32
    "tpu.region"() ({
      %run_scoped3A_181 = tpu.sem_alloc : memref<!tpu.dma_semaphore, #tpu.memory_space<semaphore_mem>>
      %dma_start3A_182 = arith.constant 0 : i32
      %dma_start3A_183 = tpu.memref_slice %arg5[%run_scoped3A, %mul3A_20, %dma_start3A_182] : memref<3x1280x128xi32, #tpu.memory_space<hbm>> -> memref<1x40x128xi32, #tpu.memory_space<hbm>>
      %dma_start3A_184 = tpu.memref_squeeze %dma_start3A_183 : memref<1x40x128xi32, #tpu.memory_space<hbm>> -> memref<40x128xi32, #tpu.memory_space<hbm>>
      %dma_start3A_185 = arith.constant 0 : i32
      %dma_start3A_186 = tpu.memref_slice %arg5[%run_scoped3A, %mul3A_20, %dma_start3A_185] : memref<3x1280x128xi32, #tpu.memory_space<hbm>> -> memref<1x40x128xi32, #tpu.memory_space<hbm>>
      %dma_start3A_187 = tpu.memref_squeeze %dma_start3A_186 : memref<1x40x128xi32, #tpu.memory_space<hbm>> -> memref<40x128xi32, #tpu.memory_space<hbm>>
      tpu.enqueue_dma source(%dma_start3A_187 : memref<40x128xi32, #tpu.memory_space<hbm>>) target(%arg10 : memref<40x128xi32, #tpu.memory_space<vmem>>) target_semaphore(%run_scoped3A_181 : memref<!tpu.dma_semaphore, #tpu.memory_space<semaphore_mem>>)
      %dma_wait3A_188 = arith.constant 0 : i32
      %dma_wait3A_189 = tpu.memref_slice %arg5[%run_scoped3A, %mul3A_20, %dma_wait3A_188] : memref<3x1280x128xi32, #tpu.memory_space<hbm>> -> memref<1x40x128xi32, #tpu.memory_space<hbm>>
      %dma_wait3A_190 = tpu.memref_squeeze %dma_wait3A_189 : memref<1x40x128xi32, #tpu.memory_space<hbm>> -> memref<40x128xi32, #tpu.memory_space<hbm>>
      %dma_wait3A_191 = arith.constant 0 : i32
      %dma_wait3A_192 = tpu.memref_slice %arg5[%run_scoped3A, %mul3A_20, %dma_wait3A_191] : memref<3x1280x128xi32, #tpu.memory_space<hbm>> -> memref<1x40x128xi32, #tpu.memory_space<hbm>>
      %dma_wait3A_193 = tpu.memref_squeeze %dma_wait3A_192 : memref<1x40x128xi32, #tpu.memory_space<hbm>> -> memref<40x128xi32, #tpu.memory_space<hbm>>
      tpu.wait_dma2 semaphore(%run_scoped3A_181 : memref<!tpu.dma_semaphore, #tpu.memory_space<semaphore_mem>>) src(%dma_wait3A_193 : memref<40x128xi32, #tpu.memory_space<hbm>>) dst(%arg10 : memref<40x128xi32, #tpu.memory_space<vmem>>)
      tpu.yield
    }) : () -> ()
    %mul3A_21 = arith.constant 40 : i32
    %mul3A_22 = arith.muli %add3A, %mul3A_21 : i32
    %run_scoped3A_23 = arith.constant 0 : i32
    "tpu.region"() ({
      %run_scoped3A_181 = tpu.sem_alloc : memref<!tpu.dma_semaphore, #tpu.memory_space<semaphore_mem>>
      %dma_start3A_182 = arith.constant 0 : i32
      %dma_start3A_183 = tpu.memref_slice %arg6[%run_scoped3A_23, %mul3A_22, %dma_start3A_182] : memref<3x1280x128xi32, #tpu.memory_space<hbm>> -> memref<1x40x128xi32, #tpu.memory_space<hbm>>
      %dma_start3A_184 = tpu.memref_squeeze %dma_start3A_183 : memref<1x40x128xi32, #tpu.memory_space<hbm>> -> memref<40x128xi32, #tpu.memory_space<hbm>>
      %dma_start3A_185 = arith.constant 0 : i32
      %dma_start3A_186 = tpu.memref_slice %arg6[%run_scoped3A_23, %mul3A_22, %dma_start3A_185] : memref<3x1280x128xi32, #tpu.memory_space<hbm>> -> memref<1x40x128xi32, #tpu.memory_space<hbm>>
      %dma_start3A_187 = tpu.memref_squeeze %dma_start3A_186 : memref<1x40x128xi32, #tpu.memory_space<hbm>> -> memref<40x128xi32, #tpu.memory_space<hbm>>
      tpu.enqueue_dma source(%dma_start3A_187 : memref<40x128xi32, #tpu.memory_space<hbm>>) target(%arg11 : memref<40x128xi32, #tpu.memory_space<vmem>>) target_semaphore(%run_scoped3A_181 : memref<!tpu.dma_semaphore, #tpu.memory_space<semaphore_mem>>)
      %dma_wait3A_188 = arith.constant 0 : i32
      %dma_wait3A_189 = tpu.memref_slice %arg6[%run_scoped3A_23, %mul3A_22, %dma_wait3A_188] : memref<3x1280x128xi32, #tpu.memory_space<hbm>> -> memref<1x40x128xi32, #tpu.memory_space<hbm>>
      %dma_wait3A_190 = tpu.memref_squeeze %dma_wait3A_189 : memref<1x40x128xi32, #tpu.memory_space<hbm>> -> memref<40x128xi32, #tpu.memory_space<hbm>>
      %dma_wait3A_191 = arith.constant 0 : i32
      %dma_wait3A_192 = tpu.memref_slice %arg6[%run_scoped3A_23, %mul3A_22, %dma_wait3A_191] : memref<3x1280x128xi32, #tpu.memory_space<hbm>> -> memref<1x40x128xi32, #tpu.memory_space<hbm>>
      %dma_wait3A_193 = tpu.memref_squeeze %dma_wait3A_192 : memref<1x40x128xi32, #tpu.memory_space<hbm>> -> memref<40x128xi32, #tpu.memory_space<hbm>>
      tpu.wait_dma2 semaphore(%run_scoped3A_181 : memref<!tpu.dma_semaphore, #tpu.memory_space<semaphore_mem>>) src(%dma_wait3A_193 : memref<40x128xi32, #tpu.memory_space<hbm>>) dst(%arg11 : memref<40x128xi32, #tpu.memory_space<vmem>>)
      tpu.yield
    }) : () -> ()
    %dma_start3A = arith.constant 0 : i32
    %dma_start3A_24 = arith.constant 0 : i32
    %dma_start3A_25 = tpu.memref_slice %arg10[%dma_start3A, %dma_start3A_24] : memref<40x128xi32, #tpu.memory_space<vmem>> -> memref<1x128xi32, #tpu.memory_space<vmem>>
    %dma_start3A_26 = tpu.memref_squeeze %dma_start3A_25 : memref<1x128xi32, #tpu.memory_space<vmem>> -> memref<128xi32, #tpu.memory_space<vmem>>
    %dma_start3A_27 = arith.constant 0 : i32
    %dma_start3A_28 = arith.constant 0 : i32
    %dma_start3A_29 = tpu.memref_slice %arg2[%dma_start3A_27, %dma_start3A_28] : memref<10112x128xf32, #tpu.memory_space<hbm>> -> memref<10112x128xf32, #tpu.memory_space<hbm>>
    tpu.enqueue_indirect_dma source(%dma_start3A_29 : memref<10112x128xf32, #tpu.memory_space<hbm>>) target(%arg12 : memref<128x128xf32, #tpu.memory_space<vmem>>) offsets(%dma_start3A_26 : memref<128xi32, #tpu.memory_space<vmem>>) semaphore(%arg15 : memref<!tpu.dma_semaphore, #tpu.memory_space<semaphore_mem>>)
    %dma_start3A_30 = arith.constant 1 : i32
    %dma_start3A_31 = arith.constant 0 : i32
    %dma_start3A_32 = tpu.memref_slice %arg10[%dma_start3A_30, %dma_start3A_31] : memref<40x128xi32, #tpu.memory_space<vmem>> -> memref<1x128xi32, #tpu.memory_space<vmem>>
    %dma_start3A_33 = tpu.memref_squeeze %dma_start3A_32 : memref<1x128xi32, #tpu.memory_space<vmem>> -> memref<128xi32, #tpu.memory_space<vmem>>
    %dma_start3A_34 = arith.constant 0 : i32
    %dma_start3A_35 = arith.constant 0 : i32
    %dma_start3A_36 = tpu.memref_slice %arg2[%dma_start3A_34, %dma_start3A_35] : memref<10112x128xf32, #tpu.memory_space<hbm>> -> memref<10112x128xf32, #tpu.memory_space<hbm>>
    tpu.enqueue_indirect_dma source(%dma_start3A_36 : memref<10112x128xf32, #tpu.memory_space<hbm>>) target(%arg13 : memref<128x128xf32, #tpu.memory_space<vmem>>) offsets(%dma_start3A_33 : memref<128xi32, #tpu.memory_space<vmem>>) semaphore(%arg16 : memref<!tpu.dma_semaphore, #tpu.memory_space<semaphore_mem>>)
    %scan3A_37 = arith.constant 0 : i32
    %scan3A_38 = arith.constant 0 : i32
    %scan3A_39 = arith.constant 20 : i32
    %scan3A_40 = arith.addi %scan3A_38, %scan3A_39 : i32
    %scan3A_41 = arith.constant 1 : i32
    %scan3A_42 = scf.for %scan3A_181 = %scan3A_38 to %scan3A_40 step %scan3A_41 iter_args(%scan3A_182 = %scan3A_37) -> (i32)  : i32 {
      %mul3A_183 = arith.constant 2 : i32
      %mul3A_184 = arith.muli %mul3A_183, %scan3A_181 : i32
      %mul3A_185 = arith.constant 2 : i32
      %mul3A_186 = arith.muli %mul3A_185, %scan3A_181 : i32
      %add3A_187 = arith.constant 1 : i32
      %add3A_188 = arith.addi %mul3A_186, %add3A_187 : i32
      %dma_wait3A_189 = arith.constant 0 : i32
      %dma_wait3A_190 = arith.constant 0 : i32
      %dma_wait3A_191 = tpu.memref_slice %arg10[%dma_wait3A_189, %dma_wait3A_190] : memref<40x128xi32, #tpu.memory_space<vmem>> -> memref<1x128xi32, #tpu.memory_space<vmem>>
      %dma_wait3A_192 = tpu.memref_squeeze %dma_wait3A_191 : memref<1x128xi32, #tpu.memory_space<vmem>> -> memref<128xi32, #tpu.memory_space<vmem>>
      %dma_wait3A_193 = arith.constant 0 : i32
      %dma_wait3A_194 = arith.constant 0 : i32
      %dma_wait3A_195 = tpu.memref_slice %arg2[%dma_wait3A_193, %dma_wait3A_194] : memref<10112x128xf32, #tpu.memory_space<hbm>> -> memref<10112x128xf32, #tpu.memory_space<hbm>>
      tpu.wait_indirect_dma semaphore(%arg15 : memref<!tpu.dma_semaphore, #tpu.memory_space<semaphore_mem>>) src(%dma_wait3A_195 : memref<10112x128xf32, #tpu.memory_space<hbm>>) dst(%arg12 : memref<128x128xf32, #tpu.memory_space<vmem>>)
      "tpu.region"() ({
        %run_scoped3A_223 = tpu.sem_alloc : memref<!tpu.dma_semaphore, #tpu.memory_space<semaphore_mem>>
        %dma_start3A_224 = arith.constant 0 : i32
        %dma_start3A_225 = tpu.memref_slice %arg11[%mul3A_184, %dma_start3A_224] : memref<40x128xi32, #tpu.memory_space<vmem>> -> memref<1x128xi32, #tpu.memory_space<vmem>>
        %dma_start3A_226 = tpu.memref_squeeze %dma_start3A_225 : memref<1x128xi32, #tpu.memory_space<vmem>> -> memref<128xi32, #tpu.memory_space<vmem>>
        %dma_start3A_227 = arith.constant 0 : i32
        %dma_start3A_228 = arith.constant 0 : i32
        %dma_start3A_229 = tpu.memref_slice %arg14[%dma_start3A_227, %dma_start3A_228] : memref<10112x128xf32, #tpu.memory_space<vmem_shared>> -> memref<10112x128xf32, #tpu.memory_space<vmem_shared>>
        tpu.enqueue_indirect_dma source(%arg12 : memref<128x128xf32, #tpu.memory_space<vmem>>) target(%dma_start3A_229 : memref<10112x128xf32, #tpu.memory_space<vmem_shared>>) offsets(%dma_start3A_226 : memref<128xi32, #tpu.memory_space<vmem>>) semaphore(%run_scoped3A_223 : memref<!tpu.dma_semaphore, #tpu.memory_space<semaphore_mem>>) {add = true}
        %dma_wait3A_230 = arith.constant 0 : i32
        %dma_wait3A_231 = tpu.memref_slice %arg11[%mul3A_184, %dma_wait3A_230] : memref<40x128xi32, #tpu.memory_space<vmem>> -> memref<1x128xi32, #tpu.memory_space<vmem>>
        %dma_wait3A_232 = tpu.memref_squeeze %dma_wait3A_231 : memref<1x128xi32, #tpu.memory_space<vmem>> -> memref<128xi32, #tpu.memory_space<vmem>>
        %dma_wait3A_233 = arith.constant 0 : i32
        %dma_wait3A_234 = arith.constant 0 : i32
        %dma_wait3A_235 = tpu.memref_slice %arg14[%dma_wait3A_233, %dma_wait3A_234] : memref<10112x128xf32, #tpu.memory_space<vmem_shared>> -> memref<10112x128xf32, #tpu.memory_space<vmem_shared>>
        tpu.wait_indirect_dma semaphore(%run_scoped3A_223 : memref<!tpu.dma_semaphore, #tpu.memory_space<semaphore_mem>>) src(%arg12 : memref<128x128xf32, #tpu.memory_space<vmem>>) dst(%dma_wait3A_235 : memref<10112x128xf32, #tpu.memory_space<vmem_shared>>)
        tpu.yield
      }) : () -> ()
      %add3A_196 = arith.constant 2 : i32
      %add3A_197 = arith.addi %mul3A_184, %add3A_196 : i32
      %rem3A = arith.constant 40 : i32
      %rem3A_198 = arith.remsi %add3A_197, %rem3A : i32
      %dma_start3A_199 = arith.constant 0 : i32
      %dma_start3A_200 = tpu.memref_slice %arg10[%rem3A_198, %dma_start3A_199] : memref<40x128xi32, #tpu.memory_space<vmem>> -> memref<1x128xi32, #tpu.memory_space<vmem>>
      %dma_start3A_201 = tpu.memref_squeeze %dma_start3A_200 : memref<1x128xi32, #tpu.memory_space<vmem>> -> memref<128xi32, #tpu.memory_space<vmem>>
      %dma_start3A_202 = arith.constant 0 : i32
      %dma_start3A_203 = arith.constant 0 : i32
      %dma_start3A_204 = tpu.memref_slice %arg2[%dma_start3A_202, %dma_start3A_203] : memref<10112x128xf32, #tpu.memory_space<hbm>> -> memref<10112x128xf32, #tpu.memory_space<hbm>>
      tpu.enqueue_indirect_dma source(%dma_start3A_204 : memref<10112x128xf32, #tpu.memory_space<hbm>>) target(%arg12 : memref<128x128xf32, #tpu.memory_space<vmem>>) offsets(%dma_start3A_201 : memref<128xi32, #tpu.memory_space<vmem>>) semaphore(%arg15 : memref<!tpu.dma_semaphore, #tpu.memory_space<semaphore_mem>>)
      %dma_wait3A_205 = arith.constant 1 : i32
      %dma_wait3A_206 = arith.constant 0 : i32
      %dma_wait3A_207 = tpu.memref_slice %arg10[%dma_wait3A_205, %dma_wait3A_206] : memref<40x128xi32, #tpu.memory_space<vmem>> -> memref<1x128xi32, #tpu.memory_space<vmem>>
      %dma_wait3A_208 = tpu.memref_squeeze %dma_wait3A_207 : memref<1x128xi32, #tpu.memory_space<vmem>> -> memref<128xi32, #tpu.memory_space<vmem>>
      %dma_wait3A_209 = arith.constant 0 : i32
      %dma_wait3A_210 = arith.constant 0 : i32
      %dma_wait3A_211 = tpu.memref_slice %arg2[%dma_wait3A_209, %dma_wait3A_210] : memref<10112x128xf32, #tpu.memory_space<hbm>> -> memref<10112x128xf32, #tpu.memory_space<hbm>>
      tpu.wait_indirect_dma semaphore(%arg16 : memref<!tpu.dma_semaphore, #tpu.memory_space<semaphore_mem>>) src(%dma_wait3A_211 : memref<10112x128xf32, #tpu.memory_space<hbm>>) dst(%arg13 : memref<128x128xf32, #tpu.memory_space<vmem>>)
      "tpu.region"() ({
        %run_scoped3A_223 = tpu.sem_alloc : memref<!tpu.dma_semaphore, #tpu.memory_space<semaphore_mem>>
        %dma_start3A_224 = arith.constant 0 : i32
        %dma_start3A_225 = tpu.memref_slice %arg11[%add3A_188, %dma_start3A_224] : memref<40x128xi32, #tpu.memory_space<vmem>> -> memref<1x128xi32, #tpu.memory_space<vmem>>
        %dma_start3A_226 = tpu.memref_squeeze %dma_start3A_225 : memref<1x128xi32, #tpu.memory_space<vmem>> -> memref<128xi32, #tpu.memory_space<vmem>>
        %dma_start3A_227 = arith.constant 0 : i32
        %dma_start3A_228 = arith.constant 0 : i32
        %dma_start3A_229 = tpu.memref_slice %arg14[%dma_start3A_227, %dma_start3A_228] : memref<10112x128xf32, #tpu.memory_space<vmem_shared>> -> memref<10112x128xf32, #tpu.memory_space<vmem_shared>>
        tpu.enqueue_indirect_dma source(%arg13 : memref<128x128xf32, #tpu.memory_space<vmem>>) target(%dma_start3A_229 : memref<10112x128xf32, #tpu.memory_space<vmem_shared>>) offsets(%dma_start3A_226 : memref<128xi32, #tpu.memory_space<vmem>>) semaphore(%run_scoped3A_223 : memref<!tpu.dma_semaphore, #tpu.memory_space<semaphore_mem>>) {add = true}
        %dma_wait3A_230 = arith.constant 0 : i32
        %dma_wait3A_231 = tpu.memref_slice %arg11[%add3A_188, %dma_wait3A_230] : memref<40x128xi32, #tpu.memory_space<vmem>> -> memref<1x128xi32, #tpu.memory_space<vmem>>
        %dma_wait3A_232 = tpu.memref_squeeze %dma_wait3A_231 : memref<1x128xi32, #tpu.memory_space<vmem>> -> memref<128xi32, #tpu.memory_space<vmem>>
        %dma_wait3A_233 = arith.constant 0 : i32
        %dma_wait3A_234 = arith.constant 0 : i32
        %dma_wait3A_235 = tpu.memref_slice %arg14[%dma_wait3A_233, %dma_wait3A_234] : memref<10112x128xf32, #tpu.memory_space<vmem_shared>> -> memref<10112x128xf32, #tpu.memory_space<vmem_shared>>
        tpu.wait_indirect_dma semaphore(%run_scoped3A_223 : memref<!tpu.dma_semaphore, #tpu.memory_space<semaphore_mem>>) src(%arg13 : memref<128x128xf32, #tpu.memory_space<vmem>>) dst(%dma_wait3A_235 : memref<10112x128xf32, #tpu.memory_space<vmem_shared>>)
        tpu.yield
      }) : () -> ()
      %add3A_212 = arith.constant 2 : i32
      %add3A_213 = arith.addi %add3A_188, %add3A_212 : i32
      %rem3A_214 = arith.constant 40 : i32
      %rem3A_215 = arith.remsi %add3A_213, %rem3A_214 : i32
      %dma_start3A_216 = arith.constant 0 : i32
      %dma_start3A_217 = tpu.memref_slice %arg10[%rem3A_215, %dma_start3A_216] : memref<40x128xi32, #tpu.memory_space<vmem>> -> memref<1x128xi32, #tpu.memory_space<vmem>>
      %dma_start3A_218 = tpu.memref_squeeze %dma_start3A_217 : memref<1x128xi32, #tpu.memory_space<vmem>> -> memref<128xi32, #tpu.memory_space<vmem>>
      %dma_start3A_219 = arith.constant 0 : i32
      %dma_start3A_220 = arith.constant 0 : i32
      %dma_start3A_221 = tpu.memref_slice %arg2[%dma_start3A_219, %dma_start3A_220] : memref<10112x128xf32, #tpu.memory_space<hbm>> -> memref<10112x128xf32, #tpu.memory_space<hbm>>
      tpu.enqueue_indirect_dma source(%dma_start3A_221 : memref<10112x128xf32, #tpu.memory_space<hbm>>) target(%arg13 : memref<128x128xf32, #tpu.memory_space<vmem>>) offsets(%dma_start3A_218 : memref<128xi32, #tpu.memory_space<vmem>>) semaphore(%arg16 : memref<!tpu.dma_semaphore, #tpu.memory_space<semaphore_mem>>)
      %scan3A_222 = arith.constant 0 : i32
      scf.yield %scan3A_222 : i32
    }
    %scan3A_43 = arith.constant 20 : i32
    %dma_wait3A = arith.constant 0 : i32
    %dma_wait3A_44 = arith.constant 0 : i32
    %dma_wait3A_45 = tpu.memref_slice %arg10[%dma_wait3A, %dma_wait3A_44] : memref<40x128xi32, #tpu.memory_space<vmem>> -> memref<1x128xi32, #tpu.memory_space<vmem>>
    %dma_wait3A_46 = tpu.memref_squeeze %dma_wait3A_45 : memref<1x128xi32, #tpu.memory_space<vmem>> -> memref<128xi32, #tpu.memory_space<vmem>>
    %dma_wait3A_47 = arith.constant 0 : i32
    %dma_wait3A_48 = arith.constant 0 : i32
    %dma_wait3A_49 = tpu.memref_slice %arg2[%dma_wait3A_47, %dma_wait3A_48] : memref<10112x128xf32, #tpu.memory_space<hbm>> -> memref<10112x128xf32, #tpu.memory_space<hbm>>
    tpu.wait_indirect_dma semaphore(%arg15 : memref<!tpu.dma_semaphore, #tpu.memory_space<semaphore_mem>>) src(%dma_wait3A_49 : memref<10112x128xf32, #tpu.memory_space<hbm>>) dst(%arg12 : memref<128x128xf32, #tpu.memory_space<vmem>>)
    %dma_wait3A_50 = arith.constant 1 : i32
    %dma_wait3A_51 = arith.constant 0 : i32
    %dma_wait3A_52 = tpu.memref_slice %arg10[%dma_wait3A_50, %dma_wait3A_51] : memref<40x128xi32, #tpu.memory_space<vmem>> -> memref<1x128xi32, #tpu.memory_space<vmem>>
    %dma_wait3A_53 = tpu.memref_squeeze %dma_wait3A_52 : memref<1x128xi32, #tpu.memory_space<vmem>> -> memref<128xi32, #tpu.memory_space<vmem>>
    %dma_wait3A_54 = arith.constant 0 : i32
    %dma_wait3A_55 = arith.constant 0 : i32
    %dma_wait3A_56 = tpu.memref_slice %arg2[%dma_wait3A_54, %dma_wait3A_55] : memref<10112x128xf32, #tpu.memory_space<hbm>> -> memref<10112x128xf32, #tpu.memory_space<hbm>>
    tpu.wait_indirect_dma semaphore(%arg16 : memref<!tpu.dma_semaphore, #tpu.memory_space<semaphore_mem>>) src(%dma_wait3A_56 : memref<10112x128xf32, #tpu.memory_space<hbm>>) dst(%arg13 : memref<128x128xf32, #tpu.memory_space<vmem>>)
    %barrier3A_57 = arith.constant 0 : index
    tpu.barrier barrier_id(%barrier3A_57)
    "tpu.region"() ({
      %run_scoped3A_181 = tpu.sem_alloc : memref<!tpu.dma_semaphore, #tpu.memory_space<semaphore_mem>>
      %dma_start3A_182 = arith.constant 0 : i32
      %dma_start3A_183 = tpu.memref_slice %arg7[%arg0, %mul3A_2, %dma_start3A_182] : memref<2x10112x128xf32, #tpu.memory_space<hbm>> -> memref<1x632x128xf32, #tpu.memory_space<hbm>>
      %dma_start3A_184 = tpu.memref_squeeze %dma_start3A_183 : memref<1x632x128xf32, #tpu.memory_space<hbm>> -> memref<632x128xf32, #tpu.memory_space<hbm>>
      %dma_start3A_185 = arith.constant 0 : i32
      %dma_start3A_186 = tpu.memref_slice %arg14[%mul3A_2, %dma_start3A_185] : memref<10112x128xf32, #tpu.memory_space<vmem_shared>> -> memref<632x128xf32, #tpu.memory_space<vmem_shared>>
      tpu.enqueue_dma source(%dma_start3A_186 : memref<632x128xf32, #tpu.memory_space<vmem_shared>>) target(%dma_start3A_184 : memref<632x128xf32, #tpu.memory_space<hbm>>) target_semaphore(%run_scoped3A_181 : memref<!tpu.dma_semaphore, #tpu.memory_space<semaphore_mem>>)
      %dma_wait3A_187 = arith.constant 0 : i32
      %dma_wait3A_188 = tpu.memref_slice %arg7[%arg0, %mul3A_2, %dma_wait3A_187] : memref<2x10112x128xf32, #tpu.memory_space<hbm>> -> memref<1x632x128xf32, #tpu.memory_space<hbm>>
      %dma_wait3A_189 = tpu.memref_squeeze %dma_wait3A_188 : memref<1x632x128xf32, #tpu.memory_space<hbm>> -> memref<632x128xf32, #tpu.memory_space<hbm>>
      %dma_wait3A_190 = arith.constant 0 : i32
      %dma_wait3A_191 = tpu.memref_slice %arg14[%mul3A_2, %dma_wait3A_190] : memref<10112x128xf32, #tpu.memory_space<vmem_shared>> -> memref<632x128xf32, #tpu.memory_space<vmem_shared>>
      tpu.wait_dma2 semaphore(%run_scoped3A_181 : memref<!tpu.dma_semaphore, #tpu.memory_space<semaphore_mem>>) src(%dma_wait3A_191 : memref<632x128xf32, #tpu.memory_space<vmem_shared>>) dst(%dma_wait3A_189 : memref<632x128xf32, #tpu.memory_space<hbm>>)
      tpu.yield
    }) : () -> ()
    %barrier3A_58 = arith.constant 0 : index
    tpu.barrier barrier_id(%barrier3A_58)
    %scan3A_59 = arith.constant 0 : i32
    %scan3A_60 = arith.constant 0 : i32
    %scan3A_61 = arith.constant 128 : i32
    %scan3A_62 = arith.addi %scan3A_60, %scan3A_61 : i32
    %scan3A_63 = arith.constant 1 : i32
    %scan3A_64 = scf.for %scan3A_181 = %scan3A_60 to %scan3A_62 step %scan3A_63 iter_args(%scan3A_182 = %scan3A_59) -> (i32)  : i32 {
      %broadcast_in_dim3A = arith.constant 0.000000e+00 : f32
      %broadcast_in_dim3A_183 = vector.broadcast %broadcast_in_dim3A : f32 to vector<16xf32>
      %swap3A = arith.index_cast %scan3A_181 : i32 to index
      %swap3A_184 = arith.constant 0 : index
      %swap3A_185 = tpu.vector_load %arg12[%swap3A, %swap3A_184] {strides = array<i32>} : memref<128x128xf32, #tpu.memory_space<vmem>>, vector<1x16xf32>,
      %swap3A_186 = vector.shape_cast %swap3A_185 : vector<1x16xf32> to vector<16xf32>
      %swap3A_187 = vector.shape_cast %broadcast_in_dim3A_183 : vector<16xf32> to vector<1x16xf32>
      tpu.vector_store %arg12[%swap3A, %swap3A_184], %swap3A_187 {strides = array<i32>} : memref<128x128xf32, #tpu.memory_space<vmem>>, vector<1x16xf32>,
      %broadcast_in_dim3A_188 = arith.constant 0.000000e+00 : f32
      %broadcast_in_dim3A_189 = vector.broadcast %broadcast_in_dim3A_188 : f32 to vector<16xf32>
      %swap3A_190 = arith.index_cast %scan3A_181 : i32 to index
      %swap3A_191 = arith.constant 16 : index
      %swap3A_192 = tpu.vector_load %arg12[%swap3A_190, %swap3A_191] {strides = array<i32>} : memref<128x128xf32, #tpu.memory_space<vmem>>, vector<1x16xf32>,
      %swap3A_193 = vector.shape_cast %swap3A_192 : vector<1x16xf32> to vector<16xf32>
      %swap3A_194 = vector.shape_cast %broadcast_in_dim3A_189 : vector<16xf32> to vector<1x16xf32>
      tpu.vector_store %arg12[%swap3A_190, %swap3A_191], %swap3A_194 {strides = array<i32>} : memref<128x128xf32, #tpu.memory_space<vmem>>, vector<1x16xf32>,
      %broadcast_in_dim3A_195 = arith.constant 0.000000e+00 : f32
      %broadcast_in_dim3A_196 = vector.broadcast %broadcast_in_dim3A_195 : f32 to vector<16xf32>
      %swap3A_197 = arith.index_cast %scan3A_181 : i32 to index
      %swap3A_198 = arith.constant 32 : index
      %swap3A_199 = tpu.vector_load %arg12[%swap3A_197, %swap3A_198] {strides = array<i32>} : memref<128x128xf32, #tpu.memory_space<vmem>>, vector<1x16xf32>,
      %swap3A_200 = vector.shape_cast %swap3A_199 : vector<1x16xf32> to vector<16xf32>
      %swap3A_201 = vector.shape_cast %broadcast_in_dim3A_196 : vector<16xf32> to vector<1x16xf32>
      tpu.vector_store %arg12[%swap3A_197, %swap3A_198], %swap3A_201 {strides = array<i32>} : memref<128x128xf32, #tpu.memory_space<vmem>>, vector<1x16xf32>,
      %broadcast_in_dim3A_202 = arith.constant 0.000000e+00 : f32
      %broadcast_in_dim3A_203 = vector.broadcast %broadcast_in_dim3A_202 : f32 to vector<16xf32>
      %swap3A_204 = arith.index_cast %scan3A_181 : i32 to index
      %swap3A_205 = arith.constant 48 : index
      %swap3A_206 = tpu.vector_load %arg12[%swap3A_204, %swap3A_205] {strides = array<i32>} : memref<128x128xf32, #tpu.memory_space<vmem>>, vector<1x16xf32>,
      %swap3A_207 = vector.shape_cast %swap3A_206 : vector<1x16xf32> to vector<16xf32>
      %swap3A_208 = vector.shape_cast %broadcast_in_dim3A_203 : vector<16xf32> to vector<1x16xf32>
      tpu.vector_store %arg12[%swap3A_204, %swap3A_205], %swap3A_208 {strides = array<i32>} : memref<128x128xf32, #tpu.memory_space<vmem>>, vector<1x16xf32>,
      %broadcast_in_dim3A_209 = arith.constant 0.000000e+00 : f32
      %broadcast_in_dim3A_210 = vector.broadcast %broadcast_in_dim3A_209 : f32 to vector<16xf32>
      %swap3A_211 = arith.index_cast %scan3A_181 : i32 to index
      %swap3A_212 = arith.constant 64 : index
      %swap3A_213 = tpu.vector_load %arg12[%swap3A_211, %swap3A_212] {strides = array<i32>} : memref<128x128xf32, #tpu.memory_space<vmem>>, vector<1x16xf32>,
      %swap3A_214 = vector.shape_cast %swap3A_213 : vector<1x16xf32> to vector<16xf32>
      %swap3A_215 = vector.shape_cast %broadcast_in_dim3A_210 : vector<16xf32> to vector<1x16xf32>
      tpu.vector_store %arg12[%swap3A_211, %swap3A_212], %swap3A_215 {strides = array<i32>} : memref<128x128xf32, #tpu.memory_space<vmem>>, vector<1x16xf32>,
      %broadcast_in_dim3A_216 = arith.constant 0.000000e+00 : f32
      %broadcast_in_dim3A_217 = vector.broadcast %broadcast_in_dim3A_216 : f32 to vector<16xf32>
      %swap3A_218 = arith.index_cast %scan3A_181 : i32 to index
      %swap3A_219 = arith.constant 80 : index
      %swap3A_220 = tpu.vector_load %arg12[%swap3A_218, %swap3A_219] {strides = array<i32>} : memref<128x128xf32, #tpu.memory_space<vmem>>, vector<1x16xf32>,
      %swap3A_221 = vector.shape_cast %swap3A_220 : vector<1x16xf32> to vector<16xf32>
      %swap3A_222 = vector.shape_cast %broadcast_in_dim3A_217 : vector<16xf32> to vector<1x16xf32>
      tpu.vector_store %arg12[%swap3A_218, %swap3A_219], %swap3A_222 {strides = array<i32>} : memref<128x128xf32, #tpu.memory_space<vmem>>, vector<1x16xf32>,
      %broadcast_in_dim3A_223 = arith.constant 0.000000e+00 : f32
      %broadcast_in_dim3A_224 = vector.broadcast %broadcast_in_dim3A_223 : f32 to vector<16xf32>
      %swap3A_225 = arith.index_cast %scan3A_181 : i32 to index
      %swap3A_226 = arith.constant 96 : index
      %swap3A_227 = tpu.vector_load %arg12[%swap3A_225, %swap3A_226] {strides = array<i32>} : memref<128x128xf32, #tpu.memory_space<vmem>>, vector<1x16xf32>,
      %swap3A_228 = vector.shape_cast %swap3A_227 : vector<1x16xf32> to vector<16xf32>
      %swap3A_229 = vector.shape_cast %broadcast_in_dim3A_224 : vector<16xf32> to vector<1x16xf32>
      tpu.vector_store %arg12[%swap3A_225, %swap3A_226], %swap3A_229 {strides = array<i32>} : memref<128x128xf32, #tpu.memory_space<vmem>>, vector<1x16xf32>,
      %broadcast_in_dim3A_230 = arith.constant 0.000000e+00 : f32
      %broadcast_in_dim3A_231 = vector.broadcast %broadcast_in_dim3A_230 : f32 to vector<16xf32>
      %swap3A_232 = arith.index_cast %scan3A_181 : i32 to index
      %swap3A_233 = arith.constant 112 : index
      %swap3A_234 = tpu.vector_load %arg12[%swap3A_232, %swap3A_233] {strides = array<i32>} : memref<128x128xf32, #tpu.memory_space<vmem>>, vector<1x16xf32>,
      %swap3A_235 = vector.shape_cast %swap3A_234 : vector<1x16xf32> to vector<16xf32>
      %swap3A_236 = vector.shape_cast %broadcast_in_dim3A_231 : vector<16xf32> to vector<1x16xf32>
      tpu.vector_store %arg12[%swap3A_232, %swap3A_233], %swap3A_236 {strides = array<i32>} : memref<128x128xf32, #tpu.memory_space<vmem>>, vector<1x16xf32>,
      %scan3A_237 = arith.constant 0 : i32
      scf.yield %scan3A_237 : i32
    }
    %scan3A_65 = arith.constant 128 : i32
    %add3A_66 = arith.constant 0 : i32
    %add3A_67 = arith.addi %mul3A_2, %add3A_66 : i32
    "tpu.region"() ({
      %run_scoped3A_181 = tpu.sem_alloc : memref<!tpu.dma_semaphore, #tpu.memory_space<semaphore_mem>>
      %dma_start3A_182 = arith.constant 0 : i32
      %dma_start3A_183 = arith.constant 0 : i32
      %dma_start3A_184 = tpu.memref_slice %arg12[%dma_start3A_182, %dma_start3A_183] : memref<128x128xf32, #tpu.memory_space<vmem>> -> memref<128x128xf32, #tpu.memory_space<vmem>>
      %dma_start3A_185 = arith.constant 0 : i32
      %dma_start3A_186 = tpu.memref_slice %arg14[%add3A_67, %dma_start3A_185] : memref<10112x128xf32, #tpu.memory_space<vmem_shared>> -> memref<128x128xf32, #tpu.memory_space<vmem_shared>>
      %dma_start3A_187 = arith.constant 0 : i32
      %dma_start3A_188 = tpu.memref_slice %arg14[%add3A_67, %dma_start3A_187] : memref<10112x128xf32, #tpu.memory_space<vmem_shared>> -> memref<128x128xf32, #tpu.memory_space<vmem_shared>>
      %dma_start3A_189 = arith.constant 0 : i32
      %dma_start3A_190 = arith.constant 0 : i32
      %dma_start3A_191 = tpu.memref_slice %arg12[%dma_start3A_189, %dma_start3A_190] : memref<128x128xf32, #tpu.memory_space<vmem>> -> memref<128x128xf32, #tpu.memory_space<vmem>>
      tpu.enqueue_dma source(%dma_start3A_191 : memref<128x128xf32, #tpu.memory_space<vmem>>) target(%dma_start3A_188 : memref<128x128xf32, #tpu.memory_space<vmem_shared>>) target_semaphore(%run_scoped3A_181 : memref<!tpu.dma_semaphore, #tpu.memory_space<semaphore_mem>>)
      %dma_wait3A_192 = arith.constant 0 : i32
      %dma_wait3A_193 = arith.constant 0 : i32
      %dma_wait3A_194 = tpu.memref_slice %arg12[%dma_wait3A_192, %dma_wait3A_193] : memref<128x128xf32, #tpu.memory_space<vmem>> -> memref<128x128xf32, #tpu.memory_space<vmem>>
      %dma_wait3A_195 = arith.constant 0 : i32
      %dma_wait3A_196 = tpu.memref_slice %arg14[%add3A_67, %dma_wait3A_195] : memref<10112x128xf32, #tpu.memory_space<vmem_shared>> -> memref<128x128xf32, #tpu.memory_space<vmem_shared>>
      %dma_wait3A_197 = arith.constant 0 : i32
      %dma_wait3A_198 = tpu.memref_slice %arg14[%add3A_67, %dma_wait3A_197] : memref<10112x128xf32, #tpu.memory_space<vmem_shared>> -> memref<128x128xf32, #tpu.memory_space<vmem_shared>>
      %dma_wait3A_199 = arith.constant 0 : i32
      %dma_wait3A_200 = arith.constant 0 : i32
      %dma_wait3A_201 = tpu.memref_slice %arg12[%dma_wait3A_199, %dma_wait3A_200] : memref<128x128xf32, #tpu.memory_space<vmem>> -> memref<128x128xf32, #tpu.memory_space<vmem>>
      tpu.wait_dma2 semaphore(%run_scoped3A_181 : memref<!tpu.dma_semaphore, #tpu.memory_space<semaphore_mem>>) src(%dma_wait3A_201 : memref<128x128xf32, #tpu.memory_space<vmem>>) dst(%dma_wait3A_198 : memref<128x128xf32, #tpu.memory_space<vmem_shared>>)
      tpu.yield
    }) : () -> ()
    %add3A_68 = arith.constant 128 : i32
    %add3A_69 = arith.addi %mul3A_2, %add3A_68 : i32
    "tpu.region"() ({
      %run_scoped3A_181 = tpu.sem_alloc : memref<!tpu.dma_semaphore, #tpu.memory_space<semaphore_mem>>
      %dma_start3A_182 = arith.constant 0 : i32
      %dma_start3A_183 = arith.constant 0 : i32
      %dma_start3A_184 = tpu.memref_slice %arg12[%dma_start3A_182, %dma_start3A_183] : memref<128x128xf32, #tpu.memory_space<vmem>> -> memref<128x128xf32, #tpu.memory_space<vmem>>
      %dma_start3A_185 = arith.constant 0 : i32
      %dma_start3A_186 = tpu.memref_slice %arg14[%add3A_69, %dma_start3A_185] : memref<10112x128xf32, #tpu.memory_space<vmem_shared>> -> memref<128x128xf32, #tpu.memory_space<vmem_shared>>
      %dma_start3A_187 = arith.constant 0 : i32
      %dma_start3A_188 = tpu.memref_slice %arg14[%add3A_69, %dma_start3A_187] : memref<10112x128xf32, #tpu.memory_space<vmem_shared>> -> memref<128x128xf32, #tpu.memory_space<vmem_shared>>
      %dma_start3A_189 = arith.constant 0 : i32
      %dma_start3A_190 = arith.constant 0 : i32
      %dma_start3A_191 = tpu.memref_slice %arg12[%dma_start3A_189, %dma_start3A_190] : memref<128x128xf32, #tpu.memory_space<vmem>> -> memref<128x128xf32, #tpu.memory_space<vmem>>
      tpu.enqueue_dma source(%dma_start3A_191 : memref<128x128xf32, #tpu.memory_space<vmem>>) target(%dma_start3A_188 : memref<128x128xf32, #tpu.memory_space<vmem_shared>>) target_semaphore(%run_scoped3A_181 : memref<!tpu.dma_semaphore, #tpu.memory_space<semaphore_mem>>)
      %dma_wait3A_192 = arith.constant 0 : i32
      %dma_wait3A_193 = arith.constant 0 : i32
      %dma_wait3A_194 = tpu.memref_slice %arg12[%dma_wait3A_192, %dma_wait3A_193] : memref<128x128xf32, #tpu.memory_space<vmem>> -> memref<128x128xf32, #tpu.memory_space<vmem>>
      %dma_wait3A_195 = arith.constant 0 : i32
      %dma_wait3A_196 = tpu.memref_slice %arg14[%add3A_69, %dma_wait3A_195] : memref<10112x128xf32, #tpu.memory_space<vmem_shared>> -> memref<128x128xf32, #tpu.memory_space<vmem_shared>>
      %dma_wait3A_197 = arith.constant 0 : i32
      %dma_wait3A_198 = tpu.memref_slice %arg14[%add3A_69, %dma_wait3A_197] : memref<10112x128xf32, #tpu.memory_space<vmem_shared>> -> memref<128x128xf32, #tpu.memory_space<vmem_shared>>
      %dma_wait3A_199 = arith.constant 0 : i32
      %dma_wait3A_200 = arith.constant 0 : i32
      %dma_wait3A_201 = tpu.memref_slice %arg12[%dma_wait3A_199, %dma_wait3A_200] : memref<128x128xf32, #tpu.memory_space<vmem>> -> memref<128x128xf32, #tpu.memory_space<vmem>>
      tpu.wait_dma2 semaphore(%run_scoped3A_181 : memref<!tpu.dma_semaphore, #tpu.memory_space<semaphore_mem>>) src(%dma_wait3A_201 : memref<128x128xf32, #tpu.memory_space<vmem>>) dst(%dma_wait3A_198 : memref<128x128xf32, #tpu.memory_space<vmem_shared>>)
      tpu.yield
    }) : () -> ()
    %add3A_70 = arith.constant 256 : i32
    %add3A_71 = arith.addi %mul3A_2, %add3A_70 : i32
    "tpu.region"() ({
      %run_scoped3A_181 = tpu.sem_alloc : memref<!tpu.dma_semaphore, #tpu.memory_space<semaphore_mem>>
      %dma_start3A_182 = arith.constant 0 : i32
      %dma_start3A_183 = arith.constant 0 : i32
      %dma_start3A_184 = tpu.memref_slice %arg12[%dma_start3A_182, %dma_start3A_183] : memref<128x128xf32, #tpu.memory_space<vmem>> -> memref<128x128xf32, #tpu.memory_space<vmem>>
      %dma_start3A_185 = arith.constant 0 : i32
      %dma_start3A_186 = tpu.memref_slice %arg14[%add3A_71, %dma_start3A_185] : memref<10112x128xf32, #tpu.memory_space<vmem_shared>> -> memref<128x128xf32, #tpu.memory_space<vmem_shared>>
      %dma_start3A_187 = arith.constant 0 : i32
      %dma_start3A_188 = tpu.memref_slice %arg14[%add3A_71, %dma_start3A_187] : memref<10112x128xf32, #tpu.memory_space<vmem_shared>> -> memref<128x128xf32, #tpu.memory_space<vmem_shared>>
      %dma_start3A_189 = arith.constant 0 : i32
      %dma_start3A_190 = arith.constant 0 : i32
      %dma_start3A_191 = tpu.memref_slice %arg12[%dma_start3A_189, %dma_start3A_190] : memref<128x128xf32, #tpu.memory_space<vmem>> -> memref<128x128xf32, #tpu.memory_space<vmem>>
      tpu.enqueue_dma source(%dma_start3A_191 : memref<128x128xf32, #tpu.memory_space<vmem>>) target(%dma_start3A_188 : memref<128x128xf32, #tpu.memory_space<vmem_shared>>) target_semaphore(%run_scoped3A_181 : memref<!tpu.dma_semaphore, #tpu.memory_space<semaphore_mem>>)
      %dma_wait3A_192 = arith.constant 0 : i32
      %dma_wait3A_193 = arith.constant 0 : i32
      %dma_wait3A_194 = tpu.memref_slice %arg12[%dma_wait3A_192, %dma_wait3A_193] : memref<128x128xf32, #tpu.memory_space<vmem>> -> memref<128x128xf32, #tpu.memory_space<vmem>>
      %dma_wait3A_195 = arith.constant 0 : i32
      %dma_wait3A_196 = tpu.memref_slice %arg14[%add3A_71, %dma_wait3A_195] : memref<10112x128xf32, #tpu.memory_space<vmem_shared>> -> memref<128x128xf32, #tpu.memory_space<vmem_shared>>
      %dma_wait3A_197 = arith.constant 0 : i32
      %dma_wait3A_198 = tpu.memref_slice %arg14[%add3A_71, %dma_wait3A_197] : memref<10112x128xf32, #tpu.memory_space<vmem_shared>> -> memref<128x128xf32, #tpu.memory_space<vmem_shared>>
      %dma_wait3A_199 = arith.constant 0 : i32
      %dma_wait3A_200 = arith.constant 0 : i32
      %dma_wait3A_201 = tpu.memref_slice %arg12[%dma_wait3A_199, %dma_wait3A_200] : memref<128x128xf32, #tpu.memory_space<vmem>> -> memref<128x128xf32, #tpu.memory_space<vmem>>
      tpu.wait_dma2 semaphore(%run_scoped3A_181 : memref<!tpu.dma_semaphore, #tpu.memory_space<semaphore_mem>>) src(%dma_wait3A_201 : memref<128x128xf32, #tpu.memory_space<vmem>>) dst(%dma_wait3A_198 : memref<128x128xf32, #tpu.memory_space<vmem_shared>>)
      tpu.yield
    }) : () -> ()
    %add3A_72 = arith.constant 384 : i32
    %add3A_73 = arith.addi %mul3A_2, %add3A_72 : i32
    "tpu.region"() ({
      %run_scoped3A_181 = tpu.sem_alloc : memref<!tpu.dma_semaphore, #tpu.memory_space<semaphore_mem>>
      %dma_start3A_182 = arith.constant 0 : i32
      %dma_start3A_183 = arith.constant 0 : i32
      %dma_start3A_184 = tpu.memref_slice %arg12[%dma_start3A_182, %dma_start3A_183] : memref<128x128xf32, #tpu.memory_space<vmem>> -> memref<128x128xf32, #tpu.memory_space<vmem>>
      %dma_start3A_185 = arith.constant 0 : i32
      %dma_start3A_186 = tpu.memref_slice %arg14[%add3A_73, %dma_start3A_185] : memref<10112x128xf32, #tpu.memory_space<vmem_shared>> -> memref<128x128xf32, #tpu.memory_space<vmem_shared>>
      %dma_start3A_187 = arith.constant 0 : i32
      %dma_start3A_188 = tpu.memref_slice %arg14[%add3A_73, %dma_start3A_187] : memref<10112x128xf32, #tpu.memory_space<vmem_shared>> -> memref<128x128xf32, #tpu.memory_space<vmem_shared>>
      %dma_start3A_189 = arith.constant 0 : i32
      %dma_start3A_190 = arith.constant 0 : i32
      %dma_start3A_191 = tpu.memref_slice %arg12[%dma_start3A_189, %dma_start3A_190] : memref<128x128xf32, #tpu.memory_space<vmem>> -> memref<128x128xf32, #tpu.memory_space<vmem>>
      tpu.enqueue_dma source(%dma_start3A_191 : memref<128x128xf32, #tpu.memory_space<vmem>>) target(%dma_start3A_188 : memref<128x128xf32, #tpu.memory_space<vmem_shared>>) target_semaphore(%run_scoped3A_181 : memref<!tpu.dma_semaphore, #tpu.memory_space<semaphore_mem>>)
      %dma_wait3A_192 = arith.constant 0 : i32
      %dma_wait3A_193 = arith.constant 0 : i32
      %dma_wait3A_194 = tpu.memref_slice %arg12[%dma_wait3A_192, %dma_wait3A_193] : memref<128x128xf32, #tpu.memory_space<vmem>> -> memref<128x128xf32, #tpu.memory_space<vmem>>
      %dma_wait3A_195 = arith.constant 0 : i32
      %dma_wait3A_196 = tpu.memref_slice %arg14[%add3A_73, %dma_wait3A_195] : memref<10112x128xf32, #tpu.memory_space<vmem_shared>> -> memref<128x128xf32, #tpu.memory_space<vmem_shared>>
      %dma_wait3A_197 = arith.constant 0 : i32
      %dma_wait3A_198 = tpu.memref_slice %arg14[%add3A_73, %dma_wait3A_197] : memref<10112x128xf32, #tpu.memory_space<vmem_shared>> -> memref<128x128xf32, #tpu.memory_space<vmem_shared>>
      %dma_wait3A_199 = arith.constant 0 : i32
      %dma_wait3A_200 = arith.constant 0 : i32
      %dma_wait3A_201 = tpu.memref_slice %arg12[%dma_wait3A_199, %dma_wait3A_200] : memref<128x128xf32, #tpu.memory_space<vmem>> -> memref<128x128xf32, #tpu.memory_space<vmem>>
      tpu.wait_dma2 semaphore(%run_scoped3A_181 : memref<!tpu.dma_semaphore, #tpu.memory_space<semaphore_mem>>) src(%dma_wait3A_201 : memref<128x128xf32, #tpu.memory_space<vmem>>) dst(%dma_wait3A_198 : memref<128x128xf32, #tpu.memory_space<vmem_shared>>)
      tpu.yield
    }) : () -> ()
    %add3A_74 = arith.constant 512 : i32
    %add3A_75 = arith.addi %mul3A_2, %add3A_74 : i32
    "tpu.region"() ({
      %run_scoped3A_181 = tpu.sem_alloc : memref<!tpu.dma_semaphore, #tpu.memory_space<semaphore_mem>>
      %dma_start3A_182 = arith.constant 0 : i32
      %dma_start3A_183 = arith.constant 0 : i32
      %dma_start3A_184 = tpu.memref_slice %arg12[%dma_start3A_182, %dma_start3A_183] : memref<128x128xf32, #tpu.memory_space<vmem>> -> memref<120x128xf32, #tpu.memory_space<vmem>>
      %dma_start3A_185 = arith.constant 0 : i32
      %dma_start3A_186 = tpu.memref_slice %arg14[%add3A_75, %dma_start3A_185] : memref<10112x128xf32, #tpu.memory_space<vmem_shared>> -> memref<120x128xf32, #tpu.memory_space<vmem_shared>>
      %dma_start3A_187 = arith.constant 0 : i32
      %dma_start3A_188 = tpu.memref_slice %arg14[%add3A_75, %dma_start3A_187] : memref<10112x128xf32, #tpu.memory_space<vmem_shared>> -> memref<120x128xf32, #tpu.memory_space<vmem_shared>>
      %dma_start3A_189 = arith.constant 0 : i32
      %dma_start3A_190 = arith.constant 0 : i32
      %dma_start3A_191 = tpu.memref_slice %arg12[%dma_start3A_189, %dma_start3A_190] : memref<128x128xf32, #tpu.memory_space<vmem>> -> memref<120x128xf32, #tpu.memory_space<vmem>>
      tpu.enqueue_dma source(%dma_start3A_191 : memref<120x128xf32, #tpu.memory_space<vmem>>) target(%dma_start3A_188 : memref<120x128xf32, #tpu.memory_space<vmem_shared>>) target_semaphore(%run_scoped3A_181 : memref<!tpu.dma_semaphore, #tpu.memory_space<semaphore_mem>>)
      %dma_wait3A_192 = arith.constant 0 : i32
      %dma_wait3A_193 = arith.constant 0 : i32
      %dma_wait3A_194 = tpu.memref_slice %arg12[%dma_wait3A_192, %dma_wait3A_193] : memref<128x128xf32, #tpu.memory_space<vmem>> -> memref<120x128xf32, #tpu.memory_space<vmem>>
      %dma_wait3A_195 = arith.constant 0 : i32
      %dma_wait3A_196 = tpu.memref_slice %arg14[%add3A_75, %dma_wait3A_195] : memref<10112x128xf32, #tpu.memory_space<vmem_shared>> -> memref<120x128xf32, #tpu.memory_space<vmem_shared>>
      %dma_wait3A_197 = arith.constant 0 : i32
      %dma_wait3A_198 = tpu.memref_slice %arg14[%add3A_75, %dma_wait3A_197] : memref<10112x128xf32, #tpu.memory_space<vmem_shared>> -> memref<120x128xf32, #tpu.memory_space<vmem_shared>>
      %dma_wait3A_199 = arith.constant 0 : i32
      %dma_wait3A_200 = arith.constant 0 : i32
      %dma_wait3A_201 = tpu.memref_slice %arg12[%dma_wait3A_199, %dma_wait3A_200] : memref<128x128xf32, #tpu.memory_space<vmem>> -> memref<120x128xf32, #tpu.memory_space<vmem>>
      tpu.wait_dma2 semaphore(%run_scoped3A_181 : memref<!tpu.dma_semaphore, #tpu.memory_space<semaphore_mem>>) src(%dma_wait3A_201 : memref<120x128xf32, #tpu.memory_space<vmem>>) dst(%dma_wait3A_198 : memref<120x128xf32, #tpu.memory_space<vmem_shared>>)
      tpu.yield
    }) : () -> ()
    %barrier3A_76 = arith.constant 0 : index
    tpu.barrier barrier_id(%barrier3A_76)
    %mul3A_77 = arith.constant 40 : i32
    %mul3A_78 = arith.muli %add3A, %mul3A_77 : i32
    %run_scoped3A_79 = arith.constant 1 : i32
    "tpu.region"() ({
      %run_scoped3A_181 = tpu.sem_alloc : memref<!tpu.dma_semaphore, #tpu.memory_space<semaphore_mem>>
      %dma_start3A_182 = arith.constant 0 : i32
      %dma_start3A_183 = tpu.memref_slice %arg5[%run_scoped3A_79, %mul3A_78, %dma_start3A_182] : memref<3x1280x128xi32, #tpu.memory_space<hbm>> -> memref<1x40x128xi32, #tpu.memory_space<hbm>>
      %dma_start3A_184 = tpu.memref_squeeze %dma_start3A_183 : memref<1x40x128xi32, #tpu.memory_space<hbm>> -> memref<40x128xi32, #tpu.memory_space<hbm>>
      %dma_start3A_185 = arith.constant 0 : i32
      %dma_start3A_186 = tpu.memref_slice %arg5[%run_scoped3A_79, %mul3A_78, %dma_start3A_185] : memref<3x1280x128xi32, #tpu.memory_space<hbm>> -> memref<1x40x128xi32, #tpu.memory_space<hbm>>
      %dma_start3A_187 = tpu.memref_squeeze %dma_start3A_186 : memref<1x40x128xi32, #tpu.memory_space<hbm>> -> memref<40x128xi32, #tpu.memory_space<hbm>>
      tpu.enqueue_dma source(%dma_start3A_187 : memref<40x128xi32, #tpu.memory_space<hbm>>) target(%arg10 : memref<40x128xi32, #tpu.memory_space<vmem>>) target_semaphore(%run_scoped3A_181 : memref<!tpu.dma_semaphore, #tpu.memory_space<semaphore_mem>>)
      %dma_wait3A_188 = arith.constant 0 : i32
      %dma_wait3A_189 = tpu.memref_slice %arg5[%run_scoped3A_79, %mul3A_78, %dma_wait3A_188] : memref<3x1280x128xi32, #tpu.memory_space<hbm>> -> memref<1x40x128xi32, #tpu.memory_space<hbm>>
      %dma_wait3A_190 = tpu.memref_squeeze %dma_wait3A_189 : memref<1x40x128xi32, #tpu.memory_space<hbm>> -> memref<40x128xi32, #tpu.memory_space<hbm>>
      %dma_wait3A_191 = arith.constant 0 : i32
      %dma_wait3A_192 = tpu.memref_slice %arg5[%run_scoped3A_79, %mul3A_78, %dma_wait3A_191] : memref<3x1280x128xi32, #tpu.memory_space<hbm>> -> memref<1x40x128xi32, #tpu.memory_space<hbm>>
      %dma_wait3A_193 = tpu.memref_squeeze %dma_wait3A_192 : memref<1x40x128xi32, #tpu.memory_space<hbm>> -> memref<40x128xi32, #tpu.memory_space<hbm>>
      tpu.wait_dma2 semaphore(%run_scoped3A_181 : memref<!tpu.dma_semaphore, #tpu.memory_space<semaphore_mem>>) src(%dma_wait3A_193 : memref<40x128xi32, #tpu.memory_space<hbm>>) dst(%arg10 : memref<40x128xi32, #tpu.memory_space<vmem>>)
      tpu.yield
    }) : () -> ()
    %mul3A_80 = arith.constant 40 : i32
    %mul3A_81 = arith.muli %add3A, %mul3A_80 : i32
    %run_scoped3A_82 = arith.constant 1 : i32
    "tpu.region"() ({
      %run_scoped3A_181 = tpu.sem_alloc : memref<!tpu.dma_semaphore, #tpu.memory_space<semaphore_mem>>
      %dma_start3A_182 = arith.constant 0 : i32
      %dma_start3A_183 = tpu.memref_slice %arg6[%run_scoped3A_82, %mul3A_81, %dma_start3A_182] : memref<3x1280x128xi32, #tpu.memory_space<hbm>> -> memref<1x40x128xi32, #tpu.memory_space<hbm>>
      %dma_start3A_184 = tpu.memref_squeeze %dma_start3A_183 : memref<1x40x128xi32, #tpu.memory_space<hbm>> -> memref<40x128xi32, #tpu.memory_space<hbm>>
      %dma_start3A_185 = arith.constant 0 : i32
      %dma_start3A_186 = tpu.memref_slice %arg6[%run_scoped3A_82, %mul3A_81, %dma_start3A_185] : memref<3x1280x128xi32, #tpu.memory_space<hbm>> -> memref<1x40x128xi32, #tpu.memory_space<hbm>>
      %dma_start3A_187 = tpu.memref_squeeze %dma_start3A_186 : memref<1x40x128xi32, #tpu.memory_space<hbm>> -> memref<40x128xi32, #tpu.memory_space<hbm>>
      tpu.enqueue_dma source(%dma_start3A_187 : memref<40x128xi32, #tpu.memory_space<hbm>>) target(%arg11 : memref<40x128xi32, #tpu.memory_space<vmem>>) target_semaphore(%run_scoped3A_181 : memref<!tpu.dma_semaphore, #tpu.memory_space<semaphore_mem>>)
      %dma_wait3A_188 = arith.constant 0 : i32
      %dma_wait3A_189 = tpu.memref_slice %arg6[%run_scoped3A_82, %mul3A_81, %dma_wait3A_188] : memref<3x1280x128xi32, #tpu.memory_space<hbm>> -> memref<1x40x128xi32, #tpu.memory_space<hbm>>
      %dma_wait3A_190 = tpu.memref_squeeze %dma_wait3A_189 : memref<1x40x128xi32, #tpu.memory_space<hbm>> -> memref<40x128xi32, #tpu.memory_space<hbm>>
      %dma_wait3A_191 = arith.constant 0 : i32
      %dma_wait3A_192 = tpu.memref_slice %arg6[%run_scoped3A_82, %mul3A_81, %dma_wait3A_191] : memref<3x1280x128xi32, #tpu.memory_space<hbm>> -> memref<1x40x128xi32, #tpu.memory_space<hbm>>
      %dma_wait3A_193 = tpu.memref_squeeze %dma_wait3A_192 : memref<1x40x128xi32, #tpu.memory_space<hbm>> -> memref<40x128xi32, #tpu.memory_space<hbm>>
      tpu.wait_dma2 semaphore(%run_scoped3A_181 : memref<!tpu.dma_semaphore, #tpu.memory_space<semaphore_mem>>) src(%dma_wait3A_193 : memref<40x128xi32, #tpu.memory_space<hbm>>) dst(%arg11 : memref<40x128xi32, #tpu.memory_space<vmem>>)
      tpu.yield
    }) : () -> ()
    %dma_start3A_83 = arith.constant 0 : i32
    %dma_start3A_84 = arith.constant 0 : i32
    %dma_start3A_85 = tpu.memref_slice %arg10[%dma_start3A_83, %dma_start3A_84] : memref<40x128xi32, #tpu.memory_space<vmem>> -> memref<1x128xi32, #tpu.memory_space<vmem>>
    %dma_start3A_86 = tpu.memref_squeeze %dma_start3A_85 : memref<1x128xi32, #tpu.memory_space<vmem>> -> memref<128xi32, #tpu.memory_space<vmem>>
    %dma_start3A_87 = arith.constant 0 : i32
    %dma_start3A_88 = arith.constant 0 : i32
    %dma_start3A_89 = tpu.memref_slice %arg3[%dma_start3A_87, %dma_start3A_88] : memref<10112x128xf32, #tpu.memory_space<hbm>> -> memref<10112x128xf32, #tpu.memory_space<hbm>>
    tpu.enqueue_indirect_dma source(%dma_start3A_89 : memref<10112x128xf32, #tpu.memory_space<hbm>>) target(%arg12 : memref<128x128xf32, #tpu.memory_space<vmem>>) offsets(%dma_start3A_86 : memref<128xi32, #tpu.memory_space<vmem>>) semaphore(%arg15 : memref<!tpu.dma_semaphore, #tpu.memory_space<semaphore_mem>>)
    %dma_start3A_90 = arith.constant 1 : i32
    %dma_start3A_91 = arith.constant 0 : i32
    %dma_start3A_92 = tpu.memref_slice %arg10[%dma_start3A_90, %dma_start3A_91] : memref<40x128xi32, #tpu.memory_space<vmem>> -> memref<1x128xi32, #tpu.memory_space<vmem>>
    %dma_start3A_93 = tpu.memref_squeeze %dma_start3A_92 : memref<1x128xi32, #tpu.memory_space<vmem>> -> memref<128xi32, #tpu.memory_space<vmem>>
    %dma_start3A_94 = arith.constant 0 : i32
    %dma_start3A_95 = arith.constant 0 : i32
    %dma_start3A_96 = tpu.memref_slice %arg3[%dma_start3A_94, %dma_start3A_95] : memref<10112x128xf32, #tpu.memory_space<hbm>> -> memref<10112x128xf32, #tpu.memory_space<hbm>>
    tpu.enqueue_indirect_dma source(%dma_start3A_96 : memref<10112x128xf32, #tpu.memory_space<hbm>>) target(%arg13 : memref<128x128xf32, #tpu.memory_space<vmem>>) offsets(%dma_start3A_93 : memref<128xi32, #tpu.memory_space<vmem>>) semaphore(%arg16 : memref<!tpu.dma_semaphore, #tpu.memory_space<semaphore_mem>>)
    %scan3A_97 = arith.constant 0 : i32
    %scan3A_98 = arith.constant 0 : i32
    %scan3A_99 = arith.constant 20 : i32
    %scan3A_100 = arith.addi %scan3A_98, %scan3A_99 : i32
    %scan3A_101 = arith.constant 1 : i32
    %scan3A_102 = scf.for %scan3A_181 = %scan3A_98 to %scan3A_100 step %scan3A_101 iter_args(%scan3A_182 = %scan3A_97) -> (i32)  : i32 {
      %mul3A_183 = arith.constant 2 : i32
      %mul3A_184 = arith.muli %mul3A_183, %scan3A_181 : i32
      %mul3A_185 = arith.constant 2 : i32
      %mul3A_186 = arith.muli %mul3A_185, %scan3A_181 : i32
      %add3A_187 = arith.constant 1 : i32
      %add3A_188 = arith.addi %mul3A_186, %add3A_187 : i32
      %dma_wait3A_189 = arith.constant 0 : i32
      %dma_wait3A_190 = arith.constant 0 : i32
      %dma_wait3A_191 = tpu.memref_slice %arg10[%dma_wait3A_189, %dma_wait3A_190] : memref<40x128xi32, #tpu.memory_space<vmem>> -> memref<1x128xi32, #tpu.memory_space<vmem>>
      %dma_wait3A_192 = tpu.memref_squeeze %dma_wait3A_191 : memref<1x128xi32, #tpu.memory_space<vmem>> -> memref<128xi32, #tpu.memory_space<vmem>>
      %dma_wait3A_193 = arith.constant 0 : i32
      %dma_wait3A_194 = arith.constant 0 : i32
      %dma_wait3A_195 = tpu.memref_slice %arg3[%dma_wait3A_193, %dma_wait3A_194] : memref<10112x128xf32, #tpu.memory_space<hbm>> -> memref<10112x128xf32, #tpu.memory_space<hbm>>
      tpu.wait_indirect_dma semaphore(%arg15 : memref<!tpu.dma_semaphore, #tpu.memory_space<semaphore_mem>>) src(%dma_wait3A_195 : memref<10112x128xf32, #tpu.memory_space<hbm>>) dst(%arg12 : memref<128x128xf32, #tpu.memory_space<vmem>>)
      "tpu.region"() ({
        %run_scoped3A_223 = tpu.sem_alloc : memref<!tpu.dma_semaphore, #tpu.memory_space<semaphore_mem>>
        %dma_start3A_224 = arith.constant 0 : i32
        %dma_start3A_225 = tpu.memref_slice %arg11[%mul3A_184, %dma_start3A_224] : memref<40x128xi32, #tpu.memory_space<vmem>> -> memref<1x128xi32, #tpu.memory_space<vmem>>
        %dma_start3A_226 = tpu.memref_squeeze %dma_start3A_225 : memref<1x128xi32, #tpu.memory_space<vmem>> -> memref<128xi32, #tpu.memory_space<vmem>>
        %dma_start3A_227 = arith.constant 0 : i32
        %dma_start3A_228 = arith.constant 0 : i32
        %dma_start3A_229 = tpu.memref_slice %arg14[%dma_start3A_227, %dma_start3A_228] : memref<10112x128xf32, #tpu.memory_space<vmem_shared>> -> memref<10112x128xf32, #tpu.memory_space<vmem_shared>>
        tpu.enqueue_indirect_dma source(%arg12 : memref<128x128xf32, #tpu.memory_space<vmem>>) target(%dma_start3A_229 : memref<10112x128xf32, #tpu.memory_space<vmem_shared>>) offsets(%dma_start3A_226 : memref<128xi32, #tpu.memory_space<vmem>>) semaphore(%run_scoped3A_223 : memref<!tpu.dma_semaphore, #tpu.memory_space<semaphore_mem>>) {add = true}
        %dma_wait3A_230 = arith.constant 0 : i32
        %dma_wait3A_231 = tpu.memref_slice %arg11[%mul3A_184, %dma_wait3A_230] : memref<40x128xi32, #tpu.memory_space<vmem>> -> memref<1x128xi32, #tpu.memory_space<vmem>>
        %dma_wait3A_232 = tpu.memref_squeeze %dma_wait3A_231 : memref<1x128xi32, #tpu.memory_space<vmem>> -> memref<128xi32, #tpu.memory_space<vmem>>
        %dma_wait3A_233 = arith.constant 0 : i32
        %dma_wait3A_234 = arith.constant 0 : i32
        %dma_wait3A_235 = tpu.memref_slice %arg14[%dma_wait3A_233, %dma_wait3A_234] : memref<10112x128xf32, #tpu.memory_space<vmem_shared>> -> memref<10112x128xf32, #tpu.memory_space<vmem_shared>>
        tpu.wait_indirect_dma semaphore(%run_scoped3A_223 : memref<!tpu.dma_semaphore, #tpu.memory_space<semaphore_mem>>) src(%arg12 : memref<128x128xf32, #tpu.memory_space<vmem>>) dst(%dma_wait3A_235 : memref<10112x128xf32, #tpu.memory_space<vmem_shared>>)
        tpu.yield
      }) : () -> ()
      %add3A_196 = arith.constant 2 : i32
      %add3A_197 = arith.addi %mul3A_184, %add3A_196 : i32
      %rem3A = arith.constant 40 : i32
      %rem3A_198 = arith.remsi %add3A_197, %rem3A : i32
      %dma_start3A_199 = arith.constant 0 : i32
      %dma_start3A_200 = tpu.memref_slice %arg10[%rem3A_198, %dma_start3A_199] : memref<40x128xi32, #tpu.memory_space<vmem>> -> memref<1x128xi32, #tpu.memory_space<vmem>>
      %dma_start3A_201 = tpu.memref_squeeze %dma_start3A_200 : memref<1x128xi32, #tpu.memory_space<vmem>> -> memref<128xi32, #tpu.memory_space<vmem>>
      %dma_start3A_202 = arith.constant 0 : i32
      %dma_start3A_203 = arith.constant 0 : i32
      %dma_start3A_204 = tpu.memref_slice %arg3[%dma_start3A_202, %dma_start3A_203] : memref<10112x128xf32, #tpu.memory_space<hbm>> -> memref<10112x128xf32, #tpu.memory_space<hbm>>
      tpu.enqueue_indirect_dma source(%dma_start3A_204 : memref<10112x128xf32, #tpu.memory_space<hbm>>) target(%arg12 : memref<128x128xf32, #tpu.memory_space<vmem>>) offsets(%dma_start3A_201 : memref<128xi32, #tpu.memory_space<vmem>>) semaphore(%arg15 : memref<!tpu.dma_semaphore, #tpu.memory_space<semaphore_mem>>)
      %dma_wait3A_205 = arith.constant 1 : i32
      %dma_wait3A_206 = arith.constant 0 : i32
      %dma_wait3A_207 = tpu.memref_slice %arg10[%dma_wait3A_205, %dma_wait3A_206] : memref<40x128xi32, #tpu.memory_space<vmem>> -> memref<1x128xi32, #tpu.memory_space<vmem>>
      %dma_wait3A_208 = tpu.memref_squeeze %dma_wait3A_207 : memref<1x128xi32, #tpu.memory_space<vmem>> -> memref<128xi32, #tpu.memory_space<vmem>>
      %dma_wait3A_209 = arith.constant 0 : i32
      %dma_wait3A_210 = arith.constant 0 : i32
      %dma_wait3A_211 = tpu.memref_slice %arg3[%dma_wait3A_209, %dma_wait3A_210] : memref<10112x128xf32, #tpu.memory_space<hbm>> -> memref<10112x128xf32, #tpu.memory_space<hbm>>
      tpu.wait_indirect_dma semaphore(%arg16 : memref<!tpu.dma_semaphore, #tpu.memory_space<semaphore_mem>>) src(%dma_wait3A_211 : memref<10112x128xf32, #tpu.memory_space<hbm>>) dst(%arg13 : memref<128x128xf32, #tpu.memory_space<vmem>>)
      "tpu.region"() ({
        %run_scoped3A_223 = tpu.sem_alloc : memref<!tpu.dma_semaphore, #tpu.memory_space<semaphore_mem>>
        %dma_start3A_224 = arith.constant 0 : i32
        %dma_start3A_225 = tpu.memref_slice %arg11[%add3A_188, %dma_start3A_224] : memref<40x128xi32, #tpu.memory_space<vmem>> -> memref<1x128xi32, #tpu.memory_space<vmem>>
        %dma_start3A_226 = tpu.memref_squeeze %dma_start3A_225 : memref<1x128xi32, #tpu.memory_space<vmem>> -> memref<128xi32, #tpu.memory_space<vmem>>
        %dma_start3A_227 = arith.constant 0 : i32
        %dma_start3A_228 = arith.constant 0 : i32
        %dma_start3A_229 = tpu.memref_slice %arg14[%dma_start3A_227, %dma_start3A_228] : memref<10112x128xf32, #tpu.memory_space<vmem_shared>> -> memref<10112x128xf32, #tpu.memory_space<vmem_shared>>
        tpu.enqueue_indirect_dma source(%arg13 : memref<128x128xf32, #tpu.memory_space<vmem>>) target(%dma_start3A_229 : memref<10112x128xf32, #tpu.memory_space<vmem_shared>>) offsets(%dma_start3A_226 : memref<128xi32, #tpu.memory_space<vmem>>) semaphore(%run_scoped3A_223 : memref<!tpu.dma_semaphore, #tpu.memory_space<semaphore_mem>>) {add = true}
        %dma_wait3A_230 = arith.constant 0 : i32
        %dma_wait3A_231 = tpu.memref_slice %arg11[%add3A_188, %dma_wait3A_230] : memref<40x128xi32, #tpu.memory_space<vmem>> -> memref<1x128xi32, #tpu.memory_space<vmem>>
        %dma_wait3A_232 = tpu.memref_squeeze %dma_wait3A_231 : memref<1x128xi32, #tpu.memory_space<vmem>> -> memref<128xi32, #tpu.memory_space<vmem>>
        %dma_wait3A_233 = arith.constant 0 : i32
        %dma_wait3A_234 = arith.constant 0 : i32
        %dma_wait3A_235 = tpu.memref_slice %arg14[%dma_wait3A_233, %dma_wait3A_234] : memref<10112x128xf32, #tpu.memory_space<vmem_shared>> -> memref<10112x128xf32, #tpu.memory_space<vmem_shared>>
        tpu.wait_indirect_dma semaphore(%run_scoped3A_223 : memref<!tpu.dma_semaphore, #tpu.memory_space<semaphore_mem>>) src(%arg13 : memref<128x128xf32, #tpu.memory_space<vmem>>) dst(%dma_wait3A_235 : memref<10112x128xf32, #tpu.memory_space<vmem_shared>>)
        tpu.yield
      }) : () -> ()
      %add3A_212 = arith.constant 2 : i32
      %add3A_213 = arith.addi %add3A_188, %add3A_212 : i32
      %rem3A_214 = arith.constant 40 : i32
      %rem3A_215 = arith.remsi %add3A_213, %rem3A_214 : i32
      %dma_start3A_216 = arith.constant 0 : i32
      %dma_start3A_217 = tpu.memref_slice %arg10[%rem3A_215, %dma_start3A_216] : memref<40x128xi32, #tpu.memory_space<vmem>> -> memref<1x128xi32, #tpu.memory_space<vmem>>
      %dma_start3A_218 = tpu.memref_squeeze %dma_start3A_217 : memref<1x128xi32, #tpu.memory_space<vmem>> -> memref<128xi32, #tpu.memory_space<vmem>>
      %dma_start3A_219 = arith.constant 0 : i32
      %dma_start3A_220 = arith.constant 0 : i32
      %dma_start3A_221 = tpu.memref_slice %arg3[%dma_start3A_219, %dma_start3A_220] : memref<10112x128xf32, #tpu.memory_space<hbm>> -> memref<10112x128xf32, #tpu.memory_space<hbm>>
      tpu.enqueue_indirect_dma source(%dma_start3A_221 : memref<10112x128xf32, #tpu.memory_space<hbm>>) target(%arg13 : memref<128x128xf32, #tpu.memory_space<vmem>>) offsets(%dma_start3A_218 : memref<128xi32, #tpu.memory_space<vmem>>) semaphore(%arg16 : memref<!tpu.dma_semaphore, #tpu.memory_space<semaphore_mem>>)
      %scan3A_222 = arith.constant 0 : i32
      scf.yield %scan3A_222 : i32
    }
    %scan3A_103 = arith.constant 20 : i32
    %dma_wait3A_104 = arith.constant 0 : i32
    %dma_wait3A_105 = arith.constant 0 : i32
    %dma_wait3A_106 = tpu.memref_slice %arg10[%dma_wait3A_104, %dma_wait3A_105] : memref<40x128xi32, #tpu.memory_space<vmem>> -> memref<1x128xi32, #tpu.memory_space<vmem>>
    %dma_wait3A_107 = tpu.memref_squeeze %dma_wait3A_106 : memref<1x128xi32, #tpu.memory_space<vmem>> -> memref<128xi32, #tpu.memory_space<vmem>>
    %dma_wait3A_108 = arith.constant 0 : i32
    %dma_wait3A_109 = arith.constant 0 : i32
    %dma_wait3A_110 = tpu.memref_slice %arg3[%dma_wait3A_108, %dma_wait3A_109] : memref<10112x128xf32, #tpu.memory_space<hbm>> -> memref<10112x128xf32, #tpu.memory_space<hbm>>
    tpu.wait_indirect_dma semaphore(%arg15 : memref<!tpu.dma_semaphore, #tpu.memory_space<semaphore_mem>>) src(%dma_wait3A_110 : memref<10112x128xf32, #tpu.memory_space<hbm>>) dst(%arg12 : memref<128x128xf32, #tpu.memory_space<vmem>>)
    %dma_wait3A_111 = arith.constant 1 : i32
    %dma_wait3A_112 = arith.constant 0 : i32
    %dma_wait3A_113 = tpu.memref_slice %arg10[%dma_wait3A_111, %dma_wait3A_112] : memref<40x128xi32, #tpu.memory_space<vmem>> -> memref<1x128xi32, #tpu.memory_space<vmem>>
    %dma_wait3A_114 = tpu.memref_squeeze %dma_wait3A_113 : memref<1x128xi32, #tpu.memory_space<vmem>> -> memref<128xi32, #tpu.memory_space<vmem>>
    %dma_wait3A_115 = arith.constant 0 : i32
    %dma_wait3A_116 = arith.constant 0 : i32
    %dma_wait3A_117 = tpu.memref_slice %arg3[%dma_wait3A_115, %dma_wait3A_116] : memref<10112x128xf32, #tpu.memory_space<hbm>> -> memref<10112x128xf32, #tpu.memory_space<hbm>>
    tpu.wait_indirect_dma semaphore(%arg16 : memref<!tpu.dma_semaphore, #tpu.memory_space<semaphore_mem>>) src(%dma_wait3A_117 : memref<10112x128xf32, #tpu.memory_space<hbm>>) dst(%arg13 : memref<128x128xf32, #tpu.memory_space<vmem>>)
    %barrier3A_118 = arith.constant 0 : index
    tpu.barrier barrier_id(%barrier3A_118)
    "tpu.region"() ({
      %run_scoped3A_181 = tpu.sem_alloc : memref<!tpu.dma_semaphore, #tpu.memory_space<semaphore_mem>>
      %dma_start3A_182 = arith.constant 0 : i32
      %dma_start3A_183 = tpu.memref_slice %arg8[%arg0, %mul3A_2, %dma_start3A_182] : memref<2x10112x128xf32, #tpu.memory_space<hbm>> -> memref<1x632x128xf32, #tpu.memory_space<hbm>>
      %dma_start3A_184 = tpu.memref_squeeze %dma_start3A_183 : memref<1x632x128xf32, #tpu.memory_space<hbm>> -> memref<632x128xf32, #tpu.memory_space<hbm>>
      %dma_start3A_185 = arith.constant 0 : i32
      %dma_start3A_186 = tpu.memref_slice %arg14[%mul3A_2, %dma_start3A_185] : memref<10112x128xf32, #tpu.memory_space<vmem_shared>> -> memref<632x128xf32, #tpu.memory_space<vmem_shared>>
      tpu.enqueue_dma source(%dma_start3A_186 : memref<632x128xf32, #tpu.memory_space<vmem_shared>>) target(%dma_start3A_184 : memref<632x128xf32, #tpu.memory_space<hbm>>) target_semaphore(%run_scoped3A_181 : memref<!tpu.dma_semaphore, #tpu.memory_space<semaphore_mem>>)
      %dma_wait3A_187 = arith.constant 0 : i32
      %dma_wait3A_188 = tpu.memref_slice %arg8[%arg0, %mul3A_2, %dma_wait3A_187] : memref<2x10112x128xf32, #tpu.memory_space<hbm>> -> memref<1x632x128xf32, #tpu.memory_space<hbm>>
      %dma_wait3A_189 = tpu.memref_squeeze %dma_wait3A_188 : memref<1x632x128xf32, #tpu.memory_space<hbm>> -> memref<632x128xf32, #tpu.memory_space<hbm>>
      %dma_wait3A_190 = arith.constant 0 : i32
      %dma_wait3A_191 = tpu.memref_slice %arg14[%mul3A_2, %dma_wait3A_190] : memref<10112x128xf32, #tpu.memory_space<vmem_shared>> -> memref<632x128xf32, #tpu.memory_space<vmem_shared>>
      tpu.wait_dma2 semaphore(%run_scoped3A_181 : memref<!tpu.dma_semaphore, #tpu.memory_space<semaphore_mem>>) src(%dma_wait3A_191 : memref<632x128xf32, #tpu.memory_space<vmem_shared>>) dst(%dma_wait3A_189 : memref<632x128xf32, #tpu.memory_space<hbm>>)
      tpu.yield
    }) : () -> ()
    %barrier3A_119 = arith.constant 0 : index
    tpu.barrier barrier_id(%barrier3A_119)
    %scan3A_120 = arith.constant 0 : i32
    %scan3A_121 = arith.constant 0 : i32
    %scan3A_122 = arith.constant 128 : i32
    %scan3A_123 = arith.addi %scan3A_121, %scan3A_122 : i32
    %scan3A_124 = arith.constant 1 : i32
    %scan3A_125 = scf.for %scan3A_181 = %scan3A_121 to %scan3A_123 step %scan3A_124 iter_args(%scan3A_182 = %scan3A_120) -> (i32)  : i32 {
      %broadcast_in_dim3A = arith.constant 0.000000e+00 : f32
      %broadcast_in_dim3A_183 = vector.broadcast %broadcast_in_dim3A : f32 to vector<16xf32>
      %swap3A = arith.index_cast %scan3A_181 : i32 to index
      %swap3A_184 = arith.constant 0 : index
      %swap3A_185 = tpu.vector_load %arg12[%swap3A, %swap3A_184] {strides = array<i32>} : memref<128x128xf32, #tpu.memory_space<vmem>>, vector<1x16xf32>,
      %swap3A_186 = vector.shape_cast %swap3A_185 : vector<1x16xf32> to vector<16xf32>
      %swap3A_187 = vector.shape_cast %broadcast_in_dim3A_183 : vector<16xf32> to vector<1x16xf32>
      tpu.vector_store %arg12[%swap3A, %swap3A_184], %swap3A_187 {strides = array<i32>} : memref<128x128xf32, #tpu.memory_space<vmem>>, vector<1x16xf32>,
      %broadcast_in_dim3A_188 = arith.constant 0.000000e+00 : f32
      %broadcast_in_dim3A_189 = vector.broadcast %broadcast_in_dim3A_188 : f32 to vector<16xf32>
      %swap3A_190 = arith.index_cast %scan3A_181 : i32 to index
      %swap3A_191 = arith.constant 16 : index
      %swap3A_192 = tpu.vector_load %arg12[%swap3A_190, %swap3A_191] {strides = array<i32>} : memref<128x128xf32, #tpu.memory_space<vmem>>, vector<1x16xf32>,
      %swap3A_193 = vector.shape_cast %swap3A_192 : vector<1x16xf32> to vector<16xf32>
      %swap3A_194 = vector.shape_cast %broadcast_in_dim3A_189 : vector<16xf32> to vector<1x16xf32>
      tpu.vector_store %arg12[%swap3A_190, %swap3A_191], %swap3A_194 {strides = array<i32>} : memref<128x128xf32, #tpu.memory_space<vmem>>, vector<1x16xf32>,
      %broadcast_in_dim3A_195 = arith.constant 0.000000e+00 : f32
      %broadcast_in_dim3A_196 = vector.broadcast %broadcast_in_dim3A_195 : f32 to vector<16xf32>
      %swap3A_197 = arith.index_cast %scan3A_181 : i32 to index
      %swap3A_198 = arith.constant 32 : index
      %swap3A_199 = tpu.vector_load %arg12[%swap3A_197, %swap3A_198] {strides = array<i32>} : memref<128x128xf32, #tpu.memory_space<vmem>>, vector<1x16xf32>,
      %swap3A_200 = vector.shape_cast %swap3A_199 : vector<1x16xf32> to vector<16xf32>
      %swap3A_201 = vector.shape_cast %broadcast_in_dim3A_196 : vector<16xf32> to vector<1x16xf32>
      tpu.vector_store %arg12[%swap3A_197, %swap3A_198], %swap3A_201 {strides = array<i32>} : memref<128x128xf32, #tpu.memory_space<vmem>>, vector<1x16xf32>,
      %broadcast_in_dim3A_202 = arith.constant 0.000000e+00 : f32
      %broadcast_in_dim3A_203 = vector.broadcast %broadcast_in_dim3A_202 : f32 to vector<16xf32>
      %swap3A_204 = arith.index_cast %scan3A_181 : i32 to index
      %swap3A_205 = arith.constant 48 : index
      %swap3A_206 = tpu.vector_load %arg12[%swap3A_204, %swap3A_205] {strides = array<i32>} : memref<128x128xf32, #tpu.memory_space<vmem>>, vector<1x16xf32>,
      %swap3A_207 = vector.shape_cast %swap3A_206 : vector<1x16xf32> to vector<16xf32>
      %swap3A_208 = vector.shape_cast %broadcast_in_dim3A_203 : vector<16xf32> to vector<1x16xf32>
      tpu.vector_store %arg12[%swap3A_204, %swap3A_205], %swap3A_208 {strides = array<i32>} : memref<128x128xf32, #tpu.memory_space<vmem>>, vector<1x16xf32>,
      %broadcast_in_dim3A_209 = arith.constant 0.000000e+00 : f32
      %broadcast_in_dim3A_210 = vector.broadcast %broadcast_in_dim3A_209 : f32 to vector<16xf32>
      %swap3A_211 = arith.index_cast %scan3A_181 : i32 to index
      %swap3A_212 = arith.constant 64 : index
      %swap3A_213 = tpu.vector_load %arg12[%swap3A_211, %swap3A_212] {strides = array<i32>} : memref<128x128xf32, #tpu.memory_space<vmem>>, vector<1x16xf32>,
      %swap3A_214 = vector.shape_cast %swap3A_213 : vector<1x16xf32> to vector<16xf32>
      %swap3A_215 = vector.shape_cast %broadcast_in_dim3A_210 : vector<16xf32> to vector<1x16xf32>
      tpu.vector_store %arg12[%swap3A_211, %swap3A_212], %swap3A_215 {strides = array<i32>} : memref<128x128xf32, #tpu.memory_space<vmem>>, vector<1x16xf32>,
      %broadcast_in_dim3A_216 = arith.constant 0.000000e+00 : f32
      %broadcast_in_dim3A_217 = vector.broadcast %broadcast_in_dim3A_216 : f32 to vector<16xf32>
      %swap3A_218 = arith.index_cast %scan3A_181 : i32 to index
      %swap3A_219 = arith.constant 80 : index
      %swap3A_220 = tpu.vector_load %arg12[%swap3A_218, %swap3A_219] {strides = array<i32>} : memref<128x128xf32, #tpu.memory_space<vmem>>, vector<1x16xf32>,
      %swap3A_221 = vector.shape_cast %swap3A_220 : vector<1x16xf32> to vector<16xf32>
      %swap3A_222 = vector.shape_cast %broadcast_in_dim3A_217 : vector<16xf32> to vector<1x16xf32>
      tpu.vector_store %arg12[%swap3A_218, %swap3A_219], %swap3A_222 {strides = array<i32>} : memref<128x128xf32, #tpu.memory_space<vmem>>, vector<1x16xf32>,
      %broadcast_in_dim3A_223 = arith.constant 0.000000e+00 : f32
      %broadcast_in_dim3A_224 = vector.broadcast %broadcast_in_dim3A_223 : f32 to vector<16xf32>
      %swap3A_225 = arith.index_cast %scan3A_181 : i32 to index
      %swap3A_226 = arith.constant 96 : index
      %swap3A_227 = tpu.vector_load %arg12[%swap3A_225, %swap3A_226] {strides = array<i32>} : memref<128x128xf32, #tpu.memory_space<vmem>>, vector<1x16xf32>,
      %swap3A_228 = vector.shape_cast %swap3A_227 : vector<1x16xf32> to vector<16xf32>
      %swap3A_229 = vector.shape_cast %broadcast_in_dim3A_224 : vector<16xf32> to vector<1x16xf32>
      tpu.vector_store %arg12[%swap3A_225, %swap3A_226], %swap3A_229 {strides = array<i32>} : memref<128x128xf32, #tpu.memory_space<vmem>>, vector<1x16xf32>,
      %broadcast_in_dim3A_230 = arith.constant 0.000000e+00 : f32
      %broadcast_in_dim3A_231 = vector.broadcast %broadcast_in_dim3A_230 : f32 to vector<16xf32>
      %swap3A_232 = arith.index_cast %scan3A_181 : i32 to index
      %swap3A_233 = arith.constant 112 : index
      %swap3A_234 = tpu.vector_load %arg12[%swap3A_232, %swap3A_233] {strides = array<i32>} : memref<128x128xf32, #tpu.memory_space<vmem>>, vector<1x16xf32>,
      %swap3A_235 = vector.shape_cast %swap3A_234 : vector<1x16xf32> to vector<16xf32>
      %swap3A_236 = vector.shape_cast %broadcast_in_dim3A_231 : vector<16xf32> to vector<1x16xf32>
      tpu.vector_store %arg12[%swap3A_232, %swap3A_233], %swap3A_236 {strides = array<i32>} : memref<128x128xf32, #tpu.memory_space<vmem>>, vector<1x16xf32>,
      %scan3A_237 = arith.constant 0 : i32
      scf.yield %scan3A_237 : i32
    }
    %scan3A_126 = arith.constant 128 : i32
    %add3A_127 = arith.constant 0 : i32
    %add3A_128 = arith.addi %mul3A_2, %add3A_127 : i32
    "tpu.region"() ({
      %run_scoped3A_181 = tpu.sem_alloc : memref<!tpu.dma_semaphore, #tpu.memory_space<semaphore_mem>>
      %dma_start3A_182 = arith.constant 0 : i32
      %dma_start3A_183 = arith.constant 0 : i32
      %dma_start3A_184 = tpu.memref_slice %arg12[%dma_start3A_182, %dma_start3A_183] : memref<128x128xf32, #tpu.memory_space<vmem>> -> memref<128x128xf32, #tpu.memory_space<vmem>>
      %dma_start3A_185 = arith.constant 0 : i32
      %dma_start3A_186 = tpu.memref_slice %arg14[%add3A_128, %dma_start3A_185] : memref<10112x128xf32, #tpu.memory_space<vmem_shared>> -> memref<128x128xf32, #tpu.memory_space<vmem_shared>>
      %dma_start3A_187 = arith.constant 0 : i32
      %dma_start3A_188 = tpu.memref_slice %arg14[%add3A_128, %dma_start3A_187] : memref<10112x128xf32, #tpu.memory_space<vmem_shared>> -> memref<128x128xf32, #tpu.memory_space<vmem_shared>>
      %dma_start3A_189 = arith.constant 0 : i32
      %dma_start3A_190 = arith.constant 0 : i32
      %dma_start3A_191 = tpu.memref_slice %arg12[%dma_start3A_189, %dma_start3A_190] : memref<128x128xf32, #tpu.memory_space<vmem>> -> memref<128x128xf32, #tpu.memory_space<vmem>>
      tpu.enqueue_dma source(%dma_start3A_191 : memref<128x128xf32, #tpu.memory_space<vmem>>) target(%dma_start3A_188 : memref<128x128xf32, #tpu.memory_space<vmem_shared>>) target_semaphore(%run_scoped3A_181 : memref<!tpu.dma_semaphore, #tpu.memory_space<semaphore_mem>>)
      %dma_wait3A_192 = arith.constant 0 : i32
      %dma_wait3A_193 = arith.constant 0 : i32
      %dma_wait3A_194 = tpu.memref_slice %arg12[%dma_wait3A_192, %dma_wait3A_193] : memref<128x128xf32, #tpu.memory_space<vmem>> -> memref<128x128xf32, #tpu.memory_space<vmem>>
      %dma_wait3A_195 = arith.constant 0 : i32
      %dma_wait3A_196 = tpu.memref_slice %arg14[%add3A_128, %dma_wait3A_195] : memref<10112x128xf32, #tpu.memory_space<vmem_shared>> -> memref<128x128xf32, #tpu.memory_space<vmem_shared>>
      %dma_wait3A_197 = arith.constant 0 : i32
      %dma_wait3A_198 = tpu.memref_slice %arg14[%add3A_128, %dma_wait3A_197] : memref<10112x128xf32, #tpu.memory_space<vmem_shared>> -> memref<128x128xf32, #tpu.memory_space<vmem_shared>>
      %dma_wait3A_199 = arith.constant 0 : i32
      %dma_wait3A_200 = arith.constant 0 : i32
      %dma_wait3A_201 = tpu.memref_slice %arg12[%dma_wait3A_199, %dma_wait3A_200] : memref<128x128xf32, #tpu.memory_space<vmem>> -> memref<128x128xf32, #tpu.memory_space<vmem>>
      tpu.wait_dma2 semaphore(%run_scoped3A_181 : memref<!tpu.dma_semaphore, #tpu.memory_space<semaphore_mem>>) src(%dma_wait3A_201 : memref<128x128xf32, #tpu.memory_space<vmem>>) dst(%dma_wait3A_198 : memref<128x128xf32, #tpu.memory_space<vmem_shared>>)
      tpu.yield
    }) : () -> ()
    %add3A_129 = arith.constant 128 : i32
    %add3A_130 = arith.addi %mul3A_2, %add3A_129 : i32
    "tpu.region"() ({
      %run_scoped3A_181 = tpu.sem_alloc : memref<!tpu.dma_semaphore, #tpu.memory_space<semaphore_mem>>
      %dma_start3A_182 = arith.constant 0 : i32
      %dma_start3A_183 = arith.constant 0 : i32
      %dma_start3A_184 = tpu.memref_slice %arg12[%dma_start3A_182, %dma_start3A_183] : memref<128x128xf32, #tpu.memory_space<vmem>> -> memref<128x128xf32, #tpu.memory_space<vmem>>
      %dma_start3A_185 = arith.constant 0 : i32
      %dma_start3A_186 = tpu.memref_slice %arg14[%add3A_130, %dma_start3A_185] : memref<10112x128xf32, #tpu.memory_space<vmem_shared>> -> memref<128x128xf32, #tpu.memory_space<vmem_shared>>
      %dma_start3A_187 = arith.constant 0 : i32
      %dma_start3A_188 = tpu.memref_slice %arg14[%add3A_130, %dma_start3A_187] : memref<10112x128xf32, #tpu.memory_space<vmem_shared>> -> memref<128x128xf32, #tpu.memory_space<vmem_shared>>
      %dma_start3A_189 = arith.constant 0 : i32
      %dma_start3A_190 = arith.constant 0 : i32
      %dma_start3A_191 = tpu.memref_slice %arg12[%dma_start3A_189, %dma_start3A_190] : memref<128x128xf32, #tpu.memory_space<vmem>> -> memref<128x128xf32, #tpu.memory_space<vmem>>
      tpu.enqueue_dma source(%dma_start3A_191 : memref<128x128xf32, #tpu.memory_space<vmem>>) target(%dma_start3A_188 : memref<128x128xf32, #tpu.memory_space<vmem_shared>>) target_semaphore(%run_scoped3A_181 : memref<!tpu.dma_semaphore, #tpu.memory_space<semaphore_mem>>)
      %dma_wait3A_192 = arith.constant 0 : i32
      %dma_wait3A_193 = arith.constant 0 : i32
      %dma_wait3A_194 = tpu.memref_slice %arg12[%dma_wait3A_192, %dma_wait3A_193] : memref<128x128xf32, #tpu.memory_space<vmem>> -> memref<128x128xf32, #tpu.memory_space<vmem>>
      %dma_wait3A_195 = arith.constant 0 : i32
      %dma_wait3A_196 = tpu.memref_slice %arg14[%add3A_130, %dma_wait3A_195] : memref<10112x128xf32, #tpu.memory_space<vmem_shared>> -> memref<128x128xf32, #tpu.memory_space<vmem_shared>>
      %dma_wait3A_197 = arith.constant 0 : i32
      %dma_wait3A_198 = tpu.memref_slice %arg14[%add3A_130, %dma_wait3A_197] : memref<10112x128xf32, #tpu.memory_space<vmem_shared>> -> memref<128x128xf32, #tpu.memory_space<vmem_shared>>
      %dma_wait3A_199 = arith.constant 0 : i32
      %dma_wait3A_200 = arith.constant 0 : i32
      %dma_wait3A_201 = tpu.memref_slice %arg12[%dma_wait3A_199, %dma_wait3A_200] : memref<128x128xf32, #tpu.memory_space<vmem>> -> memref<128x128xf32, #tpu.memory_space<vmem>>
      tpu.wait_dma2 semaphore(%run_scoped3A_181 : memref<!tpu.dma_semaphore, #tpu.memory_space<semaphore_mem>>) src(%dma_wait3A_201 : memref<128x128xf32, #tpu.memory_space<vmem>>) dst(%dma_wait3A_198 : memref<128x128xf32, #tpu.memory_space<vmem_shared>>)
      tpu.yield
    }) : () -> ()
    %add3A_131 = arith.constant 256 : i32
    %add3A_132 = arith.addi %mul3A_2, %add3A_131 : i32
    "tpu.region"() ({
      %run_scoped3A_181 = tpu.sem_alloc : memref<!tpu.dma_semaphore, #tpu.memory_space<semaphore_mem>>
      %dma_start3A_182 = arith.constant 0 : i32
      %dma_start3A_183 = arith.constant 0 : i32
      %dma_start3A_184 = tpu.memref_slice %arg12[%dma_start3A_182, %dma_start3A_183] : memref<128x128xf32, #tpu.memory_space<vmem>> -> memref<128x128xf32, #tpu.memory_space<vmem>>
      %dma_start3A_185 = arith.constant 0 : i32
      %dma_start3A_186 = tpu.memref_slice %arg14[%add3A_132, %dma_start3A_185] : memref<10112x128xf32, #tpu.memory_space<vmem_shared>> -> memref<128x128xf32, #tpu.memory_space<vmem_shared>>
      %dma_start3A_187 = arith.constant 0 : i32
      %dma_start3A_188 = tpu.memref_slice %arg14[%add3A_132, %dma_start3A_187] : memref<10112x128xf32, #tpu.memory_space<vmem_shared>> -> memref<128x128xf32, #tpu.memory_space<vmem_shared>>
      %dma_start3A_189 = arith.constant 0 : i32
      %dma_start3A_190 = arith.constant 0 : i32
      %dma_start3A_191 = tpu.memref_slice %arg12[%dma_start3A_189, %dma_start3A_190] : memref<128x128xf32, #tpu.memory_space<vmem>> -> memref<128x128xf32, #tpu.memory_space<vmem>>
      tpu.enqueue_dma source(%dma_start3A_191 : memref<128x128xf32, #tpu.memory_space<vmem>>) target(%dma_start3A_188 : memref<128x128xf32, #tpu.memory_space<vmem_shared>>) target_semaphore(%run_scoped3A_181 : memref<!tpu.dma_semaphore, #tpu.memory_space<semaphore_mem>>)
      %dma_wait3A_192 = arith.constant 0 : i32
      %dma_wait3A_193 = arith.constant 0 : i32
      %dma_wait3A_194 = tpu.memref_slice %arg12[%dma_wait3A_192, %dma_wait3A_193] : memref<128x128xf32, #tpu.memory_space<vmem>> -> memref<128x128xf32, #tpu.memory_space<vmem>>
      %dma_wait3A_195 = arith.constant 0 : i32
      %dma_wait3A_196 = tpu.memref_slice %arg14[%add3A_132, %dma_wait3A_195] : memref<10112x128xf32, #tpu.memory_space<vmem_shared>> -> memref<128x128xf32, #tpu.memory_space<vmem_shared>>
      %dma_wait3A_197 = arith.constant 0 : i32
      %dma_wait3A_198 = tpu.memref_slice %arg14[%add3A_132, %dma_wait3A_197] : memref<10112x128xf32, #tpu.memory_space<vmem_shared>> -> memref<128x128xf32, #tpu.memory_space<vmem_shared>>
      %dma_wait3A_199 = arith.constant 0 : i32
      %dma_wait3A_200 = arith.constant 0 : i32
      %dma_wait3A_201 = tpu.memref_slice %arg12[%dma_wait3A_199, %dma_wait3A_200] : memref<128x128xf32, #tpu.memory_space<vmem>> -> memref<128x128xf32, #tpu.memory_space<vmem>>
      tpu.wait_dma2 semaphore(%run_scoped3A_181 : memref<!tpu.dma_semaphore, #tpu.memory_space<semaphore_mem>>) src(%dma_wait3A_201 : memref<128x128xf32, #tpu.memory_space<vmem>>) dst(%dma_wait3A_198 : memref<128x128xf32, #tpu.memory_space<vmem_shared>>)
      tpu.yield
    }) : () -> ()
    %add3A_133 = arith.constant 384 : i32
    %add3A_134 = arith.addi %mul3A_2, %add3A_133 : i32
    "tpu.region"() ({
      %run_scoped3A_181 = tpu.sem_alloc : memref<!tpu.dma_semaphore, #tpu.memory_space<semaphore_mem>>
      %dma_start3A_182 = arith.constant 0 : i32
      %dma_start3A_183 = arith.constant 0 : i32
      %dma_start3A_184 = tpu.memref_slice %arg12[%dma_start3A_182, %dma_start3A_183] : memref<128x128xf32, #tpu.memory_space<vmem>> -> memref<128x128xf32, #tpu.memory_space<vmem>>
      %dma_start3A_185 = arith.constant 0 : i32
      %dma_start3A_186 = tpu.memref_slice %arg14[%add3A_134, %dma_start3A_185] : memref<10112x128xf32, #tpu.memory_space<vmem_shared>> -> memref<128x128xf32, #tpu.memory_space<vmem_shared>>
      %dma_start3A_187 = arith.constant 0 : i32
      %dma_start3A_188 = tpu.memref_slice %arg14[%add3A_134, %dma_start3A_187] : memref<10112x128xf32, #tpu.memory_space<vmem_shared>> -> memref<128x128xf32, #tpu.memory_space<vmem_shared>>
      %dma_start3A_189 = arith.constant 0 : i32
      %dma_start3A_190 = arith.constant 0 : i32
      %dma_start3A_191 = tpu.memref_slice %arg12[%dma_start3A_189, %dma_start3A_190] : memref<128x128xf32, #tpu.memory_space<vmem>> -> memref<128x128xf32, #tpu.memory_space<vmem>>
      tpu.enqueue_dma source(%dma_start3A_191 : memref<128x128xf32, #tpu.memory_space<vmem>>) target(%dma_start3A_188 : memref<128x128xf32, #tpu.memory_space<vmem_shared>>) target_semaphore(%run_scoped3A_181 : memref<!tpu.dma_semaphore, #tpu.memory_space<semaphore_mem>>)
      %dma_wait3A_192 = arith.constant 0 : i32
      %dma_wait3A_193 = arith.constant 0 : i32
      %dma_wait3A_194 = tpu.memref_slice %arg12[%dma_wait3A_192, %dma_wait3A_193] : memref<128x128xf32, #tpu.memory_space<vmem>> -> memref<128x128xf32, #tpu.memory_space<vmem>>
      %dma_wait3A_195 = arith.constant 0 : i32
      %dma_wait3A_196 = tpu.memref_slice %arg14[%add3A_134, %dma_wait3A_195] : memref<10112x128xf32, #tpu.memory_space<vmem_shared>> -> memref<128x128xf32, #tpu.memory_space<vmem_shared>>
      %dma_wait3A_197 = arith.constant 0 : i32
      %dma_wait3A_198 = tpu.memref_slice %arg14[%add3A_134, %dma_wait3A_197] : memref<10112x128xf32, #tpu.memory_space<vmem_shared>> -> memref<128x128xf32, #tpu.memory_space<vmem_shared>>
      %dma_wait3A_199 = arith.constant 0 : i32
      %dma_wait3A_200 = arith.constant 0 : i32
      %dma_wait3A_201 = tpu.memref_slice %arg12[%dma_wait3A_199, %dma_wait3A_200] : memref<128x128xf32, #tpu.memory_space<vmem>> -> memref<128x128xf32, #tpu.memory_space<vmem>>
      tpu.wait_dma2 semaphore(%run_scoped3A_181 : memref<!tpu.dma_semaphore, #tpu.memory_space<semaphore_mem>>) src(%dma_wait3A_201 : memref<128x128xf32, #tpu.memory_space<vmem>>) dst(%dma_wait3A_198 : memref<128x128xf32, #tpu.memory_space<vmem_shared>>)
      tpu.yield
    }) : () -> ()
    %add3A_135 = arith.constant 512 : i32
    %add3A_136 = arith.addi %mul3A_2, %add3A_135 : i32
    "tpu.region"() ({
      %run_scoped3A_181 = tpu.sem_alloc : memref<!tpu.dma_semaphore, #tpu.memory_space<semaphore_mem>>
      %dma_start3A_182 = arith.constant 0 : i32
      %dma_start3A_183 = arith.constant 0 : i32
      %dma_start3A_184 = tpu.memref_slice %arg12[%dma_start3A_182, %dma_start3A_183] : memref<128x128xf32, #tpu.memory_space<vmem>> -> memref<120x128xf32, #tpu.memory_space<vmem>>
      %dma_start3A_185 = arith.constant 0 : i32
      %dma_start3A_186 = tpu.memref_slice %arg14[%add3A_136, %dma_start3A_185] : memref<10112x128xf32, #tpu.memory_space<vmem_shared>> -> memref<120x128xf32, #tpu.memory_space<vmem_shared>>
      %dma_start3A_187 = arith.constant 0 : i32
      %dma_start3A_188 = tpu.memref_slice %arg14[%add3A_136, %dma_start3A_187] : memref<10112x128xf32, #tpu.memory_space<vmem_shared>> -> memref<120x128xf32, #tpu.memory_space<vmem_shared>>
      %dma_start3A_189 = arith.constant 0 : i32
      %dma_start3A_190 = arith.constant 0 : i32
      %dma_start3A_191 = tpu.memref_slice %arg12[%dma_start3A_189, %dma_start3A_190] : memref<128x128xf32, #tpu.memory_space<vmem>> -> memref<120x128xf32, #tpu.memory_space<vmem>>
      tpu.enqueue_dma source(%dma_start3A_191 : memref<120x128xf32, #tpu.memory_space<vmem>>) target(%dma_start3A_188 : memref<120x128xf32, #tpu.memory_space<vmem_shared>>) target_semaphore(%run_scoped3A_181 : memref<!tpu.dma_semaphore, #tpu.memory_space<semaphore_mem>>)
      %dma_wait3A_192 = arith.constant 0 : i32
      %dma_wait3A_193 = arith.constant 0 : i32
      %dma_wait3A_194 = tpu.memref_slice %arg12[%dma_wait3A_192, %dma_wait3A_193] : memref<128x128xf32, #tpu.memory_space<vmem>> -> memref<120x128xf32, #tpu.memory_space<vmem>>
      %dma_wait3A_195 = arith.constant 0 : i32
      %dma_wait3A_196 = tpu.memref_slice %arg14[%add3A_136, %dma_wait3A_195] : memref<10112x128xf32, #tpu.memory_space<vmem_shared>> -> memref<120x128xf32, #tpu.memory_space<vmem_shared>>
      %dma_wait3A_197 = arith.constant 0 : i32
      %dma_wait3A_198 = tpu.memref_slice %arg14[%add3A_136, %dma_wait3A_197] : memref<10112x128xf32, #tpu.memory_space<vmem_shared>> -> memref<120x128xf32, #tpu.memory_space<vmem_shared>>
      %dma_wait3A_199 = arith.constant 0 : i32
      %dma_wait3A_200 = arith.constant 0 : i32
      %dma_wait3A_201 = tpu.memref_slice %arg12[%dma_wait3A_199, %dma_wait3A_200] : memref<128x128xf32, #tpu.memory_space<vmem>> -> memref<120x128xf32, #tpu.memory_space<vmem>>
      tpu.wait_dma2 semaphore(%run_scoped3A_181 : memref<!tpu.dma_semaphore, #tpu.memory_space<semaphore_mem>>) src(%dma_wait3A_201 : memref<120x128xf32, #tpu.memory_space<vmem>>) dst(%dma_wait3A_198 : memref<120x128xf32, #tpu.memory_space<vmem_shared>>)
      tpu.yield
    }) : () -> ()
    %barrier3A_137 = arith.constant 0 : index
    tpu.barrier barrier_id(%barrier3A_137)
    %mul3A_138 = arith.constant 40 : i32
    %mul3A_139 = arith.muli %add3A, %mul3A_138 : i32
    %run_scoped3A_140 = arith.constant 2 : i32
    "tpu.region"() ({
      %run_scoped3A_181 = tpu.sem_alloc : memref<!tpu.dma_semaphore, #tpu.memory_space<semaphore_mem>>
      %dma_start3A_182 = arith.constant 0 : i32
      %dma_start3A_183 = tpu.memref_slice %arg5[%run_scoped3A_140, %mul3A_139, %dma_start3A_182] : memref<3x1280x128xi32, #tpu.memory_space<hbm>> -> memref<1x40x128xi32, #tpu.memory_space<hbm>>
      %dma_start3A_184 = tpu.memref_squeeze %dma_start3A_183 : memref<1x40x128xi32, #tpu.memory_space<hbm>> -> memref<40x128xi32, #tpu.memory_space<hbm>>
      %dma_start3A_185 = arith.constant 0 : i32
      %dma_start3A_186 = tpu.memref_slice %arg5[%run_scoped3A_140, %mul3A_139, %dma_start3A_185] : memref<3x1280x128xi32, #tpu.memory_space<hbm>> -> memref<1x40x128xi32, #tpu.memory_space<hbm>>
      %dma_start3A_187 = tpu.memref_squeeze %dma_start3A_186 : memref<1x40x128xi32, #tpu.memory_space<hbm>> -> memref<40x128xi32, #tpu.memory_space<hbm>>
      tpu.enqueue_dma source(%dma_start3A_187 : memref<40x128xi32, #tpu.memory_space<hbm>>) target(%arg10 : memref<40x128xi32, #tpu.memory_space<vmem>>) target_semaphore(%run_scoped3A_181 : memref<!tpu.dma_semaphore, #tpu.memory_space<semaphore_mem>>)
      %dma_wait3A_188 = arith.constant 0 : i32
      %dma_wait3A_189 = tpu.memref_slice %arg5[%run_scoped3A_140, %mul3A_139, %dma_wait3A_188] : memref<3x1280x128xi32, #tpu.memory_space<hbm>> -> memref<1x40x128xi32, #tpu.memory_space<hbm>>
      %dma_wait3A_190 = tpu.memref_squeeze %dma_wait3A_189 : memref<1x40x128xi32, #tpu.memory_space<hbm>> -> memref<40x128xi32, #tpu.memory_space<hbm>>
      %dma_wait3A_191 = arith.constant 0 : i32
      %dma_wait3A_192 = tpu.memref_slice %arg5[%run_scoped3A_140, %mul3A_139, %dma_wait3A_191] : memref<3x1280x128xi32, #tpu.memory_space<hbm>> -> memref<1x40x128xi32, #tpu.memory_space<hbm>>
      %dma_wait3A_193 = tpu.memref_squeeze %dma_wait3A_192 : memref<1x40x128xi32, #tpu.memory_space<hbm>> -> memref<40x128xi32, #tpu.memory_space<hbm>>
      tpu.wait_dma2 semaphore(%run_scoped3A_181 : memref<!tpu.dma_semaphore, #tpu.memory_space<semaphore_mem>>) src(%dma_wait3A_193 : memref<40x128xi32, #tpu.memory_space<hbm>>) dst(%arg10 : memref<40x128xi32, #tpu.memory_space<vmem>>)
      tpu.yield
    }) : () -> ()
    %mul3A_141 = arith.constant 40 : i32
    %mul3A_142 = arith.muli %add3A, %mul3A_141 : i32
    %run_scoped3A_143 = arith.constant 2 : i32
    "tpu.region"() ({
      %run_scoped3A_181 = tpu.sem_alloc : memref<!tpu.dma_semaphore, #tpu.memory_space<semaphore_mem>>
      %dma_start3A_182 = arith.constant 0 : i32
      %dma_start3A_183 = tpu.memref_slice %arg6[%run_scoped3A_143, %mul3A_142, %dma_start3A_182] : memref<3x1280x128xi32, #tpu.memory_space<hbm>> -> memref<1x40x128xi32, #tpu.memory_space<hbm>>
      %dma_start3A_184 = tpu.memref_squeeze %dma_start3A_183 : memref<1x40x128xi32, #tpu.memory_space<hbm>> -> memref<40x128xi32, #tpu.memory_space<hbm>>
      %dma_start3A_185 = arith.constant 0 : i32
      %dma_start3A_186 = tpu.memref_slice %arg6[%run_scoped3A_143, %mul3A_142, %dma_start3A_185] : memref<3x1280x128xi32, #tpu.memory_space<hbm>> -> memref<1x40x128xi32, #tpu.memory_space<hbm>>
      %dma_start3A_187 = tpu.memref_squeeze %dma_start3A_186 : memref<1x40x128xi32, #tpu.memory_space<hbm>> -> memref<40x128xi32, #tpu.memory_space<hbm>>
      tpu.enqueue_dma source(%dma_start3A_187 : memref<40x128xi32, #tpu.memory_space<hbm>>) target(%arg11 : memref<40x128xi32, #tpu.memory_space<vmem>>) target_semaphore(%run_scoped3A_181 : memref<!tpu.dma_semaphore, #tpu.memory_space<semaphore_mem>>)
      %dma_wait3A_188 = arith.constant 0 : i32
      %dma_wait3A_189 = tpu.memref_slice %arg6[%run_scoped3A_143, %mul3A_142, %dma_wait3A_188] : memref<3x1280x128xi32, #tpu.memory_space<hbm>> -> memref<1x40x128xi32, #tpu.memory_space<hbm>>
      %dma_wait3A_190 = tpu.memref_squeeze %dma_wait3A_189 : memref<1x40x128xi32, #tpu.memory_space<hbm>> -> memref<40x128xi32, #tpu.memory_space<hbm>>
      %dma_wait3A_191 = arith.constant 0 : i32
      %dma_wait3A_192 = tpu.memref_slice %arg6[%run_scoped3A_143, %mul3A_142, %dma_wait3A_191] : memref<3x1280x128xi32, #tpu.memory_space<hbm>> -> memref<1x40x128xi32, #tpu.memory_space<hbm>>
      %dma_wait3A_193 = tpu.memref_squeeze %dma_wait3A_192 : memref<1x40x128xi32, #tpu.memory_space<hbm>> -> memref<40x128xi32, #tpu.memory_space<hbm>>
      tpu.wait_dma2 semaphore(%run_scoped3A_181 : memref<!tpu.dma_semaphore, #tpu.memory_space<semaphore_mem>>) src(%dma_wait3A_193 : memref<40x128xi32, #tpu.memory_space<hbm>>) dst(%arg11 : memref<40x128xi32, #tpu.memory_space<vmem>>)
      tpu.yield
    }) : () -> ()
    %dma_start3A_144 = arith.constant 0 : i32
    %dma_start3A_145 = arith.constant 0 : i32
    %dma_start3A_146 = tpu.memref_slice %arg10[%dma_start3A_144, %dma_start3A_145] : memref<40x128xi32, #tpu.memory_space<vmem>> -> memref<1x128xi32, #tpu.memory_space<vmem>>
    %dma_start3A_147 = tpu.memref_squeeze %dma_start3A_146 : memref<1x128xi32, #tpu.memory_space<vmem>> -> memref<128xi32, #tpu.memory_space<vmem>>
    %dma_start3A_148 = arith.constant 0 : i32
    %dma_start3A_149 = arith.constant 0 : i32
    %dma_start3A_150 = tpu.memref_slice %arg4[%dma_start3A_148, %dma_start3A_149] : memref<10112x128xf32, #tpu.memory_space<hbm>> -> memref<10112x128xf32, #tpu.memory_space<hbm>>
    tpu.enqueue_indirect_dma source(%dma_start3A_150 : memref<10112x128xf32, #tpu.memory_space<hbm>>) target(%arg12 : memref<128x128xf32, #tpu.memory_space<vmem>>) offsets(%dma_start3A_147 : memref<128xi32, #tpu.memory_space<vmem>>) semaphore(%arg15 : memref<!tpu.dma_semaphore, #tpu.memory_space<semaphore_mem>>)
    %dma_start3A_151 = arith.constant 1 : i32
    %dma_start3A_152 = arith.constant 0 : i32
    %dma_start3A_153 = tpu.memref_slice %arg10[%dma_start3A_151, %dma_start3A_152] : memref<40x128xi32, #tpu.memory_space<vmem>> -> memref<1x128xi32, #tpu.memory_space<vmem>>
    %dma_start3A_154 = tpu.memref_squeeze %dma_start3A_153 : memref<1x128xi32, #tpu.memory_space<vmem>> -> memref<128xi32, #tpu.memory_space<vmem>>
    %dma_start3A_155 = arith.constant 0 : i32
    %dma_start3A_156 = arith.constant 0 : i32
    %dma_start3A_157 = tpu.memref_slice %arg4[%dma_start3A_155, %dma_start3A_156] : memref<10112x128xf32, #tpu.memory_space<hbm>> -> memref<10112x128xf32, #tpu.memory_space<hbm>>
    tpu.enqueue_indirect_dma source(%dma_start3A_157 : memref<10112x128xf32, #tpu.memory_space<hbm>>) target(%arg13 : memref<128x128xf32, #tpu.memory_space<vmem>>) offsets(%dma_start3A_154 : memref<128xi32, #tpu.memory_space<vmem>>) semaphore(%arg16 : memref<!tpu.dma_semaphore, #tpu.memory_space<semaphore_mem>>)
    %scan3A_158 = arith.constant 0 : i32
    %scan3A_159 = arith.constant 0 : i32
    %scan3A_160 = arith.constant 20 : i32
    %scan3A_161 = arith.addi %scan3A_159, %scan3A_160 : i32
    %scan3A_162 = arith.constant 1 : i32
    %scan3A_163 = scf.for %scan3A_181 = %scan3A_159 to %scan3A_161 step %scan3A_162 iter_args(%scan3A_182 = %scan3A_158) -> (i32)  : i32 {
      %mul3A_183 = arith.constant 2 : i32
      %mul3A_184 = arith.muli %mul3A_183, %scan3A_181 : i32
      %mul3A_185 = arith.constant 2 : i32
      %mul3A_186 = arith.muli %mul3A_185, %scan3A_181 : i32
      %add3A_187 = arith.constant 1 : i32
      %add3A_188 = arith.addi %mul3A_186, %add3A_187 : i32
      %dma_wait3A_189 = arith.constant 0 : i32
      %dma_wait3A_190 = arith.constant 0 : i32
      %dma_wait3A_191 = tpu.memref_slice %arg10[%dma_wait3A_189, %dma_wait3A_190] : memref<40x128xi32, #tpu.memory_space<vmem>> -> memref<1x128xi32, #tpu.memory_space<vmem>>
      %dma_wait3A_192 = tpu.memref_squeeze %dma_wait3A_191 : memref<1x128xi32, #tpu.memory_space<vmem>> -> memref<128xi32, #tpu.memory_space<vmem>>
      %dma_wait3A_193 = arith.constant 0 : i32
      %dma_wait3A_194 = arith.constant 0 : i32
      %dma_wait3A_195 = tpu.memref_slice %arg4[%dma_wait3A_193, %dma_wait3A_194] : memref<10112x128xf32, #tpu.memory_space<hbm>> -> memref<10112x128xf32, #tpu.memory_space<hbm>>
      tpu.wait_indirect_dma semaphore(%arg15 : memref<!tpu.dma_semaphore, #tpu.memory_space<semaphore_mem>>) src(%dma_wait3A_195 : memref<10112x128xf32, #tpu.memory_space<hbm>>) dst(%arg12 : memref<128x128xf32, #tpu.memory_space<vmem>>)
      "tpu.region"() ({
        %run_scoped3A_223 = tpu.sem_alloc : memref<!tpu.dma_semaphore, #tpu.memory_space<semaphore_mem>>
        %dma_start3A_224 = arith.constant 0 : i32
        %dma_start3A_225 = tpu.memref_slice %arg11[%mul3A_184, %dma_start3A_224] : memref<40x128xi32, #tpu.memory_space<vmem>> -> memref<1x128xi32, #tpu.memory_space<vmem>>
        %dma_start3A_226 = tpu.memref_squeeze %dma_start3A_225 : memref<1x128xi32, #tpu.memory_space<vmem>> -> memref<128xi32, #tpu.memory_space<vmem>>
        %dma_start3A_227 = arith.constant 0 : i32
        %dma_start3A_228 = arith.constant 0 : i32
        %dma_start3A_229 = tpu.memref_slice %arg14[%dma_start3A_227, %dma_start3A_228] : memref<10112x128xf32, #tpu.memory_space<vmem_shared>> -> memref<10112x128xf32, #tpu.memory_space<vmem_shared>>
        tpu.enqueue_indirect_dma source(%arg12 : memref<128x128xf32, #tpu.memory_space<vmem>>) target(%dma_start3A_229 : memref<10112x128xf32, #tpu.memory_space<vmem_shared>>) offsets(%dma_start3A_226 : memref<128xi32, #tpu.memory_space<vmem>>) semaphore(%run_scoped3A_223 : memref<!tpu.dma_semaphore, #tpu.memory_space<semaphore_mem>>) {add = true}
        %dma_wait3A_230 = arith.constant 0 : i32
        %dma_wait3A_231 = tpu.memref_slice %arg11[%mul3A_184, %dma_wait3A_230] : memref<40x128xi32, #tpu.memory_space<vmem>> -> memref<1x128xi32, #tpu.memory_space<vmem>>
        %dma_wait3A_232 = tpu.memref_squeeze %dma_wait3A_231 : memref<1x128xi32, #tpu.memory_space<vmem>> -> memref<128xi32, #tpu.memory_space<vmem>>
        %dma_wait3A_233 = arith.constant 0 : i32
        %dma_wait3A_234 = arith.constant 0 : i32
        %dma_wait3A_235 = tpu.memref_slice %arg14[%dma_wait3A_233, %dma_wait3A_234] : memref<10112x128xf32, #tpu.memory_space<vmem_shared>> -> memref<10112x128xf32, #tpu.memory_space<vmem_shared>>
        tpu.wait_indirect_dma semaphore(%run_scoped3A_223 : memref<!tpu.dma_semaphore, #tpu.memory_space<semaphore_mem>>) src(%arg12 : memref<128x128xf32, #tpu.memory_space<vmem>>) dst(%dma_wait3A_235 : memref<10112x128xf32, #tpu.memory_space<vmem_shared>>)
        tpu.yield
      }) : () -> ()
      %add3A_196 = arith.constant 2 : i32
      %add3A_197 = arith.addi %mul3A_184, %add3A_196 : i32
      %rem3A = arith.constant 40 : i32
      %rem3A_198 = arith.remsi %add3A_197, %rem3A : i32
      %dma_start3A_199 = arith.constant 0 : i32
      %dma_start3A_200 = tpu.memref_slice %arg10[%rem3A_198, %dma_start3A_199] : memref<40x128xi32, #tpu.memory_space<vmem>> -> memref<1x128xi32, #tpu.memory_space<vmem>>
      %dma_start3A_201 = tpu.memref_squeeze %dma_start3A_200 : memref<1x128xi32, #tpu.memory_space<vmem>> -> memref<128xi32, #tpu.memory_space<vmem>>
      %dma_start3A_202 = arith.constant 0 : i32
      %dma_start3A_203 = arith.constant 0 : i32
      %dma_start3A_204 = tpu.memref_slice %arg4[%dma_start3A_202, %dma_start3A_203] : memref<10112x128xf32, #tpu.memory_space<hbm>> -> memref<10112x128xf32, #tpu.memory_space<hbm>>
      tpu.enqueue_indirect_dma source(%dma_start3A_204 : memref<10112x128xf32, #tpu.memory_space<hbm>>) target(%arg12 : memref<128x128xf32, #tpu.memory_space<vmem>>) offsets(%dma_start3A_201 : memref<128xi32, #tpu.memory_space<vmem>>) semaphore(%arg15 : memref<!tpu.dma_semaphore, #tpu.memory_space<semaphore_mem>>)
      %dma_wait3A_205 = arith.constant 1 : i32
      %dma_wait3A_206 = arith.constant 0 : i32
      %dma_wait3A_207 = tpu.memref_slice %arg10[%dma_wait3A_205, %dma_wait3A_206] : memref<40x128xi32, #tpu.memory_space<vmem>> -> memref<1x128xi32, #tpu.memory_space<vmem>>
      %dma_wait3A_208 = tpu.memref_squeeze %dma_wait3A_207 : memref<1x128xi32, #tpu.memory_space<vmem>> -> memref<128xi32, #tpu.memory_space<vmem>>
      %dma_wait3A_209 = arith.constant 0 : i32
      %dma_wait3A_210 = arith.constant 0 : i32
      %dma_wait3A_211 = tpu.memref_slice %arg4[%dma_wait3A_209, %dma_wait3A_210] : memref<10112x128xf32, #tpu.memory_space<hbm>> -> memref<10112x128xf32, #tpu.memory_space<hbm>>
      tpu.wait_indirect_dma semaphore(%arg16 : memref<!tpu.dma_semaphore, #tpu.memory_space<semaphore_mem>>) src(%dma_wait3A_211 : memref<10112x128xf32, #tpu.memory_space<hbm>>) dst(%arg13 : memref<128x128xf32, #tpu.memory_space<vmem>>)
      "tpu.region"() ({
        %run_scoped3A_223 = tpu.sem_alloc : memref<!tpu.dma_semaphore, #tpu.memory_space<semaphore_mem>>
        %dma_start3A_224 = arith.constant 0 : i32
        %dma_start3A_225 = tpu.memref_slice %arg11[%add3A_188, %dma_start3A_224] : memref<40x128xi32, #tpu.memory_space<vmem>> -> memref<1x128xi32, #tpu.memory_space<vmem>>
        %dma_start3A_226 = tpu.memref_squeeze %dma_start3A_225 : memref<1x128xi32, #tpu.memory_space<vmem>> -> memref<128xi32, #tpu.memory_space<vmem>>
        %dma_start3A_227 = arith.constant 0 : i32
        %dma_start3A_228 = arith.constant 0 : i32
        %dma_start3A_229 = tpu.memref_slice %arg14[%dma_start3A_227, %dma_start3A_228] : memref<10112x128xf32, #tpu.memory_space<vmem_shared>> -> memref<10112x128xf32, #tpu.memory_space<vmem_shared>>
        tpu.enqueue_indirect_dma source(%arg13 : memref<128x128xf32, #tpu.memory_space<vmem>>) target(%dma_start3A_229 : memref<10112x128xf32, #tpu.memory_space<vmem_shared>>) offsets(%dma_start3A_226 : memref<128xi32, #tpu.memory_space<vmem>>) semaphore(%run_scoped3A_223 : memref<!tpu.dma_semaphore, #tpu.memory_space<semaphore_mem>>) {add = true}
        %dma_wait3A_230 = arith.constant 0 : i32
        %dma_wait3A_231 = tpu.memref_slice %arg11[%add3A_188, %dma_wait3A_230] : memref<40x128xi32, #tpu.memory_space<vmem>> -> memref<1x128xi32, #tpu.memory_space<vmem>>
        %dma_wait3A_232 = tpu.memref_squeeze %dma_wait3A_231 : memref<1x128xi32, #tpu.memory_space<vmem>> -> memref<128xi32, #tpu.memory_space<vmem>>
        %dma_wait3A_233 = arith.constant 0 : i32
        %dma_wait3A_234 = arith.constant 0 : i32
        %dma_wait3A_235 = tpu.memref_slice %arg14[%dma_wait3A_233, %dma_wait3A_234] : memref<10112x128xf32, #tpu.memory_space<vmem_shared>> -> memref<10112x128xf32, #tpu.memory_space<vmem_shared>>
        tpu.wait_indirect_dma semaphore(%run_scoped3A_223 : memref<!tpu.dma_semaphore, #tpu.memory_space<semaphore_mem>>) src(%arg13 : memref<128x128xf32, #tpu.memory_space<vmem>>) dst(%dma_wait3A_235 : memref<10112x128xf32, #tpu.memory_space<vmem_shared>>)
        tpu.yield
      }) : () -> ()
      %add3A_212 = arith.constant 2 : i32
      %add3A_213 = arith.addi %add3A_188, %add3A_212 : i32
      %rem3A_214 = arith.constant 40 : i32
      %rem3A_215 = arith.remsi %add3A_213, %rem3A_214 : i32
      %dma_start3A_216 = arith.constant 0 : i32
      %dma_start3A_217 = tpu.memref_slice %arg10[%rem3A_215, %dma_start3A_216] : memref<40x128xi32, #tpu.memory_space<vmem>> -> memref<1x128xi32, #tpu.memory_space<vmem>>
      %dma_start3A_218 = tpu.memref_squeeze %dma_start3A_217 : memref<1x128xi32, #tpu.memory_space<vmem>> -> memref<128xi32, #tpu.memory_space<vmem>>
      %dma_start3A_219 = arith.constant 0 : i32
      %dma_start3A_220 = arith.constant 0 : i32
      %dma_start3A_221 = tpu.memref_slice %arg4[%dma_start3A_219, %dma_start3A_220] : memref<10112x128xf32, #tpu.memory_space<hbm>> -> memref<10112x128xf32, #tpu.memory_space<hbm>>
      tpu.enqueue_indirect_dma source(%dma_start3A_221 : memref<10112x128xf32, #tpu.memory_space<hbm>>) target(%arg13 : memref<128x128xf32, #tpu.memory_space<vmem>>) offsets(%dma_start3A_218 : memref<128xi32, #tpu.memory_space<vmem>>) semaphore(%arg16 : memref<!tpu.dma_semaphore, #tpu.memory_space<semaphore_mem>>)
      %scan3A_222 = arith.constant 0 : i32
      scf.yield %scan3A_222 : i32
    }
    %scan3A_164 = arith.constant 20 : i32
    %dma_wait3A_165 = arith.constant 0 : i32
    %dma_wait3A_166 = arith.constant 0 : i32
    %dma_wait3A_167 = tpu.memref_slice %arg10[%dma_wait3A_165, %dma_wait3A_166] : memref<40x128xi32, #tpu.memory_space<vmem>> -> memref<1x128xi32, #tpu.memory_space<vmem>>
    %dma_wait3A_168 = tpu.memref_squeeze %dma_wait3A_167 : memref<1x128xi32, #tpu.memory_space<vmem>> -> memref<128xi32, #tpu.memory_space<vmem>>
    %dma_wait3A_169 = arith.constant 0 : i32
    %dma_wait3A_170 = arith.constant 0 : i32
    %dma_wait3A_171 = tpu.memref_slice %arg4[%dma_wait3A_169, %dma_wait3A_170] : memref<10112x128xf32, #tpu.memory_space<hbm>> -> memref<10112x128xf32, #tpu.memory_space<hbm>>
    tpu.wait_indirect_dma semaphore(%arg15 : memref<!tpu.dma_semaphore, #tpu.memory_space<semaphore_mem>>) src(%dma_wait3A_171 : memref<10112x128xf32, #tpu.memory_space<hbm>>) dst(%arg12 : memref<128x128xf32, #tpu.memory_space<vmem>>)
    %dma_wait3A_172 = arith.constant 1 : i32
    %dma_wait3A_173 = arith.constant 0 : i32
    %dma_wait3A_174 = tpu.memref_slice %arg10[%dma_wait3A_172, %dma_wait3A_173] : memref<40x128xi32, #tpu.memory_space<vmem>> -> memref<1x128xi32, #tpu.memory_space<vmem>>
    %dma_wait3A_175 = tpu.memref_squeeze %dma_wait3A_174 : memref<1x128xi32, #tpu.memory_space<vmem>> -> memref<128xi32, #tpu.memory_space<vmem>>
    %dma_wait3A_176 = arith.constant 0 : i32
    %dma_wait3A_177 = arith.constant 0 : i32
    %dma_wait3A_178 = tpu.memref_slice %arg4[%dma_wait3A_176, %dma_wait3A_177] : memref<10112x128xf32, #tpu.memory_space<hbm>> -> memref<10112x128xf32, #tpu.memory_space<hbm>>
    tpu.wait_indirect_dma semaphore(%arg16 : memref<!tpu.dma_semaphore, #tpu.memory_space<semaphore_mem>>) src(%dma_wait3A_178 : memref<10112x128xf32, #tpu.memory_space<hbm>>) dst(%arg13 : memref<128x128xf32, #tpu.memory_space<vmem>>)
    %barrier3A_179 = arith.constant 0 : index
    tpu.barrier barrier_id(%barrier3A_179)
    "tpu.region"() ({
      %run_scoped3A_181 = tpu.sem_alloc : memref<!tpu.dma_semaphore, #tpu.memory_space<semaphore_mem>>
      %dma_start3A_182 = arith.constant 0 : i32
      %dma_start3A_183 = tpu.memref_slice %arg9[%arg0, %mul3A_2, %dma_start3A_182] : memref<2x10112x128xf32, #tpu.memory_space<hbm>> -> memref<1x632x128xf32, #tpu.memory_space<hbm>>
      %dma_start3A_184 = tpu.memref_squeeze %dma_start3A_183 : memref<1x632x128xf32, #tpu.memory_space<hbm>> -> memref<632x128xf32, #tpu.memory_space<hbm>>
      %dma_start3A_185 = arith.constant 0 : i32
      %dma_start3A_186 = tpu.memref_slice %arg14[%mul3A_2, %dma_start3A_185] : memref<10112x128xf32, #tpu.memory_space<vmem_shared>> -> memref<632x128xf32, #tpu.memory_space<vmem_shared>>
      tpu.enqueue_dma source(%dma_start3A_186 : memref<632x128xf32, #tpu.memory_space<vmem_shared>>) target(%dma_start3A_184 : memref<632x128xf32, #tpu.memory_space<hbm>>) target_semaphore(%run_scoped3A_181 : memref<!tpu.dma_semaphore, #tpu.memory_space<semaphore_mem>>)
      %dma_wait3A_187 = arith.constant 0 : i32
      %dma_wait3A_188 = tpu.memref_slice %arg9[%arg0, %mul3A_2, %dma_wait3A_187] : memref<2x10112x128xf32, #tpu.memory_space<hbm>> -> memref<1x632x128xf32, #tpu.memory_space<hbm>>
      %dma_wait3A_189 = tpu.memref_squeeze %dma_wait3A_188 : memref<1x632x128xf32, #tpu.memory_space<hbm>> -> memref<632x128xf32, #tpu.memory_space<hbm>>
      %dma_wait3A_190 = arith.constant 0 : i32
      %dma_wait3A_191 = tpu.memref_slice %arg14[%mul3A_2, %dma_wait3A_190] : memref<10112x128xf32, #tpu.memory_space<vmem_shared>> -> memref<632x128xf32, #tpu.memory_space<vmem_shared>>
      tpu.wait_dma2 semaphore(%run_scoped3A_181 : memref<!tpu.dma_semaphore, #tpu.memory_space<semaphore_mem>>) src(%dma_wait3A_191 : memref<632x128xf32, #tpu.memory_space<vmem_shared>>) dst(%dma_wait3A_189 : memref<632x128xf32, #tpu.memory_space<hbm>>)
      tpu.yield
    }) : () -> ()
    %barrier3A_180 = arith.constant 0 : index
    tpu.barrier barrier_id(%barrier3A_180)
    return
  }
}

#map = affine_map<(d0, d1) -> (0, 0)>
#map1 = affine_map<(d0, d1) -> (0, 0, 0)>
module attributes {stable_mosaic.version = 14 : i64} {
  func.func @body(%arg0: i32, %arg1: i32, %arg2: memref<10112x128xf32, #tpu.memory_space<hbm>>, %arg3: memref<10112x128xf32, #tpu.memory_space<hbm>>, %arg4: memref<10112x128xf32, #tpu.memory_space<hbm>>, %arg5: memref<3x1280x128xi32, #tpu.memory_space<hbm>>, %arg6: memref<3x1280x128xi32, #tpu.memory_space<hbm>>, %arg7: memref<2x10112x128xf32, #tpu.memory_space<hbm>>, %arg8: memref<2x10112x128xf32, #tpu.memory_space<hbm>>, %arg9: memref<2x10112x128xf32, #tpu.memory_space<hbm>>, %arg10: memref<40x128xi32, #tpu.memory_space<vmem>>, %arg11: memref<40x128xi32, #tpu.memory_space<vmem>>, %arg12: memref<128x128xf32, #tpu.memory_space<vmem>>, %arg13: memref<128x128xf32, #tpu.memory_space<vmem>>, %arg14: memref<10112x128xf32, #tpu.memory_space<vmem_shared>>, %arg15: memref<!tpu.dma_semaphore, #tpu.memory_space<semaphore_mem>>, %arg16: memref<!tpu.dma_semaphore, #tpu.memory_space<semaphore_mem>>, %arg17: memref<!tpu.dma_semaphore, #tpu.memory_space<semaphore_mem>>, %arg18: memref<!tpu.dma_semaphore, #tpu.memory_space<semaphore_mem>>) attributes {dimension_semantics = [#tpu.dimension_semantics<core_parallel>, #tpu.dimension_semantics<subcore_parallel>], iteration_bounds = array<i64: 2, 16>, scalar_prefetch = 0 : i64, scratch_operands = 9 : i64, tpu.core_type = #tpu.core_type<sc_vector_subcore>, window_params = [{transform_indices = #map}, {transform_indices = #map}, {transform_indices = #map}, {transform_indices = #map1}, {transform_indices = #map1}, {transform_indices = #map1}, {transform_indices = #map1}, {transform_indices = #map1}]} {
    %mul3A = arith.constant 16 : i32
    %mul3A_0 = arith.muli %arg0, %mul3A : i32
    %add3A = arith.addi %mul3A_0, %arg1 : i32
    %mul3A_1 = arith.constant 632 : i32
    %mul3A_2 = arith.muli %arg1, %mul3A_1 : i32
    %scan3A = arith.constant 0 : i32
    %scan3A_3 = arith.constant 0 : i32
    %scan3A_4 = arith.constant 128 : i32
    %scan3A_5 = arith.addi %scan3A_3, %scan3A_4 : i32
    %scan3A_6 = arith.constant 1 : i32
    %scan3A_7 = scf.for %scan3A_181 = %scan3A_3 to %scan3A_5 step %scan3A_6 iter_args(%scan3A_182 = %scan3A) -> (i32)  : i32 {
      %broadcast_in_dim3A = arith.constant 0.000000e+00 : f32
      %broadcast_in_dim3A_183 = vector.broadcast %broadcast_in_dim3A : f32 to vector<16xf32>
      %swap3A = arith.index_cast %scan3A_181 : i32 to index
      %swap3A_184 = arith.constant 0 : index
      %swap3A_185 = tpu.vector_load %arg12[%swap3A, %swap3A_184] {strides = array<i32>} : memref<128x128xf32, #tpu.memory_space<vmem>>, vector<1x16xf32>,
      %swap3A_186 = vector.shape_cast %swap3A_185 : vector<1x16xf32> to vector<16xf32>
      %swap3A_187 = vector.shape_cast %broadcast_in_dim3A_183 : vector<16xf32> to vector<1x16xf32>
      tpu.vector_store %arg12[%swap3A, %swap3A_184], %swap3A_187 {strides = array<i32>} : memref<128x128xf32, #tpu.memory_space<vmem>>, vector<1x16xf32>,
      %broadcast_in_dim3A_188 = arith.constant 0.000000e+00 : f32
      %broadcast_in_dim3A_189 = vector.broadcast %broadcast_in_dim3A_188 : f32 to vector<16xf32>
      %swap3A_190 = arith.index_cast %scan3A_181 : i32 to index
      %swap3A_191 = arith.constant 16 : index
      %swap3A_192 = tpu.vector_load %arg12[%swap3A_190, %swap3A_191] {strides = array<i32>} : memref<128x128xf32, #tpu.memory_space<vmem>>, vector<1x16xf32>,
      %swap3A_193 = vector.shape_cast %swap3A_192 : vector<1x16xf32> to vector<16xf32>
      %swap3A_194 = vector.shape_cast %broadcast_in_dim3A_189 : vector<16xf32> to vector<1x16xf32>
      tpu.vector_store %arg12[%swap3A_190, %swap3A_191], %swap3A_194 {strides = array<i32>} : memref<128x128xf32, #tpu.memory_space<vmem>>, vector<1x16xf32>,
      %broadcast_in_dim3A_195 = arith.constant 0.000000e+00 : f32
      %broadcast_in_dim3A_196 = vector.broadcast %broadcast_in_dim3A_195 : f32 to vector<16xf32>
      %swap3A_197 = arith.index_cast %scan3A_181 : i32 to index
      %swap3A_198 = arith.constant 32 : index
      %swap3A_199 = tpu.vector_load %arg12[%swap3A_197, %swap3A_198] {strides = array<i32>} : memref<128x128xf32, #tpu.memory_space<vmem>>, vector<1x16xf32>,
      %swap3A_200 = vector.shape_cast %swap3A_199 : vector<1x16xf32> to vector<16xf32>
      %swap3A_201 = vector.shape_cast %broadcast_in_dim3A_196 : vector<16xf32> to vector<1x16xf32>
      tpu.vector_store %arg12[%swap3A_197, %swap3A_198], %swap3A_201 {strides = array<i32>} : memref<128x128xf32, #tpu.memory_space<vmem>>, vector<1x16xf32>,
      %broadcast_in_dim3A_202 = arith.constant 0.000000e+00 : f32
      %broadcast_in_dim3A_203 = vector.broadcast %broadcast_in_dim3A_202 : f32 to vector<16xf32>
      %swap3A_204 = arith.index_cast %scan3A_181 : i32 to index
      %swap3A_205 = arith.constant 48 : index
      %swap3A_206 = tpu.vector_load %arg12[%swap3A_204, %swap3A_205] {strides = array<i32>} : memref<128x128xf32, #tpu.memory_space<vmem>>, vector<1x16xf32>,
      %swap3A_207 = vector.shape_cast %swap3A_206 : vector<1x16xf32> to vector<16xf32>
      %swap3A_208 = vector.shape_cast %broadcast_in_dim3A_203 : vector<16xf32> to vector<1x16xf32>
      tpu.vector_store %arg12[%swap3A_204, %swap3A_205], %swap3A_208 {strides = array<i32>} : memref<128x128xf32, #tpu.memory_space<vmem>>, vector<1x16xf32>,
      %broadcast_in_dim3A_209 = arith.constant 0.000000e+00 : f32
      %broadcast_in_dim3A_210 = vector.broadcast %broadcast_in_dim3A_209 : f32 to vector<16xf32>
      %swap3A_211 = arith.index_cast %scan3A_181 : i32 to index
      %swap3A_212 = arith.constant 64 : index
      %swap3A_213 = tpu.vector_load %arg12[%swap3A_211, %swap3A_212] {strides = array<i32>} : memref<128x128xf32, #tpu.memory_space<vmem>>, vector<1x16xf32>,
      %swap3A_214 = vector.shape_cast %swap3A_213 : vector<1x16xf32> to vector<16xf32>
      %swap3A_215 = vector.shape_cast %broadcast_in_dim3A_210 : vector<16xf32> to vector<1x16xf32>
      tpu.vector_store %arg12[%swap3A_211, %swap3A_212], %swap3A_215 {strides = array<i32>} : memref<128x128xf32, #tpu.memory_space<vmem>>, vector<1x16xf32>,
      %broadcast_in_dim3A_216 = arith.constant 0.000000e+00 : f32
      %broadcast_in_dim3A_217 = vector.broadcast %broadcast_in_dim3A_216 : f32 to vector<16xf32>
      %swap3A_218 = arith.index_cast %scan3A_181 : i32 to index
      %swap3A_219 = arith.constant 80 : index
      %swap3A_220 = tpu.vector_load %arg12[%swap3A_218, %swap3A_219] {strides = array<i32>} : memref<128x128xf32, #tpu.memory_space<vmem>>, vector<1x16xf32>,
      %swap3A_221 = vector.shape_cast %swap3A_220 : vector<1x16xf32> to vector<16xf32>
      %swap3A_222 = vector.shape_cast %broadcast_in_dim3A_217 : vector<16xf32> to vector<1x16xf32>
      tpu.vector_store %arg12[%swap3A_218, %swap3A_219], %swap3A_222 {strides = array<i32>} : memref<128x128xf32, #tpu.memory_space<vmem>>, vector<1x16xf32>,
      %broadcast_in_dim3A_223 = arith.constant 0.000000e+00 : f32
      %broadcast_in_dim3A_224 = vector.broadcast %broadcast_in_dim3A_223 : f32 to vector<16xf32>
      %swap3A_225 = arith.index_cast %scan3A_181 : i32 to index
      %swap3A_226 = arith.constant 96 : index
      %swap3A_227 = tpu.vector_load %arg12[%swap3A_225, %swap3A_226] {strides = array<i32>} : memref<128x128xf32, #tpu.memory_space<vmem>>, vector<1x16xf32>,
      %swap3A_228 = vector.shape_cast %swap3A_227 : vector<1x16xf32> to vector<16xf32>
      %swap3A_229 = vector.shape_cast %broadcast_in_dim3A_224 : vector<16xf32> to vector<1x16xf32>
      tpu.vector_store %arg12[%swap3A_225, %swap3A_226], %swap3A_229 {strides = array<i32>} : memref<128x128xf32, #tpu.memory_space<vmem>>, vector<1x16xf32>,
      %broadcast_in_dim3A_230 = arith.constant 0.000000e+00 : f32
      %broadcast_in_dim3A_231 = vector.broadcast %broadcast_in_dim3A_230 : f32 to vector<16xf32>
      %swap3A_232 = arith.index_cast %scan3A_181 : i32 to index
      %swap3A_233 = arith.constant 112 : index
      %swap3A_234 = tpu.vector_load %arg12[%swap3A_232, %swap3A_233] {strides = array<i32>} : memref<128x128xf32, #tpu.memory_space<vmem>>, vector<1x16xf32>,
      %swap3A_235 = vector.shape_cast %swap3A_234 : vector<1x16xf32> to vector<16xf32>
      %swap3A_236 = vector.shape_cast %broadcast_in_dim3A_231 : vector<16xf32> to vector<1x16xf32>
      tpu.vector_store %arg12[%swap3A_232, %swap3A_233], %swap3A_236 {strides = array<i32>} : memref<128x128xf32, #tpu.memory_space<vmem>>, vector<1x16xf32>,
      %scan3A_237 = arith.constant 0 : i32
      scf.yield %scan3A_237 : i32
    }
    %scan3A_8 = arith.constant 128 : i32
    %add3A_9 = arith.constant 0 : i32
    %add3A_10 = arith.addi %mul3A_2, %add3A_9 : i32
    "tpu.region"() ({
      %run_scoped3A_181 = tpu.sem_alloc : memref<!tpu.dma_semaphore, #tpu.memory_space<semaphore_mem>>
      %dma_start3A_182 = arith.constant 0 : i32
      %dma_start3A_183 = arith.constant 0 : i32
      %dma_start3A_184 = tpu.memref_slice %arg12[%dma_start3A_182, %dma_start3A_183] : memref<128x128xf32, #tpu.memory_space<vmem>> -> memref<128x128xf32, #tpu.memory_space<vmem>>
      %dma_start3A_185 = arith.constant 0 : i32
      %dma_start3A_186 = tpu.memref_slice %arg14[%add3A_10, %dma_start3A_185] : memref<10112x128xf32, #tpu.memory_space<vmem_shared>> -> memref<128x128xf32, #tpu.memory_space<vmem_shared>>
      %dma_start3A_187 = arith.constant 0 : i32
      %dma_start3A_188 = tpu.memref_slice %arg14[%add3A_10, %dma_start3A_187] : memref<10112x128xf32, #tpu.memory_space<vmem_shared>> -> memref<128x128xf32, #tpu.memory_space<vmem_shared>>
      %dma_start3A_189 = arith.constant 0 : i32
      %dma_start3A_190 = arith.constant 0 : i32
      %dma_start3A_191 = tpu.memref_slice %arg12[%dma_start3A_189, %dma_start3A_190] : memref<128x128xf32, #tpu.memory_space<vmem>> -> memref<128x128xf32, #tpu.memory_space<vmem>>
      tpu.enqueue_dma source(%dma_start3A_191 : memref<128x128xf32, #tpu.memory_space<vmem>>) target(%dma_start3A_188 : memref<128x128xf32, #tpu.memory_space<vmem_shared>>) target_semaphore(%run_scoped3A_181 : memref<!tpu.dma_semaphore, #tpu.memory_space<semaphore_mem>>)
      %dma_wait3A_192 = arith.constant 0 : i32
      %dma_wait3A_193 = arith.constant 0 : i32
      %dma_wait3A_194 = tpu.memref_slice %arg12[%dma_wait3A_192, %dma_wait3A_193] : memref<128x128xf32, #tpu.memory_space<vmem>> -> memref<128x128xf32, #tpu.memory_space<vmem>>
      %dma_wait3A_195 = arith.constant 0 : i32
      %dma_wait3A_196 = tpu.memref_slice %arg14[%add3A_10, %dma_wait3A_195] : memref<10112x128xf32, #tpu.memory_space<vmem_shared>> -> memref<128x128xf32, #tpu.memory_space<vmem_shared>>
      %dma_wait3A_197 = arith.constant 0 : i32
      %dma_wait3A_198 = tpu.memref_slice %arg14[%add3A_10, %dma_wait3A_197] : memref<10112x128xf32, #tpu.memory_space<vmem_shared>> -> memref<128x128xf32, #tpu.memory_space<vmem_shared>>
      %dma_wait3A_199 = arith.constant 0 : i32
      %dma_wait3A_200 = arith.constant 0 : i32
      %dma_wait3A_201 = tpu.memref_slice %arg12[%dma_wait3A_199, %dma_wait3A_200] : memref<128x128xf32, #tpu.memory_space<vmem>> -> memref<128x128xf32, #tpu.memory_space<vmem>>
      tpu.wait_dma2 semaphore(%run_scoped3A_181 : memref<!tpu.dma_semaphore, #tpu.memory_space<semaphore_mem>>) src(%dma_wait3A_201 : memref<128x128xf32, #tpu.memory_space<vmem>>) dst(%dma_wait3A_198 : memref<128x128xf32, #tpu.memory_space<vmem_shared>>)
      tpu.yield
    }) : () -> ()
    %add3A_11 = arith.constant 128 : i32
    %add3A_12 = arith.addi %mul3A_2, %add3A_11 : i32
    "tpu.region"() ({
      %run_scoped3A_181 = tpu.sem_alloc : memref<!tpu.dma_semaphore, #tpu.memory_space<semaphore_mem>>
      %dma_start3A_182 = arith.constant 0 : i32
      %dma_start3A_183 = arith.constant 0 : i32
      %dma_start3A_184 = tpu.memref_slice %arg12[%dma_start3A_182, %dma_start3A_183] : memref<128x128xf32, #tpu.memory_space<vmem>> -> memref<128x128xf32, #tpu.memory_space<vmem>>
      %dma_start3A_185 = arith.constant 0 : i32
      %dma_start3A_186 = tpu.memref_slice %arg14[%add3A_12, %dma_start3A_185] : memref<10112x128xf32, #tpu.memory_space<vmem_shared>> -> memref<128x128xf32, #tpu.memory_space<vmem_shared>>
      %dma_start3A_187 = arith.constant 0 : i32
      %dma_start3A_188 = tpu.memref_slice %arg14[%add3A_12, %dma_start3A_187] : memref<10112x128xf32, #tpu.memory_space<vmem_shared>> -> memref<128x128xf32, #tpu.memory_space<vmem_shared>>
      %dma_start3A_189 = arith.constant 0 : i32
      %dma_start3A_190 = arith.constant 0 : i32
      %dma_start3A_191 = tpu.memref_slice %arg12[%dma_start3A_189, %dma_start3A_190] : memref<128x128xf32, #tpu.memory_space<vmem>> -> memref<128x128xf32, #tpu.memory_space<vmem>>
      tpu.enqueue_dma source(%dma_start3A_191 : memref<128x128xf32, #tpu.memory_space<vmem>>) target(%dma_start3A_188 : memref<128x128xf32, #tpu.memory_space<vmem_shared>>) target_semaphore(%run_scoped3A_181 : memref<!tpu.dma_semaphore, #tpu.memory_space<semaphore_mem>>)
      %dma_wait3A_192 = arith.constant 0 : i32
      %dma_wait3A_193 = arith.constant 0 : i32
      %dma_wait3A_194 = tpu.memref_slice %arg12[%dma_wait3A_192, %dma_wait3A_193] : memref<128x128xf32, #tpu.memory_space<vmem>> -> memref<128x128xf32, #tpu.memory_space<vmem>>
      %dma_wait3A_195 = arith.constant 0 : i32
      %dma_wait3A_196 = tpu.memref_slice %arg14[%add3A_12, %dma_wait3A_195] : memref<10112x128xf32, #tpu.memory_space<vmem_shared>> -> memref<128x128xf32, #tpu.memory_space<vmem_shared>>
      %dma_wait3A_197 = arith.constant 0 : i32
      %dma_wait3A_198 = tpu.memref_slice %arg14[%add3A_12, %dma_wait3A_197] : memref<10112x128xf32, #tpu.memory_space<vmem_shared>> -> memref<128x128xf32, #tpu.memory_space<vmem_shared>>
      %dma_wait3A_199 = arith.constant 0 : i32
      %dma_wait3A_200 = arith.constant 0 : i32
      %dma_wait3A_201 = tpu.memref_slice %arg12[%dma_wait3A_199, %dma_wait3A_200] : memref<128x128xf32, #tpu.memory_space<vmem>> -> memref<128x128xf32, #tpu.memory_space<vmem>>
      tpu.wait_dma2 semaphore(%run_scoped3A_181 : memref<!tpu.dma_semaphore, #tpu.memory_space<semaphore_mem>>) src(%dma_wait3A_201 : memref<128x128xf32, #tpu.memory_space<vmem>>) dst(%dma_wait3A_198 : memref<128x128xf32, #tpu.memory_space<vmem_shared>>)
      tpu.yield
    }) : () -> ()
    %add3A_13 = arith.constant 256 : i32
    %add3A_14 = arith.addi %mul3A_2, %add3A_13 : i32
    "tpu.region"() ({
      %run_scoped3A_181 = tpu.sem_alloc : memref<!tpu.dma_semaphore, #tpu.memory_space<semaphore_mem>>
      %dma_start3A_182 = arith.constant 0 : i32
      %dma_start3A_183 = arith.constant 0 : i32
      %dma_start3A_184 = tpu.memref_slice %arg12[%dma_start3A_182, %dma_start3A_183] : memref<128x128xf32, #tpu.memory_space<vmem>> -> memref<128x128xf32, #tpu.memory_space<vmem>>
      %dma_start3A_185 = arith.constant 0 : i32
      %dma_start3A_186 = tpu.memref_slice %arg14[%add3A_14, %dma_start3A_185] : memref<10112x128xf32, #tpu.memory_space<vmem_shared>> -> memref<128x128xf32, #tpu.memory_space<vmem_shared>>
      %dma_start3A_187 = arith.constant 0 : i32
      %dma_start3A_188 = tpu.memref_slice %arg14[%add3A_14, %dma_start3A_187] : memref<10112x128xf32, #tpu.memory_space<vmem_shared>> -> memref<128x128xf32, #tpu.memory_space<vmem_shared>>
      %dma_start3A_189 = arith.constant 0 : i32
      %dma_start3A_190 = arith.constant 0 : i32
      %dma_start3A_191 = tpu.memref_slice %arg12[%dma_start3A_189, %dma_start3A_190] : memref<128x128xf32, #tpu.memory_space<vmem>> -> memref<128x128xf32, #tpu.memory_space<vmem>>
      tpu.enqueue_dma source(%dma_start3A_191 : memref<128x128xf32, #tpu.memory_space<vmem>>) target(%dma_start3A_188 : memref<128x128xf32, #tpu.memory_space<vmem_shared>>) target_semaphore(%run_scoped3A_181 : memref<!tpu.dma_semaphore, #tpu.memory_space<semaphore_mem>>)
      %dma_wait3A_192 = arith.constant 0 : i32
      %dma_wait3A_193 = arith.constant 0 : i32
      %dma_wait3A_194 = tpu.memref_slice %arg12[%dma_wait3A_192, %dma_wait3A_193] : memref<128x128xf32, #tpu.memory_space<vmem>> -> memref<128x128xf32, #tpu.memory_space<vmem>>
      %dma_wait3A_195 = arith.constant 0 : i32
      %dma_wait3A_196 = tpu.memref_slice %arg14[%add3A_14, %dma_wait3A_195] : memref<10112x128xf32, #tpu.memory_space<vmem_shared>> -> memref<128x128xf32, #tpu.memory_space<vmem_shared>>
      %dma_wait3A_197 = arith.constant 0 : i32
      %dma_wait3A_198 = tpu.memref_slice %arg14[%add3A_14, %dma_wait3A_197] : memref<10112x128xf32, #tpu.memory_space<vmem_shared>> -> memref<128x128xf32, #tpu.memory_space<vmem_shared>>
      %dma_wait3A_199 = arith.constant 0 : i32
      %dma_wait3A_200 = arith.constant 0 : i32
      %dma_wait3A_201 = tpu.memref_slice %arg12[%dma_wait3A_199, %dma_wait3A_200] : memref<128x128xf32, #tpu.memory_space<vmem>> -> memref<128x128xf32, #tpu.memory_space<vmem>>
      tpu.wait_dma2 semaphore(%run_scoped3A_181 : memref<!tpu.dma_semaphore, #tpu.memory_space<semaphore_mem>>) src(%dma_wait3A_201 : memref<128x128xf32, #tpu.memory_space<vmem>>) dst(%dma_wait3A_198 : memref<128x128xf32, #tpu.memory_space<vmem_shared>>)
      tpu.yield
    }) : () -> ()
    %add3A_15 = arith.constant 384 : i32
    %add3A_16 = arith.addi %mul3A_2, %add3A_15 : i32
    "tpu.region"() ({
      %run_scoped3A_181 = tpu.sem_alloc : memref<!tpu.dma_semaphore, #tpu.memory_space<semaphore_mem>>
      %dma_start3A_182 = arith.constant 0 : i32
      %dma_start3A_183 = arith.constant 0 : i32
      %dma_start3A_184 = tpu.memref_slice %arg12[%dma_start3A_182, %dma_start3A_183] : memref<128x128xf32, #tpu.memory_space<vmem>> -> memref<128x128xf32, #tpu.memory_space<vmem>>
      %dma_start3A_185 = arith.constant 0 : i32
      %dma_start3A_186 = tpu.memref_slice %arg14[%add3A_16, %dma_start3A_185] : memref<10112x128xf32, #tpu.memory_space<vmem_shared>> -> memref<128x128xf32, #tpu.memory_space<vmem_shared>>
      %dma_start3A_187 = arith.constant 0 : i32
      %dma_start3A_188 = tpu.memref_slice %arg14[%add3A_16, %dma_start3A_187] : memref<10112x128xf32, #tpu.memory_space<vmem_shared>> -> memref<128x128xf32, #tpu.memory_space<vmem_shared>>
      %dma_start3A_189 = arith.constant 0 : i32
      %dma_start3A_190 = arith.constant 0 : i32
      %dma_start3A_191 = tpu.memref_slice %arg12[%dma_start3A_189, %dma_start3A_190] : memref<128x128xf32, #tpu.memory_space<vmem>> -> memref<128x128xf32, #tpu.memory_space<vmem>>
      tpu.enqueue_dma source(%dma_start3A_191 : memref<128x128xf32, #tpu.memory_space<vmem>>) target(%dma_start3A_188 : memref<128x128xf32, #tpu.memory_space<vmem_shared>>) target_semaphore(%run_scoped3A_181 : memref<!tpu.dma_semaphore, #tpu.memory_space<semaphore_mem>>)
      %dma_wait3A_192 = arith.constant 0 : i32
      %dma_wait3A_193 = arith.constant 0 : i32
      %dma_wait3A_194 = tpu.memref_slice %arg12[%dma_wait3A_192, %dma_wait3A_193] : memref<128x128xf32, #tpu.memory_space<vmem>> -> memref<128x128xf32, #tpu.memory_space<vmem>>
      %dma_wait3A_195 = arith.constant 0 : i32
      %dma_wait3A_196 = tpu.memref_slice %arg14[%add3A_16, %dma_wait3A_195] : memref<10112x128xf32, #tpu.memory_space<vmem_shared>> -> memref<128x128xf32, #tpu.memory_space<vmem_shared>>
      %dma_wait3A_197 = arith.constant 0 : i32
      %dma_wait3A_198 = tpu.memref_slice %arg14[%add3A_16, %dma_wait3A_197] : memref<10112x128xf32, #tpu.memory_space<vmem_shared>> -> memref<128x128xf32, #tpu.memory_space<vmem_shared>>
      %dma_wait3A_199 = arith.constant 0 : i32
      %dma_wait3A_200 = arith.constant 0 : i32
      %dma_wait3A_201 = tpu.memref_slice %arg12[%dma_wait3A_199, %dma_wait3A_200] : memref<128x128xf32, #tpu.memory_space<vmem>> -> memref<128x128xf32, #tpu.memory_space<vmem>>
      tpu.wait_dma2 semaphore(%run_scoped3A_181 : memref<!tpu.dma_semaphore, #tpu.memory_space<semaphore_mem>>) src(%dma_wait3A_201 : memref<128x128xf32, #tpu.memory_space<vmem>>) dst(%dma_wait3A_198 : memref<128x128xf32, #tpu.memory_space<vmem_shared>>)
      tpu.yield
    }) : () -> ()
    %add3A_17 = arith.constant 512 : i32
    %add3A_18 = arith.addi %mul3A_2, %add3A_17 : i32
    "tpu.region"() ({
      %run_scoped3A_181 = tpu.sem_alloc : memref<!tpu.dma_semaphore, #tpu.memory_space<semaphore_mem>>
      %dma_start3A_182 = arith.constant 0 : i32
      %dma_start3A_183 = arith.constant 0 : i32
      %dma_start3A_184 = tpu.memref_slice %arg12[%dma_start3A_182, %dma_start3A_183] : memref<128x128xf32, #tpu.memory_space<vmem>> -> memref<120x128xf32, #tpu.memory_space<vmem>>
      %dma_start3A_185 = arith.constant 0 : i32
      %dma_start3A_186 = tpu.memref_slice %arg14[%add3A_18, %dma_start3A_185] : memref<10112x128xf32, #tpu.memory_space<vmem_shared>> -> memref<120x128xf32, #tpu.memory_space<vmem_shared>>
      %dma_start3A_187 = arith.constant 0 : i32
      %dma_start3A_188 = tpu.memref_slice %arg14[%add3A_18, %dma_start3A_187] : memref<10112x128xf32, #tpu.memory_space<vmem_shared>> -> memref<120x128xf32, #tpu.memory_space<vmem_shared>>
      %dma_start3A_189 = arith.constant 0 : i32
      %dma_start3A_190 = arith.constant 0 : i32
      %dma_start3A_191 = tpu.memref_slice %arg12[%dma_start3A_189, %dma_start3A_190] : memref<128x128xf32, #tpu.memory_space<vmem>> -> memref<120x128xf32, #tpu.memory_space<vmem>>
      tpu.enqueue_dma source(%dma_start3A_191 : memref<120x128xf32, #tpu.memory_space<vmem>>) target(%dma_start3A_188 : memref<120x128xf32, #tpu.memory_space<vmem_shared>>) target_semaphore(%run_scoped3A_181 : memref<!tpu.dma_semaphore, #tpu.memory_space<semaphore_mem>>)
      %dma_wait3A_192 = arith.constant 0 : i32
      %dma_wait3A_193 = arith.constant 0 : i32
      %dma_wait3A_194 = tpu.memref_slice %arg12[%dma_wait3A_192, %dma_wait3A_193] : memref<128x128xf32, #tpu.memory_space<vmem>> -> memref<120x128xf32, #tpu.memory_space<vmem>>
      %dma_wait3A_195 = arith.constant 0 : i32
      %dma_wait3A_196 = tpu.memref_slice %arg14[%add3A_18, %dma_wait3A_195] : memref<10112x128xf32, #tpu.memory_space<vmem_shared>> -> memref<120x128xf32, #tpu.memory_space<vmem_shared>>
      %dma_wait3A_197 = arith.constant 0 : i32
      %dma_wait3A_198 = tpu.memref_slice %arg14[%add3A_18, %dma_wait3A_197] : memref<10112x128xf32, #tpu.memory_space<vmem_shared>> -> memref<120x128xf32, #tpu.memory_space<vmem_shared>>
      %dma_wait3A_199 = arith.constant 0 : i32
      %dma_wait3A_200 = arith.constant 0 : i32
      %dma_wait3A_201 = tpu.memref_slice %arg12[%dma_wait3A_199, %dma_wait3A_200] : memref<128x128xf32, #tpu.memory_space<vmem>> -> memref<120x128xf32, #tpu.memory_space<vmem>>
      tpu.wait_dma2 semaphore(%run_scoped3A_181 : memref<!tpu.dma_semaphore, #tpu.memory_space<semaphore_mem>>) src(%dma_wait3A_201 : memref<120x128xf32, #tpu.memory_space<vmem>>) dst(%dma_wait3A_198 : memref<120x128xf32, #tpu.memory_space<vmem_shared>>)
      tpu.yield
    }) : () -> ()
    %barrier3A = arith.constant 0 : index
    tpu.barrier barrier_id(%barrier3A)
    %mul3A_19 = arith.constant 40 : i32
    %mul3A_20 = arith.muli %add3A, %mul3A_19 : i32
    %run_scoped3A = arith.constant 0 : i32
    "tpu.region"() ({
      %run_scoped3A_181 = tpu.sem_alloc : memref<!tpu.dma_semaphore, #tpu.memory_space<semaphore_mem>>
      %dma_start3A_182 = arith.constant 0 : i32
      %dma_start3A_183 = tpu.memref_slice %arg5[%run_scoped3A, %mul3A_20, %dma_start3A_182] : memref<3x1280x128xi32, #tpu.memory_space<hbm>> -> memref<1x40x128xi32, #tpu.memory_space<hbm>>
      %dma_start3A_184 = tpu.memref_squeeze %dma_start3A_183 : memref<1x40x128xi32, #tpu.memory_space<hbm>> -> memref<40x128xi32, #tpu.memory_space<hbm>>
      %dma_start3A_185 = arith.constant 0 : i32
      %dma_start3A_186 = tpu.memref_slice %arg5[%run_scoped3A, %mul3A_20, %dma_start3A_185] : memref<3x1280x128xi32, #tpu.memory_space<hbm>> -> memref<1x40x128xi32, #tpu.memory_space<hbm>>
      %dma_start3A_187 = tpu.memref_squeeze %dma_start3A_186 : memref<1x40x128xi32, #tpu.memory_space<hbm>> -> memref<40x128xi32, #tpu.memory_space<hbm>>
      tpu.enqueue_dma source(%dma_start3A_187 : memref<40x128xi32, #tpu.memory_space<hbm>>) target(%arg10 : memref<40x128xi32, #tpu.memory_space<vmem>>) target_semaphore(%run_scoped3A_181 : memref<!tpu.dma_semaphore, #tpu.memory_space<semaphore_mem>>)
      %dma_wait3A_188 = arith.constant 0 : i32
      %dma_wait3A_189 = tpu.memref_slice %arg5[%run_scoped3A, %mul3A_20, %dma_wait3A_188] : memref<3x1280x128xi32, #tpu.memory_space<hbm>> -> memref<1x40x128xi32, #tpu.memory_space<hbm>>
      %dma_wait3A_190 = tpu.memref_squeeze %dma_wait3A_189 : memref<1x40x128xi32, #tpu.memory_space<hbm>> -> memref<40x128xi32, #tpu.memory_space<hbm>>
      %dma_wait3A_191 = arith.constant 0 : i32
      %dma_wait3A_192 = tpu.memref_slice %arg5[%run_scoped3A, %mul3A_20, %dma_wait3A_191] : memref<3x1280x128xi32, #tpu.memory_space<hbm>> -> memref<1x40x128xi32, #tpu.memory_space<hbm>>
      %dma_wait3A_193 = tpu.memref_squeeze %dma_wait3A_192 : memref<1x40x128xi32, #tpu.memory_space<hbm>> -> memref<40x128xi32, #tpu.memory_space<hbm>>
      tpu.wait_dma2 semaphore(%run_scoped3A_181 : memref<!tpu.dma_semaphore, #tpu.memory_space<semaphore_mem>>) src(%dma_wait3A_193 : memref<40x128xi32, #tpu.memory_space<hbm>>) dst(%arg10 : memref<40x128xi32, #tpu.memory_space<vmem>>)
      tpu.yield
    }) : () -> ()
    %mul3A_21 = arith.constant 40 : i32
    %mul3A_22 = arith.muli %add3A, %mul3A_21 : i32
    %run_scoped3A_23 = arith.constant 0 : i32
    "tpu.region"() ({
      %run_scoped3A_181 = tpu.sem_alloc : memref<!tpu.dma_semaphore, #tpu.memory_space<semaphore_mem>>
      %dma_start3A_182 = arith.constant 0 : i32
      %dma_start3A_183 = tpu.memref_slice %arg6[%run_scoped3A_23, %mul3A_22, %dma_start3A_182] : memref<3x1280x128xi32, #tpu.memory_space<hbm>> -> memref<1x40x128xi32, #tpu.memory_space<hbm>>
      %dma_start3A_184 = tpu.memref_squeeze %dma_start3A_183 : memref<1x40x128xi32, #tpu.memory_space<hbm>> -> memref<40x128xi32, #tpu.memory_space<hbm>>
      %dma_start3A_185 = arith.constant 0 : i32
      %dma_start3A_186 = tpu.memref_slice %arg6[%run_scoped3A_23, %mul3A_22, %dma_start3A_185] : memref<3x1280x128xi32, #tpu.memory_space<hbm>> -> memref<1x40x128xi32, #tpu.memory_space<hbm>>
      %dma_start3A_187 = tpu.memref_squeeze %dma_start3A_186 : memref<1x40x128xi32, #tpu.memory_space<hbm>> -> memref<40x128xi32, #tpu.memory_space<hbm>>
      tpu.enqueue_dma source(%dma_start3A_187 : memref<40x128xi32, #tpu.memory_space<hbm>>) target(%arg11 : memref<40x128xi32, #tpu.memory_space<vmem>>) target_semaphore(%run_scoped3A_181 : memref<!tpu.dma_semaphore, #tpu.memory_space<semaphore_mem>>)
      %dma_wait3A_188 = arith.constant 0 : i32
      %dma_wait3A_189 = tpu.memref_slice %arg6[%run_scoped3A_23, %mul3A_22, %dma_wait3A_188] : memref<3x1280x128xi32, #tpu.memory_space<hbm>> -> memref<1x40x128xi32, #tpu.memory_space<hbm>>
      %dma_wait3A_190 = tpu.memref_squeeze %dma_wait3A_189 : memref<1x40x128xi32, #tpu.memory_space<hbm>> -> memref<40x128xi32, #tpu.memory_space<hbm>>
      %dma_wait3A_191 = arith.constant 0 : i32
      %dma_wait3A_192 = tpu.memref_slice %arg6[%run_scoped3A_23, %mul3A_22, %dma_wait3A_191] : memref<3x1280x128xi32, #tpu.memory_space<hbm>> -> memref<1x40x128xi32, #tpu.memory_space<hbm>>
      %dma_wait3A_193 = tpu.memref_squeeze %dma_wait3A_192 : memref<1x40x128xi32, #tpu.memory_space<hbm>> -> memref<40x128xi32, #tpu.memory_space<hbm>>
      tpu.wait_dma2 semaphore(%run_scoped3A_181 : memref<!tpu.dma_semaphore, #tpu.memory_space<semaphore_mem>>) src(%dma_wait3A_193 : memref<40x128xi32, #tpu.memory_space<hbm>>) dst(%arg11 : memref<40x128xi32, #tpu.memory_space<vmem>>)
      tpu.yield
    }) : () -> ()
    %dma_start3A = arith.constant 0 : i32
    %dma_start3A_24 = arith.constant 0 : i32
    %dma_start3A_25 = tpu.memref_slice %arg10[%dma_start3A, %dma_start3A_24] : memref<40x128xi32, #tpu.memory_space<vmem>> -> memref<1x128xi32, #tpu.memory_space<vmem>>
    %dma_start3A_26 = tpu.memref_squeeze %dma_start3A_25 : memref<1x128xi32, #tpu.memory_space<vmem>> -> memref<128xi32, #tpu.memory_space<vmem>>
    %dma_start3A_27 = arith.constant 0 : i32
    %dma_start3A_28 = arith.constant 0 : i32
    %dma_start3A_29 = tpu.memref_slice %arg2[%dma_start3A_27, %dma_start3A_28] : memref<10112x128xf32, #tpu.memory_space<hbm>> -> memref<10112x128xf32, #tpu.memory_space<hbm>>
    tpu.enqueue_indirect_dma source(%dma_start3A_29 : memref<10112x128xf32, #tpu.memory_space<hbm>>) target(%arg12 : memref<128x128xf32, #tpu.memory_space<vmem>>) offsets(%dma_start3A_26 : memref<128xi32, #tpu.memory_space<vmem>>) semaphore(%arg15 : memref<!tpu.dma_semaphore, #tpu.memory_space<semaphore_mem>>)
    %dma_start3A_30 = arith.constant 1 : i32
    %dma_start3A_31 = arith.constant 0 : i32
    %dma_start3A_32 = tpu.memref_slice %arg10[%dma_start3A_30, %dma_start3A_31] : memref<40x128xi32, #tpu.memory_space<vmem>> -> memref<1x128xi32, #tpu.memory_space<vmem>>
    %dma_start3A_33 = tpu.memref_squeeze %dma_start3A_32 : memref<1x128xi32, #tpu.memory_space<vmem>> -> memref<128xi32, #tpu.memory_space<vmem>>
    %dma_start3A_34 = arith.constant 0 : i32
    %dma_start3A_35 = arith.constant 0 : i32
    %dma_start3A_36 = tpu.memref_slice %arg2[%dma_start3A_34, %dma_start3A_35] : memref<10112x128xf32, #tpu.memory_space<hbm>> -> memref<10112x128xf32, #tpu.memory_space<hbm>>
    tpu.enqueue_indirect_dma source(%dma_start3A_36 : memref<10112x128xf32, #tpu.memory_space<hbm>>) target(%arg13 : memref<128x128xf32, #tpu.memory_space<vmem>>) offsets(%dma_start3A_33 : memref<128xi32, #tpu.memory_space<vmem>>) semaphore(%arg16 : memref<!tpu.dma_semaphore, #tpu.memory_space<semaphore_mem>>)
    %scan3A_37 = arith.constant 0 : i32
    %scan3A_38 = arith.constant 0 : i32
    %scan3A_39 = arith.constant 20 : i32
    %scan3A_40 = arith.addi %scan3A_38, %scan3A_39 : i32
    %scan3A_41 = arith.constant 1 : i32
    %scan3A_42 = scf.for %scan3A_181 = %scan3A_38 to %scan3A_40 step %scan3A_41 iter_args(%scan3A_182 = %scan3A_37) -> (i32)  : i32 {
      %mul3A_183 = arith.constant 2 : i32
      %mul3A_184 = arith.muli %mul3A_183, %scan3A_181 : i32
      %mul3A_185 = arith.constant 2 : i32
      %mul3A_186 = arith.muli %mul3A_185, %scan3A_181 : i32
      %add3A_187 = arith.constant 1 : i32
      %add3A_188 = arith.addi %mul3A_186, %add3A_187 : i32
      %dma_wait3A_189 = arith.constant 0 : i32
      %dma_wait3A_190 = arith.constant 0 : i32
      %dma_wait3A_191 = tpu.memref_slice %arg10[%dma_wait3A_189, %dma_wait3A_190] : memref<40x128xi32, #tpu.memory_space<vmem>> -> memref<1x128xi32, #tpu.memory_space<vmem>>
      %dma_wait3A_192 = tpu.memref_squeeze %dma_wait3A_191 : memref<1x128xi32, #tpu.memory_space<vmem>> -> memref<128xi32, #tpu.memory_space<vmem>>
      %dma_wait3A_193 = arith.constant 0 : i32
      %dma_wait3A_194 = arith.constant 0 : i32
      %dma_wait3A_195 = tpu.memref_slice %arg2[%dma_wait3A_193, %dma_wait3A_194] : memref<10112x128xf32, #tpu.memory_space<hbm>> -> memref<10112x128xf32, #tpu.memory_space<hbm>>
      tpu.wait_indirect_dma semaphore(%arg15 : memref<!tpu.dma_semaphore, #tpu.memory_space<semaphore_mem>>) src(%dma_wait3A_195 : memref<10112x128xf32, #tpu.memory_space<hbm>>) dst(%arg12 : memref<128x128xf32, #tpu.memory_space<vmem>>)
      "tpu.region"() ({
        %run_scoped3A_223 = tpu.sem_alloc : memref<!tpu.dma_semaphore, #tpu.memory_space<semaphore_mem>>
        %dma_start3A_224 = arith.constant 0 : i32
        %dma_start3A_225 = tpu.memref_slice %arg11[%mul3A_184, %dma_start3A_224] : memref<40x128xi32, #tpu.memory_space<vmem>> -> memref<1x128xi32, #tpu.memory_space<vmem>>
        %dma_start3A_226 = tpu.memref_squeeze %dma_start3A_225 : memref<1x128xi32, #tpu.memory_space<vmem>> -> memref<128xi32, #tpu.memory_space<vmem>>
        %dma_start3A_227 = arith.constant 0 : i32
        %dma_start3A_228 = arith.constant 0 : i32
        %dma_start3A_229 = tpu.memref_slice %arg14[%dma_start3A_227, %dma_start3A_228] : memref<10112x128xf32, #tpu.memory_space<vmem_shared>> -> memref<10112x128xf32, #tpu.memory_space<vmem_shared>>
        tpu.enqueue_indirect_dma source(%arg12 : memref<128x128xf32, #tpu.memory_space<vmem>>) target(%dma_start3A_229 : memref<10112x128xf32, #tpu.memory_space<vmem_shared>>) offsets(%dma_start3A_226 : memref<128xi32, #tpu.memory_space<vmem>>) semaphore(%run_scoped3A_223 : memref<!tpu.dma_semaphore, #tpu.memory_space<semaphore_mem>>) {add = true}
        %dma_wait3A_230 = arith.constant 0 : i32
        %dma_wait3A_231 = tpu.memref_slice %arg11[%mul3A_184, %dma_wait3A_230] : memref<40x128xi32, #tpu.memory_space<vmem>> -> memref<1x128xi32, #tpu.memory_space<vmem>>
        %dma_wait3A_232 = tpu.memref_squeeze %dma_wait3A_231 : memref<1x128xi32, #tpu.memory_space<vmem>> -> memref<128xi32, #tpu.memory_space<vmem>>
        %dma_wait3A_233 = arith.constant 0 : i32
        %dma_wait3A_234 = arith.constant 0 : i32
        %dma_wait3A_235 = tpu.memref_slice %arg14[%dma_wait3A_233, %dma_wait3A_234] : memref<10112x128xf32, #tpu.memory_space<vmem_shared>> -> memref<10112x128xf32, #tpu.memory_space<vmem_shared>>
        tpu.wait_indirect_dma semaphore(%run_scoped3A_223 : memref<!tpu.dma_semaphore, #tpu.memory_space<semaphore_mem>>) src(%arg12 : memref<128x128xf32, #tpu.memory_space<vmem>>) dst(%dma_wait3A_235 : memref<10112x128xf32, #tpu.memory_space<vmem_shared>>)
        tpu.yield
      }) : () -> ()
      %add3A_196 = arith.constant 2 : i32
      %add3A_197 = arith.addi %mul3A_184, %add3A_196 : i32
      %rem3A = arith.constant 40 : i32
      %rem3A_198 = arith.remsi %add3A_197, %rem3A : i32
      %dma_start3A_199 = arith.constant 0 : i32
      %dma_start3A_200 = tpu.memref_slice %arg10[%rem3A_198, %dma_start3A_199] : memref<40x128xi32, #tpu.memory_space<vmem>> -> memref<1x128xi32, #tpu.memory_space<vmem>>
      %dma_start3A_201 = tpu.memref_squeeze %dma_start3A_200 : memref<1x128xi32, #tpu.memory_space<vmem>> -> memref<128xi32, #tpu.memory_space<vmem>>
      %dma_start3A_202 = arith.constant 0 : i32
      %dma_start3A_203 = arith.constant 0 : i32
      %dma_start3A_204 = tpu.memref_slice %arg2[%dma_start3A_202, %dma_start3A_203] : memref<10112x128xf32, #tpu.memory_space<hbm>> -> memref<10112x128xf32, #tpu.memory_space<hbm>>
      tpu.enqueue_indirect_dma source(%dma_start3A_204 : memref<10112x128xf32, #tpu.memory_space<hbm>>) target(%arg12 : memref<128x128xf32, #tpu.memory_space<vmem>>) offsets(%dma_start3A_201 : memref<128xi32, #tpu.memory_space<vmem>>) semaphore(%arg15 : memref<!tpu.dma_semaphore, #tpu.memory_space<semaphore_mem>>)
      %dma_wait3A_205 = arith.constant 1 : i32
      %dma_wait3A_206 = arith.constant 0 : i32
      %dma_wait3A_207 = tpu.memref_slice %arg10[%dma_wait3A_205, %dma_wait3A_206] : memref<40x128xi32, #tpu.memory_space<vmem>> -> memref<1x128xi32, #tpu.memory_space<vmem>>
      %dma_wait3A_208 = tpu.memref_squeeze %dma_wait3A_207 : memref<1x128xi32, #tpu.memory_space<vmem>> -> memref<128xi32, #tpu.memory_space<vmem>>
      %dma_wait3A_209 = arith.constant 0 : i32
      %dma_wait3A_210 = arith.constant 0 : i32
      %dma_wait3A_211 = tpu.memref_slice %arg2[%dma_wait3A_209, %dma_wait3A_210] : memref<10112x128xf32, #tpu.memory_space<hbm>> -> memref<10112x128xf32, #tpu.memory_space<hbm>>
      tpu.wait_indirect_dma semaphore(%arg16 : memref<!tpu.dma_semaphore, #tpu.memory_space<semaphore_mem>>) src(%dma_wait3A_211 : memref<10112x128xf32, #tpu.memory_space<hbm>>) dst(%arg13 : memref<128x128xf32, #tpu.memory_space<vmem>>)
      "tpu.region"() ({
        %run_scoped3A_223 = tpu.sem_alloc : memref<!tpu.dma_semaphore, #tpu.memory_space<semaphore_mem>>
        %dma_start3A_224 = arith.constant 0 : i32
        %dma_start3A_225 = tpu.memref_slice %arg11[%add3A_188, %dma_start3A_224] : memref<40x128xi32, #tpu.memory_space<vmem>> -> memref<1x128xi32, #tpu.memory_space<vmem>>
        %dma_start3A_226 = tpu.memref_squeeze %dma_start3A_225 : memref<1x128xi32, #tpu.memory_space<vmem>> -> memref<128xi32, #tpu.memory_space<vmem>>
        %dma_start3A_227 = arith.constant 0 : i32
        %dma_start3A_228 = arith.constant 0 : i32
        %dma_start3A_229 = tpu.memref_slice %arg14[%dma_start3A_227, %dma_start3A_228] : memref<10112x128xf32, #tpu.memory_space<vmem_shared>> -> memref<10112x128xf32, #tpu.memory_space<vmem_shared>>
        tpu.enqueue_indirect_dma source(%arg13 : memref<128x128xf32, #tpu.memory_space<vmem>>) target(%dma_start3A_229 : memref<10112x128xf32, #tpu.memory_space<vmem_shared>>) offsets(%dma_start3A_226 : memref<128xi32, #tpu.memory_space<vmem>>) semaphore(%run_scoped3A_223 : memref<!tpu.dma_semaphore, #tpu.memory_space<semaphore_mem>>) {add = true}
        %dma_wait3A_230 = arith.constant 0 : i32
        %dma_wait3A_231 = tpu.memref_slice %arg11[%add3A_188, %dma_wait3A_230] : memref<40x128xi32, #tpu.memory_space<vmem>> -> memref<1x128xi32, #tpu.memory_space<vmem>>
        %dma_wait3A_232 = tpu.memref_squeeze %dma_wait3A_231 : memref<1x128xi32, #tpu.memory_space<vmem>> -> memref<128xi32, #tpu.memory_space<vmem>>
        %dma_wait3A_233 = arith.constant 0 : i32
        %dma_wait3A_234 = arith.constant 0 : i32
        %dma_wait3A_235 = tpu.memref_slice %arg14[%dma_wait3A_233, %dma_wait3A_234] : memref<10112x128xf32, #tpu.memory_space<vmem_shared>> -> memref<10112x128xf32, #tpu.memory_space<vmem_shared>>
        tpu.wait_indirect_dma semaphore(%run_scoped3A_223 : memref<!tpu.dma_semaphore, #tpu.memory_space<semaphore_mem>>) src(%arg13 : memref<128x128xf32, #tpu.memory_space<vmem>>) dst(%dma_wait3A_235 : memref<10112x128xf32, #tpu.memory_space<vmem_shared>>)
        tpu.yield
      }) : () -> ()
      %add3A_212 = arith.constant 2 : i32
      %add3A_213 = arith.addi %add3A_188, %add3A_212 : i32
      %rem3A_214 = arith.constant 40 : i32
      %rem3A_215 = arith.remsi %add3A_213, %rem3A_214 : i32
      %dma_start3A_216 = arith.constant 0 : i32
      %dma_start3A_217 = tpu.memref_slice %arg10[%rem3A_215, %dma_start3A_216] : memref<40x128xi32, #tpu.memory_space<vmem>> -> memref<1x128xi32, #tpu.memory_space<vmem>>
      %dma_start3A_218 = tpu.memref_squeeze %dma_start3A_217 : memref<1x128xi32, #tpu.memory_space<vmem>> -> memref<128xi32, #tpu.memory_space<vmem>>
      %dma_start3A_219 = arith.constant 0 : i32
      %dma_start3A_220 = arith.constant 0 : i32
      %dma_start3A_221 = tpu.memref_slice %arg2[%dma_start3A_219, %dma_start3A_220] : memref<10112x128xf32, #tpu.memory_space<hbm>> -> memref<10112x128xf32, #tpu.memory_space<hbm>>
      tpu.enqueue_indirect_dma source(%dma_start3A_221 : memref<10112x128xf32, #tpu.memory_space<hbm>>) target(%arg13 : memref<128x128xf32, #tpu.memory_space<vmem>>) offsets(%dma_start3A_218 : memref<128xi32, #tpu.memory_space<vmem>>) semaphore(%arg16 : memref<!tpu.dma_semaphore, #tpu.memory_space<semaphore_mem>>)
      %scan3A_222 = arith.constant 0 : i32
      scf.yield %scan3A_222 : i32
    }
    %scan3A_43 = arith.constant 20 : i32
    %dma_wait3A = arith.constant 0 : i32
    %dma_wait3A_44 = arith.constant 0 : i32
    %dma_wait3A_45 = tpu.memref_slice %arg10[%dma_wait3A, %dma_wait3A_44] : memref<40x128xi32, #tpu.memory_space<vmem>> -> memref<1x128xi32, #tpu.memory_space<vmem>>
    %dma_wait3A_46 = tpu.memref_squeeze %dma_wait3A_45 : memref<1x128xi32, #tpu.memory_space<vmem>> -> memref<128xi32, #tpu.memory_space<vmem>>
    %dma_wait3A_47 = arith.constant 0 : i32
    %dma_wait3A_48 = arith.constant 0 : i32
    %dma_wait3A_49 = tpu.memref_slice %arg2[%dma_wait3A_47, %dma_wait3A_48] : memref<10112x128xf32, #tpu.memory_space<hbm>> -> memref<10112x128xf32, #tpu.memory_space<hbm>>
    tpu.wait_indirect_dma semaphore(%arg15 : memref<!tpu.dma_semaphore, #tpu.memory_space<semaphore_mem>>) src(%dma_wait3A_49 : memref<10112x128xf32, #tpu.memory_space<hbm>>) dst(%arg12 : memref<128x128xf32, #tpu.memory_space<vmem>>)
    %dma_wait3A_50 = arith.constant 1 : i32
    %dma_wait3A_51 = arith.constant 0 : i32
    %dma_wait3A_52 = tpu.memref_slice %arg10[%dma_wait3A_50, %dma_wait3A_51] : memref<40x128xi32, #tpu.memory_space<vmem>> -> memref<1x128xi32, #tpu.memory_space<vmem>>
    %dma_wait3A_53 = tpu.memref_squeeze %dma_wait3A_52 : memref<1x128xi32, #tpu.memory_space<vmem>> -> memref<128xi32, #tpu.memory_space<vmem>>
    %dma_wait3A_54 = arith.constant 0 : i32
    %dma_wait3A_55 = arith.constant 0 : i32
    %dma_wait3A_56 = tpu.memref_slice %arg2[%dma_wait3A_54, %dma_wait3A_55] : memref<10112x128xf32, #tpu.memory_space<hbm>> -> memref<10112x128xf32, #tpu.memory_space<hbm>>
    tpu.wait_indirect_dma semaphore(%arg16 : memref<!tpu.dma_semaphore, #tpu.memory_space<semaphore_mem>>) src(%dma_wait3A_56 : memref<10112x128xf32, #tpu.memory_space<hbm>>) dst(%arg13 : memref<128x128xf32, #tpu.memory_space<vmem>>)
    %barrier3A_57 = arith.constant 0 : index
    tpu.barrier barrier_id(%barrier3A_57)
    "tpu.region"() ({
      %run_scoped3A_181 = tpu.sem_alloc : memref<!tpu.dma_semaphore, #tpu.memory_space<semaphore_mem>>
      %dma_start3A_182 = arith.constant 0 : i32
      %dma_start3A_183 = tpu.memref_slice %arg7[%arg0, %mul3A_2, %dma_start3A_182] : memref<2x10112x128xf32, #tpu.memory_space<hbm>> -> memref<1x632x128xf32, #tpu.memory_space<hbm>>
      %dma_start3A_184 = tpu.memref_squeeze %dma_start3A_183 : memref<1x632x128xf32, #tpu.memory_space<hbm>> -> memref<632x128xf32, #tpu.memory_space<hbm>>
      %dma_start3A_185 = arith.constant 0 : i32
      %dma_start3A_186 = tpu.memref_slice %arg14[%mul3A_2, %dma_start3A_185] : memref<10112x128xf32, #tpu.memory_space<vmem_shared>> -> memref<632x128xf32, #tpu.memory_space<vmem_shared>>
      tpu.enqueue_dma source(%dma_start3A_186 : memref<632x128xf32, #tpu.memory_space<vmem_shared>>) target(%dma_start3A_184 : memref<632x128xf32, #tpu.memory_space<hbm>>) target_semaphore(%run_scoped3A_181 : memref<!tpu.dma_semaphore, #tpu.memory_space<semaphore_mem>>)
      %dma_wait3A_187 = arith.constant 0 : i32
      %dma_wait3A_188 = tpu.memref_slice %arg7[%arg0, %mul3A_2, %dma_wait3A_187] : memref<2x10112x128xf32, #tpu.memory_space<hbm>> -> memref<1x632x128xf32, #tpu.memory_space<hbm>>
      %dma_wait3A_189 = tpu.memref_squeeze %dma_wait3A_188 : memref<1x632x128xf32, #tpu.memory_space<hbm>> -> memref<632x128xf32, #tpu.memory_space<hbm>>
      %dma_wait3A_190 = arith.constant 0 : i32
      %dma_wait3A_191 = tpu.memref_slice %arg14[%mul3A_2, %dma_wait3A_190] : memref<10112x128xf32, #tpu.memory_space<vmem_shared>> -> memref<632x128xf32, #tpu.memory_space<vmem_shared>>
      tpu.wait_dma2 semaphore(%run_scoped3A_181 : memref<!tpu.dma_semaphore, #tpu.memory_space<semaphore_mem>>) src(%dma_wait3A_191 : memref<632x128xf32, #tpu.memory_space<vmem_shared>>) dst(%dma_wait3A_189 : memref<632x128xf32, #tpu.memory_space<hbm>>)
      tpu.yield
    }) : () -> ()
    %barrier3A_58 = arith.constant 0 : index
    tpu.barrier barrier_id(%barrier3A_58)
    %scan3A_59 = arith.constant 0 : i32
    %scan3A_60 = arith.constant 0 : i32
    %scan3A_61 = arith.constant 128 : i32
    %scan3A_62 = arith.addi %scan3A_60, %scan3A_61 : i32
    %scan3A_63 = arith.constant 1 : i32
    %scan3A_64 = scf.for %scan3A_181 = %scan3A_60 to %scan3A_62 step %scan3A_63 iter_args(%scan3A_182 = %scan3A_59) -> (i32)  : i32 {
      %broadcast_in_dim3A = arith.constant 0.000000e+00 : f32
      %broadcast_in_dim3A_183 = vector.broadcast %broadcast_in_dim3A : f32 to vector<16xf32>
      %swap3A = arith.index_cast %scan3A_181 : i32 to index
      %swap3A_184 = arith.constant 0 : index
      %swap3A_185 = tpu.vector_load %arg12[%swap3A, %swap3A_184] {strides = array<i32>} : memref<128x128xf32, #tpu.memory_space<vmem>>, vector<1x16xf32>,
      %swap3A_186 = vector.shape_cast %swap3A_185 : vector<1x16xf32> to vector<16xf32>
      %swap3A_187 = vector.shape_cast %broadcast_in_dim3A_183 : vector<16xf32> to vector<1x16xf32>
      tpu.vector_store %arg12[%swap3A, %swap3A_184], %swap3A_187 {strides = array<i32>} : memref<128x128xf32, #tpu.memory_space<vmem>>, vector<1x16xf32>,
      %broadcast_in_dim3A_188 = arith.constant 0.000000e+00 : f32
      %broadcast_in_dim3A_189 = vector.broadcast %broadcast_in_dim3A_188 : f32 to vector<16xf32>
      %swap3A_190 = arith.index_cast %scan3A_181 : i32 to index
      %swap3A_191 = arith.constant 16 : index
      %swap3A_192 = tpu.vector_load %arg12[%swap3A_190, %swap3A_191] {strides = array<i32>} : memref<128x128xf32, #tpu.memory_space<vmem>>, vector<1x16xf32>,
      %swap3A_193 = vector.shape_cast %swap3A_192 : vector<1x16xf32> to vector<16xf32>
      %swap3A_194 = vector.shape_cast %broadcast_in_dim3A_189 : vector<16xf32> to vector<1x16xf32>
      tpu.vector_store %arg12[%swap3A_190, %swap3A_191], %swap3A_194 {strides = array<i32>} : memref<128x128xf32, #tpu.memory_space<vmem>>, vector<1x16xf32>,
      %broadcast_in_dim3A_195 = arith.constant 0.000000e+00 : f32
      %broadcast_in_dim3A_196 = vector.broadcast %broadcast_in_dim3A_195 : f32 to vector<16xf32>
      %swap3A_197 = arith.index_cast %scan3A_181 : i32 to index
      %swap3A_198 = arith.constant 32 : index
      %swap3A_199 = tpu.vector_load %arg12[%swap3A_197, %swap3A_198] {strides = array<i32>} : memref<128x128xf32, #tpu.memory_space<vmem>>, vector<1x16xf32>,
      %swap3A_200 = vector.shape_cast %swap3A_199 : vector<1x16xf32> to vector<16xf32>
      %swap3A_201 = vector.shape_cast %broadcast_in_dim3A_196 : vector<16xf32> to vector<1x16xf32>
      tpu.vector_store %arg12[%swap3A_197, %swap3A_198], %swap3A_201 {strides = array<i32>} : memref<128x128xf32, #tpu.memory_space<vmem>>, vector<1x16xf32>,
      %broadcast_in_dim3A_202 = arith.constant 0.000000e+00 : f32
      %broadcast_in_dim3A_203 = vector.broadcast %broadcast_in_dim3A_202 : f32 to vector<16xf32>
      %swap3A_204 = arith.index_cast %scan3A_181 : i32 to index
      %swap3A_205 = arith.constant 48 : index
      %swap3A_206 = tpu.vector_load %arg12[%swap3A_204, %swap3A_205] {strides = array<i32>} : memref<128x128xf32, #tpu.memory_space<vmem>>, vector<1x16xf32>,
      %swap3A_207 = vector.shape_cast %swap3A_206 : vector<1x16xf32> to vector<16xf32>
      %swap3A_208 = vector.shape_cast %broadcast_in_dim3A_203 : vector<16xf32> to vector<1x16xf32>
      tpu.vector_store %arg12[%swap3A_204, %swap3A_205], %swap3A_208 {strides = array<i32>} : memref<128x128xf32, #tpu.memory_space<vmem>>, vector<1x16xf32>,
      %broadcast_in_dim3A_209 = arith.constant 0.000000e+00 : f32
      %broadcast_in_dim3A_210 = vector.broadcast %broadcast_in_dim3A_209 : f32 to vector<16xf32>
      %swap3A_211 = arith.index_cast %scan3A_181 : i32 to index
      %swap3A_212 = arith.constant 64 : index
      %swap3A_213 = tpu.vector_load %arg12[%swap3A_211, %swap3A_212] {strides = array<i32>} : memref<128x128xf32, #tpu.memory_space<vmem>>, vector<1x16xf32>,
      %swap3A_214 = vector.shape_cast %swap3A_213 : vector<1x16xf32> to vector<16xf32>
      %swap3A_215 = vector.shape_cast %broadcast_in_dim3A_210 : vector<16xf32> to vector<1x16xf32>
      tpu.vector_store %arg12[%swap3A_211, %swap3A_212], %swap3A_215 {strides = array<i32>} : memref<128x128xf32, #tpu.memory_space<vmem>>, vector<1x16xf32>,
      %broadcast_in_dim3A_216 = arith.constant 0.000000e+00 : f32
      %broadcast_in_dim3A_217 = vector.broadcast %broadcast_in_dim3A_216 : f32 to vector<16xf32>
      %swap3A_218 = arith.index_cast %scan3A_181 : i32 to index
      %swap3A_219 = arith.constant 80 : index
      %swap3A_220 = tpu.vector_load %arg12[%swap3A_218, %swap3A_219] {strides = array<i32>} : memref<128x128xf32, #tpu.memory_space<vmem>>, vector<1x16xf32>,
      %swap3A_221 = vector.shape_cast %swap3A_220 : vector<1x16xf32> to vector<16xf32>
      %swap3A_222 = vector.shape_cast %broadcast_in_dim3A_217 : vector<16xf32> to vector<1x16xf32>
      tpu.vector_store %arg12[%swap3A_218, %swap3A_219], %swap3A_222 {strides = array<i32>} : memref<128x128xf32, #tpu.memory_space<vmem>>, vector<1x16xf32>,
      %broadcast_in_dim3A_223 = arith.constant 0.000000e+00 : f32
      %broadcast_in_dim3A_224 = vector.broadcast %broadcast_in_dim3A_223 : f32 to vector<16xf32>
      %swap3A_225 = arith.index_cast %scan3A_181 : i32 to index
      %swap3A_226 = arith.constant 96 : index
      %swap3A_227 = tpu.vector_load %arg12[%swap3A_225, %swap3A_226] {strides = array<i32>} : memref<128x128xf32, #tpu.memory_space<vmem>>, vector<1x16xf32>,
      %swap3A_228 = vector.shape_cast %swap3A_227 : vector<1x16xf32> to vector<16xf32>
      %swap3A_229 = vector.shape_cast %broadcast_in_dim3A_224 : vector<16xf32> to vector<1x16xf32>
      tpu.vector_store %arg12[%swap3A_225, %swap3A_226], %swap3A_229 {strides = array<i32>} : memref<128x128xf32, #tpu.memory_space<vmem>>, vector<1x16xf32>,
      %broadcast_in_dim3A_230 = arith.constant 0.000000e+00 : f32
      %broadcast_in_dim3A_231 = vector.broadcast %broadcast_in_dim3A_230 : f32 to vector<16xf32>
      %swap3A_232 = arith.index_cast %scan3A_181 : i32 to index
      %swap3A_233 = arith.constant 112 : index
      %swap3A_234 = tpu.vector_load %arg12[%swap3A_232, %swap3A_233] {strides = array<i32>} : memref<128x128xf32, #tpu.memory_space<vmem>>, vector<1x16xf32>,
      %swap3A_235 = vector.shape_cast %swap3A_234 : vector<1x16xf32> to vector<16xf32>
      %swap3A_236 = vector.shape_cast %broadcast_in_dim3A_231 : vector<16xf32> to vector<1x16xf32>
      tpu.vector_store %arg12[%swap3A_232, %swap3A_233], %swap3A_236 {strides = array<i32>} : memref<128x128xf32, #tpu.memory_space<vmem>>, vector<1x16xf32>,
      %scan3A_237 = arith.constant 0 : i32
      scf.yield %scan3A_237 : i32
    }
    %scan3A_65 = arith.constant 128 : i32
    %add3A_66 = arith.constant 0 : i32
    %add3A_67 = arith.addi %mul3A_2, %add3A_66 : i32
    "tpu.region"() ({
      %run_scoped3A_181 = tpu.sem_alloc : memref<!tpu.dma_semaphore, #tpu.memory_space<semaphore_mem>>
      %dma_start3A_182 = arith.constant 0 : i32
      %dma_start3A_183 = arith.constant 0 : i32
      %dma_start3A_184 = tpu.memref_slice %arg12[%dma_start3A_182, %dma_start3A_183] : memref<128x128xf32, #tpu.memory_space<vmem>> -> memref<128x128xf32, #tpu.memory_space<vmem>>
      %dma_start3A_185 = arith.constant 0 : i32
      %dma_start3A_186 = tpu.memref_slice %arg14[%add3A_67, %dma_start3A_185] : memref<10112x128xf32, #tpu.memory_space<vmem_shared>> -> memref<128x128xf32, #tpu.memory_space<vmem_shared>>
      %dma_start3A_187 = arith.constant 0 : i32
      %dma_start3A_188 = tpu.memref_slice %arg14[%add3A_67, %dma_start3A_187] : memref<10112x128xf32, #tpu.memory_space<vmem_shared>> -> memref<128x128xf32, #tpu.memory_space<vmem_shared>>
      %dma_start3A_189 = arith.constant 0 : i32
      %dma_start3A_190 = arith.constant 0 : i32
      %dma_start3A_191 = tpu.memref_slice %arg12[%dma_start3A_189, %dma_start3A_190] : memref<128x128xf32, #tpu.memory_space<vmem>> -> memref<128x128xf32, #tpu.memory_space<vmem>>
      tpu.enqueue_dma source(%dma_start3A_191 : memref<128x128xf32, #tpu.memory_space<vmem>>) target(%dma_start3A_188 : memref<128x128xf32, #tpu.memory_space<vmem_shared>>) target_semaphore(%run_scoped3A_181 : memref<!tpu.dma_semaphore, #tpu.memory_space<semaphore_mem>>)
      %dma_wait3A_192 = arith.constant 0 : i32
      %dma_wait3A_193 = arith.constant 0 : i32
      %dma_wait3A_194 = tpu.memref_slice %arg12[%dma_wait3A_192, %dma_wait3A_193] : memref<128x128xf32, #tpu.memory_space<vmem>> -> memref<128x128xf32, #tpu.memory_space<vmem>>
      %dma_wait3A_195 = arith.constant 0 : i32
      %dma_wait3A_196 = tpu.memref_slice %arg14[%add3A_67, %dma_wait3A_195] : memref<10112x128xf32, #tpu.memory_space<vmem_shared>> -> memref<128x128xf32, #tpu.memory_space<vmem_shared>>
      %dma_wait3A_197 = arith.constant 0 : i32
      %dma_wait3A_198 = tpu.memref_slice %arg14[%add3A_67, %dma_wait3A_197] : memref<10112x128xf32, #tpu.memory_space<vmem_shared>> -> memref<128x128xf32, #tpu.memory_space<vmem_shared>>
      %dma_wait3A_199 = arith.constant 0 : i32
      %dma_wait3A_200 = arith.constant 0 : i32
      %dma_wait3A_201 = tpu.memref_slice %arg12[%dma_wait3A_199, %dma_wait3A_200] : memref<128x128xf32, #tpu.memory_space<vmem>> -> memref<128x128xf32, #tpu.memory_space<vmem>>
      tpu.wait_dma2 semaphore(%run_scoped3A_181 : memref<!tpu.dma_semaphore, #tpu.memory_space<semaphore_mem>>) src(%dma_wait3A_201 : memref<128x128xf32, #tpu.memory_space<vmem>>) dst(%dma_wait3A_198 : memref<128x128xf32, #tpu.memory_space<vmem_shared>>)
      tpu.yield
    }) : () -> ()
    %add3A_68 = arith.constant 128 : i32
    %add3A_69 = arith.addi %mul3A_2, %add3A_68 : i32
    "tpu.region"() ({
      %run_scoped3A_181 = tpu.sem_alloc : memref<!tpu.dma_semaphore, #tpu.memory_space<semaphore_mem>>
      %dma_start3A_182 = arith.constant 0 : i32
      %dma_start3A_183 = arith.constant 0 : i32
      %dma_start3A_184 = tpu.memref_slice %arg12[%dma_start3A_182, %dma_start3A_183] : memref<128x128xf32, #tpu.memory_space<vmem>> -> memref<128x128xf32, #tpu.memory_space<vmem>>
      %dma_start3A_185 = arith.constant 0 : i32
      %dma_start3A_186 = tpu.memref_slice %arg14[%add3A_69, %dma_start3A_185] : memref<10112x128xf32, #tpu.memory_space<vmem_shared>> -> memref<128x128xf32, #tpu.memory_space<vmem_shared>>
      %dma_start3A_187 = arith.constant 0 : i32
      %dma_start3A_188 = tpu.memref_slice %arg14[%add3A_69, %dma_start3A_187] : memref<10112x128xf32, #tpu.memory_space<vmem_shared>> -> memref<128x128xf32, #tpu.memory_space<vmem_shared>>
      %dma_start3A_189 = arith.constant 0 : i32
      %dma_start3A_190 = arith.constant 0 : i32
      %dma_start3A_191 = tpu.memref_slice %arg12[%dma_start3A_189, %dma_start3A_190] : memref<128x128xf32, #tpu.memory_space<vmem>> -> memref<128x128xf32, #tpu.memory_space<vmem>>
      tpu.enqueue_dma source(%dma_start3A_191 : memref<128x128xf32, #tpu.memory_space<vmem>>) target(%dma_start3A_188 : memref<128x128xf32, #tpu.memory_space<vmem_shared>>) target_semaphore(%run_scoped3A_181 : memref<!tpu.dma_semaphore, #tpu.memory_space<semaphore_mem>>)
      %dma_wait3A_192 = arith.constant 0 : i32
      %dma_wait3A_193 = arith.constant 0 : i32
      %dma_wait3A_194 = tpu.memref_slice %arg12[%dma_wait3A_192, %dma_wait3A_193] : memref<128x128xf32, #tpu.memory_space<vmem>> -> memref<128x128xf32, #tpu.memory_space<vmem>>
      %dma_wait3A_195 = arith.constant 0 : i32
      %dma_wait3A_196 = tpu.memref_slice %arg14[%add3A_69, %dma_wait3A_195] : memref<10112x128xf32, #tpu.memory_space<vmem_shared>> -> memref<128x128xf32, #tpu.memory_space<vmem_shared>>
      %dma_wait3A_197 = arith.constant 0 : i32
      %dma_wait3A_198 = tpu.memref_slice %arg14[%add3A_69, %dma_wait3A_197] : memref<10112x128xf32, #tpu.memory_space<vmem_shared>> -> memref<128x128xf32, #tpu.memory_space<vmem_shared>>
      %dma_wait3A_199 = arith.constant 0 : i32
      %dma_wait3A_200 = arith.constant 0 : i32
      %dma_wait3A_201 = tpu.memref_slice %arg12[%dma_wait3A_199, %dma_wait3A_200] : memref<128x128xf32, #tpu.memory_space<vmem>> -> memref<128x128xf32, #tpu.memory_space<vmem>>
      tpu.wait_dma2 semaphore(%run_scoped3A_181 : memref<!tpu.dma_semaphore, #tpu.memory_space<semaphore_mem>>) src(%dma_wait3A_201 : memref<128x128xf32, #tpu.memory_space<vmem>>) dst(%dma_wait3A_198 : memref<128x128xf32, #tpu.memory_space<vmem_shared>>)
      tpu.yield
    }) : () -> ()
    %add3A_70 = arith.constant 256 : i32
    %add3A_71 = arith.addi %mul3A_2, %add3A_70 : i32
    "tpu.region"() ({
      %run_scoped3A_181 = tpu.sem_alloc : memref<!tpu.dma_semaphore, #tpu.memory_space<semaphore_mem>>
      %dma_start3A_182 = arith.constant 0 : i32
      %dma_start3A_183 = arith.constant 0 : i32
      %dma_start3A_184 = tpu.memref_slice %arg12[%dma_start3A_182, %dma_start3A_183] : memref<128x128xf32, #tpu.memory_space<vmem>> -> memref<128x128xf32, #tpu.memory_space<vmem>>
      %dma_start3A_185 = arith.constant 0 : i32
      %dma_start3A_186 = tpu.memref_slice %arg14[%add3A_71, %dma_start3A_185] : memref<10112x128xf32, #tpu.memory_space<vmem_shared>> -> memref<128x128xf32, #tpu.memory_space<vmem_shared>>
      %dma_start3A_187 = arith.constant 0 : i32
      %dma_start3A_188 = tpu.memref_slice %arg14[%add3A_71, %dma_start3A_187] : memref<10112x128xf32, #tpu.memory_space<vmem_shared>> -> memref<128x128xf32, #tpu.memory_space<vmem_shared>>
      %dma_start3A_189 = arith.constant 0 : i32
      %dma_start3A_190 = arith.constant 0 : i32
      %dma_start3A_191 = tpu.memref_slice %arg12[%dma_start3A_189, %dma_start3A_190] : memref<128x128xf32, #tpu.memory_space<vmem>> -> memref<128x128xf32, #tpu.memory_space<vmem>>
      tpu.enqueue_dma source(%dma_start3A_191 : memref<128x128xf32, #tpu.memory_space<vmem>>) target(%dma_start3A_188 : memref<128x128xf32, #tpu.memory_space<vmem_shared>>) target_semaphore(%run_scoped3A_181 : memref<!tpu.dma_semaphore, #tpu.memory_space<semaphore_mem>>)
      %dma_wait3A_192 = arith.constant 0 : i32
      %dma_wait3A_193 = arith.constant 0 : i32
      %dma_wait3A_194 = tpu.memref_slice %arg12[%dma_wait3A_192, %dma_wait3A_193] : memref<128x128xf32, #tpu.memory_space<vmem>> -> memref<128x128xf32, #tpu.memory_space<vmem>>
      %dma_wait3A_195 = arith.constant 0 : i32
      %dma_wait3A_196 = tpu.memref_slice %arg14[%add3A_71, %dma_wait3A_195] : memref<10112x128xf32, #tpu.memory_space<vmem_shared>> -> memref<128x128xf32, #tpu.memory_space<vmem_shared>>
      %dma_wait3A_197 = arith.constant 0 : i32
      %dma_wait3A_198 = tpu.memref_slice %arg14[%add3A_71, %dma_wait3A_197] : memref<10112x128xf32, #tpu.memory_space<vmem_shared>> -> memref<128x128xf32, #tpu.memory_space<vmem_shared>>
      %dma_wait3A_199 = arith.constant 0 : i32
      %dma_wait3A_200 = arith.constant 0 : i32
      %dma_wait3A_201 = tpu.memref_slice %arg12[%dma_wait3A_199, %dma_wait3A_200] : memref<128x128xf32, #tpu.memory_space<vmem>> -> memref<128x128xf32, #tpu.memory_space<vmem>>
      tpu.wait_dma2 semaphore(%run_scoped3A_181 : memref<!tpu.dma_semaphore, #tpu.memory_space<semaphore_mem>>) src(%dma_wait3A_201 : memref<128x128xf32, #tpu.memory_space<vmem>>) dst(%dma_wait3A_198 : memref<128x128xf32, #tpu.memory_space<vmem_shared>>)
      tpu.yield
    }) : () -> ()
    %add3A_72 = arith.constant 384 : i32
    %add3A_73 = arith.addi %mul3A_2, %add3A_72 : i32
    "tpu.region"() ({
      %run_scoped3A_181 = tpu.sem_alloc : memref<!tpu.dma_semaphore, #tpu.memory_space<semaphore_mem>>
      %dma_start3A_182 = arith.constant 0 : i32
      %dma_start3A_183 = arith.constant 0 : i32
      %dma_start3A_184 = tpu.memref_slice %arg12[%dma_start3A_182, %dma_start3A_183] : memref<128x128xf32, #tpu.memory_space<vmem>> -> memref<128x128xf32, #tpu.memory_space<vmem>>
      %dma_start3A_185 = arith.constant 0 : i32
      %dma_start3A_186 = tpu.memref_slice %arg14[%add3A_73, %dma_start3A_185] : memref<10112x128xf32, #tpu.memory_space<vmem_shared>> -> memref<128x128xf32, #tpu.memory_space<vmem_shared>>
      %dma_start3A_187 = arith.constant 0 : i32
      %dma_start3A_188 = tpu.memref_slice %arg14[%add3A_73, %dma_start3A_187] : memref<10112x128xf32, #tpu.memory_space<vmem_shared>> -> memref<128x128xf32, #tpu.memory_space<vmem_shared>>
      %dma_start3A_189 = arith.constant 0 : i32
      %dma_start3A_190 = arith.constant 0 : i32
      %dma_start3A_191 = tpu.memref_slice %arg12[%dma_start3A_189, %dma_start3A_190] : memref<128x128xf32, #tpu.memory_space<vmem>> -> memref<128x128xf32, #tpu.memory_space<vmem>>
      tpu.enqueue_dma source(%dma_start3A_191 : memref<128x128xf32, #tpu.memory_space<vmem>>) target(%dma_start3A_188 : memref<128x128xf32, #tpu.memory_space<vmem_shared>>) target_semaphore(%run_scoped3A_181 : memref<!tpu.dma_semaphore, #tpu.memory_space<semaphore_mem>>)
      %dma_wait3A_192 = arith.constant 0 : i32
      %dma_wait3A_193 = arith.constant 0 : i32
      %dma_wait3A_194 = tpu.memref_slice %arg12[%dma_wait3A_192, %dma_wait3A_193] : memref<128x128xf32, #tpu.memory_space<vmem>> -> memref<128x128xf32, #tpu.memory_space<vmem>>
      %dma_wait3A_195 = arith.constant 0 : i32
      %dma_wait3A_196 = tpu.memref_slice %arg14[%add3A_73, %dma_wait3A_195] : memref<10112x128xf32, #tpu.memory_space<vmem_shared>> -> memref<128x128xf32, #tpu.memory_space<vmem_shared>>
      %dma_wait3A_197 = arith.constant 0 : i32
      %dma_wait3A_198 = tpu.memref_slice %arg14[%add3A_73, %dma_wait3A_197] : memref<10112x128xf32, #tpu.memory_space<vmem_shared>> -> memref<128x128xf32, #tpu.memory_space<vmem_shared>>
      %dma_wait3A_199 = arith.constant 0 : i32
      %dma_wait3A_200 = arith.constant 0 : i32
      %dma_wait3A_201 = tpu.memref_slice %arg12[%dma_wait3A_199, %dma_wait3A_200] : memref<128x128xf32, #tpu.memory_space<vmem>> -> memref<128x128xf32, #tpu.memory_space<vmem>>
      tpu.wait_dma2 semaphore(%run_scoped3A_181 : memref<!tpu.dma_semaphore, #tpu.memory_space<semaphore_mem>>) src(%dma_wait3A_201 : memref<128x128xf32, #tpu.memory_space<vmem>>) dst(%dma_wait3A_198 : memref<128x128xf32, #tpu.memory_space<vmem_shared>>)
      tpu.yield
    }) : () -> ()
    %add3A_74 = arith.constant 512 : i32
    %add3A_75 = arith.addi %mul3A_2, %add3A_74 : i32
    "tpu.region"() ({
      %run_scoped3A_181 = tpu.sem_alloc : memref<!tpu.dma_semaphore, #tpu.memory_space<semaphore_mem>>
      %dma_start3A_182 = arith.constant 0 : i32
      %dma_start3A_183 = arith.constant 0 : i32
      %dma_start3A_184 = tpu.memref_slice %arg12[%dma_start3A_182, %dma_start3A_183] : memref<128x128xf32, #tpu.memory_space<vmem>> -> memref<120x128xf32, #tpu.memory_space<vmem>>
      %dma_start3A_185 = arith.constant 0 : i32
      %dma_start3A_186 = tpu.memref_slice %arg14[%add3A_75, %dma_start3A_185] : memref<10112x128xf32, #tpu.memory_space<vmem_shared>> -> memref<120x128xf32, #tpu.memory_space<vmem_shared>>
      %dma_start3A_187 = arith.constant 0 : i32
      %dma_start3A_188 = tpu.memref_slice %arg14[%add3A_75, %dma_start3A_187] : memref<10112x128xf32, #tpu.memory_space<vmem_shared>> -> memref<120x128xf32, #tpu.memory_space<vmem_shared>>
      %dma_start3A_189 = arith.constant 0 : i32
      %dma_start3A_190 = arith.constant 0 : i32
      %dma_start3A_191 = tpu.memref_slice %arg12[%dma_start3A_189, %dma_start3A_190] : memref<128x128xf32, #tpu.memory_space<vmem>> -> memref<120x128xf32, #tpu.memory_space<vmem>>
      tpu.enqueue_dma source(%dma_start3A_191 : memref<120x128xf32, #tpu.memory_space<vmem>>) target(%dma_start3A_188 : memref<120x128xf32, #tpu.memory_space<vmem_shared>>) target_semaphore(%run_scoped3A_181 : memref<!tpu.dma_semaphore, #tpu.memory_space<semaphore_mem>>)
      %dma_wait3A_192 = arith.constant 0 : i32
      %dma_wait3A_193 = arith.constant 0 : i32
      %dma_wait3A_194 = tpu.memref_slice %arg12[%dma_wait3A_192, %dma_wait3A_193] : memref<128x128xf32, #tpu.memory_space<vmem>> -> memref<120x128xf32, #tpu.memory_space<vmem>>
      %dma_wait3A_195 = arith.constant 0 : i32
      %dma_wait3A_196 = tpu.memref_slice %arg14[%add3A_75, %dma_wait3A_195] : memref<10112x128xf32, #tpu.memory_space<vmem_shared>> -> memref<120x128xf32, #tpu.memory_space<vmem_shared>>
      %dma_wait3A_197 = arith.constant 0 : i32
      %dma_wait3A_198 = tpu.memref_slice %arg14[%add3A_75, %dma_wait3A_197] : memref<10112x128xf32, #tpu.memory_space<vmem_shared>> -> memref<120x128xf32, #tpu.memory_space<vmem_shared>>
      %dma_wait3A_199 = arith.constant 0 : i32
      %dma_wait3A_200 = arith.constant 0 : i32
      %dma_wait3A_201 = tpu.memref_slice %arg12[%dma_wait3A_199, %dma_wait3A_200] : memref<128x128xf32, #tpu.memory_space<vmem>> -> memref<120x128xf32, #tpu.memory_space<vmem>>
      tpu.wait_dma2 semaphore(%run_scoped3A_181 : memref<!tpu.dma_semaphore, #tpu.memory_space<semaphore_mem>>) src(%dma_wait3A_201 : memref<120x128xf32, #tpu.memory_space<vmem>>) dst(%dma_wait3A_198 : memref<120x128xf32, #tpu.memory_space<vmem_shared>>)
      tpu.yield
    }) : () -> ()
    %barrier3A_76 = arith.constant 0 : index
    tpu.barrier barrier_id(%barrier3A_76)
    %mul3A_77 = arith.constant 40 : i32
    %mul3A_78 = arith.muli %add3A, %mul3A_77 : i32
    %run_scoped3A_79 = arith.constant 1 : i32
    "tpu.region"() ({
      %run_scoped3A_181 = tpu.sem_alloc : memref<!tpu.dma_semaphore, #tpu.memory_space<semaphore_mem>>
      %dma_start3A_182 = arith.constant 0 : i32
      %dma_start3A_183 = tpu.memref_slice %arg5[%run_scoped3A_79, %mul3A_78, %dma_start3A_182] : memref<3x1280x128xi32, #tpu.memory_space<hbm>> -> memref<1x40x128xi32, #tpu.memory_space<hbm>>
      %dma_start3A_184 = tpu.memref_squeeze %dma_start3A_183 : memref<1x40x128xi32, #tpu.memory_space<hbm>> -> memref<40x128xi32, #tpu.memory_space<hbm>>
      %dma_start3A_185 = arith.constant 0 : i32
      %dma_start3A_186 = tpu.memref_slice %arg5[%run_scoped3A_79, %mul3A_78, %dma_start3A_185] : memref<3x1280x128xi32, #tpu.memory_space<hbm>> -> memref<1x40x128xi32, #tpu.memory_space<hbm>>
      %dma_start3A_187 = tpu.memref_squeeze %dma_start3A_186 : memref<1x40x128xi32, #tpu.memory_space<hbm>> -> memref<40x128xi32, #tpu.memory_space<hbm>>
      tpu.enqueue_dma source(%dma_start3A_187 : memref<40x128xi32, #tpu.memory_space<hbm>>) target(%arg10 : memref<40x128xi32, #tpu.memory_space<vmem>>) target_semaphore(%run_scoped3A_181 : memref<!tpu.dma_semaphore, #tpu.memory_space<semaphore_mem>>)
      %dma_wait3A_188 = arith.constant 0 : i32
      %dma_wait3A_189 = tpu.memref_slice %arg5[%run_scoped3A_79, %mul3A_78, %dma_wait3A_188] : memref<3x1280x128xi32, #tpu.memory_space<hbm>> -> memref<1x40x128xi32, #tpu.memory_space<hbm>>
      %dma_wait3A_190 = tpu.memref_squeeze %dma_wait3A_189 : memref<1x40x128xi32, #tpu.memory_space<hbm>> -> memref<40x128xi32, #tpu.memory_space<hbm>>
      %dma_wait3A_191 = arith.constant 0 : i32
      %dma_wait3A_192 = tpu.memref_slice %arg5[%run_scoped3A_79, %mul3A_78, %dma_wait3A_191] : memref<3x1280x128xi32, #tpu.memory_space<hbm>> -> memref<1x40x128xi32, #tpu.memory_space<hbm>>
      %dma_wait3A_193 = tpu.memref_squeeze %dma_wait3A_192 : memref<1x40x128xi32, #tpu.memory_space<hbm>> -> memref<40x128xi32, #tpu.memory_space<hbm>>
      tpu.wait_dma2 semaphore(%run_scoped3A_181 : memref<!tpu.dma_semaphore, #tpu.memory_space<semaphore_mem>>) src(%dma_wait3A_193 : memref<40x128xi32, #tpu.memory_space<hbm>>) dst(%arg10 : memref<40x128xi32, #tpu.memory_space<vmem>>)
      tpu.yield
    }) : () -> ()
    %mul3A_80 = arith.constant 40 : i32
    %mul3A_81 = arith.muli %add3A, %mul3A_80 : i32
    %run_scoped3A_82 = arith.constant 1 : i32
    "tpu.region"() ({
      %run_scoped3A_181 = tpu.sem_alloc : memref<!tpu.dma_semaphore, #tpu.memory_space<semaphore_mem>>
      %dma_start3A_182 = arith.constant 0 : i32
      %dma_start3A_183 = tpu.memref_slice %arg6[%run_scoped3A_82, %mul3A_81, %dma_start3A_182] : memref<3x1280x128xi32, #tpu.memory_space<hbm>> -> memref<1x40x128xi32, #tpu.memory_space<hbm>>
      %dma_start3A_184 = tpu.memref_squeeze %dma_start3A_183 : memref<1x40x128xi32, #tpu.memory_space<hbm>> -> memref<40x128xi32, #tpu.memory_space<hbm>>
      %dma_start3A_185 = arith.constant 0 : i32
      %dma_start3A_186 = tpu.memref_slice %arg6[%run_scoped3A_82, %mul3A_81, %dma_start3A_185] : memref<3x1280x128xi32, #tpu.memory_space<hbm>> -> memref<1x40x128xi32, #tpu.memory_space<hbm>>
      %dma_start3A_187 = tpu.memref_squeeze %dma_start3A_186 : memref<1x40x128xi32, #tpu.memory_space<hbm>> -> memref<40x128xi32, #tpu.memory_space<hbm>>
      tpu.enqueue_dma source(%dma_start3A_187 : memref<40x128xi32, #tpu.memory_space<hbm>>) target(%arg11 : memref<40x128xi32, #tpu.memory_space<vmem>>) target_semaphore(%run_scoped3A_181 : memref<!tpu.dma_semaphore, #tpu.memory_space<semaphore_mem>>)
      %dma_wait3A_188 = arith.constant 0 : i32
      %dma_wait3A_189 = tpu.memref_slice %arg6[%run_scoped3A_82, %mul3A_81, %dma_wait3A_188] : memref<3x1280x128xi32, #tpu.memory_space<hbm>> -> memref<1x40x128xi32, #tpu.memory_space<hbm>>
      %dma_wait3A_190 = tpu.memref_squeeze %dma_wait3A_189 : memref<1x40x128xi32, #tpu.memory_space<hbm>> -> memref<40x128xi32, #tpu.memory_space<hbm>>
      %dma_wait3A_191 = arith.constant 0 : i32
      %dma_wait3A_192 = tpu.memref_slice %arg6[%run_scoped3A_82, %mul3A_81, %dma_wait3A_191] : memref<3x1280x128xi32, #tpu.memory_space<hbm>> -> memref<1x40x128xi32, #tpu.memory_space<hbm>>
      %dma_wait3A_193 = tpu.memref_squeeze %dma_wait3A_192 : memref<1x40x128xi32, #tpu.memory_space<hbm>> -> memref<40x128xi32, #tpu.memory_space<hbm>>
      tpu.wait_dma2 semaphore(%run_scoped3A_181 : memref<!tpu.dma_semaphore, #tpu.memory_space<semaphore_mem>>) src(%dma_wait3A_193 : memref<40x128xi32, #tpu.memory_space<hbm>>) dst(%arg11 : memref<40x128xi32, #tpu.memory_space<vmem>>)
      tpu.yield
    }) : () -> ()
    %dma_start3A_83 = arith.constant 0 : i32
    %dma_start3A_84 = arith.constant 0 : i32
    %dma_start3A_85 = tpu.memref_slice %arg10[%dma_start3A_83, %dma_start3A_84] : memref<40x128xi32, #tpu.memory_space<vmem>> -> memref<1x128xi32, #tpu.memory_space<vmem>>
    %dma_start3A_86 = tpu.memref_squeeze %dma_start3A_85 : memref<1x128xi32, #tpu.memory_space<vmem>> -> memref<128xi32, #tpu.memory_space<vmem>>
    %dma_start3A_87 = arith.constant 0 : i32
    %dma_start3A_88 = arith.constant 0 : i32
    %dma_start3A_89 = tpu.memref_slice %arg3[%dma_start3A_87, %dma_start3A_88] : memref<10112x128xf32, #tpu.memory_space<hbm>> -> memref<10112x128xf32, #tpu.memory_space<hbm>>
    tpu.enqueue_indirect_dma source(%dma_start3A_89 : memref<10112x128xf32, #tpu.memory_space<hbm>>) target(%arg12 : memref<128x128xf32, #tpu.memory_space<vmem>>) offsets(%dma_start3A_86 : memref<128xi32, #tpu.memory_space<vmem>>) semaphore(%arg15 : memref<!tpu.dma_semaphore, #tpu.memory_space<semaphore_mem>>)
    %dma_start3A_90 = arith.constant 1 : i32
    %dma_start3A_91 = arith.constant 0 : i32
    %dma_start3A_92 = tpu.memref_slice %arg10[%dma_start3A_90, %dma_start3A_91] : memref<40x128xi32, #tpu.memory_space<vmem>> -> memref<1x128xi32, #tpu.memory_space<vmem>>
    %dma_start3A_93 = tpu.memref_squeeze %dma_start3A_92 : memref<1x128xi32, #tpu.memory_space<vmem>> -> memref<128xi32, #tpu.memory_space<vmem>>
    %dma_start3A_94 = arith.constant 0 : i32
    %dma_start3A_95 = arith.constant 0 : i32
    %dma_start3A_96 = tpu.memref_slice %arg3[%dma_start3A_94, %dma_start3A_95] : memref<10112x128xf32, #tpu.memory_space<hbm>> -> memref<10112x128xf32, #tpu.memory_space<hbm>>
    tpu.enqueue_indirect_dma source(%dma_start3A_96 : memref<10112x128xf32, #tpu.memory_space<hbm>>) target(%arg13 : memref<128x128xf32, #tpu.memory_space<vmem>>) offsets(%dma_start3A_93 : memref<128xi32, #tpu.memory_space<vmem>>) semaphore(%arg16 : memref<!tpu.dma_semaphore, #tpu.memory_space<semaphore_mem>>)
    %scan3A_97 = arith.constant 0 : i32
    %scan3A_98 = arith.constant 0 : i32
    %scan3A_99 = arith.constant 20 : i32
    %scan3A_100 = arith.addi %scan3A_98, %scan3A_99 : i32
    %scan3A_101 = arith.constant 1 : i32
    %scan3A_102 = scf.for %scan3A_181 = %scan3A_98 to %scan3A_100 step %scan3A_101 iter_args(%scan3A_182 = %scan3A_97) -> (i32)  : i32 {
      %mul3A_183 = arith.constant 2 : i32
      %mul3A_184 = arith.muli %mul3A_183, %scan3A_181 : i32
      %mul3A_185 = arith.constant 2 : i32
      %mul3A_186 = arith.muli %mul3A_185, %scan3A_181 : i32
      %add3A_187 = arith.constant 1 : i32
      %add3A_188 = arith.addi %mul3A_186, %add3A_187 : i32
      %dma_wait3A_189 = arith.constant 0 : i32
      %dma_wait3A_190 = arith.constant 0 : i32
      %dma_wait3A_191 = tpu.memref_slice %arg10[%dma_wait3A_189, %dma_wait3A_190] : memref<40x128xi32, #tpu.memory_space<vmem>> -> memref<1x128xi32, #tpu.memory_space<vmem>>
      %dma_wait3A_192 = tpu.memref_squeeze %dma_wait3A_191 : memref<1x128xi32, #tpu.memory_space<vmem>> -> memref<128xi32, #tpu.memory_space<vmem>>
      %dma_wait3A_193 = arith.constant 0 : i32
      %dma_wait3A_194 = arith.constant 0 : i32
      %dma_wait3A_195 = tpu.memref_slice %arg3[%dma_wait3A_193, %dma_wait3A_194] : memref<10112x128xf32, #tpu.memory_space<hbm>> -> memref<10112x128xf32, #tpu.memory_space<hbm>>
      tpu.wait_indirect_dma semaphore(%arg15 : memref<!tpu.dma_semaphore, #tpu.memory_space<semaphore_mem>>) src(%dma_wait3A_195 : memref<10112x128xf32, #tpu.memory_space<hbm>>) dst(%arg12 : memref<128x128xf32, #tpu.memory_space<vmem>>)
      "tpu.region"() ({
        %run_scoped3A_223 = tpu.sem_alloc : memref<!tpu.dma_semaphore, #tpu.memory_space<semaphore_mem>>
        %dma_start3A_224 = arith.constant 0 : i32
        %dma_start3A_225 = tpu.memref_slice %arg11[%mul3A_184, %dma_start3A_224] : memref<40x128xi32, #tpu.memory_space<vmem>> -> memref<1x128xi32, #tpu.memory_space<vmem>>
        %dma_start3A_226 = tpu.memref_squeeze %dma_start3A_225 : memref<1x128xi32, #tpu.memory_space<vmem>> -> memref<128xi32, #tpu.memory_space<vmem>>
        %dma_start3A_227 = arith.constant 0 : i32
        %dma_start3A_228 = arith.constant 0 : i32
        %dma_start3A_229 = tpu.memref_slice %arg14[%dma_start3A_227, %dma_start3A_228] : memref<10112x128xf32, #tpu.memory_space<vmem_shared>> -> memref<10112x128xf32, #tpu.memory_space<vmem_shared>>
        tpu.enqueue_indirect_dma source(%arg12 : memref<128x128xf32, #tpu.memory_space<vmem>>) target(%dma_start3A_229 : memref<10112x128xf32, #tpu.memory_space<vmem_shared>>) offsets(%dma_start3A_226 : memref<128xi32, #tpu.memory_space<vmem>>) semaphore(%run_scoped3A_223 : memref<!tpu.dma_semaphore, #tpu.memory_space<semaphore_mem>>) {add = true}
        %dma_wait3A_230 = arith.constant 0 : i32
        %dma_wait3A_231 = tpu.memref_slice %arg11[%mul3A_184, %dma_wait3A_230] : memref<40x128xi32, #tpu.memory_space<vmem>> -> memref<1x128xi32, #tpu.memory_space<vmem>>
        %dma_wait3A_232 = tpu.memref_squeeze %dma_wait3A_231 : memref<1x128xi32, #tpu.memory_space<vmem>> -> memref<128xi32, #tpu.memory_space<vmem>>
        %dma_wait3A_233 = arith.constant 0 : i32
        %dma_wait3A_234 = arith.constant 0 : i32
        %dma_wait3A_235 = tpu.memref_slice %arg14[%dma_wait3A_233, %dma_wait3A_234] : memref<10112x128xf32, #tpu.memory_space<vmem_shared>> -> memref<10112x128xf32, #tpu.memory_space<vmem_shared>>
        tpu.wait_indirect_dma semaphore(%run_scoped3A_223 : memref<!tpu.dma_semaphore, #tpu.memory_space<semaphore_mem>>) src(%arg12 : memref<128x128xf32, #tpu.memory_space<vmem>>) dst(%dma_wait3A_235 : memref<10112x128xf32, #tpu.memory_space<vmem_shared>>)
        tpu.yield
      }) : () -> ()
      %add3A_196 = arith.constant 2 : i32
      %add3A_197 = arith.addi %mul3A_184, %add3A_196 : i32
      %rem3A = arith.constant 40 : i32
      %rem3A_198 = arith.remsi %add3A_197, %rem3A : i32
      %dma_start3A_199 = arith.constant 0 : i32
      %dma_start3A_200 = tpu.memref_slice %arg10[%rem3A_198, %dma_start3A_199] : memref<40x128xi32, #tpu.memory_space<vmem>> -> memref<1x128xi32, #tpu.memory_space<vmem>>
      %dma_start3A_201 = tpu.memref_squeeze %dma_start3A_200 : memref<1x128xi32, #tpu.memory_space<vmem>> -> memref<128xi32, #tpu.memory_space<vmem>>
      %dma_start3A_202 = arith.constant 0 : i32
      %dma_start3A_203 = arith.constant 0 : i32
      %dma_start3A_204 = tpu.memref_slice %arg3[%dma_start3A_202, %dma_start3A_203] : memref<10112x128xf32, #tpu.memory_space<hbm>> -> memref<10112x128xf32, #tpu.memory_space<hbm>>
      tpu.enqueue_indirect_dma source(%dma_start3A_204 : memref<10112x128xf32, #tpu.memory_space<hbm>>) target(%arg12 : memref<128x128xf32, #tpu.memory_space<vmem>>) offsets(%dma_start3A_201 : memref<128xi32, #tpu.memory_space<vmem>>) semaphore(%arg15 : memref<!tpu.dma_semaphore, #tpu.memory_space<semaphore_mem>>)
      %dma_wait3A_205 = arith.constant 1 : i32
      %dma_wait3A_206 = arith.constant 0 : i32
      %dma_wait3A_207 = tpu.memref_slice %arg10[%dma_wait3A_205, %dma_wait3A_206] : memref<40x128xi32, #tpu.memory_space<vmem>> -> memref<1x128xi32, #tpu.memory_space<vmem>>
      %dma_wait3A_208 = tpu.memref_squeeze %dma_wait3A_207 : memref<1x128xi32, #tpu.memory_space<vmem>> -> memref<128xi32, #tpu.memory_space<vmem>>
      %dma_wait3A_209 = arith.constant 0 : i32
      %dma_wait3A_210 = arith.constant 0 : i32
      %dma_wait3A_211 = tpu.memref_slice %arg3[%dma_wait3A_209, %dma_wait3A_210] : memref<10112x128xf32, #tpu.memory_space<hbm>> -> memref<10112x128xf32, #tpu.memory_space<hbm>>
      tpu.wait_indirect_dma semaphore(%arg16 : memref<!tpu.dma_semaphore, #tpu.memory_space<semaphore_mem>>) src(%dma_wait3A_211 : memref<10112x128xf32, #tpu.memory_space<hbm>>) dst(%arg13 : memref<128x128xf32, #tpu.memory_space<vmem>>)
      "tpu.region"() ({
        %run_scoped3A_223 = tpu.sem_alloc : memref<!tpu.dma_semaphore, #tpu.memory_space<semaphore_mem>>
        %dma_start3A_224 = arith.constant 0 : i32
        %dma_start3A_225 = tpu.memref_slice %arg11[%add3A_188, %dma_start3A_224] : memref<40x128xi32, #tpu.memory_space<vmem>> -> memref<1x128xi32, #tpu.memory_space<vmem>>
        %dma_start3A_226 = tpu.memref_squeeze %dma_start3A_225 : memref<1x128xi32, #tpu.memory_space<vmem>> -> memref<128xi32, #tpu.memory_space<vmem>>
        %dma_start3A_227 = arith.constant 0 : i32
        %dma_start3A_228 = arith.constant 0 : i32
        %dma_start3A_229 = tpu.memref_slice %arg14[%dma_start3A_227, %dma_start3A_228] : memref<10112x128xf32, #tpu.memory_space<vmem_shared>> -> memref<10112x128xf32, #tpu.memory_space<vmem_shared>>
        tpu.enqueue_indirect_dma source(%arg13 : memref<128x128xf32, #tpu.memory_space<vmem>>) target(%dma_start3A_229 : memref<10112x128xf32, #tpu.memory_space<vmem_shared>>) offsets(%dma_start3A_226 : memref<128xi32, #tpu.memory_space<vmem>>) semaphore(%run_scoped3A_223 : memref<!tpu.dma_semaphore, #tpu.memory_space<semaphore_mem>>) {add = true}
        %dma_wait3A_230 = arith.constant 0 : i32
        %dma_wait3A_231 = tpu.memref_slice %arg11[%add3A_188, %dma_wait3A_230] : memref<40x128xi32, #tpu.memory_space<vmem>> -> memref<1x128xi32, #tpu.memory_space<vmem>>
        %dma_wait3A_232 = tpu.memref_squeeze %dma_wait3A_231 : memref<1x128xi32, #tpu.memory_space<vmem>> -> memref<128xi32, #tpu.memory_space<vmem>>
        %dma_wait3A_233 = arith.constant 0 : i32
        %dma_wait3A_234 = arith.constant 0 : i32
        %dma_wait3A_235 = tpu.memref_slice %arg14[%dma_wait3A_233, %dma_wait3A_234] : memref<10112x128xf32, #tpu.memory_space<vmem_shared>> -> memref<10112x128xf32, #tpu.memory_space<vmem_shared>>
        tpu.wait_indirect_dma semaphore(%run_scoped3A_223 : memref<!tpu.dma_semaphore, #tpu.memory_space<semaphore_mem>>) src(%arg13 : memref<128x128xf32, #tpu.memory_space<vmem>>) dst(%dma_wait3A_235 : memref<10112x128xf32, #tpu.memory_space<vmem_shared>>)
        tpu.yield
      }) : () -> ()
      %add3A_212 = arith.constant 2 : i32
      %add3A_213 = arith.addi %add3A_188, %add3A_212 : i32
      %rem3A_214 = arith.constant 40 : i32
      %rem3A_215 = arith.remsi %add3A_213, %rem3A_214 : i32
      %dma_start3A_216 = arith.constant 0 : i32
      %dma_start3A_217 = tpu.memref_slice %arg10[%rem3A_215, %dma_start3A_216] : memref<40x128xi32, #tpu.memory_space<vmem>> -> memref<1x128xi32, #tpu.memory_space<vmem>>
      %dma_start3A_218 = tpu.memref_squeeze %dma_start3A_217 : memref<1x128xi32, #tpu.memory_space<vmem>> -> memref<128xi32, #tpu.memory_space<vmem>>
      %dma_start3A_219 = arith.constant 0 : i32
      %dma_start3A_220 = arith.constant 0 : i32
      %dma_start3A_221 = tpu.memref_slice %arg3[%dma_start3A_219, %dma_start3A_220] : memref<10112x128xf32, #tpu.memory_space<hbm>> -> memref<10112x128xf32, #tpu.memory_space<hbm>>
      tpu.enqueue_indirect_dma source(%dma_start3A_221 : memref<10112x128xf32, #tpu.memory_space<hbm>>) target(%arg13 : memref<128x128xf32, #tpu.memory_space<vmem>>) offsets(%dma_start3A_218 : memref<128xi32, #tpu.memory_space<vmem>>) semaphore(%arg16 : memref<!tpu.dma_semaphore, #tpu.memory_space<semaphore_mem>>)
      %scan3A_222 = arith.constant 0 : i32
      scf.yield %scan3A_222 : i32
    }
    %scan3A_103 = arith.constant 20 : i32
    %dma_wait3A_104 = arith.constant 0 : i32
    %dma_wait3A_105 = arith.constant 0 : i32
    %dma_wait3A_106 = tpu.memref_slice %arg10[%dma_wait3A_104, %dma_wait3A_105] : memref<40x128xi32, #tpu.memory_space<vmem>> -> memref<1x128xi32, #tpu.memory_space<vmem>>
    %dma_wait3A_107 = tpu.memref_squeeze %dma_wait3A_106 : memref<1x128xi32, #tpu.memory_space<vmem>> -> memref<128xi32, #tpu.memory_space<vmem>>
    %dma_wait3A_108 = arith.constant 0 : i32
    %dma_wait3A_109 = arith.constant 0 : i32
    %dma_wait3A_110 = tpu.memref_slice %arg3[%dma_wait3A_108, %dma_wait3A_109] : memref<10112x128xf32, #tpu.memory_space<hbm>> -> memref<10112x128xf32, #tpu.memory_space<hbm>>
    tpu.wait_indirect_dma semaphore(%arg15 : memref<!tpu.dma_semaphore, #tpu.memory_space<semaphore_mem>>) src(%dma_wait3A_110 : memref<10112x128xf32, #tpu.memory_space<hbm>>) dst(%arg12 : memref<128x128xf32, #tpu.memory_space<vmem>>)
    %dma_wait3A_111 = arith.constant 1 : i32
    %dma_wait3A_112 = arith.constant 0 : i32
    %dma_wait3A_113 = tpu.memref_slice %arg10[%dma_wait3A_111, %dma_wait3A_112] : memref<40x128xi32, #tpu.memory_space<vmem>> -> memref<1x128xi32, #tpu.memory_space<vmem>>
    %dma_wait3A_114 = tpu.memref_squeeze %dma_wait3A_113 : memref<1x128xi32, #tpu.memory_space<vmem>> -> memref<128xi32, #tpu.memory_space<vmem>>
    %dma_wait3A_115 = arith.constant 0 : i32
    %dma_wait3A_116 = arith.constant 0 : i32
    %dma_wait3A_117 = tpu.memref_slice %arg3[%dma_wait3A_115, %dma_wait3A_116] : memref<10112x128xf32, #tpu.memory_space<hbm>> -> memref<10112x128xf32, #tpu.memory_space<hbm>>
    tpu.wait_indirect_dma semaphore(%arg16 : memref<!tpu.dma_semaphore, #tpu.memory_space<semaphore_mem>>) src(%dma_wait3A_117 : memref<10112x128xf32, #tpu.memory_space<hbm>>) dst(%arg13 : memref<128x128xf32, #tpu.memory_space<vmem>>)
    %barrier3A_118 = arith.constant 0 : index
    tpu.barrier barrier_id(%barrier3A_118)
    "tpu.region"() ({
      %run_scoped3A_181 = tpu.sem_alloc : memref<!tpu.dma_semaphore, #tpu.memory_space<semaphore_mem>>
      %dma_start3A_182 = arith.constant 0 : i32
      %dma_start3A_183 = tpu.memref_slice %arg8[%arg0, %mul3A_2, %dma_start3A_182] : memref<2x10112x128xf32, #tpu.memory_space<hbm>> -> memref<1x632x128xf32, #tpu.memory_space<hbm>>
      %dma_start3A_184 = tpu.memref_squeeze %dma_start3A_183 : memref<1x632x128xf32, #tpu.memory_space<hbm>> -> memref<632x128xf32, #tpu.memory_space<hbm>>
      %dma_start3A_185 = arith.constant 0 : i32
      %dma_start3A_186 = tpu.memref_slice %arg14[%mul3A_2, %dma_start3A_185] : memref<10112x128xf32, #tpu.memory_space<vmem_shared>> -> memref<632x128xf32, #tpu.memory_space<vmem_shared>>
      tpu.enqueue_dma source(%dma_start3A_186 : memref<632x128xf32, #tpu.memory_space<vmem_shared>>) target(%dma_start3A_184 : memref<632x128xf32, #tpu.memory_space<hbm>>) target_semaphore(%run_scoped3A_181 : memref<!tpu.dma_semaphore, #tpu.memory_space<semaphore_mem>>)
      %dma_wait3A_187 = arith.constant 0 : i32
      %dma_wait3A_188 = tpu.memref_slice %arg8[%arg0, %mul3A_2, %dma_wait3A_187] : memref<2x10112x128xf32, #tpu.memory_space<hbm>> -> memref<1x632x128xf32, #tpu.memory_space<hbm>>
      %dma_wait3A_189 = tpu.memref_squeeze %dma_wait3A_188 : memref<1x632x128xf32, #tpu.memory_space<hbm>> -> memref<632x128xf32, #tpu.memory_space<hbm>>
      %dma_wait3A_190 = arith.constant 0 : i32
      %dma_wait3A_191 = tpu.memref_slice %arg14[%mul3A_2, %dma_wait3A_190] : memref<10112x128xf32, #tpu.memory_space<vmem_shared>> -> memref<632x128xf32, #tpu.memory_space<vmem_shared>>
      tpu.wait_dma2 semaphore(%run_scoped3A_181 : memref<!tpu.dma_semaphore, #tpu.memory_space<semaphore_mem>>) src(%dma_wait3A_191 : memref<632x128xf32, #tpu.memory_space<vmem_shared>>) dst(%dma_wait3A_189 : memref<632x128xf32, #tpu.memory_space<hbm>>)
      tpu.yield
    }) : () -> ()
    %barrier3A_119 = arith.constant 0 : index
    tpu.barrier barrier_id(%barrier3A_119)
    %scan3A_120 = arith.constant 0 : i32
    %scan3A_121 = arith.constant 0 : i32
    %scan3A_122 = arith.constant 128 : i32
    %scan3A_123 = arith.addi %scan3A_121, %scan3A_122 : i32
    %scan3A_124 = arith.constant 1 : i32
    %scan3A_125 = scf.for %scan3A_181 = %scan3A_121 to %scan3A_123 step %scan3A_124 iter_args(%scan3A_182 = %scan3A_120) -> (i32)  : i32 {
      %broadcast_in_dim3A = arith.constant 0.000000e+00 : f32
      %broadcast_in_dim3A_183 = vector.broadcast %broadcast_in_dim3A : f32 to vector<16xf32>
      %swap3A = arith.index_cast %scan3A_181 : i32 to index
      %swap3A_184 = arith.constant 0 : index
      %swap3A_185 = tpu.vector_load %arg12[%swap3A, %swap3A_184] {strides = array<i32>} : memref<128x128xf32, #tpu.memory_space<vmem>>, vector<1x16xf32>,
      %swap3A_186 = vector.shape_cast %swap3A_185 : vector<1x16xf32> to vector<16xf32>
      %swap3A_187 = vector.shape_cast %broadcast_in_dim3A_183 : vector<16xf32> to vector<1x16xf32>
      tpu.vector_store %arg12[%swap3A, %swap3A_184], %swap3A_187 {strides = array<i32>} : memref<128x128xf32, #tpu.memory_space<vmem>>, vector<1x16xf32>,
      %broadcast_in_dim3A_188 = arith.constant 0.000000e+00 : f32
      %broadcast_in_dim3A_189 = vector.broadcast %broadcast_in_dim3A_188 : f32 to vector<16xf32>
      %swap3A_190 = arith.index_cast %scan3A_181 : i32 to index
      %swap3A_191 = arith.constant 16 : index
      %swap3A_192 = tpu.vector_load %arg12[%swap3A_190, %swap3A_191] {strides = array<i32>} : memref<128x128xf32, #tpu.memory_space<vmem>>, vector<1x16xf32>,
      %swap3A_193 = vector.shape_cast %swap3A_192 : vector<1x16xf32> to vector<16xf32>
      %swap3A_194 = vector.shape_cast %broadcast_in_dim3A_189 : vector<16xf32> to vector<1x16xf32>
      tpu.vector_store %arg12[%swap3A_190, %swap3A_191], %swap3A_194 {strides = array<i32>} : memref<128x128xf32, #tpu.memory_space<vmem>>, vector<1x16xf32>,
      %broadcast_in_dim3A_195 = arith.constant 0.000000e+00 : f32
      %broadcast_in_dim3A_196 = vector.broadcast %broadcast_in_dim3A_195 : f32 to vector<16xf32>
      %swap3A_197 = arith.index_cast %scan3A_181 : i32 to index
      %swap3A_198 = arith.constant 32 : index
      %swap3A_199 = tpu.vector_load %arg12[%swap3A_197, %swap3A_198] {strides = array<i32>} : memref<128x128xf32, #tpu.memory_space<vmem>>, vector<1x16xf32>,
      %swap3A_200 = vector.shape_cast %swap3A_199 : vector<1x16xf32> to vector<16xf32>
      %swap3A_201 = vector.shape_cast %broadcast_in_dim3A_196 : vector<16xf32> to vector<1x16xf32>
      tpu.vector_store %arg12[%swap3A_197, %swap3A_198], %swap3A_201 {strides = array<i32>} : memref<128x128xf32, #tpu.memory_space<vmem>>, vector<1x16xf32>,
      %broadcast_in_dim3A_202 = arith.constant 0.000000e+00 : f32
      %broadcast_in_dim3A_203 = vector.broadcast %broadcast_in_dim3A_202 : f32 to vector<16xf32>
      %swap3A_204 = arith.index_cast %scan3A_181 : i32 to index
      %swap3A_205 = arith.constant 48 : index
      %swap3A_206 = tpu.vector_load %arg12[%swap3A_204, %swap3A_205] {strides = array<i32>} : memref<128x128xf32, #tpu.memory_space<vmem>>, vector<1x16xf32>,
      %swap3A_207 = vector.shape_cast %swap3A_206 : vector<1x16xf32> to vector<16xf32>
      %swap3A_208 = vector.shape_cast %broadcast_in_dim3A_203 : vector<16xf32> to vector<1x16xf32>
      tpu.vector_store %arg12[%swap3A_204, %swap3A_205], %swap3A_208 {strides = array<i32>} : memref<128x128xf32, #tpu.memory_space<vmem>>, vector<1x16xf32>,
      %broadcast_in_dim3A_209 = arith.constant 0.000000e+00 : f32
      %broadcast_in_dim3A_210 = vector.broadcast %broadcast_in_dim3A_209 : f32 to vector<16xf32>
      %swap3A_211 = arith.index_cast %scan3A_181 : i32 to index
      %swap3A_212 = arith.constant 64 : index
      %swap3A_213 = tpu.vector_load %arg12[%swap3A_211, %swap3A_212] {strides = array<i32>} : memref<128x128xf32, #tpu.memory_space<vmem>>, vector<1x16xf32>,
      %swap3A_214 = vector.shape_cast %swap3A_213 : vector<1x16xf32> to vector<16xf32>
      %swap3A_215 = vector.shape_cast %broadcast_in_dim3A_210 : vector<16xf32> to vector<1x16xf32>
      tpu.vector_store %arg12[%swap3A_211, %swap3A_212], %swap3A_215 {strides = array<i32>} : memref<128x128xf32, #tpu.memory_space<vmem>>, vector<1x16xf32>,
      %broadcast_in_dim3A_216 = arith.constant 0.000000e+00 : f32
      %broadcast_in_dim3A_217 = vector.broadcast %broadcast_in_dim3A_216 : f32 to vector<16xf32>
      %swap3A_218 = arith.index_cast %scan3A_181 : i32 to index
      %swap3A_219 = arith.constant 80 : index
      %swap3A_220 = tpu.vector_load %arg12[%swap3A_218, %swap3A_219] {strides = array<i32>} : memref<128x128xf32, #tpu.memory_space<vmem>>, vector<1x16xf32>,
      %swap3A_221 = vector.shape_cast %swap3A_220 : vector<1x16xf32> to vector<16xf32>
      %swap3A_222 = vector.shape_cast %broadcast_in_dim3A_217 : vector<16xf32> to vector<1x16xf32>
      tpu.vector_store %arg12[%swap3A_218, %swap3A_219], %swap3A_222 {strides = array<i32>} : memref<128x128xf32, #tpu.memory_space<vmem>>, vector<1x16xf32>,
      %broadcast_in_dim3A_223 = arith.constant 0.000000e+00 : f32
      %broadcast_in_dim3A_224 = vector.broadcast %broadcast_in_dim3A_223 : f32 to vector<16xf32>
      %swap3A_225 = arith.index_cast %scan3A_181 : i32 to index
      %swap3A_226 = arith.constant 96 : index
      %swap3A_227 = tpu.vector_load %arg12[%swap3A_225, %swap3A_226] {strides = array<i32>} : memref<128x128xf32, #tpu.memory_space<vmem>>, vector<1x16xf32>,
      %swap3A_228 = vector.shape_cast %swap3A_227 : vector<1x16xf32> to vector<16xf32>
      %swap3A_229 = vector.shape_cast %broadcast_in_dim3A_224 : vector<16xf32> to vector<1x16xf32>
      tpu.vector_store %arg12[%swap3A_225, %swap3A_226], %swap3A_229 {strides = array<i32>} : memref<128x128xf32, #tpu.memory_space<vmem>>, vector<1x16xf32>,
      %broadcast_in_dim3A_230 = arith.constant 0.000000e+00 : f32
      %broadcast_in_dim3A_231 = vector.broadcast %broadcast_in_dim3A_230 : f32 to vector<16xf32>
      %swap3A_232 = arith.index_cast %scan3A_181 : i32 to index
      %swap3A_233 = arith.constant 112 : index
      %swap3A_234 = tpu.vector_load %arg12[%swap3A_232, %swap3A_233] {strides = array<i32>} : memref<128x128xf32, #tpu.memory_space<vmem>>, vector<1x16xf32>,
      %swap3A_235 = vector.shape_cast %swap3A_234 : vector<1x16xf32> to vector<16xf32>
      %swap3A_236 = vector.shape_cast %broadcast_in_dim3A_231 : vector<16xf32> to vector<1x16xf32>
      tpu.vector_store %arg12[%swap3A_232, %swap3A_233], %swap3A_236 {strides = array<i32>} : memref<128x128xf32, #tpu.memory_space<vmem>>, vector<1x16xf32>,
      %scan3A_237 = arith.constant 0 : i32
      scf.yield %scan3A_237 : i32
    }
    %scan3A_126 = arith.constant 128 : i32
    %add3A_127 = arith.constant 0 : i32
    %add3A_128 = arith.addi %mul3A_2, %add3A_127 : i32
    "tpu.region"() ({
      %run_scoped3A_181 = tpu.sem_alloc : memref<!tpu.dma_semaphore, #tpu.memory_space<semaphore_mem>>
      %dma_start3A_182 = arith.constant 0 : i32
      %dma_start3A_183 = arith.constant 0 : i32
      %dma_start3A_184 = tpu.memref_slice %arg12[%dma_start3A_182, %dma_start3A_183] : memref<128x128xf32, #tpu.memory_space<vmem>> -> memref<128x128xf32, #tpu.memory_space<vmem>>
      %dma_start3A_185 = arith.constant 0 : i32
      %dma_start3A_186 = tpu.memref_slice %arg14[%add3A_128, %dma_start3A_185] : memref<10112x128xf32, #tpu.memory_space<vmem_shared>> -> memref<128x128xf32, #tpu.memory_space<vmem_shared>>
      %dma_start3A_187 = arith.constant 0 : i32
      %dma_start3A_188 = tpu.memref_slice %arg14[%add3A_128, %dma_start3A_187] : memref<10112x128xf32, #tpu.memory_space<vmem_shared>> -> memref<128x128xf32, #tpu.memory_space<vmem_shared>>
      %dma_start3A_189 = arith.constant 0 : i32
      %dma_start3A_190 = arith.constant 0 : i32
      %dma_start3A_191 = tpu.memref_slice %arg12[%dma_start3A_189, %dma_start3A_190] : memref<128x128xf32, #tpu.memory_space<vmem>> -> memref<128x128xf32, #tpu.memory_space<vmem>>
      tpu.enqueue_dma source(%dma_start3A_191 : memref<128x128xf32, #tpu.memory_space<vmem>>) target(%dma_start3A_188 : memref<128x128xf32, #tpu.memory_space<vmem_shared>>) target_semaphore(%run_scoped3A_181 : memref<!tpu.dma_semaphore, #tpu.memory_space<semaphore_mem>>)
      %dma_wait3A_192 = arith.constant 0 : i32
      %dma_wait3A_193 = arith.constant 0 : i32
      %dma_wait3A_194 = tpu.memref_slice %arg12[%dma_wait3A_192, %dma_wait3A_193] : memref<128x128xf32, #tpu.memory_space<vmem>> -> memref<128x128xf32, #tpu.memory_space<vmem>>
      %dma_wait3A_195 = arith.constant 0 : i32
      %dma_wait3A_196 = tpu.memref_slice %arg14[%add3A_128, %dma_wait3A_195] : memref<10112x128xf32, #tpu.memory_space<vmem_shared>> -> memref<128x128xf32, #tpu.memory_space<vmem_shared>>
      %dma_wait3A_197 = arith.constant 0 : i32
      %dma_wait3A_198 = tpu.memref_slice %arg14[%add3A_128, %dma_wait3A_197] : memref<10112x128xf32, #tpu.memory_space<vmem_shared>> -> memref<128x128xf32, #tpu.memory_space<vmem_shared>>
      %dma_wait3A_199 = arith.constant 0 : i32
      %dma_wait3A_200 = arith.constant 0 : i32
      %dma_wait3A_201 = tpu.memref_slice %arg12[%dma_wait3A_199, %dma_wait3A_200] : memref<128x128xf32, #tpu.memory_space<vmem>> -> memref<128x128xf32, #tpu.memory_space<vmem>>
      tpu.wait_dma2 semaphore(%run_scoped3A_181 : memref<!tpu.dma_semaphore, #tpu.memory_space<semaphore_mem>>) src(%dma_wait3A_201 : memref<128x128xf32, #tpu.memory_space<vmem>>) dst(%dma_wait3A_198 : memref<128x128xf32, #tpu.memory_space<vmem_shared>>)
      tpu.yield
    }) : () -> ()
    %add3A_129 = arith.constant 128 : i32
    %add3A_130 = arith.addi %mul3A_2, %add3A_129 : i32
    "tpu.region"() ({
      %run_scoped3A_181 = tpu.sem_alloc : memref<!tpu.dma_semaphore, #tpu.memory_space<semaphore_mem>>
      %dma_start3A_182 = arith.constant 0 : i32
      %dma_start3A_183 = arith.constant 0 : i32
      %dma_start3A_184 = tpu.memref_slice %arg12[%dma_start3A_182, %dma_start3A_183] : memref<128x128xf32, #tpu.memory_space<vmem>> -> memref<128x128xf32, #tpu.memory_space<vmem>>
      %dma_start3A_185 = arith.constant 0 : i32
      %dma_start3A_186 = tpu.memref_slice %arg14[%add3A_130, %dma_start3A_185] : memref<10112x128xf32, #tpu.memory_space<vmem_shared>> -> memref<128x128xf32, #tpu.memory_space<vmem_shared>>
      %dma_start3A_187 = arith.constant 0 : i32
      %dma_start3A_188 = tpu.memref_slice %arg14[%add3A_130, %dma_start3A_187] : memref<10112x128xf32, #tpu.memory_space<vmem_shared>> -> memref<128x128xf32, #tpu.memory_space<vmem_shared>>
      %dma_start3A_189 = arith.constant 0 : i32
      %dma_start3A_190 = arith.constant 0 : i32
      %dma_start3A_191 = tpu.memref_slice %arg12[%dma_start3A_189, %dma_start3A_190] : memref<128x128xf32, #tpu.memory_space<vmem>> -> memref<128x128xf32, #tpu.memory_space<vmem>>
      tpu.enqueue_dma source(%dma_start3A_191 : memref<128x128xf32, #tpu.memory_space<vmem>>) target(%dma_start3A_188 : memref<128x128xf32, #tpu.memory_space<vmem_shared>>) target_semaphore(%run_scoped3A_181 : memref<!tpu.dma_semaphore, #tpu.memory_space<semaphore_mem>>)
      %dma_wait3A_192 = arith.constant 0 : i32
      %dma_wait3A_193 = arith.constant 0 : i32
      %dma_wait3A_194 = tpu.memref_slice %arg12[%dma_wait3A_192, %dma_wait3A_193] : memref<128x128xf32, #tpu.memory_space<vmem>> -> memref<128x128xf32, #tpu.memory_space<vmem>>
      %dma_wait3A_195 = arith.constant 0 : i32
      %dma_wait3A_196 = tpu.memref_slice %arg14[%add3A_130, %dma_wait3A_195] : memref<10112x128xf32, #tpu.memory_space<vmem_shared>> -> memref<128x128xf32, #tpu.memory_space<vmem_shared>>
      %dma_wait3A_197 = arith.constant 0 : i32
      %dma_wait3A_198 = tpu.memref_slice %arg14[%add3A_130, %dma_wait3A_197] : memref<10112x128xf32, #tpu.memory_space<vmem_shared>> -> memref<128x128xf32, #tpu.memory_space<vmem_shared>>
      %dma_wait3A_199 = arith.constant 0 : i32
      %dma_wait3A_200 = arith.constant 0 : i32
      %dma_wait3A_201 = tpu.memref_slice %arg12[%dma_wait3A_199, %dma_wait3A_200] : memref<128x128xf32, #tpu.memory_space<vmem>> -> memref<128x128xf32, #tpu.memory_space<vmem>>
      tpu.wait_dma2 semaphore(%run_scoped3A_181 : memref<!tpu.dma_semaphore, #tpu.memory_space<semaphore_mem>>) src(%dma_wait3A_201 : memref<128x128xf32, #tpu.memory_space<vmem>>) dst(%dma_wait3A_198 : memref<128x128xf32, #tpu.memory_space<vmem_shared>>)
      tpu.yield
    }) : () -> ()
    %add3A_131 = arith.constant 256 : i32
    %add3A_132 = arith.addi %mul3A_2, %add3A_131 : i32
    "tpu.region"() ({
      %run_scoped3A_181 = tpu.sem_alloc : memref<!tpu.dma_semaphore, #tpu.memory_space<semaphore_mem>>
      %dma_start3A_182 = arith.constant 0 : i32
      %dma_start3A_183 = arith.constant 0 : i32
      %dma_start3A_184 = tpu.memref_slice %arg12[%dma_start3A_182, %dma_start3A_183] : memref<128x128xf32, #tpu.memory_space<vmem>> -> memref<128x128xf32, #tpu.memory_space<vmem>>
      %dma_start3A_185 = arith.constant 0 : i32
      %dma_start3A_186 = tpu.memref_slice %arg14[%add3A_132, %dma_start3A_185] : memref<10112x128xf32, #tpu.memory_space<vmem_shared>> -> memref<128x128xf32, #tpu.memory_space<vmem_shared>>
      %dma_start3A_187 = arith.constant 0 : i32
      %dma_start3A_188 = tpu.memref_slice %arg14[%add3A_132, %dma_start3A_187] : memref<10112x128xf32, #tpu.memory_space<vmem_shared>> -> memref<128x128xf32, #tpu.memory_space<vmem_shared>>
      %dma_start3A_189 = arith.constant 0 : i32
      %dma_start3A_190 = arith.constant 0 : i32
      %dma_start3A_191 = tpu.memref_slice %arg12[%dma_start3A_189, %dma_start3A_190] : memref<128x128xf32, #tpu.memory_space<vmem>> -> memref<128x128xf32, #tpu.memory_space<vmem>>
      tpu.enqueue_dma source(%dma_start3A_191 : memref<128x128xf32, #tpu.memory_space<vmem>>) target(%dma_start3A_188 : memref<128x128xf32, #tpu.memory_space<vmem_shared>>) target_semaphore(%run_scoped3A_181 : memref<!tpu.dma_semaphore, #tpu.memory_space<semaphore_mem>>)
      %dma_wait3A_192 = arith.constant 0 : i32
      %dma_wait3A_193 = arith.constant 0 : i32
      %dma_wait3A_194 = tpu.memref_slice %arg12[%dma_wait3A_192, %dma_wait3A_193] : memref<128x128xf32, #tpu.memory_space<vmem>> -> memref<128x128xf32, #tpu.memory_space<vmem>>
      %dma_wait3A_195 = arith.constant 0 : i32
      %dma_wait3A_196 = tpu.memref_slice %arg14[%add3A_132, %dma_wait3A_195] : memref<10112x128xf32, #tpu.memory_space<vmem_shared>> -> memref<128x128xf32, #tpu.memory_space<vmem_shared>>
      %dma_wait3A_197 = arith.constant 0 : i32
      %dma_wait3A_198 = tpu.memref_slice %arg14[%add3A_132, %dma_wait3A_197] : memref<10112x128xf32, #tpu.memory_space<vmem_shared>> -> memref<128x128xf32, #tpu.memory_space<vmem_shared>>
      %dma_wait3A_199 = arith.constant 0 : i32
      %dma_wait3A_200 = arith.constant 0 : i32
      %dma_wait3A_201 = tpu.memref_slice %arg12[%dma_wait3A_199, %dma_wait3A_200] : memref<128x128xf32, #tpu.memory_space<vmem>> -> memref<128x128xf32, #tpu.memory_space<vmem>>
      tpu.wait_dma2 semaphore(%run_scoped3A_181 : memref<!tpu.dma_semaphore, #tpu.memory_space<semaphore_mem>>) src(%dma_wait3A_201 : memref<128x128xf32, #tpu.memory_space<vmem>>) dst(%dma_wait3A_198 : memref<128x128xf32, #tpu.memory_space<vmem_shared>>)
      tpu.yield
    }) : () -> ()
    %add3A_133 = arith.constant 384 : i32
    %add3A_134 = arith.addi %mul3A_2, %add3A_133 : i32
    "tpu.region"() ({
      %run_scoped3A_181 = tpu.sem_alloc : memref<!tpu.dma_semaphore, #tpu.memory_space<semaphore_mem>>
      %dma_start3A_182 = arith.constant 0 : i32
      %dma_start3A_183 = arith.constant 0 : i32
      %dma_start3A_184 = tpu.memref_slice %arg12[%dma_start3A_182, %dma_start3A_183] : memref<128x128xf32, #tpu.memory_space<vmem>> -> memref<128x128xf32, #tpu.memory_space<vmem>>
      %dma_start3A_185 = arith.constant 0 : i32
      %dma_start3A_186 = tpu.memref_slice %arg14[%add3A_134, %dma_start3A_185] : memref<10112x128xf32, #tpu.memory_space<vmem_shared>> -> memref<128x128xf32, #tpu.memory_space<vmem_shared>>
      %dma_start3A_187 = arith.constant 0 : i32
      %dma_start3A_188 = tpu.memref_slice %arg14[%add3A_134, %dma_start3A_187] : memref<10112x128xf32, #tpu.memory_space<vmem_shared>> -> memref<128x128xf32, #tpu.memory_space<vmem_shared>>
      %dma_start3A_189 = arith.constant 0 : i32
      %dma_start3A_190 = arith.constant 0 : i32
      %dma_start3A_191 = tpu.memref_slice %arg12[%dma_start3A_189, %dma_start3A_190] : memref<128x128xf32, #tpu.memory_space<vmem>> -> memref<128x128xf32, #tpu.memory_space<vmem>>
      tpu.enqueue_dma source(%dma_start3A_191 : memref<128x128xf32, #tpu.memory_space<vmem>>) target(%dma_start3A_188 : memref<128x128xf32, #tpu.memory_space<vmem_shared>>) target_semaphore(%run_scoped3A_181 : memref<!tpu.dma_semaphore, #tpu.memory_space<semaphore_mem>>)
      %dma_wait3A_192 = arith.constant 0 : i32
      %dma_wait3A_193 = arith.constant 0 : i32
      %dma_wait3A_194 = tpu.memref_slice %arg12[%dma_wait3A_192, %dma_wait3A_193] : memref<128x128xf32, #tpu.memory_space<vmem>> -> memref<128x128xf32, #tpu.memory_space<vmem>>
      %dma_wait3A_195 = arith.constant 0 : i32
      %dma_wait3A_196 = tpu.memref_slice %arg14[%add3A_134, %dma_wait3A_195] : memref<10112x128xf32, #tpu.memory_space<vmem_shared>> -> memref<128x128xf32, #tpu.memory_space<vmem_shared>>
      %dma_wait3A_197 = arith.constant 0 : i32
      %dma_wait3A_198 = tpu.memref_slice %arg14[%add3A_134, %dma_wait3A_197] : memref<10112x128xf32, #tpu.memory_space<vmem_shared>> -> memref<128x128xf32, #tpu.memory_space<vmem_shared>>
      %dma_wait3A_199 = arith.constant 0 : i32
      %dma_wait3A_200 = arith.constant 0 : i32
      %dma_wait3A_201 = tpu.memref_slice %arg12[%dma_wait3A_199, %dma_wait3A_200] : memref<128x128xf32, #tpu.memory_space<vmem>> -> memref<128x128xf32, #tpu.memory_space<vmem>>
      tpu.wait_dma2 semaphore(%run_scoped3A_181 : memref<!tpu.dma_semaphore, #tpu.memory_space<semaphore_mem>>) src(%dma_wait3A_201 : memref<128x128xf32, #tpu.memory_space<vmem>>) dst(%dma_wait3A_198 : memref<128x128xf32, #tpu.memory_space<vmem_shared>>)
      tpu.yield
    }) : () -> ()
    %add3A_135 = arith.constant 512 : i32
    %add3A_136 = arith.addi %mul3A_2, %add3A_135 : i32
    "tpu.region"() ({
      %run_scoped3A_181 = tpu.sem_alloc : memref<!tpu.dma_semaphore, #tpu.memory_space<semaphore_mem>>
      %dma_start3A_182 = arith.constant 0 : i32
      %dma_start3A_183 = arith.constant 0 : i32
      %dma_start3A_184 = tpu.memref_slice %arg12[%dma_start3A_182, %dma_start3A_183] : memref<128x128xf32, #tpu.memory_space<vmem>> -> memref<120x128xf32, #tpu.memory_space<vmem>>
      %dma_start3A_185 = arith.constant 0 : i32
      %dma_start3A_186 = tpu.memref_slice %arg14[%add3A_136, %dma_start3A_185] : memref<10112x128xf32, #tpu.memory_space<vmem_shared>> -> memref<120x128xf32, #tpu.memory_space<vmem_shared>>
      %dma_start3A_187 = arith.constant 0 : i32
      %dma_start3A_188 = tpu.memref_slice %arg14[%add3A_136, %dma_start3A_187] : memref<10112x128xf32, #tpu.memory_space<vmem_shared>> -> memref<120x128xf32, #tpu.memory_space<vmem_shared>>
      %dma_start3A_189 = arith.constant 0 : i32
      %dma_start3A_190 = arith.constant 0 : i32
      %dma_start3A_191 = tpu.memref_slice %arg12[%dma_start3A_189, %dma_start3A_190] : memref<128x128xf32, #tpu.memory_space<vmem>> -> memref<120x128xf32, #tpu.memory_space<vmem>>
      tpu.enqueue_dma source(%dma_start3A_191 : memref<120x128xf32, #tpu.memory_space<vmem>>) target(%dma_start3A_188 : memref<120x128xf32, #tpu.memory_space<vmem_shared>>) target_semaphore(%run_scoped3A_181 : memref<!tpu.dma_semaphore, #tpu.memory_space<semaphore_mem>>)
      %dma_wait3A_192 = arith.constant 0 : i32
      %dma_wait3A_193 = arith.constant 0 : i32
      %dma_wait3A_194 = tpu.memref_slice %arg12[%dma_wait3A_192, %dma_wait3A_193] : memref<128x128xf32, #tpu.memory_space<vmem>> -> memref<120x128xf32, #tpu.memory_space<vmem>>
      %dma_wait3A_195 = arith.constant 0 : i32
      %dma_wait3A_196 = tpu.memref_slice %arg14[%add3A_136, %dma_wait3A_195] : memref<10112x128xf32, #tpu.memory_space<vmem_shared>> -> memref<120x128xf32, #tpu.memory_space<vmem_shared>>
      %dma_wait3A_197 = arith.constant 0 : i32
      %dma_wait3A_198 = tpu.memref_slice %arg14[%add3A_136, %dma_wait3A_197] : memref<10112x128xf32, #tpu.memory_space<vmem_shared>> -> memref<120x128xf32, #tpu.memory_space<vmem_shared>>
      %dma_wait3A_199 = arith.constant 0 : i32
      %dma_wait3A_200 = arith.constant 0 : i32
      %dma_wait3A_201 = tpu.memref_slice %arg12[%dma_wait3A_199, %dma_wait3A_200] : memref<128x128xf32, #tpu.memory_space<vmem>> -> memref<120x128xf32, #tpu.memory_space<vmem>>
      tpu.wait_dma2 semaphore(%run_scoped3A_181 : memref<!tpu.dma_semaphore, #tpu.memory_space<semaphore_mem>>) src(%dma_wait3A_201 : memref<120x128xf32, #tpu.memory_space<vmem>>) dst(%dma_wait3A_198 : memref<120x128xf32, #tpu.memory_space<vmem_shared>>)
      tpu.yield
    }) : () -> ()
    %barrier3A_137 = arith.constant 0 : index
    tpu.barrier barrier_id(%barrier3A_137)
    %mul3A_138 = arith.constant 40 : i32
    %mul3A_139 = arith.muli %add3A, %mul3A_138 : i32
    %run_scoped3A_140 = arith.constant 2 : i32
    "tpu.region"() ({
      %run_scoped3A_181 = tpu.sem_alloc : memref<!tpu.dma_semaphore, #tpu.memory_space<semaphore_mem>>
      %dma_start3A_182 = arith.constant 0 : i32
      %dma_start3A_183 = tpu.memref_slice %arg5[%run_scoped3A_140, %mul3A_139, %dma_start3A_182] : memref<3x1280x128xi32, #tpu.memory_space<hbm>> -> memref<1x40x128xi32, #tpu.memory_space<hbm>>
      %dma_start3A_184 = tpu.memref_squeeze %dma_start3A_183 : memref<1x40x128xi32, #tpu.memory_space<hbm>> -> memref<40x128xi32, #tpu.memory_space<hbm>>
      %dma_start3A_185 = arith.constant 0 : i32
      %dma_start3A_186 = tpu.memref_slice %arg5[%run_scoped3A_140, %mul3A_139, %dma_start3A_185] : memref<3x1280x128xi32, #tpu.memory_space<hbm>> -> memref<1x40x128xi32, #tpu.memory_space<hbm>>
      %dma_start3A_187 = tpu.memref_squeeze %dma_start3A_186 : memref<1x40x128xi32, #tpu.memory_space<hbm>> -> memref<40x128xi32, #tpu.memory_space<hbm>>
      tpu.enqueue_dma source(%dma_start3A_187 : memref<40x128xi32, #tpu.memory_space<hbm>>) target(%arg10 : memref<40x128xi32, #tpu.memory_space<vmem>>) target_semaphore(%run_scoped3A_181 : memref<!tpu.dma_semaphore, #tpu.memory_space<semaphore_mem>>)
      %dma_wait3A_188 = arith.constant 0 : i32
      %dma_wait3A_189 = tpu.memref_slice %arg5[%run_scoped3A_140, %mul3A_139, %dma_wait3A_188] : memref<3x1280x128xi32, #tpu.memory_space<hbm>> -> memref<1x40x128xi32, #tpu.memory_space<hbm>>
      %dma_wait3A_190 = tpu.memref_squeeze %dma_wait3A_189 : memref<1x40x128xi32, #tpu.memory_space<hbm>> -> memref<40x128xi32, #tpu.memory_space<hbm>>
      %dma_wait3A_191 = arith.constant 0 : i32
      %dma_wait3A_192 = tpu.memref_slice %arg5[%run_scoped3A_140, %mul3A_139, %dma_wait3A_191] : memref<3x1280x128xi32, #tpu.memory_space<hbm>> -> memref<1x40x128xi32, #tpu.memory_space<hbm>>
      %dma_wait3A_193 = tpu.memref_squeeze %dma_wait3A_192 : memref<1x40x128xi32, #tpu.memory_space<hbm>> -> memref<40x128xi32, #tpu.memory_space<hbm>>
      tpu.wait_dma2 semaphore(%run_scoped3A_181 : memref<!tpu.dma_semaphore, #tpu.memory_space<semaphore_mem>>) src(%dma_wait3A_193 : memref<40x128xi32, #tpu.memory_space<hbm>>) dst(%arg10 : memref<40x128xi32, #tpu.memory_space<vmem>>)
      tpu.yield
    }) : () -> ()
    %mul3A_141 = arith.constant 40 : i32
    %mul3A_142 = arith.muli %add3A, %mul3A_141 : i32
    %run_scoped3A_143 = arith.constant 2 : i32
    "tpu.region"() ({
      %run_scoped3A_181 = tpu.sem_alloc : memref<!tpu.dma_semaphore, #tpu.memory_space<semaphore_mem>>
      %dma_start3A_182 = arith.constant 0 : i32
      %dma_start3A_183 = tpu.memref_slice %arg6[%run_scoped3A_143, %mul3A_142, %dma_start3A_182] : memref<3x1280x128xi32, #tpu.memory_space<hbm>> -> memref<1x40x128xi32, #tpu.memory_space<hbm>>
      %dma_start3A_184 = tpu.memref_squeeze %dma_start3A_183 : memref<1x40x128xi32, #tpu.memory_space<hbm>> -> memref<40x128xi32, #tpu.memory_space<hbm>>
      %dma_start3A_185 = arith.constant 0 : i32
      %dma_start3A_186 = tpu.memref_slice %arg6[%run_scoped3A_143, %mul3A_142, %dma_start3A_185] : memref<3x1280x128xi32, #tpu.memory_space<hbm>> -> memref<1x40x128xi32, #tpu.memory_space<hbm>>
      %dma_start3A_187 = tpu.memref_squeeze %dma_start3A_186 : memref<1x40x128xi32, #tpu.memory_space<hbm>> -> memref<40x128xi32, #tpu.memory_space<hbm>>
      tpu.enqueue_dma source(%dma_start3A_187 : memref<40x128xi32, #tpu.memory_space<hbm>>) target(%arg11 : memref<40x128xi32, #tpu.memory_space<vmem>>) target_semaphore(%run_scoped3A_181 : memref<!tpu.dma_semaphore, #tpu.memory_space<semaphore_mem>>)
      %dma_wait3A_188 = arith.constant 0 : i32
      %dma_wait3A_189 = tpu.memref_slice %arg6[%run_scoped3A_143, %mul3A_142, %dma_wait3A_188] : memref<3x1280x128xi32, #tpu.memory_space<hbm>> -> memref<1x40x128xi32, #tpu.memory_space<hbm>>
      %dma_wait3A_190 = tpu.memref_squeeze %dma_wait3A_189 : memref<1x40x128xi32, #tpu.memory_space<hbm>> -> memref<40x128xi32, #tpu.memory_space<hbm>>
      %dma_wait3A_191 = arith.constant 0 : i32
      %dma_wait3A_192 = tpu.memref_slice %arg6[%run_scoped3A_143, %mul3A_142, %dma_wait3A_191] : memref<3x1280x128xi32, #tpu.memory_space<hbm>> -> memref<1x40x128xi32, #tpu.memory_space<hbm>>
      %dma_wait3A_193 = tpu.memref_squeeze %dma_wait3A_192 : memref<1x40x128xi32, #tpu.memory_space<hbm>> -> memref<40x128xi32, #tpu.memory_space<hbm>>
      tpu.wait_dma2 semaphore(%run_scoped3A_181 : memref<!tpu.dma_semaphore, #tpu.memory_space<semaphore_mem>>) src(%dma_wait3A_193 : memref<40x128xi32, #tpu.memory_space<hbm>>) dst(%arg11 : memref<40x128xi32, #tpu.memory_space<vmem>>)
      tpu.yield
    }) : () -> ()
    %dma_start3A_144 = arith.constant 0 : i32
    %dma_start3A_145 = arith.constant 0 : i32
    %dma_start3A_146 = tpu.memref_slice %arg10[%dma_start3A_144, %dma_start3A_145] : memref<40x128xi32, #tpu.memory_space<vmem>> -> memref<1x128xi32, #tpu.memory_space<vmem>>
    %dma_start3A_147 = tpu.memref_squeeze %dma_start3A_146 : memref<1x128xi32, #tpu.memory_space<vmem>> -> memref<128xi32, #tpu.memory_space<vmem>>
    %dma_start3A_148 = arith.constant 0 : i32
    %dma_start3A_149 = arith.constant 0 : i32
    %dma_start3A_150 = tpu.memref_slice %arg4[%dma_start3A_148, %dma_start3A_149] : memref<10112x128xf32, #tpu.memory_space<hbm>> -> memref<10112x128xf32, #tpu.memory_space<hbm>>
    tpu.enqueue_indirect_dma source(%dma_start3A_150 : memref<10112x128xf32, #tpu.memory_space<hbm>>) target(%arg12 : memref<128x128xf32, #tpu.memory_space<vmem>>) offsets(%dma_start3A_147 : memref<128xi32, #tpu.memory_space<vmem>>) semaphore(%arg15 : memref<!tpu.dma_semaphore, #tpu.memory_space<semaphore_mem>>)
    %dma_start3A_151 = arith.constant 1 : i32
    %dma_start3A_152 = arith.constant 0 : i32
    %dma_start3A_153 = tpu.memref_slice %arg10[%dma_start3A_151, %dma_start3A_152] : memref<40x128xi32, #tpu.memory_space<vmem>> -> memref<1x128xi32, #tpu.memory_space<vmem>>
    %dma_start3A_154 = tpu.memref_squeeze %dma_start3A_153 : memref<1x128xi32, #tpu.memory_space<vmem>> -> memref<128xi32, #tpu.memory_space<vmem>>
    %dma_start3A_155 = arith.constant 0 : i32
    %dma_start3A_156 = arith.constant 0 : i32
    %dma_start3A_157 = tpu.memref_slice %arg4[%dma_start3A_155, %dma_start3A_156] : memref<10112x128xf32, #tpu.memory_space<hbm>> -> memref<10112x128xf32, #tpu.memory_space<hbm>>
    tpu.enqueue_indirect_dma source(%dma_start3A_157 : memref<10112x128xf32, #tpu.memory_space<hbm>>) target(%arg13 : memref<128x128xf32, #tpu.memory_space<vmem>>) offsets(%dma_start3A_154 : memref<128xi32, #tpu.memory_space<vmem>>) semaphore(%arg16 : memref<!tpu.dma_semaphore, #tpu.memory_space<semaphore_mem>>)
    %scan3A_158 = arith.constant 0 : i32
    %scan3A_159 = arith.constant 0 : i32
    %scan3A_160 = arith.constant 20 : i32
    %scan3A_161 = arith.addi %scan3A_159, %scan3A_160 : i32
    %scan3A_162 = arith.constant 1 : i32
    %scan3A_163 = scf.for %scan3A_181 = %scan3A_159 to %scan3A_161 step %scan3A_162 iter_args(%scan3A_182 = %scan3A_158) -> (i32)  : i32 {
      %mul3A_183 = arith.constant 2 : i32
      %mul3A_184 = arith.muli %mul3A_183, %scan3A_181 : i32
      %mul3A_185 = arith.constant 2 : i32
      %mul3A_186 = arith.muli %mul3A_185, %scan3A_181 : i32
      %add3A_187 = arith.constant 1 : i32
      %add3A_188 = arith.addi %mul3A_186, %add3A_187 : i32
      %dma_wait3A_189 = arith.constant 0 : i32
      %dma_wait3A_190 = arith.constant 0 : i32
      %dma_wait3A_191 = tpu.memref_slice %arg10[%dma_wait3A_189, %dma_wait3A_190] : memref<40x128xi32, #tpu.memory_space<vmem>> -> memref<1x128xi32, #tpu.memory_space<vmem>>
      %dma_wait3A_192 = tpu.memref_squeeze %dma_wait3A_191 : memref<1x128xi32, #tpu.memory_space<vmem>> -> memref<128xi32, #tpu.memory_space<vmem>>
      %dma_wait3A_193 = arith.constant 0 : i32
      %dma_wait3A_194 = arith.constant 0 : i32
      %dma_wait3A_195 = tpu.memref_slice %arg4[%dma_wait3A_193, %dma_wait3A_194] : memref<10112x128xf32, #tpu.memory_space<hbm>> -> memref<10112x128xf32, #tpu.memory_space<hbm>>
      tpu.wait_indirect_dma semaphore(%arg15 : memref<!tpu.dma_semaphore, #tpu.memory_space<semaphore_mem>>) src(%dma_wait3A_195 : memref<10112x128xf32, #tpu.memory_space<hbm>>) dst(%arg12 : memref<128x128xf32, #tpu.memory_space<vmem>>)
      "tpu.region"() ({
        %run_scoped3A_223 = tpu.sem_alloc : memref<!tpu.dma_semaphore, #tpu.memory_space<semaphore_mem>>
        %dma_start3A_224 = arith.constant 0 : i32
        %dma_start3A_225 = tpu.memref_slice %arg11[%mul3A_184, %dma_start3A_224] : memref<40x128xi32, #tpu.memory_space<vmem>> -> memref<1x128xi32, #tpu.memory_space<vmem>>
        %dma_start3A_226 = tpu.memref_squeeze %dma_start3A_225 : memref<1x128xi32, #tpu.memory_space<vmem>> -> memref<128xi32, #tpu.memory_space<vmem>>
        %dma_start3A_227 = arith.constant 0 : i32
        %dma_start3A_228 = arith.constant 0 : i32
        %dma_start3A_229 = tpu.memref_slice %arg14[%dma_start3A_227, %dma_start3A_228] : memref<10112x128xf32, #tpu.memory_space<vmem_shared>> -> memref<10112x128xf32, #tpu.memory_space<vmem_shared>>
        tpu.enqueue_indirect_dma source(%arg12 : memref<128x128xf32, #tpu.memory_space<vmem>>) target(%dma_start3A_229 : memref<10112x128xf32, #tpu.memory_space<vmem_shared>>) offsets(%dma_start3A_226 : memref<128xi32, #tpu.memory_space<vmem>>) semaphore(%run_scoped3A_223 : memref<!tpu.dma_semaphore, #tpu.memory_space<semaphore_mem>>) {add = true}
        %dma_wait3A_230 = arith.constant 0 : i32
        %dma_wait3A_231 = tpu.memref_slice %arg11[%mul3A_184, %dma_wait3A_230] : memref<40x128xi32, #tpu.memory_space<vmem>> -> memref<1x128xi32, #tpu.memory_space<vmem>>
        %dma_wait3A_232 = tpu.memref_squeeze %dma_wait3A_231 : memref<1x128xi32, #tpu.memory_space<vmem>> -> memref<128xi32, #tpu.memory_space<vmem>>
        %dma_wait3A_233 = arith.constant 0 : i32
        %dma_wait3A_234 = arith.constant 0 : i32
        %dma_wait3A_235 = tpu.memref_slice %arg14[%dma_wait3A_233, %dma_wait3A_234] : memref<10112x128xf32, #tpu.memory_space<vmem_shared>> -> memref<10112x128xf32, #tpu.memory_space<vmem_shared>>
        tpu.wait_indirect_dma semaphore(%run_scoped3A_223 : memref<!tpu.dma_semaphore, #tpu.memory_space<semaphore_mem>>) src(%arg12 : memref<128x128xf32, #tpu.memory_space<vmem>>) dst(%dma_wait3A_235 : memref<10112x128xf32, #tpu.memory_space<vmem_shared>>)
        tpu.yield
      }) : () -> ()
      %add3A_196 = arith.constant 2 : i32
      %add3A_197 = arith.addi %mul3A_184, %add3A_196 : i32
      %rem3A = arith.constant 40 : i32
      %rem3A_198 = arith.remsi %add3A_197, %rem3A : i32
      %dma_start3A_199 = arith.constant 0 : i32
      %dma_start3A_200 = tpu.memref_slice %arg10[%rem3A_198, %dma_start3A_199] : memref<40x128xi32, #tpu.memory_space<vmem>> -> memref<1x128xi32, #tpu.memory_space<vmem>>
      %dma_start3A_201 = tpu.memref_squeeze %dma_start3A_200 : memref<1x128xi32, #tpu.memory_space<vmem>> -> memref<128xi32, #tpu.memory_space<vmem>>
      %dma_start3A_202 = arith.constant 0 : i32
      %dma_start3A_203 = arith.constant 0 : i32
      %dma_start3A_204 = tpu.memref_slice %arg4[%dma_start3A_202, %dma_start3A_203] : memref<10112x128xf32, #tpu.memory_space<hbm>> -> memref<10112x128xf32, #tpu.memory_space<hbm>>
      tpu.enqueue_indirect_dma source(%dma_start3A_204 : memref<10112x128xf32, #tpu.memory_space<hbm>>) target(%arg12 : memref<128x128xf32, #tpu.memory_space<vmem>>) offsets(%dma_start3A_201 : memref<128xi32, #tpu.memory_space<vmem>>) semaphore(%arg15 : memref<!tpu.dma_semaphore, #tpu.memory_space<semaphore_mem>>)
      %dma_wait3A_205 = arith.constant 1 : i32
      %dma_wait3A_206 = arith.constant 0 : i32
      %dma_wait3A_207 = tpu.memref_slice %arg10[%dma_wait3A_205, %dma_wait3A_206] : memref<40x128xi32, #tpu.memory_space<vmem>> -> memref<1x128xi32, #tpu.memory_space<vmem>>
      %dma_wait3A_208 = tpu.memref_squeeze %dma_wait3A_207 : memref<1x128xi32, #tpu.memory_space<vmem>> -> memref<128xi32, #tpu.memory_space<vmem>>
      %dma_wait3A_209 = arith.constant 0 : i32
      %dma_wait3A_210 = arith.constant 0 : i32
      %dma_wait3A_211 = tpu.memref_slice %arg4[%dma_wait3A_209, %dma_wait3A_210] : memref<10112x128xf32, #tpu.memory_space<hbm>> -> memref<10112x128xf32, #tpu.memory_space<hbm>>
      tpu.wait_indirect_dma semaphore(%arg16 : memref<!tpu.dma_semaphore, #tpu.memory_space<semaphore_mem>>) src(%dma_wait3A_211 : memref<10112x128xf32, #tpu.memory_space<hbm>>) dst(%arg13 : memref<128x128xf32, #tpu.memory_space<vmem>>)
      "tpu.region"() ({
        %run_scoped3A_223 = tpu.sem_alloc : memref<!tpu.dma_semaphore, #tpu.memory_space<semaphore_mem>>
        %dma_start3A_224 = arith.constant 0 : i32
        %dma_start3A_225 = tpu.memref_slice %arg11[%add3A_188, %dma_start3A_224] : memref<40x128xi32, #tpu.memory_space<vmem>> -> memref<1x128xi32, #tpu.memory_space<vmem>>
        %dma_start3A_226 = tpu.memref_squeeze %dma_start3A_225 : memref<1x128xi32, #tpu.memory_space<vmem>> -> memref<128xi32, #tpu.memory_space<vmem>>
        %dma_start3A_227 = arith.constant 0 : i32
        %dma_start3A_228 = arith.constant 0 : i32
        %dma_start3A_229 = tpu.memref_slice %arg14[%dma_start3A_227, %dma_start3A_228] : memref<10112x128xf32, #tpu.memory_space<vmem_shared>> -> memref<10112x128xf32, #tpu.memory_space<vmem_shared>>
        tpu.enqueue_indirect_dma source(%arg13 : memref<128x128xf32, #tpu.memory_space<vmem>>) target(%dma_start3A_229 : memref<10112x128xf32, #tpu.memory_space<vmem_shared>>) offsets(%dma_start3A_226 : memref<128xi32, #tpu.memory_space<vmem>>) semaphore(%run_scoped3A_223 : memref<!tpu.dma_semaphore, #tpu.memory_space<semaphore_mem>>) {add = true}
        %dma_wait3A_230 = arith.constant 0 : i32
        %dma_wait3A_231 = tpu.memref_slice %arg11[%add3A_188, %dma_wait3A_230] : memref<40x128xi32, #tpu.memory_space<vmem>> -> memref<1x128xi32, #tpu.memory_space<vmem>>
        %dma_wait3A_232 = tpu.memref_squeeze %dma_wait3A_231 : memref<1x128xi32, #tpu.memory_space<vmem>> -> memref<128xi32, #tpu.memory_space<vmem>>
        %dma_wait3A_233 = arith.constant 0 : i32
        %dma_wait3A_234 = arith.constant 0 : i32
        %dma_wait3A_235 = tpu.memref_slice %arg14[%dma_wait3A_233, %dma_wait3A_234] : memref<10112x128xf32, #tpu.memory_space<vmem_shared>> -> memref<10112x128xf32, #tpu.memory_space<vmem_shared>>
        tpu.wait_indirect_dma semaphore(%run_scoped3A_223 : memref<!tpu.dma_semaphore, #tpu.memory_space<semaphore_mem>>) src(%arg13 : memref<128x128xf32, #tpu.memory_space<vmem>>) dst(%dma_wait3A_235 : memref<10112x128xf32, #tpu.memory_space<vmem_shared>>)
        tpu.yield
      }) : () -> ()
      %add3A_212 = arith.constant 2 : i32
      %add3A_213 = arith.addi %add3A_188, %add3A_212 : i32
      %rem3A_214 = arith.constant 40 : i32
      %rem3A_215 = arith.remsi %add3A_213, %rem3A_214 : i32
      %dma_start3A_216 = arith.constant 0 : i32
      %dma_start3A_217 = tpu.memref_slice %arg10[%rem3A_215, %dma_start3A_216] : memref<40x128xi32, #tpu.memory_space<vmem>> -> memref<1x128xi32, #tpu.memory_space<vmem>>
      %dma_start3A_218 = tpu.memref_squeeze %dma_start3A_217 : memref<1x128xi32, #tpu.memory_space<vmem>> -> memref<128xi32, #tpu.memory_space<vmem>>
      %dma_start3A_219 = arith.constant 0 : i32
      %dma_start3A_220 = arith.constant 0 : i32
      %dma_start3A_221 = tpu.memref_slice %arg4[%dma_start3A_219, %dma_start3A_220] : memref<10112x128xf32, #tpu.memory_space<hbm>> -> memref<10112x128xf32, #tpu.memory_space<hbm>>
      tpu.enqueue_indirect_dma source(%dma_start3A_221 : memref<10112x128xf32, #tpu.memory_space<hbm>>) target(%arg13 : memref<128x128xf32, #tpu.memory_space<vmem>>) offsets(%dma_start3A_218 : memref<128xi32, #tpu.memory_space<vmem>>) semaphore(%arg16 : memref<!tpu.dma_semaphore, #tpu.memory_space<semaphore_mem>>)
      %scan3A_222 = arith.constant 0 : i32
      scf.yield %scan3A_222 : i32
    }
    %scan3A_164 = arith.constant 20 : i32
    %dma_wait3A_165 = arith.constant 0 : i32
    %dma_wait3A_166 = arith.constant 0 : i32
    %dma_wait3A_167 = tpu.memref_slice %arg10[%dma_wait3A_165, %dma_wait3A_166] : memref<40x128xi32, #tpu.memory_space<vmem>> -> memref<1x128xi32, #tpu.memory_space<vmem>>
    %dma_wait3A_168 = tpu.memref_squeeze %dma_wait3A_167 : memref<1x128xi32, #tpu.memory_space<vmem>> -> memref<128xi32, #tpu.memory_space<vmem>>
    %dma_wait3A_169 = arith.constant 0 : i32
    %dma_wait3A_170 = arith.constant 0 : i32
    %dma_wait3A_171 = tpu.memref_slice %arg4[%dma_wait3A_169, %dma_wait3A_170] : memref<10112x128xf32, #tpu.memory_space<hbm>> -> memref<10112x128xf32, #tpu.memory_space<hbm>>
    tpu.wait_indirect_dma semaphore(%arg15 : memref<!tpu.dma_semaphore, #tpu.memory_space<semaphore_mem>>) src(%dma_wait3A_171 : memref<10112x128xf32, #tpu.memory_space<hbm>>) dst(%arg12 : memref<128x128xf32, #tpu.memory_space<vmem>>)
    %dma_wait3A_172 = arith.constant 1 : i32
    %dma_wait3A_173 = arith.constant 0 : i32
    %dma_wait3A_174 = tpu.memref_slice %arg10[%dma_wait3A_172, %dma_wait3A_173] : memref<40x128xi32, #tpu.memory_space<vmem>> -> memref<1x128xi32, #tpu.memory_space<vmem>>
    %dma_wait3A_175 = tpu.memref_squeeze %dma_wait3A_174 : memref<1x128xi32, #tpu.memory_space<vmem>> -> memref<128xi32, #tpu.memory_space<vmem>>
    %dma_wait3A_176 = arith.constant 0 : i32
    %dma_wait3A_177 = arith.constant 0 : i32
    %dma_wait3A_178 = tpu.memref_slice %arg4[%dma_wait3A_176, %dma_wait3A_177] : memref<10112x128xf32, #tpu.memory_space<hbm>> -> memref<10112x128xf32, #tpu.memory_space<hbm>>
    tpu.wait_indirect_dma semaphore(%arg16 : memref<!tpu.dma_semaphore, #tpu.memory_space<semaphore_mem>>) src(%dma_wait3A_178 : memref<10112x128xf32, #tpu.memory_space<hbm>>) dst(%arg13 : memref<128x128xf32, #tpu.memory_space<vmem>>)
    %barrier3A_179 = arith.constant 0 : index
    tpu.barrier barrier_id(%barrier3A_179)
    "tpu.region"() ({
      %run_scoped3A_181 = tpu.sem_alloc : memref<!tpu.dma_semaphore, #tpu.memory_space<semaphore_mem>>
      %dma_start3A_182 = arith.constant 0 : i32
      %dma_start3A_183 = tpu.memref_slice %arg9[%arg0, %mul3A_2, %dma_start3A_182] : memref<2x10112x128xf32, #tpu.memory_space<hbm>> -> memref<1x632x128xf32, #tpu.memory_space<hbm>>
      %dma_start3A_184 = tpu.memref_squeeze %dma_start3A_183 : memref<1x632x128xf32, #tpu.memory_space<hbm>> -> memref<632x128xf32, #tpu.memory_space<hbm>>
      %dma_start3A_185 = arith.constant 0 : i32
      %dma_start3A_186 = tpu.memref_slice %arg14[%mul3A_2, %dma_start3A_185] : memref<10112x128xf32, #tpu.memory_space<vmem_shared>> -> memref<632x128xf32, #tpu.memory_space<vmem_shared>>
      tpu.enqueue_dma source(%dma_start3A_186 : memref<632x128xf32, #tpu.memory_space<vmem_shared>>) target(%dma_start3A_184 : memref<632x128xf32, #tpu.memory_space<hbm>>) target_semaphore(%run_scoped3A_181 : memref<!tpu.dma_semaphore, #tpu.memory_space<semaphore_mem>>)
      %dma_wait3A_187 = arith.constant 0 : i32
      %dma_wait3A_188 = tpu.memref_slice %arg9[%arg0, %mul3A_2, %dma_wait3A_187] : memref<2x10112x128xf32, #tpu.memory_space<hbm>> -> memref<1x632x128xf32, #tpu.memory_space<hbm>>
      %dma_wait3A_189 = tpu.memref_squeeze %dma_wait3A_188 : memref<1x632x128xf32, #tpu.memory_space<hbm>> -> memref<632x128xf32, #tpu.memory_space<hbm>>
      %dma_wait3A_190 = arith.constant 0 : i32
      %dma_wait3A_191 = tpu.memref_slice %arg14[%mul3A_2, %dma_wait3A_190] : memref<10112x128xf32, #tpu.memory_space<vmem_shared>> -> memref<632x128xf32, #tpu.memory_space<vmem_shared>>
      tpu.wait_dma2 semaphore(%run_scoped3A_181 : memref<!tpu.dma_semaphore, #tpu.memory_space<semaphore_mem>>) src(%dma_wait3A_191 : memref<632x128xf32, #tpu.memory_space<vmem_shared>>) dst(%dma_wait3A_189 : memref<632x128xf32, #tpu.memory_space<hbm>>)
      tpu.yield
    }) : () -> ()
    %barrier3A_180 = arith.constant 0 : index
    tpu.barrier barrier_id(%barrier3A_180)
    return
  }
}

module attributes {stable_mosaic.version = 14 : i64} {
  func.func @body(%arg0: memref<12x10112xf32, #tpu.memory_space<vmem>>, %arg1: memref<8x10000xf32, #tpu.memory_space<vmem>>) attributes {dimension_semantics = [], scalar_prefetch = 0 : i64, scratch_operands = 0 : i64, tpu.core_type = #tpu.core_type<tc>} {
    %get3A = arith.constant 0 : index
    %get3A_0 = arith.constant 0 : index
    %get3A_1 = vector.load %arg0[%get3A, %get3A_0] : memref<12x10112xf32, #tpu.memory_space<vmem>>, vector<12x10112xf32>
    %slice3A = vector.extract_strided_slice %get3A_1 {offsets = [0, 0], sizes = [1, 10112], strides = [1, 1]} : vector<12x10112xf32> to vector<1x10112xf32>
    %squeeze3A = vector.shape_cast %slice3A : vector<1x10112xf32> to vector<10112xf32>
    %slice3A_2 = vector.extract_strided_slice %get3A_1 {offsets = [6, 0], sizes = [1, 10112], strides = [1, 1]} : vector<12x10112xf32> to vector<1x10112xf32>
    %squeeze3A_3 = vector.shape_cast %slice3A_2 : vector<1x10112xf32> to vector<10112xf32>
    %add3A = arith.addf %squeeze3A, %squeeze3A_3 : vector<10112xf32>
    %slice3A_4 = vector.extract_strided_slice %add3A {offsets = [0], sizes = [10000], strides = [1]} : vector<10112xf32> to vector<10000xf32>
    %max3A = arith.constant 1.000000e+00 : f32
    %max3A_5 = vector.broadcast %max3A : f32 to vector<10000xf32>
    %max3A_6 = arith.maximumf %slice3A_4, %max3A_5 : vector<10000xf32>
    %rsqrt3A = math.rsqrt %max3A_6 : vector<10000xf32>
    %swap3A = arith.constant 0 : index
    %swap3A_7 = arith.constant 0 : index
    %swap3A_8 = vector.load %arg1[%swap3A, %swap3A_7] : memref<8x10000xf32, #tpu.memory_space<vmem>>, vector<1x10000xf32>
    %swap3A_9 = vector.shape_cast %swap3A_8 : vector<1x10000xf32> to vector<10000xf32>
    %swap3A_10 = vector.shape_cast %rsqrt3A : vector<10000xf32> to vector<1x10000xf32>
    tpu.vector_store %arg1[%swap3A, %swap3A_7], %swap3A_10 {strides = array<i32>} : memref<8x10000xf32, #tpu.memory_space<vmem>>, vector<1x10000xf32>,
    %slice3A_11 = vector.extract_strided_slice %get3A_1 {offsets = [1, 0], sizes = [1, 10112], strides = [1, 1]} : vector<12x10112xf32> to vector<1x10112xf32>
    %squeeze3A_12 = vector.shape_cast %slice3A_11 : vector<1x10112xf32> to vector<10112xf32>
    %slice3A_13 = vector.extract_strided_slice %get3A_1 {offsets = [7, 0], sizes = [1, 10112], strides = [1, 1]} : vector<12x10112xf32> to vector<1x10112xf32>
    %squeeze3A_14 = vector.shape_cast %slice3A_13 : vector<1x10112xf32> to vector<10112xf32>
    %add3A_15 = arith.addf %squeeze3A_12, %squeeze3A_14 : vector<10112xf32>
    %slice3A_16 = vector.extract_strided_slice %add3A_15 {offsets = [0], sizes = [10000], strides = [1]} : vector<10112xf32> to vector<10000xf32>
    %max3A_17 = arith.constant 1.000000e+00 : f32
    %max3A_18 = vector.broadcast %max3A_17 : f32 to vector<10000xf32>
    %max3A_19 = arith.maximumf %slice3A_16, %max3A_18 : vector<10000xf32>
    %rsqrt3A_20 = math.rsqrt %max3A_19 : vector<10000xf32>
    %swap3A_21 = arith.constant 1 : index
    %swap3A_22 = arith.constant 0 : index
    %swap3A_23 = vector.load %arg1[%swap3A_21, %swap3A_22] : memref<8x10000xf32, #tpu.memory_space<vmem>>, vector<1x10000xf32>
    %swap3A_24 = vector.shape_cast %swap3A_23 : vector<1x10000xf32> to vector<10000xf32>
    %swap3A_25 = vector.shape_cast %rsqrt3A_20 : vector<10000xf32> to vector<1x10000xf32>
    tpu.vector_store %arg1[%swap3A_21, %swap3A_22], %swap3A_25 {strides = array<i32>} : memref<8x10000xf32, #tpu.memory_space<vmem>>, vector<1x10000xf32>,
    %slice3A_26 = vector.extract_strided_slice %get3A_1 {offsets = [2, 0], sizes = [1, 10112], strides = [1, 1]} : vector<12x10112xf32> to vector<1x10112xf32>
    %squeeze3A_27 = vector.shape_cast %slice3A_26 : vector<1x10112xf32> to vector<10112xf32>
    %slice3A_28 = vector.extract_strided_slice %get3A_1 {offsets = [8, 0], sizes = [1, 10112], strides = [1, 1]} : vector<12x10112xf32> to vector<1x10112xf32>
    %squeeze3A_29 = vector.shape_cast %slice3A_28 : vector<1x10112xf32> to vector<10112xf32>
    %add3A_30 = arith.addf %squeeze3A_27, %squeeze3A_29 : vector<10112xf32>
    %slice3A_31 = vector.extract_strided_slice %add3A_30 {offsets = [0], sizes = [10000], strides = [1]} : vector<10112xf32> to vector<10000xf32>
    %max3A_32 = arith.constant 1.000000e+00 : f32
    %max3A_33 = vector.broadcast %max3A_32 : f32 to vector<10000xf32>
    %max3A_34 = arith.maximumf %slice3A_31, %max3A_33 : vector<10000xf32>
    %rsqrt3A_35 = math.rsqrt %max3A_34 : vector<10000xf32>
    %swap3A_36 = arith.constant 2 : index
    %swap3A_37 = arith.constant 0 : index
    %swap3A_38 = vector.load %arg1[%swap3A_36, %swap3A_37] : memref<8x10000xf32, #tpu.memory_space<vmem>>, vector<1x10000xf32>
    %swap3A_39 = vector.shape_cast %swap3A_38 : vector<1x10000xf32> to vector<10000xf32>
    %swap3A_40 = vector.shape_cast %rsqrt3A_35 : vector<10000xf32> to vector<1x10000xf32>
    tpu.vector_store %arg1[%swap3A_36, %swap3A_37], %swap3A_40 {strides = array<i32>} : memref<8x10000xf32, #tpu.memory_space<vmem>>, vector<1x10000xf32>,
    %slice3A_41 = vector.extract_strided_slice %get3A_1 {offsets = [3, 0], sizes = [1, 10112], strides = [1, 1]} : vector<12x10112xf32> to vector<1x10112xf32>
    %squeeze3A_42 = vector.shape_cast %slice3A_41 : vector<1x10112xf32> to vector<10112xf32>
    %slice3A_43 = vector.extract_strided_slice %get3A_1 {offsets = [9, 0], sizes = [1, 10112], strides = [1, 1]} : vector<12x10112xf32> to vector<1x10112xf32>
    %squeeze3A_44 = vector.shape_cast %slice3A_43 : vector<1x10112xf32> to vector<10112xf32>
    %add3A_45 = arith.addf %squeeze3A_42, %squeeze3A_44 : vector<10112xf32>
    %slice3A_46 = vector.extract_strided_slice %add3A_45 {offsets = [0], sizes = [10000], strides = [1]} : vector<10112xf32> to vector<10000xf32>
    %max3A_47 = arith.constant 1.000000e+00 : f32
    %max3A_48 = vector.broadcast %max3A_47 : f32 to vector<10000xf32>
    %max3A_49 = arith.maximumf %slice3A_46, %max3A_48 : vector<10000xf32>
    %rsqrt3A_50 = math.rsqrt %max3A_49 : vector<10000xf32>
    %swap3A_51 = arith.constant 3 : index
    %swap3A_52 = arith.constant 0 : index
    %swap3A_53 = vector.load %arg1[%swap3A_51, %swap3A_52] : memref<8x10000xf32, #tpu.memory_space<vmem>>, vector<1x10000xf32>
    %swap3A_54 = vector.shape_cast %swap3A_53 : vector<1x10000xf32> to vector<10000xf32>
    %swap3A_55 = vector.shape_cast %rsqrt3A_50 : vector<10000xf32> to vector<1x10000xf32>
    tpu.vector_store %arg1[%swap3A_51, %swap3A_52], %swap3A_55 {strides = array<i32>} : memref<8x10000xf32, #tpu.memory_space<vmem>>, vector<1x10000xf32>,
    %slice3A_56 = vector.extract_strided_slice %get3A_1 {offsets = [4, 0], sizes = [1, 10112], strides = [1, 1]} : vector<12x10112xf32> to vector<1x10112xf32>
    %squeeze3A_57 = vector.shape_cast %slice3A_56 : vector<1x10112xf32> to vector<10112xf32>
    %slice3A_58 = vector.extract_strided_slice %get3A_1 {offsets = [10, 0], sizes = [1, 10112], strides = [1, 1]} : vector<12x10112xf32> to vector<1x10112xf32>
    %squeeze3A_59 = vector.shape_cast %slice3A_58 : vector<1x10112xf32> to vector<10112xf32>
    %add3A_60 = arith.addf %squeeze3A_57, %squeeze3A_59 : vector<10112xf32>
    %slice3A_61 = vector.extract_strided_slice %add3A_60 {offsets = [0], sizes = [10000], strides = [1]} : vector<10112xf32> to vector<10000xf32>
    %max3A_62 = arith.constant 1.000000e+00 : f32
    %max3A_63 = vector.broadcast %max3A_62 : f32 to vector<10000xf32>
    %max3A_64 = arith.maximumf %slice3A_61, %max3A_63 : vector<10000xf32>
    %rsqrt3A_65 = math.rsqrt %max3A_64 : vector<10000xf32>
    %swap3A_66 = arith.constant 4 : index
    %swap3A_67 = arith.constant 0 : index
    %swap3A_68 = vector.load %arg1[%swap3A_66, %swap3A_67] : memref<8x10000xf32, #tpu.memory_space<vmem>>, vector<1x10000xf32>
    %swap3A_69 = vector.shape_cast %swap3A_68 : vector<1x10000xf32> to vector<10000xf32>
    %swap3A_70 = vector.shape_cast %rsqrt3A_65 : vector<10000xf32> to vector<1x10000xf32>
    tpu.vector_store %arg1[%swap3A_66, %swap3A_67], %swap3A_70 {strides = array<i32>} : memref<8x10000xf32, #tpu.memory_space<vmem>>, vector<1x10000xf32>,
    %slice3A_71 = vector.extract_strided_slice %get3A_1 {offsets = [5, 0], sizes = [1, 10112], strides = [1, 1]} : vector<12x10112xf32> to vector<1x10112xf32>
    %squeeze3A_72 = vector.shape_cast %slice3A_71 : vector<1x10112xf32> to vector<10112xf32>
    %slice3A_73 = vector.extract_strided_slice %get3A_1 {offsets = [11, 0], sizes = [1, 10112], strides = [1, 1]} : vector<12x10112xf32> to vector<1x10112xf32>
    %squeeze3A_74 = vector.shape_cast %slice3A_73 : vector<1x10112xf32> to vector<10112xf32>
    %add3A_75 = arith.addf %squeeze3A_72, %squeeze3A_74 : vector<10112xf32>
    %slice3A_76 = vector.extract_strided_slice %add3A_75 {offsets = [0], sizes = [10000], strides = [1]} : vector<10112xf32> to vector<10000xf32>
    %max3A_77 = arith.constant 1.000000e+00 : f32
    %max3A_78 = vector.broadcast %max3A_77 : f32 to vector<10000xf32>
    %max3A_79 = arith.maximumf %slice3A_76, %max3A_78 : vector<10000xf32>
    %rsqrt3A_80 = math.rsqrt %max3A_79 : vector<10000xf32>
    %swap3A_81 = arith.constant 5 : index
    %swap3A_82 = arith.constant 0 : index
    %swap3A_83 = vector.load %arg1[%swap3A_81, %swap3A_82] : memref<8x10000xf32, #tpu.memory_space<vmem>>, vector<1x10000xf32>
    %swap3A_84 = vector.shape_cast %swap3A_83 : vector<1x10000xf32> to vector<10000xf32>
    %swap3A_85 = vector.shape_cast %rsqrt3A_80 : vector<10000xf32> to vector<1x10000xf32>
    tpu.vector_store %arg1[%swap3A_81, %swap3A_82], %swap3A_85 {strides = array<i32>} : memref<8x10000xf32, #tpu.memory_space<vmem>>, vector<1x10000xf32>,
    %broadcast_in_dim3A = arith.constant 0.000000e+00 : f32
    %broadcast_in_dim3A_86 = vector.broadcast %broadcast_in_dim3A : f32 to vector<10000xf32>
    %swap3A_87 = arith.constant 6 : index
    %swap3A_88 = arith.constant 0 : index
    %swap3A_89 = vector.load %arg1[%swap3A_87, %swap3A_88] : memref<8x10000xf32, #tpu.memory_space<vmem>>, vector<1x10000xf32>
    %swap3A_90 = vector.shape_cast %swap3A_89 : vector<1x10000xf32> to vector<10000xf32>
    %swap3A_91 = vector.shape_cast %broadcast_in_dim3A_86 : vector<10000xf32> to vector<1x10000xf32>
    tpu.vector_store %arg1[%swap3A_87, %swap3A_88], %swap3A_91 {strides = array<i32>} : memref<8x10000xf32, #tpu.memory_space<vmem>>, vector<1x10000xf32>,
    %broadcast_in_dim3A_92 = arith.constant 0.000000e+00 : f32
    %broadcast_in_dim3A_93 = vector.broadcast %broadcast_in_dim3A_92 : f32 to vector<10000xf32>
    %swap3A_94 = arith.constant 7 : index
    %swap3A_95 = arith.constant 0 : index
    %swap3A_96 = vector.load %arg1[%swap3A_94, %swap3A_95] : memref<8x10000xf32, #tpu.memory_space<vmem>>, vector<1x10000xf32>
    %swap3A_97 = vector.shape_cast %swap3A_96 : vector<1x10000xf32> to vector<10000xf32>
    %swap3A_98 = vector.shape_cast %broadcast_in_dim3A_93 : vector<10000xf32> to vector<1x10000xf32>
    tpu.vector_store %arg1[%swap3A_94, %swap3A_95], %swap3A_98 {strides = array<i32>} : memref<8x10000xf32, #tpu.memory_space<vmem>>, vector<1x10000xf32>,
    return
  }
}

module attributes {stable_mosaic.version = 14 : i64} {
  func.func @body(%arg0: memref<10000x128xf32, #tpu.memory_space<vmem>>, %arg1: memref<10000x8xf32, #tpu.memory_space<vmem>>, %arg2: memref<10112x128xf32, #tpu.memory_space<vmem>>, %arg3: memref<10112x128xf32, #tpu.memory_space<vmem>>, %arg4: memref<10112x128xf32, #tpu.memory_space<vmem>>) attributes {dimension_semantics = [], scalar_prefetch = 0 : i64, scratch_operands = 0 : i64, tpu.core_type = #tpu.core_type<tc>} {
    %get3A = arith.constant 0 : index
    %get3A_0 = arith.constant 0 : index
    %get3A_1 = vector.load %arg0[%get3A, %get3A_0] : memref<10000x128xf32, #tpu.memory_space<vmem>>, vector<10000x128xf32>
    %get3A_2 = arith.constant 0 : index
    %get3A_3 = arith.constant 0 : index
    %get3A_4 = vector.load %arg1[%get3A_2, %get3A_3] : memref<10000x8xf32, #tpu.memory_space<vmem>>, vector<10000x1xf32>
    %get3A_5 = vector.shape_cast %get3A_4 : vector<10000x1xf32> to vector<10000xf32>
    %broadcast_in_dim3A = vector.shape_cast %get3A_5 : vector<10000xf32> to vector<10000x1xf32>
    %mul3A = vector.broadcast %broadcast_in_dim3A : vector<10000x1xf32> to vector<10000x128xf32>
    %mul3A_6 = arith.mulf %get3A_1, %mul3A : vector<10000x128xf32>
    %swap3A = arith.constant 0 : index
    %swap3A_7 = arith.constant 0 : index
    %swap3A_8 = vector.load %arg2[%swap3A, %swap3A_7] : memref<10112x128xf32, #tpu.memory_space<vmem>>, vector<10000x128xf32>
    tpu.vector_store %arg2[%swap3A, %swap3A_7], %mul3A_6 {strides = array<i32>} : memref<10112x128xf32, #tpu.memory_space<vmem>>, vector<10000x128xf32>,
    %broadcast_in_dim3A_9 = arith.constant 0.000000e+00 : f32
    %broadcast_in_dim3A_10 = vector.broadcast %broadcast_in_dim3A_9 : f32 to vector<112x128xf32>
    %swap3A_11 = arith.constant 10000 : index
    %swap3A_12 = arith.constant 0 : index
    %swap3A_13 = vector.load %arg2[%swap3A_11, %swap3A_12] : memref<10112x128xf32, #tpu.memory_space<vmem>>, vector<112x128xf32>
    tpu.vector_store %arg2[%swap3A_11, %swap3A_12], %broadcast_in_dim3A_10 {strides = array<i32>} : memref<10112x128xf32, #tpu.memory_space<vmem>>, vector<112x128xf32>,
    %get3A_14 = arith.constant 0 : index
    %get3A_15 = arith.constant 2 : index
    %get3A_16 = vector.load %arg1[%get3A_14, %get3A_15] : memref<10000x8xf32, #tpu.memory_space<vmem>>, vector<10000x1xf32>
    %get3A_17 = vector.shape_cast %get3A_16 : vector<10000x1xf32> to vector<10000xf32>
    %broadcast_in_dim3A_18 = vector.shape_cast %get3A_17 : vector<10000xf32> to vector<10000x1xf32>
    %mul3A_19 = vector.broadcast %broadcast_in_dim3A_18 : vector<10000x1xf32> to vector<10000x128xf32>
    %mul3A_20 = arith.mulf %get3A_1, %mul3A_19 : vector<10000x128xf32>
    %swap3A_21 = arith.constant 0 : index
    %swap3A_22 = arith.constant 0 : index
    %swap3A_23 = vector.load %arg3[%swap3A_21, %swap3A_22] : memref<10112x128xf32, #tpu.memory_space<vmem>>, vector<10000x128xf32>
    tpu.vector_store %arg3[%swap3A_21, %swap3A_22], %mul3A_20 {strides = array<i32>} : memref<10112x128xf32, #tpu.memory_space<vmem>>, vector<10000x128xf32>,
    %broadcast_in_dim3A_24 = arith.constant 0.000000e+00 : f32
    %broadcast_in_dim3A_25 = vector.broadcast %broadcast_in_dim3A_24 : f32 to vector<112x128xf32>
    %swap3A_26 = arith.constant 10000 : index
    %swap3A_27 = arith.constant 0 : index
    %swap3A_28 = vector.load %arg3[%swap3A_26, %swap3A_27] : memref<10112x128xf32, #tpu.memory_space<vmem>>, vector<112x128xf32>
    tpu.vector_store %arg3[%swap3A_26, %swap3A_27], %broadcast_in_dim3A_25 {strides = array<i32>} : memref<10112x128xf32, #tpu.memory_space<vmem>>, vector<112x128xf32>,
    %get3A_29 = arith.constant 0 : index
    %get3A_30 = arith.constant 4 : index
    %get3A_31 = vector.load %arg1[%get3A_29, %get3A_30] : memref<10000x8xf32, #tpu.memory_space<vmem>>, vector<10000x1xf32>
    %get3A_32 = vector.shape_cast %get3A_31 : vector<10000x1xf32> to vector<10000xf32>
    %broadcast_in_dim3A_33 = vector.shape_cast %get3A_32 : vector<10000xf32> to vector<10000x1xf32>
    %mul3A_34 = vector.broadcast %broadcast_in_dim3A_33 : vector<10000x1xf32> to vector<10000x128xf32>
    %mul3A_35 = arith.mulf %get3A_1, %mul3A_34 : vector<10000x128xf32>
    %swap3A_36 = arith.constant 0 : index
    %swap3A_37 = arith.constant 0 : index
    %swap3A_38 = vector.load %arg4[%swap3A_36, %swap3A_37] : memref<10112x128xf32, #tpu.memory_space<vmem>>, vector<10000x128xf32>
    tpu.vector_store %arg4[%swap3A_36, %swap3A_37], %mul3A_35 {strides = array<i32>} : memref<10112x128xf32, #tpu.memory_space<vmem>>, vector<10000x128xf32>,
    %broadcast_in_dim3A_39 = arith.constant 0.000000e+00 : f32
    %broadcast_in_dim3A_40 = vector.broadcast %broadcast_in_dim3A_39 : f32 to vector<112x128xf32>
    %swap3A_41 = arith.constant 10000 : index
    %swap3A_42 = arith.constant 0 : index
    %swap3A_43 = vector.load %arg4[%swap3A_41, %swap3A_42] : memref<10112x128xf32, #tpu.memory_space<vmem>>, vector<112x128xf32>
    tpu.vector_store %arg4[%swap3A_41, %swap3A_42], %broadcast_in_dim3A_40 {strides = array<i32>} : memref<10112x128xf32, #tpu.memory_space<vmem>>, vector<112x128xf32>,
    return
  }
}

module attributes {stable_mosaic.version = 14 : i64} {
  func.func @body(%arg0: i32, %arg1: memref<2x1000x128xf32, #tpu.memory_space<vmem>>, %arg2: memref<2x1000x128xf32, #tpu.memory_space<vmem>>, %arg3: memref<2x1000x128xf32, #tpu.memory_space<vmem>>, %arg4: memref<1000x8xf32, #tpu.memory_space<vmem>>, %arg5: memref<3x128x128xf32, #tpu.memory_space<vmem>>, %arg6: memref<1x128xf32, #tpu.memory_space<vmem>>, %arg7: memref<128x128xf32, #tpu.memory_space<vmem>>, %arg8: memref<1x128xf32, #tpu.memory_space<vmem>>, %arg9: memref<1000x128xf32, #tpu.memory_space<vmem>>, %arg10: memref<2x128xf32, #tpu.memory_space<vmem>>) attributes {dimension_semantics = [#tpu.dimension_semantics<arbitrary>], iteration_bounds = array<i64: 10>, scalar_prefetch = 0 : i64, scratch_operands = 0 : i64, tpu.core_type = #tpu.core_type<tc>, window_params = [{transform_indices = @transform_0, window_bounds = array<i64: 2, 1000, 128>}, {transform_indices = @transform_1, window_bounds = array<i64: 2, 1000, 128>}, {transform_indices = @transform_2, window_bounds = array<i64: 2, 1000, 128>}, {transform_indices = @transform_3, window_bounds = array<i64: 1000, 8>}, {pipeline_mode = #tpu.pipeline_mode<synchronous>, transform_indices = @transform_4, window_bounds = array<i64: 3, 128, 128>}, {pipeline_mode = #tpu.pipeline_mode<synchronous>, transform_indices = @transform_5, window_bounds = array<i64: 1, 128>}, {pipeline_mode = #tpu.pipeline_mode<synchronous>, transform_indices = @transform_6, window_bounds = array<i64: 128, 128>}, {pipeline_mode = #tpu.pipeline_mode<synchronous>, transform_indices = @transform_7, window_bounds = array<i64: 1, 128>}, {transform_indices = @transform_8, window_bounds = array<i64: 1000, 128>}, {pipeline_mode = #tpu.pipeline_mode<synchronous>, transform_indices = @transform_9, window_bounds = array<i64: 2, 128>}]} {
    %broadcast_in_dim3A = arith.constant 0.000000e+00 : f32
    %broadcast_in_dim3A_0 = vector.broadcast %broadcast_in_dim3A : f32 to vector<1000x128xf32>
    %get3A = arith.constant 0 : index
    %get3A_1 = arith.constant 0 : index
    %get3A_2 = arith.constant 0 : index
    %get3A_3 = vector.load %arg1[%get3A, %get3A_1, %get3A_2] : memref<2x1000x128xf32, #tpu.memory_space<vmem>>, vector<1x1000x128xf32>
    %get3A_4 = vector.shape_cast %get3A_3 : vector<1x1000x128xf32> to vector<1000x128xf32>
    %get3A_5 = arith.constant 1 : index
    %get3A_6 = arith.constant 0 : index
    %get3A_7 = arith.constant 0 : index
    %get3A_8 = vector.load %arg1[%get3A_5, %get3A_6, %get3A_7] : memref<2x1000x128xf32, #tpu.memory_space<vmem>>, vector<1x1000x128xf32>
    %get3A_9 = vector.shape_cast %get3A_8 : vector<1x1000x128xf32> to vector<1000x128xf32>
    %add3A = arith.addf %get3A_4, %get3A_9 : vector<1000x128xf32>
    %get3A_10 = arith.constant 0 : index
    %get3A_11 = arith.constant 1 : index
    %get3A_12 = vector.load %arg4[%get3A_10, %get3A_11] : memref<1000x8xf32, #tpu.memory_space<vmem>>, vector<1000x1xf32>
    %get3A_13 = vector.shape_cast %get3A_12 : vector<1000x1xf32> to vector<1000xf32>
    %broadcast_in_dim3A_14 = vector.shape_cast %get3A_13 : vector<1000xf32> to vector<1000x1xf32>
    %mul3A = vector.broadcast %broadcast_in_dim3A_14 : vector<1000x1xf32> to vector<1000x128xf32>
    %mul3A_15 = arith.mulf %add3A, %mul3A : vector<1000x128xf32>
    %get3A_16 = arith.constant 0 : index
    %get3A_17 = arith.constant 0 : index
    %get3A_18 = arith.constant 0 : index
    %get3A_19 = vector.load %arg5[%get3A_16, %get3A_17, %get3A_18] : memref<3x128x128xf32, #tpu.memory_space<vmem>>, vector<1x128x128xf32>
    %get3A_20 = vector.shape_cast %get3A_19 : vector<1x128x128xf32> to vector<128x128xf32>
    %dot_general3A = arith.constant dense<0.000000e+00> : vector<1000x128xf32>
    %dot_general3A_21 = tpu.matmul %mul3A_15, %get3A_20, %dot_general3A {dimension_numbers = #tpu.dot_dimension_numbers<[1], [0], [0], [1], [0, 0, 1, 1], [], []>, transpose_lhs_hint = false} : vector<1000x128xf32>, vector<128x128xf32>, vector<1000x128xf32> -> vector<1000x128xf32>
    %add3A_22 = arith.addf %broadcast_in_dim3A_0, %dot_general3A_21 : vector<1000x128xf32>
    %get3A_23 = arith.constant 0 : index
    %get3A_24 = arith.constant 0 : index
    %get3A_25 = arith.constant 0 : index
    %get3A_26 = vector.load %arg2[%get3A_23, %get3A_24, %get3A_25] : memref<2x1000x128xf32, #tpu.memory_space<vmem>>, vector<1x1000x128xf32>
    %get3A_27 = vector.shape_cast %get3A_26 : vector<1x1000x128xf32> to vector<1000x128xf32>
    %get3A_28 = arith.constant 1 : index
    %get3A_29 = arith.constant 0 : index
    %get3A_30 = arith.constant 0 : index
    %get3A_31 = vector.load %arg2[%get3A_28, %get3A_29, %get3A_30] : memref<2x1000x128xf32, #tpu.memory_space<vmem>>, vector<1x1000x128xf32>
    %get3A_32 = vector.shape_cast %get3A_31 : vector<1x1000x128xf32> to vector<1000x128xf32>
    %add3A_33 = arith.addf %get3A_27, %get3A_32 : vector<1000x128xf32>
    %get3A_34 = arith.constant 0 : index
    %get3A_35 = arith.constant 3 : index
    %get3A_36 = vector.load %arg4[%get3A_34, %get3A_35] : memref<1000x8xf32, #tpu.memory_space<vmem>>, vector<1000x1xf32>
    %get3A_37 = vector.shape_cast %get3A_36 : vector<1000x1xf32> to vector<1000xf32>
    %broadcast_in_dim3A_38 = vector.shape_cast %get3A_37 : vector<1000xf32> to vector<1000x1xf32>
    %mul3A_39 = vector.broadcast %broadcast_in_dim3A_38 : vector<1000x1xf32> to vector<1000x128xf32>
    %mul3A_40 = arith.mulf %add3A_33, %mul3A_39 : vector<1000x128xf32>
    %get3A_41 = arith.constant 1 : index
    %get3A_42 = arith.constant 0 : index
    %get3A_43 = arith.constant 0 : index
    %get3A_44 = vector.load %arg5[%get3A_41, %get3A_42, %get3A_43] : memref<3x128x128xf32, #tpu.memory_space<vmem>>, vector<1x128x128xf32>
    %get3A_45 = vector.shape_cast %get3A_44 : vector<1x128x128xf32> to vector<128x128xf32>
    %dot_general3A_46 = arith.constant dense<0.000000e+00> : vector<1000x128xf32>
    %dot_general3A_47 = tpu.matmul %mul3A_40, %get3A_45, %dot_general3A_46 {dimension_numbers = #tpu.dot_dimension_numbers<[1], [0], [0], [1], [0, 0, 1, 1], [], []>, transpose_lhs_hint = false} : vector<1000x128xf32>, vector<128x128xf32>, vector<1000x128xf32> -> vector<1000x128xf32>
    %add3A_48 = arith.addf %add3A_22, %dot_general3A_47 : vector<1000x128xf32>
    %get3A_49 = arith.constant 0 : index
    %get3A_50 = arith.constant 0 : index
    %get3A_51 = arith.constant 0 : index
    %get3A_52 = vector.load %arg3[%get3A_49, %get3A_50, %get3A_51] : memref<2x1000x128xf32, #tpu.memory_space<vmem>>, vector<1x1000x128xf32>
    %get3A_53 = vector.shape_cast %get3A_52 : vector<1x1000x128xf32> to vector<1000x128xf32>
    %get3A_54 = arith.constant 1 : index
    %get3A_55 = arith.constant 0 : index
    %get3A_56 = arith.constant 0 : index
    %get3A_57 = vector.load %arg3[%get3A_54, %get3A_55, %get3A_56] : memref<2x1000x128xf32, #tpu.memory_space<vmem>>, vector<1x1000x128xf32>
    %get3A_58 = vector.shape_cast %get3A_57 : vector<1x1000x128xf32> to vector<1000x128xf32>
    %add3A_59 = arith.addf %get3A_53, %get3A_58 : vector<1000x128xf32>
    %get3A_60 = arith.constant 0 : index
    %get3A_61 = arith.constant 5 : index
    %get3A_62 = vector.load %arg4[%get3A_60, %get3A_61] : memref<1000x8xf32, #tpu.memory_space<vmem>>, vector<1000x1xf32>
    %get3A_63 = vector.shape_cast %get3A_62 : vector<1000x1xf32> to vector<1000xf32>
    %broadcast_in_dim3A_64 = vector.shape_cast %get3A_63 : vector<1000xf32> to vector<1000x1xf32>
    %mul3A_65 = vector.broadcast %broadcast_in_dim3A_64 : vector<1000x1xf32> to vector<1000x128xf32>
    %mul3A_66 = arith.mulf %add3A_59, %mul3A_65 : vector<1000x128xf32>
    %get3A_67 = arith.constant 2 : index
    %get3A_68 = arith.constant 0 : index
    %get3A_69 = arith.constant 0 : index
    %get3A_70 = vector.load %arg5[%get3A_67, %get3A_68, %get3A_69] : memref<3x128x128xf32, #tpu.memory_space<vmem>>, vector<1x128x128xf32>
    %get3A_71 = vector.shape_cast %get3A_70 : vector<1x128x128xf32> to vector<128x128xf32>
    %dot_general3A_72 = arith.constant dense<0.000000e+00> : vector<1000x128xf32>
    %dot_general3A_73 = tpu.matmul %mul3A_66, %get3A_71, %dot_general3A_72 {dimension_numbers = #tpu.dot_dimension_numbers<[1], [0], [0], [1], [0, 0, 1, 1], [], []>, transpose_lhs_hint = false} : vector<1000x128xf32>, vector<128x128xf32>, vector<1000x128xf32> -> vector<1000x128xf32>
    %add3A_74 = arith.addf %add3A_48, %dot_general3A_73 : vector<1000x128xf32>
    %get3A_75 = arith.constant 0 : index
    %get3A_76 = arith.constant 0 : index
    %get3A_77 = vector.load %arg6[%get3A_75, %get3A_76] : memref<1x128xf32, #tpu.memory_space<vmem>>, vector<1x128xf32>
    %add3A_78 = vector.broadcast %get3A_77 : vector<1x128xf32> to vector<1000x128xf32>
    %add3A_79 = arith.addf %add3A_74, %add3A_78 : vector<1000x128xf32>
    %get3A_80 = arith.constant 0 : index
    %get3A_81 = arith.constant 0 : index
    %get3A_82 = vector.load %arg7[%get3A_80, %get3A_81] : memref<128x128xf32, #tpu.memory_space<vmem>>, vector<128x128xf32>
    %dot_general3A_83 = arith.constant dense<0.000000e+00> : vector<1000x128xf32>
    %dot_general3A_84 = tpu.matmul %add3A_79, %get3A_82, %dot_general3A_83 {dimension_numbers = #tpu.dot_dimension_numbers<[1], [0], [0], [1], [0, 0, 1, 1], [], []>, transpose_lhs_hint = false} : vector<1000x128xf32>, vector<128x128xf32>, vector<1000x128xf32> -> vector<1000x128xf32>
    %get3A_85 = arith.constant 0 : index
    %get3A_86 = arith.constant 0 : index
    %get3A_87 = vector.load %arg8[%get3A_85, %get3A_86] : memref<1x128xf32, #tpu.memory_space<vmem>>, vector<1x128xf32>
    %add3A_88 = vector.broadcast %get3A_87 : vector<1x128xf32> to vector<1000x128xf32>
    %add3A_89 = arith.addf %dot_general3A_84, %add3A_88 : vector<1000x128xf32>
    %max3A = arith.constant 0.000000e+00 : f32
    %max3A_90 = vector.broadcast %max3A : f32 to vector<1000x128xf32>
    %max3A_91 = arith.maximumf %add3A_89, %max3A_90 : vector<1000x128xf32>
    %swap3A = arith.constant 0 : index
    %swap3A_92 = arith.constant 0 : index
    %swap3A_93 = vector.load %arg9[%swap3A, %swap3A_92] : memref<1000x128xf32, #tpu.memory_space<vmem>>, vector<1000x128xf32>
    tpu.vector_store %arg9[%swap3A, %swap3A_92], %max3A_91 {strides = array<i32>} : memref<1000x128xf32, #tpu.memory_space<vmem>>, vector<1000x128xf32>,
    %eq3A = arith.constant 0 : i32
    %eq3A_94 = arith.cmpi eq, %arg0, %eq3A : i32
    %convert_element_type3A = arith.extui %eq3A_94 : i1 to i32
    %cond3A = arith.constant 0 : i32
    %cond3A_95 = arith.cmpi ne, %convert_element_type3A, %cond3A : i32
    scf.if %cond3A_95 {
      %broadcast_in_dim3A_109 = arith.constant 0.000000e+00 : f32
      %broadcast_in_dim3A_110 = vector.broadcast %broadcast_in_dim3A_109 : f32 to vector<2x128xf32>
      %swap3A_111 = arith.constant 0 : index
      %swap3A_112 = arith.constant 0 : index
      %swap3A_113 = vector.load %arg10[%swap3A_111, %swap3A_112] : memref<2x128xf32, #tpu.memory_space<vmem>>, vector<2x128xf32>
      tpu.vector_store %arg10[%swap3A_111, %swap3A_112], %broadcast_in_dim3A_110 {strides = array<i32>} : memref<2x128xf32, #tpu.memory_space<vmem>>, vector<2x128xf32>,
    } else {
    }
    %get3A_96 = arith.constant 0 : index
    %get3A_97 = arith.constant 0 : index
    %get3A_98 = vector.load %arg10[%get3A_96, %get3A_97] : memref<2x128xf32, #tpu.memory_space<vmem>>, vector<2x128xf32>
    %reduce_sum3A = arith.constant dense<0.000000e+00> : vector<128xf32>
    %reduce_sum3A_99 = vector.multi_reduction <add>, %max3A_91, %reduce_sum3A [0] : vector<1000x128xf32> to vector<128xf32>
    %mul3A_100 = arith.mulf %max3A_91, %max3A_91 : vector<1000x128xf32>
    %reduce_sum3A_101 = arith.constant dense<0.000000e+00> : vector<128xf32>
    %reduce_sum3A_102 = vector.multi_reduction <add>, %mul3A_100, %reduce_sum3A_101 [0] : vector<1000x128xf32> to vector<128xf32>
    %stack3A = vector.shape_cast %reduce_sum3A_99 : vector<128xf32> to vector<1x128xf32>
    %stack3A_103 = vector.shape_cast %reduce_sum3A_102 : vector<128xf32> to vector<1x128xf32>
    %stack3A_104 = tpu.concatenate %stack3A, %stack3A_103 in 0 : vector<1x128xf32>, vector<1x128xf32> -> vector<2x128xf32>
    %add3A_105 = arith.addf %get3A_98, %stack3A_104 : vector<2x128xf32>
    %swap3A_106 = arith.constant 0 : index
    %swap3A_107 = arith.constant 0 : index
    %swap3A_108 = vector.load %arg10[%swap3A_106, %swap3A_107] : memref<2x128xf32, #tpu.memory_space<vmem>>, vector<2x128xf32>
    tpu.vector_store %arg10[%swap3A_106, %swap3A_107], %add3A_105 {strides = array<i32>} : memref<2x128xf32, #tpu.memory_space<vmem>>, vector<2x128xf32>,
    return
  }
  func.func @transform_0(%arg0: i32) -> (i32, i32, i32) {
    %c0_i32 = arith.constant 0 : i32
    %c0_i32_0 = arith.constant 0 : i32
    %c0_i32_1 = arith.constant 0 : i32
    return %c0_i32, %arg0, %c0_i32_0 : i32, i32, i32
  }
  func.func @transform_1(%arg0: i32) -> (i32, i32, i32) {
    %c0_i32 = arith.constant 0 : i32
    %c0_i32_0 = arith.constant 0 : i32
    %c0_i32_1 = arith.constant 0 : i32
    return %c0_i32, %arg0, %c0_i32_0 : i32, i32, i32
  }
  func.func @transform_2(%arg0: i32) -> (i32, i32, i32) {
    %c0_i32 = arith.constant 0 : i32
    %c0_i32_0 = arith.constant 0 : i32
    %c0_i32_1 = arith.constant 0 : i32
    return %c0_i32, %arg0, %c0_i32_0 : i32, i32, i32
  }
  func.func @transform_3(%arg0: i32) -> (i32, i32) {
    %c0_i32 = arith.constant 0 : i32
    %c0_i32_0 = arith.constant 0 : i32
    return %arg0, %c0_i32 : i32, i32
  }
  func.func @transform_4(%arg0: i32) -> (i32, i32, i32) {
    %c0_i32 = arith.constant 0 : i32
    %c0_i32_0 = arith.constant 0 : i32
    %c0_i32_1 = arith.constant 0 : i32
    %c0_i32_2 = arith.constant 0 : i32
    return %c0_i32, %c0_i32_0, %c0_i32_1 : i32, i32, i32
  }
  func.func @transform_5(%arg0: i32) -> (i32, i32) {
    %c0_i32 = arith.constant 0 : i32
    %c0_i32_0 = arith.constant 0 : i32
    %c0_i32_1 = arith.constant 0 : i32
    return %c0_i32, %c0_i32_0 : i32, i32
  }
  func.func @transform_6(%arg0: i32) -> (i32, i32) {
    %c0_i32 = arith.constant 0 : i32
    %c0_i32_0 = arith.constant 0 : i32
    %c0_i32_1 = arith.constant 0 : i32
    return %c0_i32, %c0_i32_0 : i32, i32
  }
  func.func @transform_7(%arg0: i32) -> (i32, i32) {
    %c0_i32 = arith.constant 0 : i32
    %c0_i32_0 = arith.constant 0 : i32
    %c0_i32_1 = arith.constant 0 : i32
    return %c0_i32, %c0_i32_0 : i32, i32
  }
  func.func @transform_8(%arg0: i32) -> (i32, i32) {
    %c0_i32 = arith.constant 0 : i32
    %c0_i32_0 = arith.constant 0 : i32
    return %arg0, %c0_i32 : i32, i32
  }
  func.func @transform_9(%arg0: i32) -> (i32, i32) {
    %c0_i32 = arith.constant 0 : i32
    %c0_i32_0 = arith.constant 0 : i32
    %c0_i32_1 = arith.constant 0 : i32
    return %c0_i32, %c0_i32_0 : i32, i32
  }
}

module attributes {stable_mosaic.version = 14 : i64} {
  func.func @body(%arg0: memref<10000x128xf32, #tpu.memory_space<vmem>>, %arg1: memref<2x128xf32, #tpu.memory_space<vmem>>, %arg2: memref<1x128xf32, #tpu.memory_space<vmem>>, %arg3: memref<1x128xf32, #tpu.memory_space<vmem>>, %arg4: memref<10000x8xf32, #tpu.memory_space<vmem>>, %arg5: memref<10112x128xf32, #tpu.memory_space<vmem>>, %arg6: memref<10112x128xf32, #tpu.memory_space<vmem>>, %arg7: memref<10112x128xf32, #tpu.memory_space<vmem>>) attributes {dimension_semantics = [], scalar_prefetch = 0 : i64, scratch_operands = 0 : i64, tpu.core_type = #tpu.core_type<tc>} {
    %get3A = arith.constant 0 : index
    %get3A_0 = arith.constant 0 : index
    %get3A_1 = vector.load %arg1[%get3A, %get3A_0] : memref<2x128xf32, #tpu.memory_space<vmem>>, vector<1x128xf32>
    %get3A_2 = vector.shape_cast %get3A_1 : vector<1x128xf32> to vector<128xf32>
    %div3A = arith.constant 1.000000e+04 : f32
    %div3A_3 = vector.broadcast %div3A : f32 to vector<128xf32>
    %div3A_4 = arith.divf %get3A_2, %div3A_3 : vector<128xf32>
    %get3A_5 = arith.constant 1 : index
    %get3A_6 = arith.constant 0 : index
    %get3A_7 = vector.load %arg1[%get3A_5, %get3A_6] : memref<2x128xf32, #tpu.memory_space<vmem>>, vector<1x128xf32>
    %get3A_8 = vector.shape_cast %get3A_7 : vector<1x128xf32> to vector<128xf32>
    %div3A_9 = arith.constant 1.000000e+04 : f32
    %div3A_10 = vector.broadcast %div3A_9 : f32 to vector<128xf32>
    %div3A_11 = arith.divf %get3A_8, %div3A_10 : vector<128xf32>
    %mul3A = arith.mulf %div3A_4, %div3A_4 : vector<128xf32>
    %sub3A = arith.subf %div3A_11, %mul3A : vector<128xf32>
    %get3A_12 = arith.constant 0 : index
    %get3A_13 = arith.constant 0 : index
    %get3A_14 = vector.load %arg0[%get3A_12, %get3A_13] : memref<10000x128xf32, #tpu.memory_space<vmem>>, vector<10000x128xf32>
    %broadcast_in_dim3A = vector.shape_cast %div3A_4 : vector<128xf32> to vector<1x128xf32>
    %sub3A_15 = vector.broadcast %broadcast_in_dim3A : vector<1x128xf32> to vector<10000x128xf32>
    %sub3A_16 = arith.subf %get3A_14, %sub3A_15 : vector<10000x128xf32>
    %add3A = arith.constant 9.99999974E-6 : f32
    %add3A_17 = vector.broadcast %add3A : f32 to vector<128xf32>
    %add3A_18 = arith.addf %sub3A, %add3A_17 : vector<128xf32>
    %rsqrt3A = math.rsqrt %add3A_18 : vector<128xf32>
    %broadcast_in_dim3A_19 = vector.shape_cast %rsqrt3A : vector<128xf32> to vector<1x128xf32>
    %mul3A_20 = vector.broadcast %broadcast_in_dim3A_19 : vector<1x128xf32> to vector<10000x128xf32>
    %mul3A_21 = arith.mulf %sub3A_16, %mul3A_20 : vector<10000x128xf32>
    %get3A_22 = arith.constant 0 : index
    %get3A_23 = arith.constant 0 : index
    %get3A_24 = vector.load %arg2[%get3A_22, %get3A_23] : memref<1x128xf32, #tpu.memory_space<vmem>>, vector<1x128xf32>
    %mul3A_25 = vector.broadcast %get3A_24 : vector<1x128xf32> to vector<10000x128xf32>
    %mul3A_26 = arith.mulf %mul3A_21, %mul3A_25 : vector<10000x128xf32>
    %get3A_27 = arith.constant 0 : index
    %get3A_28 = arith.constant 0 : index
    %get3A_29 = vector.load %arg3[%get3A_27, %get3A_28] : memref<1x128xf32, #tpu.memory_space<vmem>>, vector<1x128xf32>
    %add3A_30 = vector.broadcast %get3A_29 : vector<1x128xf32> to vector<10000x128xf32>
    %add3A_31 = arith.addf %mul3A_26, %add3A_30 : vector<10000x128xf32>
    %get3A_32 = arith.constant 0 : index
    %get3A_33 = arith.constant 0 : index
    %get3A_34 = vector.load %arg4[%get3A_32, %get3A_33] : memref<10000x8xf32, #tpu.memory_space<vmem>>, vector<10000x1xf32>
    %get3A_35 = vector.shape_cast %get3A_34 : vector<10000x1xf32> to vector<10000xf32>
    %broadcast_in_dim3A_36 = vector.shape_cast %get3A_35 : vector<10000xf32> to vector<10000x1xf32>
    %mul3A_37 = vector.broadcast %broadcast_in_dim3A_36 : vector<10000x1xf32> to vector<10000x128xf32>
    %mul3A_38 = arith.mulf %add3A_31, %mul3A_37 : vector<10000x128xf32>
    %swap3A = arith.constant 0 : index
    %swap3A_39 = arith.constant 0 : index
    %swap3A_40 = vector.load %arg5[%swap3A, %swap3A_39] : memref<10112x128xf32, #tpu.memory_space<vmem>>, vector<10000x128xf32>
    tpu.vector_store %arg5[%swap3A, %swap3A_39], %mul3A_38 {strides = array<i32>} : memref<10112x128xf32, #tpu.memory_space<vmem>>, vector<10000x128xf32>,
    %broadcast_in_dim3A_41 = arith.constant 0.000000e+00 : f32
    %broadcast_in_dim3A_42 = vector.broadcast %broadcast_in_dim3A_41 : f32 to vector<112x128xf32>
    %swap3A_43 = arith.constant 10000 : index
    %swap3A_44 = arith.constant 0 : index
    %swap3A_45 = vector.load %arg5[%swap3A_43, %swap3A_44] : memref<10112x128xf32, #tpu.memory_space<vmem>>, vector<112x128xf32>
    tpu.vector_store %arg5[%swap3A_43, %swap3A_44], %broadcast_in_dim3A_42 {strides = array<i32>} : memref<10112x128xf32, #tpu.memory_space<vmem>>, vector<112x128xf32>,
    %get3A_46 = arith.constant 0 : index
    %get3A_47 = arith.constant 2 : index
    %get3A_48 = vector.load %arg4[%get3A_46, %get3A_47] : memref<10000x8xf32, #tpu.memory_space<vmem>>, vector<10000x1xf32>
    %get3A_49 = vector.shape_cast %get3A_48 : vector<10000x1xf32> to vector<10000xf32>
    %broadcast_in_dim3A_50 = vector.shape_cast %get3A_49 : vector<10000xf32> to vector<10000x1xf32>
    %mul3A_51 = vector.broadcast %broadcast_in_dim3A_50 : vector<10000x1xf32> to vector<10000x128xf32>
    %mul3A_52 = arith.mulf %add3A_31, %mul3A_51 : vector<10000x128xf32>
    %swap3A_53 = arith.constant 0 : index
    %swap3A_54 = arith.constant 0 : index
    %swap3A_55 = vector.load %arg6[%swap3A_53, %swap3A_54] : memref<10112x128xf32, #tpu.memory_space<vmem>>, vector<10000x128xf32>
    tpu.vector_store %arg6[%swap3A_53, %swap3A_54], %mul3A_52 {strides = array<i32>} : memref<10112x128xf32, #tpu.memory_space<vmem>>, vector<10000x128xf32>,
    %broadcast_in_dim3A_56 = arith.constant 0.000000e+00 : f32
    %broadcast_in_dim3A_57 = vector.broadcast %broadcast_in_dim3A_56 : f32 to vector<112x128xf32>
    %swap3A_58 = arith.constant 10000 : index
    %swap3A_59 = arith.constant 0 : index
    %swap3A_60 = vector.load %arg6[%swap3A_58, %swap3A_59] : memref<10112x128xf32, #tpu.memory_space<vmem>>, vector<112x128xf32>
    tpu.vector_store %arg6[%swap3A_58, %swap3A_59], %broadcast_in_dim3A_57 {strides = array<i32>} : memref<10112x128xf32, #tpu.memory_space<vmem>>, vector<112x128xf32>,
    %get3A_61 = arith.constant 0 : index
    %get3A_62 = arith.constant 4 : index
    %get3A_63 = vector.load %arg4[%get3A_61, %get3A_62] : memref<10000x8xf32, #tpu.memory_space<vmem>>, vector<10000x1xf32>
    %get3A_64 = vector.shape_cast %get3A_63 : vector<10000x1xf32> to vector<10000xf32>
    %broadcast_in_dim3A_65 = vector.shape_cast %get3A_64 : vector<10000xf32> to vector<10000x1xf32>
    %mul3A_66 = vector.broadcast %broadcast_in_dim3A_65 : vector<10000x1xf32> to vector<10000x128xf32>
    %mul3A_67 = arith.mulf %add3A_31, %mul3A_66 : vector<10000x128xf32>
    %swap3A_68 = arith.constant 0 : index
    %swap3A_69 = arith.constant 0 : index
    %swap3A_70 = vector.load %arg7[%swap3A_68, %swap3A_69] : memref<10112x128xf32, #tpu.memory_space<vmem>>, vector<10000x128xf32>
    tpu.vector_store %arg7[%swap3A_68, %swap3A_69], %mul3A_67 {strides = array<i32>} : memref<10112x128xf32, #tpu.memory_space<vmem>>, vector<10000x128xf32>,
    %broadcast_in_dim3A_71 = arith.constant 0.000000e+00 : f32
    %broadcast_in_dim3A_72 = vector.broadcast %broadcast_in_dim3A_71 : f32 to vector<112x128xf32>
    %swap3A_73 = arith.constant 10000 : index
    %swap3A_74 = arith.constant 0 : index
    %swap3A_75 = vector.load %arg7[%swap3A_73, %swap3A_74] : memref<10112x128xf32, #tpu.memory_space<vmem>>, vector<112x128xf32>
    tpu.vector_store %arg7[%swap3A_73, %swap3A_74], %broadcast_in_dim3A_72 {strides = array<i32>} : memref<10112x128xf32, #tpu.memory_space<vmem>>, vector<112x128xf32>,
    return
  }
}

module attributes {stable_mosaic.version = 14 : i64} {
  func.func @body(%arg0: memref<10000x128xf32, #tpu.memory_space<vmem>>, %arg1: memref<2x128xf32, #tpu.memory_space<vmem>>, %arg2: memref<1x128xf32, #tpu.memory_space<vmem>>, %arg3: memref<1x128xf32, #tpu.memory_space<vmem>>, %arg4: memref<10000x128xf32, #tpu.memory_space<vmem>>) attributes {dimension_semantics = [], scalar_prefetch = 0 : i64, scratch_operands = 0 : i64, tpu.core_type = #tpu.core_type<tc>} {
    %get3A = arith.constant 0 : index
    %get3A_0 = arith.constant 0 : index
    %get3A_1 = vector.load %arg1[%get3A, %get3A_0] : memref<2x128xf32, #tpu.memory_space<vmem>>, vector<1x128xf32>
    %get3A_2 = vector.shape_cast %get3A_1 : vector<1x128xf32> to vector<128xf32>
    %div3A = arith.constant 1.000000e+04 : f32
    %div3A_3 = vector.broadcast %div3A : f32 to vector<128xf32>
    %div3A_4 = arith.divf %get3A_2, %div3A_3 : vector<128xf32>
    %get3A_5 = arith.constant 1 : index
    %get3A_6 = arith.constant 0 : index
    %get3A_7 = vector.load %arg1[%get3A_5, %get3A_6] : memref<2x128xf32, #tpu.memory_space<vmem>>, vector<1x128xf32>
    %get3A_8 = vector.shape_cast %get3A_7 : vector<1x128xf32> to vector<128xf32>
    %div3A_9 = arith.constant 1.000000e+04 : f32
    %div3A_10 = vector.broadcast %div3A_9 : f32 to vector<128xf32>
    %div3A_11 = arith.divf %get3A_8, %div3A_10 : vector<128xf32>
    %mul3A = arith.mulf %div3A_4, %div3A_4 : vector<128xf32>
    %sub3A = arith.subf %div3A_11, %mul3A : vector<128xf32>
    %get3A_12 = arith.constant 0 : index
    %get3A_13 = arith.constant 0 : index
    %get3A_14 = vector.load %arg0[%get3A_12, %get3A_13] : memref<10000x128xf32, #tpu.memory_space<vmem>>, vector<10000x128xf32>
    %broadcast_in_dim3A = vector.shape_cast %div3A_4 : vector<128xf32> to vector<1x128xf32>
    %sub3A_15 = vector.broadcast %broadcast_in_dim3A : vector<1x128xf32> to vector<10000x128xf32>
    %sub3A_16 = arith.subf %get3A_14, %sub3A_15 : vector<10000x128xf32>
    %add3A = arith.constant 9.99999974E-6 : f32
    %add3A_17 = vector.broadcast %add3A : f32 to vector<128xf32>
    %add3A_18 = arith.addf %sub3A, %add3A_17 : vector<128xf32>
    %rsqrt3A = math.rsqrt %add3A_18 : vector<128xf32>
    %broadcast_in_dim3A_19 = vector.shape_cast %rsqrt3A : vector<128xf32> to vector<1x128xf32>
    %mul3A_20 = vector.broadcast %broadcast_in_dim3A_19 : vector<1x128xf32> to vector<10000x128xf32>
    %mul3A_21 = arith.mulf %sub3A_16, %mul3A_20 : vector<10000x128xf32>
    %get3A_22 = arith.constant 0 : index
    %get3A_23 = arith.constant 0 : index
    %get3A_24 = vector.load %arg2[%get3A_22, %get3A_23] : memref<1x128xf32, #tpu.memory_space<vmem>>, vector<1x128xf32>
    %mul3A_25 = vector.broadcast %get3A_24 : vector<1x128xf32> to vector<10000x128xf32>
    %mul3A_26 = arith.mulf %mul3A_21, %mul3A_25 : vector<10000x128xf32>
    %get3A_27 = arith.constant 0 : index
    %get3A_28 = arith.constant 0 : index
    %get3A_29 = vector.load %arg3[%get3A_27, %get3A_28] : memref<1x128xf32, #tpu.memory_space<vmem>>, vector<1x128xf32>
    %add3A_30 = vector.broadcast %get3A_29 : vector<1x128xf32> to vector<10000x128xf32>
    %add3A_31 = arith.addf %mul3A_26, %add3A_30 : vector<10000x128xf32>
    %swap3A = arith.constant 0 : index
    %swap3A_32 = arith.constant 0 : index
    %swap3A_33 = vector.load %arg4[%swap3A, %swap3A_32] : memref<10000x128xf32, #tpu.memory_space<vmem>>, vector<10000x128xf32>
    tpu.vector_store %arg4[%swap3A, %swap3A_32], %add3A_31 {strides = array<i32>} : memref<10000x128xf32, #tpu.memory_space<vmem>>, vector<10000x128xf32>,
    return
  }
}

</mosaic_0001>

<sc_bundles>
// kernel: kernel.11.cloned.1.call-start
scs
__scs_entry_jumppad:
0x0: {  	(pc) =	sbr.rel $0x88, $3  }
0x1: {  	(tag) =	ssettag $0x0;
	lr =	simm.s32 $0x1  }
0x2: {  	[smem:$0x3F89] =	sst lr;
	_ =	strace $0xD0000000  }
0x3: {  	_ = 	snop  }
0x4: {  	_ = 	snop  }
0x5: {  	_ = 	snop  }
0x6: {  	_ = 	snop  }
0x7: {  	_ = 	snop  }
__scs_overlays_trampoline_lowered:
0x8: {  	[smem:$0x3F98] =	sst s0  }
0x9: {  	[smem:$0x3F99] =	sst s1  }
0xa: {  	[smem:$0x3F9A] =	sst s2  }
0xb: {  	[smem:$0x3F9B] =	sst s3  }
0xc: {  	[smem:$0x3F9C] =	sst s4  }
0xd: {  	[smem:$0x3F9D] =	sst s5  }
0xe: {  	[smem:$0x3F9E] =	sst s6  }
0xf: {  	[smem:$0x3F9F] =	sst s7  }
0x10: {  	[smem:$0x3FA0] =	sst s8  }
0x11: {  	[smem:$0x3FA1] =	sst s9;
	s0 =	simm.s32 @!p0 $0x0  }
0x12: {  	s1 =	sld [smem:$0x3F87];
	s0 =	simm.s32 @p0 $0x1  }
0x13: {  	[smem:$0x3FA2] =	sst s0;
	s0 =	simm.s32 @!p1 $0x0  }
0x14: {  	s2 =	sld [smem:$0x3F86];
	s0 =	simm.s32 @p1 $0x1  }
0x15: {  	[smem:$0x3FA3] =	sst s0;
	s0 =	simm.s32 @!p2 $0x0  }
0x16: {  	s3 =	sld [smem:$0x3FDB];
	s0 =	simm.s32 @p2 $0x1  }
0x17: {  	s4 =	simm.s32 $0x1BF5;
	[smem:$0x3FA5] =	sst s0  }
0x18: {  	s0 =	sld [smem:$0x3F88];
	_ =	swait.ge [sflag:s4], $0x0  }
0x19: {  	s7 =	sld [smem:$0x3F89]  }
0x1a: {  	s8 =	sadd.s32 $0xFFFFE003, lr  }
0x1b: {  	s9 =	sadd.s32 $0xFFFFFEF7, lr;
	s5 =	simm.s32 $0xFFFFFFFF;
	p2 =	slt.u32 s8, $0xFFFFF086  }
0x1c: {  	p1 =	slt.u32 s9, $0xF7A;
	s5 =	simm.s32 @!p2 $0x0  }
0x1d: {  	s5 =	simm.s32 @p1 $0x1;
	p0 =	seq.s32 s7, s2  }
0x1e: {  	s7 =	smul.u32 @!p0 $0xF7A, s2;
	p2 =	seq.s32 @!p0 s5, $0x0  }
0x1f: {  	s9 =	smul.u32 $0xF7A, s1;
	s8 =	simm.s32 @!p0 $0x1BF5;
	p2 =	por !p2, p0  }
0x20: {  	[sflag:s8] =	ssyncset.s32 @!p0 $0xFFFFF086;
	s6 =	sadd.s32 @!p0 s3, s7;
	s7 =	simm.s32 @!p0 $0x108  }
0x21: {  	s3 =	sadd.s32 s3, s9;
	s6 =	sadd.s32 @!p0 $0x88, s6;
	s7 =	simm.s32 @p2 $0x1082  }
0x22: {  	[simem:s7], [sflag:s8] =	dma.local @!p0 [hbm:s6], $0xF7A  }
0x23: {  	s9 =	sor.u32 $0xD0000000, s2;
	s6 =	simm.s32 $0x108;
	_ =	swait.ge @!p0 [sflag:s8], $0x0  }
0x24: {  	s3 =	sadd.s32 $0x88, s3;
	s6 =	simm.s32 @!p1 $0x1082;
	[sflag:s4] =	ssyncset.s32 $0xFFFFF086  }
0x25: {  	[simem:s6], [sflag:s4] =	dma.local [hbm:s3], $0xF7A  }
0x26: {  	[smem:$0x3F89] =	sst s1;
	(tag) =	ssettag s2;
	_ =	strace s9  }
0x27: {  	s1 =	sld [smem:$0x3F99]  }
0x28: {  	s2 =	sld [smem:$0x3F9A]  }
0x29: {  	s4 =	sld [smem:$0x3F9C]  }
0x2a: {  	p0 =	seq.s32 s5, $0x0;
	s5 =	sld [smem:$0x3F9D]  }
0x2b: {  	s6 =	sld [smem:$0x3F9E]  }
0x2c: {  	s7 =	sld [smem:$0x3F9F]  }
0x2d: {  	s3 =	simm.s32 $0x108;
	s8 =	sld [smem:$0x3FA0]  }
0x2e: {  	s3 =	simm.s32 @!p0 $0x1082;
	s9 =	sld [smem:$0x3FA1]  }
0x2f: {  	lr =	sadd.s32 s0, s3;
	s0 =	sld [smem:$0x3F98]  }
0x30: {  	s3 =	sld [smem:$0x3F9B]  }
0x31: {  	[smem:$0x3FA4] =	sst s10  }
0x32: {  	s10 =	sld [smem:$0x3FA2];
	_ =	sdelay $0x3  }
0x33: {  	p0 =	seq.s32 s10, $0x1;
	s10 =	sld [smem:$0x3FA4];
	_ =	sdelay $0x3  }
0x34: {  	[smem:$0x3FA4] =	sst s10  }
0x35: {  	s10 =	sld [smem:$0x3FA3];
	_ =	sdelay $0x3  }
0x36: {  	p1 =	seq.s32 s10, $0x1;
	s10 =	sld [smem:$0x3FA4];
	_ =	sdelay $0x3  }
0x37: {  	[smem:$0x3FA4] =	sst s10  }
0x38: {  	s10 =	sld [smem:$0x3FA5]  }
0x39: {  	_ = 	snop;
	(pc) =	sbr.ind lr, $3  }
0x3a: {  	_ = 	snop  }
0x3b: {  	_ = 	snop  }
0x3c: {  	p2 =	seq.s32 s10, $0x1;
	s10 =	sld [smem:$0x3FA4]  }
0x3d: {  	_ =	shalt  }
0x3e: {  	_ =	shalt  }
0x3f: {  	_ =	shalt  }
0x40: {  	_ =	shalt  }
0x41: {  	_ =	shalt  }
0x42: {  	_ =	shalt  }
0x43: {  	_ =	shalt  }
0x44: {  	_ =	shalt  }
0x45: {  	_ =	shalt  }
0x46: {  	_ =	shalt  }
0x47: {  	_ =	shalt  }
0x48: {  	_ =	shalt  }
0x49: {  	_ =	shalt  }
0x4a: {  	_ =	shalt  }
0x4b: {  	_ =	shalt  }
0x4c: {  	_ =	shalt  }
0x4d: {  	_ =	shalt  }
0x4e: {  	_ =	shalt  }
0x4f: {  	_ =	shalt  }
0x50: {  	_ =	shalt  }
0x51: {  	_ =	shalt  }
0x52: {  	_ =	shalt  }
0x53: {  	_ =	shalt  }
0x54: {  	_ =	shalt  }
0x55: {  	_ =	shalt  }
0x56: {  	_ =	shalt  }
0x57: {  	_ =	shalt  }
0x58: {  	_ =	shalt  }
0x59: {  	_ =	shalt  }
0x5a: {  	_ =	shalt  }
0x5b: {  	_ =	shalt  }
0x5c: {  	_ =	shalt  }
0x5d: {  	_ =	shalt  }
0x5e: {  	_ =	shalt  }
0x5f: {  	_ =	shalt  }
0x60: {  	_ =	shalt  }
0x61: {  	_ =	shalt  }
0x62: {  	_ =	shalt  }
0x63: {  	_ =	shalt  }
0x64: {  	_ =	shalt  }
0x65: {  	_ =	shalt  }
0x66: {  	_ =	shalt  }
0x67: {  	_ =	shalt  }
0x68: {  	_ =	shalt  }
0x69: {  	_ =	shalt  }
0x6a: {  	_ =	shalt  }
0x6b: {  	_ =	shalt  }
0x6c: {  	_ =	shalt  }
0x6d: {  	_ =	shalt  }
0x6e: {  	_ =	shalt  }
0x6f: {  	_ =	shalt  }
0x70: {  	_ =	shalt  }
0x71: {  	_ =	shalt  }
0x72: {  	_ =	shalt  }
0x73: {  	_ =	shalt  }
0x74: {  	_ =	shalt  }
0x75: {  	_ =	shalt  }
0x76: {  	_ =	shalt  }
0x77: {  	_ =	shalt  }
0x78: {  	_ =	shalt  }
0x79: {  	_ =	shalt  }
0x7a: {  	_ =	shalt  }
0x7b: {  	_ =	shalt  }
0x7c: {  	_ =	shalt  }
0x7d: {  	_ =	shalt  }
0x7e: {  	_ =	shalt  }
0x7f: {  	_ =	shalt  }
0x80: {  	_ =	shalt  }
0x81: {  	_ =	shalt  }
0x82: {  	_ =	shalt  }
0x83: {  	_ =	shalt  }
0x84: {  	_ =	shalt  }
0x85: {  	_ =	shalt  }
0x86: {  	_ =	shalt  }
0x87: {  	_ =	shalt  }
.Lfunc_end0:
.L_simem_size_0:
called_computation_lowered:
.L_overlay_start_0:
0x88: {  	s2 =	sld [smem:$0x3FD9]  }
0x89: {  	s3 =	sld [smem:$0x3FFE];
	_ =	sdelay $0x1  }
0x8a: {  	s1 =	srdreg.scid  }
0x8b: {  	s0 =	sand.u32 $0x1, s1  }
0x8c: {  	s17 =	sshll.u32 s0, $0xA;
	s2 =	sadd.s32 s3, s2  }
0x8d: {  	s2 =	sadd.s32 s2, s17  }
0x8e: {  	[smem:$0x3FB0] =	sst s2  }
0x8f: {  	_ = 	snop  }
0x90: {  	s2 =	sld [smem:$0x3FD0];
	(tm) =	ssettm $0x1  }
0x91: {  	s18 =	sld [smem:$0x3FFB];
	_ =	sdelay $0x3  }
0x92: {  	_ =	strace s18  }
0x93: {  	s3 =	sld [smem:$0x3FFC];
	_ =	sdelay $0x3  }
0x94: {  	_ =	strace s3  }
0x95: {  	s3 =	sld [smem:$0x3FFD];
	_ =	sdelay $0x3  }
0x96: {  	_ =	strace s3  }
0x97: {  	_ =	strace $0x8FFFFFFF  }
0x98: {  	s19 =	sld [smem:$0x3FDB];
	_ =	sdelay $0x1  }
0x99: {  	s4 =	simm.s32 $_scs_section_size  }
0x9a: {  	s5 =	simm.s32 $_size__tile_overlayer_lowered;
	s6 =	simm.s32 $_tile_overlayer_lowered  }
0x9b: {  	s22 =	simm.s32 $0x1BFF;
	s21 =	sshll.u32 s6, $0x1;
	s3 =	sadd.s32 s4, s19  }
0x9c: {  	s7 =	simm.s32 $0x0;
	s20 =	sshll.u32 s5, $0x1;
	s5 =	sadd.s32 s21, s3  }
0x9d: {  	[timem:s7], [sflag:s22] =	dma.local [hbm:s5], s20  }
0x9e: {  	_ =	swait.ge [sflag:s22], s20  }
0x9f: {  	s4 =	ssub.s32 $0x0, s20;
	[sflag:s22] =	ssyncset.done $0x0  }
0xa0: {  	[sflag:s22] =	ssyncadd.s32 s4;
	_ =	sdelay $0x1  }
0xa1: {  	s23 =	simm.s32 $0x1B8B  }
0xa2: {  	_ =	swait.ge [sflag:s23], $0x1  }
0xa3: {  	[sflag:s23] =	ssyncset.done $0x0  }
0xa4: {  	s25 =	simm.s32 $0x1B8E;
	s24 =	sld [smem:$0x3FFE];
	[sflag:s23] =	ssyncadd.s32 $0xFFFFFFFF  }
0xa5: {  	s26 =	simm.s32 $execute0_lowered;
	[smem:$0x3FD2] =	sst s25  }
0xa6: {  	s5 =	sshll.u32 s26, $0x1;
	_ =	strace $0x80000046;
	[dreg:$0x1] =	wrdreg $0xFFFFFFFF  }
0xa7: {  	s28 =	simm.s32 $_size_execute0_lowered;
	s3 =	sadd.s32 s3, s5;
	[dreg:$0x0] =	wrdreg $0x0  }
0xa8: {  	s5 =	sshll.u32 s28, $0x1;
	[dreg:$0x2] =	wrdreg s3  }
0xa9: {  	[dreg:$0x3] =	wrdreg s5  }
0xaa: {  	[dreg:$0x4] =	wrdreg $0xC0  }
0xab: {  	_ =	task [dreg:s7], $0x5FFFF  }
0xac: {  	[dreg:$0x1] =	wrdreg $0xFFFFFFFF  }
0xad: {  	[dreg:$0x0] =	wrdreg $0x60  }
0xae: {  	[dreg:$0x2] =	wrdreg s2  }
0xaf: {  	[dreg:$0x3] =	wrdreg s24  }
0xb0: {  	[dreg:$0x4] =	wrdreg $0x54000  }
0xb1: {  	[dreg:$0x5] =	wrdreg $0x9  }
0xb2: {  	_ =	task.clear_ibuf [dreg:s7], $0x6FFFF;
	_ =	strace $0x90000046  }
0xb3: {  	s29 =	simm.s32 $0x9;
	_ =	strace $0x80000048  }
0xb4: {  	_ =	swait.ge [sflag:s29], $0x1  }
0xb5: {  	[sflag:s29] =	ssyncadd.s32 $0xFFFFFFFF  }
0xb6: {  	_ =	strace $0x90000048  }
0xb7: {  	_ =	sfence  }
0xb8: {  	s30 =	sld [smem:$0x0];
	_ =	sdelay $0x2  }
0xb9: {  	s31 =	sshll.u32 s1, $0xD;
	s1 =	sshrl.u32 s1, $0x2  }
0xba: {  	s3 =	sand.u32 $0x4000, s31;
	s1 =	sadd.s32 s1, s30  }
0xbb: {  	s0 =	sor.u32 s3, s0;
	s1 =	sshll.u32 s1, $0x11  }
0xbc: {  	s0 =	sor.u32 s1, s0  }
0xbd: {  	s0 =	sadd.s32 $0x8F2B, s0  }
0xbe: {  	[sflag:s0] =	ssyncadd.remote.s32 $0x1  }
0xbf: {  	_ =	sfence.sel $0xFFFF  }
0xc0: {  	[dreg:$0x0] =	wrdreg $0xFFFFFFFF;
	(pc) =	sbr.abs _section_cstart, $3  }
0xc1: {  	[dreg:$0x1] =	wrdreg $0xFFFFFFFF  }
0xc2: {  	_ =	task.clear_ibuf [dreg:s7], $0x2FFFF;
	_ =	strace $0x9FFFFFFF  }
0xc3: {  	(tm) =	ssettm $0x7FFFFFFF  }
tec
execute0_lowered:
.L_overlay_start_1:
0x0: {  	(tag) =	ssettag $0x1  }
0x1: {  	s13 =	rddreg [dreg:$0x0]  }
0x2: {  	s4 =	rddreg [dreg:$0x1]  }
0x3: {  	s1 =	rddreg [dreg:$0x2];
	s2 =	srdreg.scid  }
0x4: {  	s0 =	rddreg [dreg:$0x3];
	s3 =	simm.s32 $0x0;
	s5 =	sand.u32 $0x1, s2  }
0x5: {  	s18 =	simm.s32 $0x1;
	s2 =	stileid.u32;
	s6 =	smul.u32 $0x13C000, s5  }
0x6: {  	s19 =	simm.s32 $0x80;
	[smem:$0x7FF] =	sst s3;
	s7 =	smul.u32 $0x13C00, s2  }
0x7: {  	s31 =	sshll.u32 s5, $0x4;
	s8 =	smul.u32 $0x4F000, s2;
	s5 =	ssub.s32 $0x2, s5  }
0x8: {  	s14 =	sadd.s32 $0x3C00, s4;
	_ =	strace $0x80000047;
	s9 =	sshrl.u32 s5, $0x1  }
0x9: {  	s6 =	sadd.s32 s7, s6;
	s7 =	sor.u32 s2, s31;
	s8 =	sshrl.u32 s8, $0x2  }
0xa: {  	s16 =	ssub.s32 s5, s9;
	s6 =	sshrl.u32 s6, $0x3;
	s7 =	smul.u32 $0x1400, s7  }
0xb: {  	s16 =	smax.u32 s16, $0x1;
	s15 =	sadd.s32 s6, s4;
	s4 =	sadd.s32 s8, s1  }
0xc: {  	s5 =	sadd.s32 $0x4000, s4;
	s6 =	sadd.s32 $0x8000, s4;
	s11 =	sshrl.u32 s7, $0x3  }
0xd: {  	s7 =	sadd.s32 $0xC000, s4;
	s8 =	sadd.s32 $0x10000, s4;
	s15 =	sadd.s32 $0x12C00, s15  }
0xe: {  	s9 =	sadd.s32 s13, s11;
	s10 =	sadd.s32 s14, s11;
	s12 =	sadd.s32 $0x5000, s11  }
0xf: {  	s17 =	sadd.s32 $0xA000, s11;
	s11 =	sadd.s32 s13, s12;
	s12 =	sadd.s32 s14, s12  }
0x10: {  	v0 =	vimm.f32 $0.0e+00;
	v1 =	vimm.f32 $1.000000000e+00;
	s13 =	sadd.s32 s13, s17;
	s14 =	sadd.s32 s14, s17;
	s17 =	simm.s32 $0x1400  }
.LBB2_1:
0x11: {  	s20 =	simm.s32 $0x0;
	s21 =	simm.s32 $0x200  }
.LBB2_2:
0x12: {  	p0 =	sne.s32 s21, $0xFE00;
	[tilespmem:s20+$0x1470] =	vst v0  }
0x13: {  	[tilespmem:s20+$0x1400] =	vst v0  }
0x14: {  	[tilespmem:s20+$0x1410] =	vst v0  }
.Ltmp0:
0x15: {  	[tilespmem:s20+$0x1420] =	vst v0;
	(pc) =	sbr.rel @p0 .LBB2_2-.Ltmp0, $4  }
0x16: {  	[tilespmem:s20+$0x1430] =	vst v0  }
0x17: {  	[tilespmem:s20+$0x1440] =	vst v0  }
0x18: {  	[tilespmem:s20+$0x1450] =	vst v0  }
0x19: {  	[tilespmem:s20+$0x1460] =	vst v0;
	s20 =	sshra.s32 s21, $0x2;
	s21 =	sadd.s32 $0x200, s21  }
0x1a: {  	[tilespmem:s20+$0x1470] =	vst v0  }
0x1b: {  	[tilespmem:s20+$0x1400] =	vst v0  }
0x1c: {  	[tilespmem:s20+$0x1410] =	vst v0  }
0x1d: {  	[tilespmem:s20+$0x1420] =	vst v0  }
0x1e: {  	[tilespmem:s20+$0x1430] =	vst v0  }
0x1f: {  	[tilespmem:s20+$0x1440] =	vst v0  }
0x20: {  	[tilespmem:s20+$0x1450] =	vst v0  }
0x21: {  	[tilespmem:s20+$0x1460] =	vst v0  }
0x22: {  	[spmem:s4] =	stream.linear.scatter [tilespmem:s17], [sflag:$0x1], $0x4000, $0x38;
	[tilespmem:$0x19000] =	vst v63  }
0x23: {  	_ =	swait.ge [sflag:s18], $0x4000  }
0x24: {  	[sflag:s18] =	ssyncset.done $0x0  }
0x25: {  	[sflag:s18] =	ssyncadd.s32 $0xFFFFC000  }
0x26: {  	[spmem:s5] =	stream.linear.scatter [tilespmem:s17], [sflag:$0x1], $0x4000, $0x38;
	[tilespmem:$0x19000] =	vst v63  }
0x27: {  	_ =	swait.ge [sflag:s18], $0x4000  }
0x28: {  	[sflag:s18] =	ssyncset.done $0x0  }
0x29: {  	[sflag:s18] =	ssyncadd.s32 $0xFFFFC000  }
0x2a: {  	[spmem:s6] =	stream.linear.scatter [tilespmem:s17], [sflag:$0x1], $0x4000, $0x38;
	[tilespmem:$0x19000] =	vst v63  }
0x2b: {  	_ =	swait.ge [sflag:s18], $0x4000  }
0x2c: {  	[sflag:s18] =	ssyncset.done $0x0  }
0x2d: {  	[sflag:s18] =	ssyncadd.s32 $0xFFFFC000  }
0x2e: {  	[spmem:s7] =	stream.linear.scatter [tilespmem:s17], [sflag:$0x1], $0x4000, $0x38;
	[tilespmem:$0x19000] =	vst v63  }
0x2f: {  	_ =	swait.ge [sflag:s18], $0x4000  }
0x30: {  	[sflag:s18] =	ssyncset.done $0x0  }
0x31: {  	[sflag:s18] =	ssyncadd.s32 $0xFFFFC000  }
0x32: {  	[spmem:s8] =	stream.linear.scatter [tilespmem:s17], [sflag:$0x1], $0x3C00, $0x38;
	[tilespmem:$0x19000] =	vst v63  }
0x33: {  	_ =	swait.ge [sflag:s18], $0x3C00  }
0x34: {  	[sflag:s18] =	ssyncset.done $0x0  }
0x35: {  	[sflag:s18] =	ssyncadd.s32 $0xFFFFC400  }
0x36: {  	s20 =	simm.s32 $0x0;
	s21 =	simm.s32 $0x200;
	[bflag:$0x0] =	sbarrier.arrive $0xFFFF  }
.LBB2_4:
0x37: {  	p0 =	sne.s32 s21, $0xFE00;
	[tilespmem:s20+$0x1470] =	vst v0  }
0x38: {  	[tilespmem:s20+$0x1400] =	vst v1  }
0x39: {  	[tilespmem:s20+$0x1410] =	vst v0  }
.Ltmp1:
0x3a: {  	[tilespmem:s20+$0x1420] =	vst v0;
	(pc) =	sbr.rel @p0 .LBB2_4-.Ltmp1, $4  }
0x3b: {  	[tilespmem:s20+$0x1430] =	vst v0  }
0x3c: {  	[tilespmem:s20+$0x1440] =	vst v0  }
0x3d: {  	[tilespmem:s20+$0x1450] =	vst v0  }
0x3e: {  	[tilespmem:s20+$0x1460] =	vst v0;
	s20 =	sshra.s32 s21, $0x2;
	s21 =	sadd.s32 $0x200, s21  }
0x3f: {  	[tilespmem:s20+$0x1470] =	vst v0  }
0x40: {  	[tilespmem:s20+$0x1400] =	vst v1  }
0x41: {  	[tilespmem:s20+$0x1410] =	vst v0  }
0x42: {  	[tilespmem:s20+$0x1420] =	vst v0  }
0x43: {  	[tilespmem:s20+$0x1430] =	vst v0  }
0x44: {  	[tilespmem:s20+$0x1440] =	vst v0  }
0x45: {  	[tilespmem:s20+$0x1450] =	vst v0  }
0x46: {  	[tilespmem:s20+$0x1460] =	vst v0;
	s31 =	simm.s32 $0x0  }
0x47: {  	[tilespmem:s31], [sflag:$0x1] =	stream.linear.gather [hbm4b:s9+s31], $0x1400, $0x38;
	[tilespmem:$0x19000] =	vst v63  }
0x48: {  	_ =	swait.ge [sflag:s18], $0x1400  }
0x49: {  	[sflag:s18] =	ssyncset.done $0x0  }
0x4a: {  	s20 =	simm.s32 $0x0;
	[sflag:s18] =	ssyncadd.s32 $0xFFFFEC00  }
0x4b: {  	[spmem:s1] =	stream.indirect.scatter.add.f32 [tilespmem:s17], [sflag:$0x1], $0x80, s20, s19, $0xb8;
	[tilespmem:$0x19000] =	vst v63  }
0x4c: {  	_ =	swait.ge [sflag:s18], $0x4000  }
0x4d: {  	s21 =	simm.s32 $0x200;
	[sflag:s18] =	ssyncset.done $0x0  }
.LBB2_6:
0x4e: {  	s22 =	sshra.s32 s21, $0x2;
	[sflag:s18] =	ssyncadd.s32 $0xFFFFC000;
	p0 =	sne.s32 s21, $0x4E00  }
0x4f: {  	[spmem:s1] =	stream.indirect.scatter.add.f32 [tilespmem:s17], [sflag:$0x1], $0x80, s22, s19, $0xb8;
	[tilespmem:$0x19000] =	vst v63  }
.Ltmp2:
0x50: {  	_ = 	snop;
	(pc) =	sbr.rel @p0 .LBB2_6-.Ltmp2, $4  }
0x51: {  	_ = 	snop  }
0x52: {  	s21 =	sadd.s32 $0x200, s21  }
0x53: {  	_ =	swait.ge [sflag:s18], $0x4000  }
0x54: {  	[sflag:s18] =	ssyncset.done $0x0  }
0x55: {  	[sflag:s18] =	ssyncadd.s32 $0xFFFFC000;
	s21 =	simm.s32 $0x200  }
.LBB2_8:
0x56: {  	p0 =	sne.s32 s21, $0xFE00;
	[tilespmem:s20+$0x1470] =	vst v0  }
0x57: {  	[tilespmem:s20+$0x1400] =	vst v0  }
0x58: {  	[tilespmem:s20+$0x1410] =	vst v1  }
.Ltmp3:
0x59: {  	[tilespmem:s20+$0x1420] =	vst v0;
	(pc) =	sbr.rel @p0 .LBB2_8-.Ltmp3, $4  }
0x5a: {  	[tilespmem:s20+$0x1430] =	vst v0  }
0x5b: {  	[tilespmem:s20+$0x1440] =	vst v0  }
0x5c: {  	[tilespmem:s20+$0x1450] =	vst v0  }
0x5d: {  	[tilespmem:s20+$0x1460] =	vst v0;
	s20 =	sshra.s32 s21, $0x2;
	s21 =	sadd.s32 $0x200, s21  }
0x5e: {  	[tilespmem:s20+$0x1470] =	vst v0  }
0x5f: {  	[tilespmem:s20+$0x1400] =	vst v0  }
0x60: {  	[tilespmem:s20+$0x1410] =	vst v1  }
0x61: {  	[tilespmem:s20+$0x1420] =	vst v0  }
0x62: {  	[tilespmem:s20+$0x1430] =	vst v0  }
0x63: {  	[tilespmem:s20+$0x1440] =	vst v0  }
0x64: {  	[tilespmem:s20+$0x1450] =	vst v0  }
0x65: {  	[tilespmem:s20+$0x1460] =	vst v0;
	s31 =	simm.s32 $0x0  }
0x66: {  	[tilespmem:s31], [sflag:$0x1] =	stream.linear.gather [hbm4b:s10+s31], $0x1400, $0x38;
	[tilespmem:$0x19000] =	vst v63  }
0x67: {  	_ =	swait.ge [sflag:s18], $0x1400  }
0x68: {  	[sflag:s18] =	ssyncset.done $0x0  }
0x69: {  	s20 =	simm.s32 $0x0;
	[sflag:s18] =	ssyncadd.s32 $0xFFFFEC00  }
0x6a: {  	[spmem:s1] =	stream.indirect.scatter.add.f32 [tilespmem:s17], [sflag:$0x1], $0x80, s20, s19, $0xb8;
	[tilespmem:$0x19000] =	vst v63  }
0x6b: {  	_ =	swait.ge [sflag:s18], $0x4000  }
0x6c: {  	s21 =	simm.s32 $0x200;
	[sflag:s18] =	ssyncset.done $0x0  }
.LBB2_10:
0x6d: {  	s22 =	sshra.s32 s21, $0x2;
	[sflag:s18] =	ssyncadd.s32 $0xFFFFC000;
	p0 =	sne.s32 s21, $0x4E00  }
0x6e: {  	[spmem:s1] =	stream.indirect.scatter.add.f32 [tilespmem:s17], [sflag:$0x1], $0x80, s22, s19, $0xb8;
	[tilespmem:$0x19000] =	vst v63  }
.Ltmp4:
0x6f: {  	_ = 	snop;
	(pc) =	sbr.rel @p0 .LBB2_10-.Ltmp4, $4  }
0x70: {  	_ = 	snop  }
0x71: {  	s21 =	sadd.s32 $0x200, s21  }
0x72: {  	_ =	swait.ge [sflag:s18], $0x4000  }
0x73: {  	[sflag:s18] =	ssyncset.done $0x0  }
0x74: {  	[sflag:s18] =	ssyncadd.s32 $0xFFFFC000;
	s21 =	simm.s32 $0x200  }
.LBB2_12:
0x75: {  	p0 =	sne.s32 s21, $0xFE00;
	[tilespmem:s20+$0x1470] =	vst v0  }
0x76: {  	[tilespmem:s20+$0x1400] =	vst v0  }
0x77: {  	[tilespmem:s20+$0x1410] =	vst v0  }
.Ltmp5:
0x78: {  	[tilespmem:s20+$0x1420] =	vst v1;
	(pc) =	sbr.rel @p0 .LBB2_12-.Ltmp5, $4  }
0x79: {  	[tilespmem:s20+$0x1430] =	vst v0  }
0x7a: {  	[tilespmem:s20+$0x1440] =	vst v0  }
0x7b: {  	[tilespmem:s20+$0x1450] =	vst v0  }
0x7c: {  	[tilespmem:s20+$0x1460] =	vst v0;
	s20 =	sshra.s32 s21, $0x2;
	s21 =	sadd.s32 $0x200, s21  }
0x7d: {  	[tilespmem:s20+$0x1470] =	vst v0  }
0x7e: {  	[tilespmem:s20+$0x1400] =	vst v0  }
0x7f: {  	[tilespmem:s20+$0x1410] =	vst v0  }
0x80: {  	[tilespmem:s20+$0x1420] =	vst v1  }
0x81: {  	[tilespmem:s20+$0x1430] =	vst v0  }
0x82: {  	[tilespmem:s20+$0x1440] =	vst v0  }
0x83: {  	[tilespmem:s20+$0x1450] =	vst v0  }
0x84: {  	[tilespmem:s20+$0x1460] =	vst v0;
	s31 =	simm.s32 $0x0  }
0x85: {  	[tilespmem:s31], [sflag:$0x1] =	stream.linear.gather [hbm4b:s11+s31], $0x1400, $0x38;
	[tilespmem:$0x19000] =	vst v63  }
0x86: {  	_ =	swait.ge [sflag:s18], $0x1400  }
0x87: {  	[sflag:s18] =	ssyncset.done $0x0  }
0x88: {  	s20 =	simm.s32 $0x0;
	[sflag:s18] =	ssyncadd.s32 $0xFFFFEC00  }
0x89: {  	[spmem:s1] =	stream.indirect.scatter.add.f32 [tilespmem:s17], [sflag:$0x1], $0x80, s20, s19, $0xb8;
	[tilespmem:$0x19000] =	vst v63  }
0x8a: {  	_ =	swait.ge [sflag:s18], $0x4000  }
0x8b: {  	s21 =	simm.s32 $0x200;
	[sflag:s18] =	ssyncset.done $0x0  }
.LBB2_14:
0x8c: {  	s22 =	sshra.s32 s21, $0x2;
	[sflag:s18] =	ssyncadd.s32 $0xFFFFC000;
	p0 =	sne.s32 s21, $0x4E00  }
0x8d: {  	[spmem:s1] =	stream.indirect.scatter.add.f32 [tilespmem:s17], [sflag:$0x1], $0x80, s22, s19, $0xb8;
	[tilespmem:$0x19000] =	vst v63  }
.Ltmp6:
0x8e: {  	_ = 	snop;
	(pc) =	sbr.rel @p0 .LBB2_14-.Ltmp6, $4  }
0x8f: {  	_ = 	snop  }
0x90: {  	s21 =	sadd.s32 $0x200, s21  }
0x91: {  	_ =	swait.ge [sflag:s18], $0x4000  }
0x92: {  	[sflag:s18] =	ssyncset.done $0x0  }
0x93: {  	[sflag:s18] =	ssyncadd.s32 $0xFFFFC000;
	s21 =	simm.s32 $0x200  }
.LBB2_16:
0x94: {  	p0 =	sne.s32 s21, $0xFE00;
	[tilespmem:s20+$0x1470] =	vst v0  }
0x95: {  	[tilespmem:s20+$0x1400] =	vst v0  }
0x96: {  	[tilespmem:s20+$0x1410] =	vst v0  }
.Ltmp7:
0x97: {  	[tilespmem:s20+$0x1420] =	vst v0;
	(pc) =	sbr.rel @p0 .LBB2_16-.Ltmp7, $4  }
0x98: {  	[tilespmem:s20+$0x1430] =	vst v1  }
0x99: {  	[tilespmem:s20+$0x1440] =	vst v0  }
0x9a: {  	[tilespmem:s20+$0x1450] =	vst v0  }
0x9b: {  	[tilespmem:s20+$0x1460] =	vst v0;
	s20 =	sshra.s32 s21, $0x2;
	s21 =	sadd.s32 $0x200, s21  }
0x9c: {  	[tilespmem:s20+$0x1470] =	vst v0  }
0x9d: {  	[tilespmem:s20+$0x1400] =	vst v0  }
0x9e: {  	[tilespmem:s20+$0x1410] =	vst v0  }
0x9f: {  	[tilespmem:s20+$0x1420] =	vst v0  }
0xa0: {  	[tilespmem:s20+$0x1430] =	vst v1  }
0xa1: {  	[tilespmem:s20+$0x1440] =	vst v0  }
0xa2: {  	[tilespmem:s20+$0x1450] =	vst v0  }
0xa3: {  	[tilespmem:s20+$0x1460] =	vst v0;
	s31 =	simm.s32 $0x0  }
0xa4: {  	[tilespmem:s31], [sflag:$0x1] =	stream.linear.gather [hbm4b:s12+s31], $0x1400, $0x38;
	[tilespmem:$0x19000] =	vst v63  }
0xa5: {  	_ =	swait.ge [sflag:s18], $0x1400  }
0xa6: {  	[sflag:s18] =	ssyncset.done $0x0  }
0xa7: {  	s20 =	simm.s32 $0x0;
	[sflag:s18] =	ssyncadd.s32 $0xFFFFEC00  }
0xa8: {  	[spmem:s1] =	stream.indirect.scatter.add.f32 [tilespmem:s17], [sflag:$0x1], $0x80, s20, s19, $0xb8;
	[tilespmem:$0x19000] =	vst v63  }
0xa9: {  	_ =	swait.ge [sflag:s18], $0x4000  }
0xaa: {  	s21 =	simm.s32 $0x200;
	[sflag:s18] =	ssyncset.done $0x0  }
.LBB2_18:
0xab: {  	s22 =	sshra.s32 s21, $0x2;
	[sflag:s18] =	ssyncadd.s32 $0xFFFFC000;
	p0 =	sne.s32 s21, $0x4E00  }
0xac: {  	[spmem:s1] =	stream.indirect.scatter.add.f32 [tilespmem:s17], [sflag:$0x1], $0x80, s22, s19, $0xb8;
	[tilespmem:$0x19000] =	vst v63  }
.Ltmp8:
0xad: {  	_ = 	snop;
	(pc) =	sbr.rel @p0 .LBB2_18-.Ltmp8, $4  }
0xae: {  	_ = 	snop  }
0xaf: {  	s21 =	sadd.s32 $0x200, s21  }
0xb0: {  	_ =	swait.ge [sflag:s18], $0x4000  }
0xb1: {  	[sflag:s18] =	ssyncset.done $0x0  }
0xb2: {  	[sflag:s18] =	ssyncadd.s32 $0xFFFFC000;
	s21 =	simm.s32 $0x200  }
.LBB2_20:
0xb3: {  	p0 =	sne.s32 s21, $0xFE00;
	[tilespmem:s20+$0x1470] =	vst v0  }
0xb4: {  	[tilespmem:s20+$0x1400] =	vst v0  }
0xb5: {  	[tilespmem:s20+$0x1410] =	vst v0  }
.Ltmp9:
0xb6: {  	[tilespmem:s20+$0x1420] =	vst v0;
	(pc) =	sbr.rel @p0 .LBB2_20-.Ltmp9, $4  }
0xb7: {  	[tilespmem:s20+$0x1430] =	vst v0  }
0xb8: {  	[tilespmem:s20+$0x1440] =	vst v1  }
0xb9: {  	[tilespmem:s20+$0x1450] =	vst v0  }
0xba: {  	[tilespmem:s20+$0x1460] =	vst v0;
	s20 =	sshra.s32 s21, $0x2;
	s21 =	sadd.s32 $0x200, s21  }
0xbb: {  	[tilespmem:s20+$0x1470] =	vst v0  }
0xbc: {  	[tilespmem:s20+$0x1400] =	vst v0  }
0xbd: {  	[tilespmem:s20+$0x1410] =	vst v0  }
0xbe: {  	[tilespmem:s20+$0x1420] =	vst v0  }
0xbf: {  	[tilespmem:s20+$0x1430] =	vst v0  }
0xc0: {  	[tilespmem:s20+$0x1440] =	vst v1  }
0xc1: {  	[tilespmem:s20+$0x1450] =	vst v0  }
0xc2: {  	[tilespmem:s20+$0x1460] =	vst v0;
	s31 =	simm.s32 $0x0  }
0xc3: {  	[tilespmem:s31], [sflag:$0x1] =	stream.linear.gather [hbm4b:s13+s31], $0x1400, $0x38;
	[tilespmem:$0x19000] =	vst v63  }
0xc4: {  	_ =	swait.ge [sflag:s18], $0x1400  }
0xc5: {  	[sflag:s18] =	ssyncset.done $0x0  }
0xc6: {  	s20 =	simm.s32 $0x0;
	[sflag:s18] =	ssyncadd.s32 $0xFFFFEC00  }
0xc7: {  	[spmem:s1] =	stream.indirect.scatter.add.f32 [tilespmem:s17], [sflag:$0x1], $0x80, s20, s19, $0xb8;
	[tilespmem:$0x19000] =	vst v63  }
0xc8: {  	_ =	swait.ge [sflag:s18], $0x4000  }
0xc9: {  	s21 =	simm.s32 $0x200;
	[sflag:s18] =	ssyncset.done $0x0  }
.LBB2_22:
0xca: {  	s22 =	sshra.s32 s21, $0x2;
	[sflag:s18] =	ssyncadd.s32 $0xFFFFC000;
	p0 =	sne.s32 s21, $0x4E00  }
0xcb: {  	[spmem:s1] =	stream.indirect.scatter.add.f32 [tilespmem:s17], [sflag:$0x1], $0x80, s22, s19, $0xb8;
	[tilespmem:$0x19000] =	vst v63  }
.Ltmp10:
0xcc: {  	_ = 	snop;
	(pc) =	sbr.rel @p0 .LBB2_22-.Ltmp10, $4  }
0xcd: {  	_ = 	snop  }
0xce: {  	s21 =	sadd.s32 $0x200, s21  }
0xcf: {  	_ =	swait.ge [sflag:s18], $0x4000  }
0xd0: {  	[sflag:s18] =	ssyncset.done $0x0  }
0xd1: {  	[sflag:s18] =	ssyncadd.s32 $0xFFFFC000;
	s21 =	simm.s32 $0x200  }
.LBB2_24:
0xd2: {  	p0 =	sne.s32 s21, $0xFE00;
	[tilespmem:s20+$0x1470] =	vst v0  }
0xd3: {  	[tilespmem:s20+$0x1400] =	vst v0  }
0xd4: {  	[tilespmem:s20+$0x1410] =	vst v0  }
.Ltmp11:
0xd5: {  	[tilespmem:s20+$0x1420] =	vst v0;
	(pc) =	sbr.rel @p0 .LBB2_24-.Ltmp11, $4  }
0xd6: {  	[tilespmem:s20+$0x1430] =	vst v0  }
0xd7: {  	[tilespmem:s20+$0x1440] =	vst v0  }
0xd8: {  	[tilespmem:s20+$0x1450] =	vst v1  }
0xd9: {  	[tilespmem:s20+$0x1460] =	vst v0;
	s20 =	sshra.s32 s21, $0x2;
	s21 =	sadd.s32 $0x200, s21  }
0xda: {  	[tilespmem:s20+$0x1470] =	vst v0  }
0xdb: {  	[tilespmem:s20+$0x1400] =	vst v0  }
0xdc: {  	[tilespmem:s20+$0x1410] =	vst v0  }
0xdd: {  	[tilespmem:s20+$0x1420] =	vst v0  }
0xde: {  	[tilespmem:s20+$0x1430] =	vst v0  }
0xdf: {  	[tilespmem:s20+$0x1440] =	vst v0  }
0xe0: {  	[tilespmem:s20+$0x1450] =	vst v1  }
0xe1: {  	[tilespmem:s20+$0x1460] =	vst v0;
	s30 =	simm.s32 $0x0  }
0xe2: {  	[tilespmem:s30], [sflag:$0x1] =	stream.linear.gather [hbm4b:s14+s30], $0x1400, $0x38;
	[tilespmem:$0x19000] =	vst v63  }
0xe3: {  	_ =	swait.ge [sflag:s18], $0x1400  }
0xe4: {  	[sflag:s18] =	ssyncset.done $0x0  }
0xe5: {  	s31 =	simm.s32 $0x0;
	[sflag:s18] =	ssyncadd.s32 $0xFFFFEC00  }
0xe6: {  	[spmem:s1] =	stream.indirect.scatter.add.f32 [tilespmem:s17], [sflag:$0x1], $0x80, s31, s19, $0xb8;
	[tilespmem:$0x19000] =	vst v63  }
0xe7: {  	_ =	swait.ge [sflag:s18], $0x4000  }
0xe8: {  	s20 =	simm.s32 $0x200;
	[sflag:s18] =	ssyncset.done $0x0  }
.LBB2_26:
0xe9: {  	s21 =	sshra.s32 s20, $0x2;
	[sflag:s18] =	ssyncadd.s32 $0xFFFFC000;
	p0 =	sne.s32 s20, $0x4E00  }
0xea: {  	[spmem:s1] =	stream.indirect.scatter.add.f32 [tilespmem:s17], [sflag:$0x1], $0x80, s21, s19, $0xb8;
	[tilespmem:$0x19000] =	vst v63  }
.Ltmp12:
0xeb: {  	_ = 	snop;
	(pc) =	sbr.rel @p0 .LBB2_26-.Ltmp12, $4  }
0xec: {  	_ = 	snop  }
0xed: {  	s20 =	sadd.s32 $0x200, s20  }
0xee: {  	_ =	swait.ge [sflag:s18], $0x4000  }
0xef: {  	[sflag:s18] =	ssyncset.done $0x0  }
0xf0: {  	[sflag:s18] =	ssyncadd.s32 $0xFFFFC000;
	s3 =	sadd.s32 $0x1, s3  }
0xf1: {  	s20 =	sshll.u32 s2, $0x6;
	s21 =	sshrl.u32 s4, $0x3;
	p0 =	sne.s32 s3, s16  }
.Ltmp13:
0xf2: {  	[bflag:$0x0] =	sbarrier.arrive $0xFFFF;
	s20 =	sor.u32 $0x1C01, s20;
	(pc) =	sbr.rel @p0 .LBB2_1-.Ltmp13, $4  }
0xf3: {  	[hbm:s15], [sflag:s20] =	dma.local [spmem:s21], $0x2780  }
0xf4: {  	_ =	swait.ge [sflag:s18], $0x2780  }
0xf5: {  	[sflag:s18] =	ssyncset.done $0x0  }
0xf6: {  	[sflag:s18] =	ssyncadd.s32 $0xFFFFD880  }
0xf7: {  	_ =	sfence.sel $0x180000  }
0xf8: {  	[bflag:$0x0] =	sbarrier.arrive $0xFFFF  }
0xf9: {  	p0 =	sne.s32 s2, $0x0;
	_ =	strace $0x90000047  }
0xfa: {  	s0 =	sadd.s32 @!p0 $0x100000, s0;
	[bflag:$0x2] =	sbarrier.arrive $0xFFFF  }
0xfb: {  	[sflag:s0] =	ssyncadd.tile.s32 @!p0 $0x1;
	_ =	shalt  }
.Lfunc_end2:
_tile_overlayer_lowered:
.L_overlay_start_2:
0xfc: {  	(tag) =	ssettag $0x2  }
0xfd: {  	s0 =	rddreg [dreg:$0x0];
	s2 =	stileid.u32  }
0xfe: {  	s1 =	rddreg [dreg:$0x1];
	p0 =	sne.s32 s2, $0x0  }
0xff: {  	s3 =	rddreg [dreg:$0x2];
	[bflag:$0x3] =	sbarrier.arrive $0xFFFF;
	s2 =	simm.s32 @!p0 $0x1C01  }
0x100: {  	[timem:s3], [sflag:s2] =	dma.local @!p0 [hbm:s0], s1  }
0x101: {  	s0 =	simm.s32 @!p0 $0x1  }
0x102: {  	_ =	swait.ge @!p0 [sflag:s0], s1  }
0x103: {  	s1 =	ssub.s32 @!p0 $0x0, s1;
	[sflag:s0] =	ssyncset.done @!p0 $0x0  }
0x104: {  	[sflag:s0] =	ssyncadd.s32 @!p0 s1  }
0x105: {  	[bflag:$0x3] =	sbarrier.arrive $0xFFFF  }
0x106: {  	_ =	shalt  }

// kernel: kernel.14.cloned.1.call-start
scs
__scs_entry_jumppad:
0x0: {  	(pc) =	sbr.rel $0x88, $3  }
0x1: {  	(tag) =	ssettag $0x0;
	lr =	simm.s32 $0x1  }
0x2: {  	[smem:$0x3F89] =	sst lr;
	_ =	strace $0xD0000000  }
0x3: {  	_ = 	snop  }
0x4: {  	_ = 	snop  }
0x5: {  	_ = 	snop  }
0x6: {  	_ = 	snop  }
0x7: {  	_ = 	snop  }
__scs_overlays_trampoline_lowered:
0x8: {  	[smem:$0x3F98] =	sst s0  }
0x9: {  	[smem:$0x3F99] =	sst s1  }
0xa: {  	[smem:$0x3F9A] =	sst s2  }
0xb: {  	[smem:$0x3F9B] =	sst s3  }
0xc: {  	[smem:$0x3F9C] =	sst s4  }
0xd: {  	[smem:$0x3F9D] =	sst s5  }
0xe: {  	[smem:$0x3F9E] =	sst s6  }
0xf: {  	[smem:$0x3F9F] =	sst s7  }
0x10: {  	[smem:$0x3FA0] =	sst s8  }
0x11: {  	[smem:$0x3FA1] =	sst s9;
	s0 =	simm.s32 @!p0 $0x0  }
0x12: {  	s1 =	sld [smem:$0x3F87];
	s0 =	simm.s32 @p0 $0x1  }
0x13: {  	[smem:$0x3FA2] =	sst s0;
	s0 =	simm.s32 @!p1 $0x0  }
0x14: {  	s2 =	sld [smem:$0x3F86];
	s0 =	simm.s32 @p1 $0x1  }
0x15: {  	[smem:$0x3FA3] =	sst s0;
	s0 =	simm.s32 @!p2 $0x0  }
0x16: {  	s3 =	sld [smem:$0x3FDB];
	s0 =	simm.s32 @p2 $0x1  }
0x17: {  	s4 =	simm.s32 $0x1BF5;
	[smem:$0x3FA5] =	sst s0  }
0x18: {  	s0 =	sld [smem:$0x3F88];
	_ =	swait.ge [sflag:s4], $0x0  }
0x19: {  	s7 =	sld [smem:$0x3F89]  }
0x1a: {  	s8 =	sadd.s32 $0xFFFFE003, lr  }
0x1b: {  	s9 =	sadd.s32 $0xFFFFFEF7, lr;
	s5 =	simm.s32 $0xFFFFFFFF;
	p2 =	slt.u32 s8, $0xFFFFF086  }
0x1c: {  	p1 =	slt.u32 s9, $0xF7A;
	s5 =	simm.s32 @!p2 $0x0  }
0x1d: {  	s5 =	simm.s32 @p1 $0x1;
	p0 =	seq.s32 s7, s2  }
0x1e: {  	s7 =	smul.u32 @!p0 $0xF7A, s2;
	p2 =	seq.s32 @!p0 s5, $0x0  }
0x1f: {  	s9 =	smul.u32 $0xF7A, s1;
	s8 =	simm.s32 @!p0 $0x1BF5;
	p2 =	por !p2, p0  }
0x20: {  	[sflag:s8] =	ssyncset.s32 @!p0 $0xFFFFF086;
	s6 =	sadd.s32 @!p0 s3, s7;
	s7 =	simm.s32 @!p0 $0x108  }
0x21: {  	s3 =	sadd.s32 s3, s9;
	s6 =	sadd.s32 @!p0 $0x88, s6;
	s7 =	simm.s32 @p2 $0x1082  }
0x22: {  	[simem:s7], [sflag:s8] =	dma.local @!p0 [hbm:s6], $0xF7A  }
0x23: {  	s9 =	sor.u32 $0xD0000000, s2;
	s6 =	simm.s32 $0x108;
	_ =	swait.ge @!p0 [sflag:s8], $0x0  }
0x24: {  	s3 =	sadd.s32 $0x88, s3;
	s6 =	simm.s32 @!p1 $0x1082;
	[sflag:s4] =	ssyncset.s32 $0xFFFFF086  }
0x25: {  	[simem:s6], [sflag:s4] =	dma.local [hbm:s3], $0xF7A  }
0x26: {  	[smem:$0x3F89] =	sst s1;
	(tag) =	ssettag s2;
	_ =	strace s9  }
0x27: {  	s1 =	sld [smem:$0x3F99]  }
0x28: {  	s2 =	sld [smem:$0x3F9A]  }
0x29: {  	s4 =	sld [smem:$0x3F9C]  }
0x2a: {  	p0 =	seq.s32 s5, $0x0;
	s5 =	sld [smem:$0x3F9D]  }
0x2b: {  	s6 =	sld [smem:$0x3F9E]  }
0x2c: {  	s7 =	sld [smem:$0x3F9F]  }
0x2d: {  	s3 =	simm.s32 $0x108;
	s8 =	sld [smem:$0x3FA0]  }
0x2e: {  	s3 =	simm.s32 @!p0 $0x1082;
	s9 =	sld [smem:$0x3FA1]  }
0x2f: {  	lr =	sadd.s32 s0, s3;
	s0 =	sld [smem:$0x3F98]  }
0x30: {  	s3 =	sld [smem:$0x3F9B]  }
0x31: {  	[smem:$0x3FA4] =	sst s10  }
0x32: {  	s10 =	sld [smem:$0x3FA2];
	_ =	sdelay $0x3  }
0x33: {  	p0 =	seq.s32 s10, $0x1;
	s10 =	sld [smem:$0x3FA4];
	_ =	sdelay $0x3  }
0x34: {  	[smem:$0x3FA4] =	sst s10  }
0x35: {  	s10 =	sld [smem:$0x3FA3];
	_ =	sdelay $0x3  }
0x36: {  	p1 =	seq.s32 s10, $0x1;
	s10 =	sld [smem:$0x3FA4];
	_ =	sdelay $0x3  }
0x37: {  	[smem:$0x3FA4] =	sst s10  }
0x38: {  	s10 =	sld [smem:$0x3FA5]  }
0x39: {  	_ = 	snop;
	(pc) =	sbr.ind lr, $3  }
0x3a: {  	_ = 	snop  }
0x3b: {  	_ = 	snop  }
0x3c: {  	p2 =	seq.s32 s10, $0x1;
	s10 =	sld [smem:$0x3FA4]  }
0x3d: {  	_ =	shalt  }
0x3e: {  	_ =	shalt  }
0x3f: {  	_ =	shalt  }
0x40: {  	_ =	shalt  }
0x41: {  	_ =	shalt  }
0x42: {  	_ =	shalt  }
0x43: {  	_ =	shalt  }
0x44: {  	_ =	shalt  }
0x45: {  	_ =	shalt  }
0x46: {  	_ =	shalt  }
0x47: {  	_ =	shalt  }
0x48: {  	_ =	shalt  }
0x49: {  	_ =	shalt  }
0x4a: {  	_ =	shalt  }
0x4b: {  	_ =	shalt  }
0x4c: {  	_ =	shalt  }
0x4d: {  	_ =	shalt  }
0x4e: {  	_ =	shalt  }
0x4f: {  	_ =	shalt  }
0x50: {  	_ =	shalt  }
0x51: {  	_ =	shalt  }
0x52: {  	_ =	shalt  }
0x53: {  	_ =	shalt  }
0x54: {  	_ =	shalt  }
0x55: {  	_ =	shalt  }
0x56: {  	_ =	shalt  }
0x57: {  	_ =	shalt  }
0x58: {  	_ =	shalt  }
0x59: {  	_ =	shalt  }
0x5a: {  	_ =	shalt  }
0x5b: {  	_ =	shalt  }
0x5c: {  	_ =	shalt  }
0x5d: {  	_ =	shalt  }
0x5e: {  	_ =	shalt  }
0x5f: {  	_ =	shalt  }
0x60: {  	_ =	shalt  }
0x61: {  	_ =	shalt  }
0x62: {  	_ =	shalt  }
0x63: {  	_ =	shalt  }
0x64: {  	_ =	shalt  }
0x65: {  	_ =	shalt  }
0x66: {  	_ =	shalt  }
0x67: {  	_ =	shalt  }
0x68: {  	_ =	shalt  }
0x69: {  	_ =	shalt  }
0x6a: {  	_ =	shalt  }
0x6b: {  	_ =	shalt  }
0x6c: {  	_ =	shalt  }
0x6d: {  	_ =	shalt  }
0x6e: {  	_ =	shalt  }
0x6f: {  	_ =	shalt  }
0x70: {  	_ =	shalt  }
0x71: {  	_ =	shalt  }
0x72: {  	_ =	shalt  }
0x73: {  	_ =	shalt  }
0x74: {  	_ =	shalt  }
0x75: {  	_ =	shalt  }
0x76: {  	_ =	shalt  }
0x77: {  	_ =	shalt  }
0x78: {  	_ =	shalt  }
0x79: {  	_ =	shalt  }
0x7a: {  	_ =	shalt  }
0x7b: {  	_ =	shalt  }
0x7c: {  	_ =	shalt  }
0x7d: {  	_ =	shalt  }
0x7e: {  	_ =	shalt  }
0x7f: {  	_ =	shalt  }
0x80: {  	_ =	shalt  }
0x81: {  	_ =	shalt  }
0x82: {  	_ =	shalt  }
0x83: {  	_ =	shalt  }
0x84: {  	_ =	shalt  }
0x85: {  	_ =	shalt  }
0x86: {  	_ =	shalt  }
0x87: {  	_ =	shalt  }
.Lfunc_end0:
.L_simem_size_0:
called_computation.1_lowered:
.L_overlay_start_0:
0x88: {  	s2 =	sld [smem:$0x3FD9]  }
0x89: {  	s3 =	sld [smem:$0x3FFE];
	_ =	sdelay $0x1  }
0x8a: {  	s1 =	srdreg.scid  }
0x8b: {  	s0 =	sand.u32 $0x1, s1  }
0x8c: {  	s17 =	sshll.u32 s0, $0xA;
	s2 =	sadd.s32 s3, s2  }
0x8d: {  	s2 =	sadd.s32 s2, s17  }
0x8e: {  	[smem:$0x3FB0] =	sst s2  }
0x8f: {  	_ = 	snop  }
0x90: {  	s2 =	sld [smem:$0x3FD0];
	(tm) =	ssettm $0x1  }
0x91: {  	s18 =	sld [smem:$0x3FFB];
	_ =	sdelay $0x3  }
0x92: {  	_ =	strace s18  }
0x93: {  	s3 =	sld [smem:$0x3FFC];
	_ =	sdelay $0x3  }
0x94: {  	_ =	strace s3  }
0x95: {  	s3 =	sld [smem:$0x3FFD];
	_ =	sdelay $0x3  }
0x96: {  	_ =	strace s3  }
0x97: {  	_ =	strace $0x8FFFFFFF  }
0x98: {  	s19 =	sld [smem:$0x3FDB];
	_ =	sdelay $0x1  }
0x99: {  	s4 =	simm.s32 $_scs_section_size  }
0x9a: {  	s5 =	simm.s32 $_size__tile_overlayer_lowered;
	s6 =	simm.s32 $_tile_overlayer_lowered  }
0x9b: {  	s22 =	simm.s32 $0x1BFF;
	s21 =	sshll.u32 s6, $0x1;
	s3 =	sadd.s32 s4, s19  }
0x9c: {  	s7 =	simm.s32 $0x0;
	s20 =	sshll.u32 s5, $0x1;
	s5 =	sadd.s32 s21, s3  }
0x9d: {  	[timem:s7], [sflag:s22] =	dma.local [hbm:s5], s20  }
0x9e: {  	_ =	swait.ge [sflag:s22], s20  }
0x9f: {  	s4 =	ssub.s32 $0x0, s20;
	[sflag:s22] =	ssyncset.done $0x0  }
0xa0: {  	[sflag:s22] =	ssyncadd.s32 s4;
	_ =	sdelay $0x1  }
0xa1: {  	s23 =	simm.s32 $0x1B8B  }
0xa2: {  	_ =	swait.ge [sflag:s23], $0x1  }
0xa3: {  	[sflag:s23] =	ssyncset.done $0x0  }
0xa4: {  	s25 =	simm.s32 $0x1B8E;
	s24 =	sld [smem:$0x3FFE];
	[sflag:s23] =	ssyncadd.s32 $0xFFFFFFFF  }
0xa5: {  	s26 =	simm.s32 $execute0_lowered;
	[smem:$0x3FD2] =	sst s25  }
0xa6: {  	s5 =	sshll.u32 s26, $0x1;
	_ =	strace $0x80000049;
	[dreg:$0x1] =	wrdreg $0xFFFFFFFF  }
0xa7: {  	s28 =	simm.s32 $_size_execute0_lowered;
	s3 =	sadd.s32 s3, s5;
	[dreg:$0x0] =	wrdreg $0x0  }
0xa8: {  	s5 =	sshll.u32 s28, $0x1;
	[dreg:$0x2] =	wrdreg s3  }
0xa9: {  	[dreg:$0x3] =	wrdreg s5  }
0xaa: {  	[dreg:$0x4] =	wrdreg $0xC0  }
0xab: {  	_ =	task [dreg:s7], $0x5FFFF  }
0xac: {  	[dreg:$0x1] =	wrdreg $0xFFFFFFFF  }
0xad: {  	[dreg:$0x0] =	wrdreg $0x60  }
0xae: {  	[dreg:$0x2] =	wrdreg s24  }
0xaf: {  	[dreg:$0x3] =	wrdreg s2  }
0xb0: {  	[dreg:$0x4] =	wrdreg $0xA8000  }
0xb1: {  	[dreg:$0x5] =	wrdreg $0x9  }
0xb2: {  	_ =	task.clear_ibuf [dreg:s7], $0x6FFFF;
	_ =	strace $0x90000049  }
0xb3: {  	s29 =	simm.s32 $0x9;
	_ =	strace $0x8000004B  }
0xb4: {  	_ =	swait.ge [sflag:s29], $0x1  }
0xb5: {  	[sflag:s29] =	ssyncadd.s32 $0xFFFFFFFF  }
0xb6: {  	_ =	strace $0x9000004B  }
0xb7: {  	_ =	sfence  }
0xb8: {  	s30 =	sld [smem:$0x0];
	_ =	sdelay $0x2  }
0xb9: {  	s31 =	sshll.u32 s1, $0xD;
	s1 =	sshrl.u32 s1, $0x2  }
0xba: {  	s3 =	sand.u32 $0x4000, s31;
	s1 =	sadd.s32 s1, s30  }
0xbb: {  	s0 =	sor.u32 s3, s0;
	s1 =	sshll.u32 s1, $0x11  }
0xbc: {  	s0 =	sor.u32 s1, s0  }
0xbd: {  	s0 =	sadd.s32 $0x8F2B, s0  }
0xbe: {  	[sflag:s0] =	ssyncadd.remote.s32 $0x1  }
0xbf: {  	_ =	sfence.sel $0xFFFF  }
0xc0: {  	[dreg:$0x0] =	wrdreg $0xFFFFFFFF;
	(pc) =	sbr.abs _section_cstart, $3  }
0xc1: {  	[dreg:$0x1] =	wrdreg $0xFFFFFFFF  }
0xc2: {  	_ =	task.clear_ibuf [dreg:s7], $0x2FFFF;
	_ =	strace $0x9FFFFFFF  }
0xc3: {  	(tm) =	ssettm $0x7FFFFFFF  }
tec
execute0_lowered:
.L_overlay_start_1:
0x0: {  	(tag) =	ssettag $0x1  }
0x1: {  	s0 =	rddreg [dreg:$0x0]  }
0x2: {  	s2 =	rddreg [dreg:$0x1]  }
0x3: {  	s1 =	rddreg [dreg:$0x2]  }
0x4: {  	s4 =	simm.s32 $0x0;
	s3 =	srdreg.scid;
	s10 =	stileid.u32  }
0x5: {  	s22 =	simm.s32 $0x2800;
	s28 =	simm.s32 $0x1;
	s29 =	simm.s32 $0x2  }
0x6: {  	s30 =	simm.s32 $0x2700;
	s31 =	simm.s32 $0x2780;
	[smem:$0x7FF] =	sst s4  }
0x7: {  	s3 =	sand.u32 $0x1, s3;
	s4 =	sadd.s32 $0x3A400, s0;
	s8 =	smul.u32 $0x13C00, s10  }
0x8: {  	s5 =	sadd.s32 $0x61C00, s0;
	s6 =	sadd.s32 $0x12C00, s0;
	s9 =	smul.u32 $0x4F000, s10  }
0x9: {  	s7 =	smul.u32 $0x13C000, s3;
	s23 =	sshll.u32 s3, $0x4;
	s3 =	ssub.s32 $0x2, s3  }
0xa: {  	s12 =	sadd.s32 $0x3C00, s0;
	_ =	strace $0x8000004A;
	s24 =	sshrl.u32 s3, $0x1  }
0xb: {  	s9 =	sshrl.u32 s9, $0x2;
	s7 =	sadd.s32 s8, s7;
	s8 =	sor.u32 s10, s23  }
0xc: {  	s3 =	ssub.s32 s3, s24;
	s23 =	simm.s32 $0x3;
	s7 =	sshrl.u32 s7, $0x3  }
0xd: {  	s11 =	smul.u32 $0x1400, s8;
	s0 =	sadd.s32 s7, s0;
	s7 =	sadd.s32 s9, s1  }
0xe: {  	s24 =	simm.s32 $0x1400;
	s21 =	smax.u32 s3, $0x1;
	s8 =	sadd.s32 $0x4000, s7  }
0xf: {  	s9 =	sadd.s32 $0x8000, s7;
	s13 =	sshrl.u32 s11, $0x3;
	s10 =	sadd.s32 $0xC000, s7  }
0x10: {  	s11 =	sadd.s32 $0x10000, s7;
	s26 =	sadd.s32 $0x89400, s0;
	s17 =	sadd.s32 $0xD8400, s0  }
0x11: {  	s20 =	sadd.s32 $0x127400, s0;
	s0 =	simm.s32 $0x0;
	s14 =	sadd.s32 s2, s13  }
0x12: {  	s25 =	sadd.s32 s12, s13;
	[dreg:$0x6] =	wrdreg s26;
	s16 =	sadd.s32 $0x5000, s13  }
0x13: {  	s13 =	sadd.s32 $0xA000, s13;
	s26 =	simm.s32 $0x6800;
	[dreg:$0x4] =	wrdreg s14  }
0x14: {  	[dreg:$0x5] =	wrdreg s25;
	s15 =	sadd.s32 s2, s16;
	s16 =	sadd.s32 s12, s16  }
0x15: {  	v0 =	vimm.f32 $0.0e+00;
	s18 =	sadd.s32 s2, s13;
	s19 =	sadd.s32 s12, s13;
	s25 =	simm.s32 $0x80  }
.LBB2_1:
0x16: {  	s2 =	simm.s32 $0x0;
	s3 =	simm.s32 $0x200  }
.LBB2_2:
0x17: {  	p0 =	sne.s32 s3, $0xFE00;
	[tilespmem:s2+$0x2870] =	vst v0  }
0x18: {  	[tilespmem:s2+$0x2800] =	vst v0  }
0x19: {  	[tilespmem:s2+$0x2810] =	vst v0  }
.Ltmp0:
0x1a: {  	[tilespmem:s2+$0x2820] =	vst v0;
	(pc) =	sbr.rel @p0 .LBB2_2-.Ltmp0, $4  }
0x1b: {  	[tilespmem:s2+$0x2830] =	vst v0  }
0x1c: {  	[tilespmem:s2+$0x2840] =	vst v0  }
0x1d: {  	[tilespmem:s2+$0x2850] =	vst v0  }
0x1e: {  	[tilespmem:s2+$0x2860] =	vst v0;
	s2 =	sshra.s32 s3, $0x2;
	s3 =	sadd.s32 $0x200, s3  }
0x1f: {  	[tilespmem:s2+$0x2870] =	vst v0  }
0x20: {  	[tilespmem:s2+$0x2800] =	vst v0  }
0x21: {  	[tilespmem:s2+$0x2810] =	vst v0  }
0x22: {  	[tilespmem:s2+$0x2820] =	vst v0  }
0x23: {  	[tilespmem:s2+$0x2830] =	vst v0  }
0x24: {  	[tilespmem:s2+$0x2840] =	vst v0  }
0x25: {  	[tilespmem:s2+$0x2850] =	vst v0  }
0x26: {  	[tilespmem:s2+$0x2860] =	vst v0  }
0x27: {  	[spmem:s7] =	stream.linear.scatter [tilespmem:s22], [sflag:$0x3], $0x4000, $0x38;
	[tilespmem:$0x1E400] =	vst v63  }
0x28: {  	_ =	swait.ge [sflag:s23], $0x4000  }
0x29: {  	[sflag:s23] =	ssyncset.done $0x0  }
0x2a: {  	[sflag:s23] =	ssyncadd.s32 $0xFFFFC000  }
0x2b: {  	[spmem:s8] =	stream.linear.scatter [tilespmem:s22], [sflag:$0x3], $0x4000, $0x38;
	[tilespmem:$0x1E400] =	vst v63  }
0x2c: {  	_ =	swait.ge [sflag:s23], $0x4000  }
0x2d: {  	[sflag:s23] =	ssyncset.done $0x0  }
0x2e: {  	[sflag:s23] =	ssyncadd.s32 $0xFFFFC000  }
0x2f: {  	[spmem:s9] =	stream.linear.scatter [tilespmem:s22], [sflag:$0x3], $0x4000, $0x38;
	[tilespmem:$0x1E400] =	vst v63  }
0x30: {  	_ =	swait.ge [sflag:s23], $0x4000  }
0x31: {  	[sflag:s23] =	ssyncset.done $0x0  }
0x32: {  	[sflag:s23] =	ssyncadd.s32 $0xFFFFC000  }
0x33: {  	[spmem:s10] =	stream.linear.scatter [tilespmem:s22], [sflag:$0x3], $0x4000, $0x38;
	[tilespmem:$0x1E400] =	vst v63  }
0x34: {  	_ =	swait.ge [sflag:s23], $0x4000  }
0x35: {  	[sflag:s23] =	ssyncset.done $0x0  }
0x36: {  	[sflag:s23] =	ssyncadd.s32 $0xFFFFC000  }
0x37: {  	[spmem:s11] =	stream.linear.scatter [tilespmem:s22], [sflag:$0x3], $0x3C00, $0x38;
	[tilespmem:$0x1E400] =	vst v63  }
0x38: {  	_ =	swait.ge [sflag:s23], $0x3C00  }
0x39: {  	[sflag:s23] =	ssyncset.done $0x0  }
0x3a: {  	[sflag:s23] =	ssyncadd.s32 $0xFFFFC400  }
0x3b: {  	[bflag:$0x0] =	sbarrier.arrive $0xFFFF  }
0x3c: {  	s13 =	simm.s32 $0x0;
	s3 =	rddreg [dreg:$0x4]  }
0x3d: {  	[tilespmem:s13], [sflag:$0x3] =	stream.linear.gather [hbm4b:s3+s13], $0x1400, $0x38;
	[tilespmem:$0x1E400] =	vst v63  }
0x3e: {  	_ =	swait.ge [sflag:s23], $0x1400  }
0x3f: {  	[sflag:s23] =	ssyncset.done $0x0  }
0x40: {  	s14 =	rddreg [dreg:$0x5];
	[sflag:s23] =	ssyncadd.s32 $0xFFFFEC00  }
0x41: {  	[tilespmem:s24], [sflag:$0x3] =	stream.linear.gather [hbm4b:s14+s13], $0x1400, $0x38;
	[tilespmem:$0x1E400] =	vst v63  }
0x42: {  	_ =	swait.ge [sflag:s23], $0x1400  }
0x43: {  	[sflag:s23] =	ssyncset.done $0x0  }
0x44: {  	[sflag:s23] =	ssyncadd.s32 $0xFFFFEC00  }
0x45: {  	[tilespmem:s22], [sflag:$0x1] =	stream.indirect.gather [hbm4b:s4+s25], $0x80, s13, s25, $0xb8;
	[tilespmem:$0x1E400] =	vst v63  }
0x46: {  	_ = 	snop  }
0x47: {  	[tilespmem:s26], [sflag:$0x2] =	stream.indirect.gather [hbm4b:s4+s25], $0x80, s25, s25, $0xb8;
	[tilespmem:$0x1E400] =	vst v63  }
0x48: {  	_ =	swait.ge [sflag:s28], $0x4000  }
0x49: {  	[sflag:s28] =	ssyncset.done $0x0  }
0x4a: {  	s12 =	simm.s32 $0x1400;
	[sflag:s28] =	ssyncadd.s32 $0xFFFFC000  }
0x4b: {  	[spmem:s1] =	stream.indirect.scatter.add.f32 [tilespmem:s22], [sflag:$0x3], $0x80, s12, s25, $0xb8;
	[tilespmem:$0x1E400] =	vst v63  }
0x4c: {  	_ =	swait.ge [sflag:s23], $0x4000  }
0x4d: {  	[sflag:s23] =	ssyncset.done $0x0  }
0x4e: {  	s13 =	simm.s32 $0x100;
	[sflag:s23] =	ssyncadd.s32 $0xFFFFC000  }
0x4f: {  	[tilespmem:s22], [sflag:$0x1] =	stream.indirect.gather [hbm4b:s4+s25], $0x80, s13, s25, $0xb8;
	[tilespmem:$0x1E400] =	vst v63  }
0x50: {  	_ =	swait.ge [sflag:s29], $0x4000  }
0x51: {  	[sflag:s29] =	ssyncset.done $0x0  }
0x52: {  	s14 =	simm.s32 $0x1480;
	[sflag:s29] =	ssyncadd.s32 $0xFFFFC000  }
0x53: {  	[spmem:s1] =	stream.indirect.scatter.add.f32 [tilespmem:s26], [sflag:$0x3], $0x80, s14, s25, $0xb8;
	[tilespmem:$0x1E400] =	vst v63  }
0x54: {  	_ =	swait.ge [sflag:s23], $0x4000  }
0x55: {  	[sflag:s23] =	ssyncset.done $0x0  }
0x56: {  	s2 =	simm.s32 $0x400;
	s3 =	simm.s32 $0x180;
	[sflag:s23] =	ssyncadd.s32 $0xFFFFC000  }
.LBB2_4:
0x57: {  	[tilespmem:s26], [sflag:$0x2] =	stream.indirect.gather [hbm4b:s4+s25], $0x80, s3, s25, $0xb8;
	[tilespmem:$0x1E400] =	vst v63  }
0x58: {  	s3 =	smov.u32 s2  }
0x59: {  	p0 =	sne.s32 s2, $0x4800;
	s2 =	sadd.s32 $0x400, s2;
	_ =	swait.ge [sflag:s28], $0x4000  }
0x5a: {  	s3 =	sshra.s32 s3, $0x2;
	[sflag:s28] =	ssyncset.done $0x0  }
0x5b: {  	s12 =	sadd.s32 $0x1400, s3;
	[sflag:s28] =	ssyncadd.s32 $0xFFFFC000  }
0x5c: {  	[spmem:s1] =	stream.indirect.scatter.add.f32 [tilespmem:s22], [sflag:$0x3], $0x80, s12, s25, $0xb8;
	[tilespmem:$0x1E400] =	vst v63  }
0x5d: {  	_ =	swait.ge [sflag:s23], $0x4000  }
0x5e: {  	[sflag:s23] =	ssyncset.done $0x0  }
0x5f: {  	s12 =	sadd.s32 $0x100, s3;
	[sflag:s23] =	ssyncadd.s32 $0xFFFFC000  }
0x60: {  	[tilespmem:s22], [sflag:$0x1] =	stream.indirect.gather [hbm4b:s4+s25], $0x80, s12, s25, $0xb8;
	[tilespmem:$0x1E400] =	vst v63  }
0x61: {  	_ =	swait.ge [sflag:s29], $0x4000  }
0x62: {  	[sflag:s29] =	ssyncset.done $0x0  }
.Ltmp1:
0x63: {  	s12 =	sadd.s32 $0x1480, s3;
	[sflag:s29] =	ssyncadd.s32 $0xFFFFC000;
	(pc) =	sbr.rel @p0 .LBB2_4-.Ltmp1, $4  }
0x64: {  	[spmem:s1] =	stream.indirect.scatter.add.f32 [tilespmem:s26], [sflag:$0x3], $0x80, s12, s25, $0xb8;
	[tilespmem:$0x1E400] =	vst v63  }
0x65: {  	_ =	swait.ge [sflag:s23], $0x4000  }
0x66: {  	[sflag:s23] =	ssyncset.done $0x0  }
0x67: {  	s3 =	sadd.s32 $0x180, s3;
	[sflag:s23] =	ssyncadd.s32 $0xFFFFC000  }
0x68: {  	[tilespmem:s26], [sflag:$0x2] =	stream.indirect.gather [hbm4b:s4+s25], $0x80, s3, s25, $0xb8;
	[tilespmem:$0x1E400] =	vst v63  }
0x69: {  	_ =	swait.ge [sflag:s28], $0x4000  }
0x6a: {  	[sflag:s28] =	ssyncset.done $0x0  }
0x6b: {  	[sflag:s28] =	ssyncadd.s32 $0xFFFFC000  }
0x6c: {  	[spmem:s1] =	stream.indirect.scatter.add.f32 [tilespmem:s22], [sflag:$0x3], $0x80, s30, s25, $0xb8;
	[tilespmem:$0x1E400] =	vst v63  }
0x6d: {  	_ =	swait.ge [sflag:s23], $0x4000  }
0x6e: {  	[sflag:s23] =	ssyncset.done $0x0  }
0x6f: {  	s2 =	simm.s32 $0x0;
	[sflag:s23] =	ssyncadd.s32 $0xFFFFC000  }
0x70: {  	[tilespmem:s22], [sflag:$0x1] =	stream.indirect.gather [hbm4b:s4+s25], $0x80, s2, s25, $0xb8;
	[tilespmem:$0x1E400] =	vst v63  }
0x71: {  	_ =	swait.ge [sflag:s29], $0x4000  }
0x72: {  	[sflag:s29] =	ssyncset.done $0x0  }
0x73: {  	[sflag:s29] =	ssyncadd.s32 $0xFFFFC000  }
0x74: {  	[spmem:s1] =	stream.indirect.scatter.add.f32 [tilespmem:s26], [sflag:$0x3], $0x80, s31, s25, $0xb8;
	[tilespmem:$0x1E400] =	vst v63  }
0x75: {  	_ =	swait.ge [sflag:s23], $0x4000  }
0x76: {  	[sflag:s23] =	ssyncset.done $0x0  }
0x77: {  	[sflag:s23] =	ssyncadd.s32 $0xFFFFC000  }
0x78: {  	[tilespmem:s26], [sflag:$0x2] =	stream.indirect.gather [hbm4b:s4+s25], $0x80, s25, s25, $0xb8;
	[tilespmem:$0x1E400] =	vst v63  }
0x79: {  	_ =	swait.ge [sflag:s28], $0x4000  }
0x7a: {  	[sflag:s28] =	ssyncset.done $0x0  }
0x7b: {  	[sflag:s28] =	ssyncadd.s32 $0xFFFFC000  }
0x7c: {  	_ =	swait.ge [sflag:s29], $0x4000  }
0x7d: {  	[sflag:s29] =	ssyncset.done $0x0  }
0x7e: {  	s14 =	stileid.u32;
	[sflag:s29] =	ssyncadd.s32 $0xFFFFC000  }
0x7f: {  	s2 =	sshll.u32 s14, $0x6;
	[bflag:$0x0] =	sbarrier.arrive $0xFFFF  }
0x80: {  	s3 =	sor.u32 $0x1C03, s2;
	s2 =	sshrl.u32 s7, $0x3;
	s12 =	rddreg [dreg:$0x6]  }
0x81: {  	[hbm:s12], [sflag:s3] =	dma.local [spmem:s2], $0x2780  }
0x82: {  	_ =	swait.ge [sflag:s23], $0x2780  }
0x83: {  	[sflag:s23] =	ssyncset.done $0x0  }
0x84: {  	[sflag:s23] =	ssyncadd.s32 $0xFFFFD880  }
0x85: {  	s13 =	simm.s32 $0x200;
	s12 =	simm.s32 $0x0;
	[bflag:$0x0] =	sbarrier.arrive $0xFFFF  }
.LBB2_6:
0x86: {  	p0 =	sne.s32 s13, $0xFE00;
	[tilespmem:s12+$0x2870] =	vst v0  }
0x87: {  	[tilespmem:s12+$0x2800] =	vst v0  }
0x88: {  	[tilespmem:s12+$0x2810] =	vst v0  }
.Ltmp2:
0x89: {  	[tilespmem:s12+$0x2820] =	vst v0;
	(pc) =	sbr.rel @p0 .LBB2_6-.Ltmp2, $4  }
0x8a: {  	[tilespmem:s12+$0x2830] =	vst v0  }
0x8b: {  	[tilespmem:s12+$0x2840] =	vst v0  }
0x8c: {  	[tilespmem:s12+$0x2850] =	vst v0  }
0x8d: {  	[tilespmem:s12+$0x2860] =	vst v0;
	s12 =	sshra.s32 s13, $0x2;
	s13 =	sadd.s32 $0x200, s13  }
0x8e: {  	[tilespmem:s12+$0x2870] =	vst v0  }
0x8f: {  	[tilespmem:s12+$0x2800] =	vst v0  }
0x90: {  	[tilespmem:s12+$0x2810] =	vst v0  }
0x91: {  	[tilespmem:s12+$0x2820] =	vst v0  }
0x92: {  	[tilespmem:s12+$0x2830] =	vst v0  }
0x93: {  	[tilespmem:s12+$0x2840] =	vst v0  }
0x94: {  	[tilespmem:s12+$0x2850] =	vst v0  }
0x95: {  	[tilespmem:s12+$0x2860] =	vst v0  }
0x96: {  	[spmem:s7] =	stream.linear.scatter [tilespmem:s22], [sflag:$0x3], $0x4000, $0x38;
	[tilespmem:$0x1E400] =	vst v63  }
0x97: {  	_ =	swait.ge [sflag:s23], $0x4000  }
0x98: {  	[sflag:s23] =	ssyncset.done $0x0  }
0x99: {  	[sflag:s23] =	ssyncadd.s32 $0xFFFFC000  }
0x9a: {  	[spmem:s8] =	stream.linear.scatter [tilespmem:s22], [sflag:$0x3], $0x4000, $0x38;
	[tilespmem:$0x1E400] =	vst v63  }
0x9b: {  	_ =	swait.ge [sflag:s23], $0x4000  }
0x9c: {  	[sflag:s23] =	ssyncset.done $0x0  }
0x9d: {  	[sflag:s23] =	ssyncadd.s32 $0xFFFFC000  }
0x9e: {  	[spmem:s9] =	stream.linear.scatter [tilespmem:s22], [sflag:$0x3], $0x4000, $0x38;
	[tilespmem:$0x1E400] =	vst v63  }
0x9f: {  	_ =	swait.ge [sflag:s23], $0x4000  }
0xa0: {  	[sflag:s23] =	ssyncset.done $0x0  }
0xa1: {  	[sflag:s23] =	ssyncadd.s32 $0xFFFFC000  }
0xa2: {  	[spmem:s10] =	stream.linear.scatter [tilespmem:s22], [sflag:$0x3], $0x4000, $0x38;
	[tilespmem:$0x1E400] =	vst v63  }
0xa3: {  	_ =	swait.ge [sflag:s23], $0x4000  }
0xa4: {  	[sflag:s23] =	ssyncset.done $0x0  }
0xa5: {  	[sflag:s23] =	ssyncadd.s32 $0xFFFFC000  }
0xa6: {  	[spmem:s11] =	stream.linear.scatter [tilespmem:s22], [sflag:$0x3], $0x3C00, $0x38;
	[tilespmem:$0x1E400] =	vst v63  }
0xa7: {  	_ =	swait.ge [sflag:s23], $0x3C00  }
0xa8: {  	[sflag:s23] =	ssyncset.done $0x0  }
0xa9: {  	[sflag:s23] =	ssyncadd.s32 $0xFFFFC400  }
0xaa: {  	s13 =	simm.s32 $0x0;
	[bflag:$0x0] =	sbarrier.arrive $0xFFFF  }
0xab: {  	[tilespmem:s13], [sflag:$0x3] =	stream.linear.gather [hbm4b:s15+s13], $0x1400, $0x38;
	[tilespmem:$0x1E400] =	vst v63  }
0xac: {  	_ =	swait.ge [sflag:s23], $0x1400  }
0xad: {  	[sflag:s23] =	ssyncset.done $0x0  }
0xae: {  	[sflag:s23] =	ssyncadd.s32 $0xFFFFEC00  }
0xaf: {  	[tilespmem:s24], [sflag:$0x3] =	stream.linear.gather [hbm4b:s16+s13], $0x1400, $0x38;
	[tilespmem:$0x1E400] =	vst v63  }
0xb0: {  	_ =	swait.ge [sflag:s23], $0x1400  }
0xb1: {  	[sflag:s23] =	ssyncset.done $0x0  }
0xb2: {  	[sflag:s23] =	ssyncadd.s32 $0xFFFFEC00  }
0xb3: {  	[tilespmem:s22], [sflag:$0x1] =	stream.indirect.gather [hbm4b:s5+s25], $0x80, s13, s25, $0xb8;
	[tilespmem:$0x1E400] =	vst v63  }
0xb4: {  	_ = 	snop  }
0xb5: {  	[tilespmem:s26], [sflag:$0x2] =	stream.indirect.gather [hbm4b:s5+s25], $0x80, s25, s25, $0xb8;
	[tilespmem:$0x1E400] =	vst v63  }
0xb6: {  	_ =	swait.ge [sflag:s28], $0x4000  }
0xb7: {  	[sflag:s28] =	ssyncset.done $0x0  }
0xb8: {  	s14 =	simm.s32 $0x1400;
	[sflag:s28] =	ssyncadd.s32 $0xFFFFC000  }
0xb9: {  	[spmem:s1] =	stream.indirect.scatter.add.f32 [tilespmem:s22], [sflag:$0x3], $0x80, s14, s25, $0xb8;
	[tilespmem:$0x1E400] =	vst v63  }
0xba: {  	_ =	swait.ge [sflag:s23], $0x4000  }
0xbb: {  	[sflag:s23] =	ssyncset.done $0x0  }
0xbc: {  	s13 =	simm.s32 $0x100;
	[sflag:s23] =	ssyncadd.s32 $0xFFFFC000  }
0xbd: {  	[tilespmem:s22], [sflag:$0x1] =	stream.indirect.gather [hbm4b:s5+s25], $0x80, s13, s25, $0xb8;
	[tilespmem:$0x1E400] =	vst v63  }
0xbe: {  	_ =	swait.ge [sflag:s29], $0x4000  }
0xbf: {  	[sflag:s29] =	ssyncset.done $0x0  }
0xc0: {  	s14 =	simm.s32 $0x1480;
	[sflag:s29] =	ssyncadd.s32 $0xFFFFC000  }
0xc1: {  	[spmem:s1] =	stream.indirect.scatter.add.f32 [tilespmem:s26], [sflag:$0x3], $0x80, s14, s25, $0xb8;
	[tilespmem:$0x1E400] =	vst v63  }
0xc2: {  	_ =	swait.ge [sflag:s23], $0x4000  }
0xc3: {  	[sflag:s23] =	ssyncset.done $0x0  }
0xc4: {  	s12 =	simm.s32 $0x400;
	s13 =	simm.s32 $0x180;
	[sflag:s23] =	ssyncadd.s32 $0xFFFFC000  }
.LBB2_8:
0xc5: {  	[tilespmem:s26], [sflag:$0x2] =	stream.indirect.gather [hbm4b:s5+s25], $0x80, s13, s25, $0xb8;
	[tilespmem:$0x1E400] =	vst v63  }
0xc6: {  	s13 =	smov.u32 s12  }
0xc7: {  	p0 =	sne.s32 s12, $0x4800;
	s12 =	sadd.s32 $0x400, s12;
	_ =	swait.ge [sflag:s28], $0x4000  }
0xc8: {  	s13 =	sshra.s32 s13, $0x2;
	[sflag:s28] =	ssyncset.done $0x0  }
0xc9: {  	s14 =	sadd.s32 $0x1400, s13;
	[sflag:s28] =	ssyncadd.s32 $0xFFFFC000  }
0xca: {  	[spmem:s1] =	stream.indirect.scatter.add.f32 [tilespmem:s22], [sflag:$0x3], $0x80, s14, s25, $0xb8;
	[tilespmem:$0x1E400] =	vst v63  }
0xcb: {  	_ =	swait.ge [sflag:s23], $0x4000  }
0xcc: {  	[sflag:s23] =	ssyncset.done $0x0  }
0xcd: {  	s14 =	sadd.s32 $0x100, s13;
	[sflag:s23] =	ssyncadd.s32 $0xFFFFC000  }
0xce: {  	[tilespmem:s22], [sflag:$0x1] =	stream.indirect.gather [hbm4b:s5+s25], $0x80, s14, s25, $0xb8;
	[tilespmem:$0x1E400] =	vst v63  }
0xcf: {  	_ =	swait.ge [sflag:s29], $0x4000  }
0xd0: {  	[sflag:s29] =	ssyncset.done $0x0  }
.Ltmp3:
0xd1: {  	s14 =	sadd.s32 $0x1480, s13;
	[sflag:s29] =	ssyncadd.s32 $0xFFFFC000;
	(pc) =	sbr.rel @p0 .LBB2_8-.Ltmp3, $4  }
0xd2: {  	[spmem:s1] =	stream.indirect.scatter.add.f32 [tilespmem:s26], [sflag:$0x3], $0x80, s14, s25, $0xb8;
	[tilespmem:$0x1E400] =	vst v63  }
0xd3: {  	_ =	swait.ge [sflag:s23], $0x4000  }
0xd4: {  	[sflag:s23] =	ssyncset.done $0x0  }
0xd5: {  	s13 =	sadd.s32 $0x180, s13;
	[sflag:s23] =	ssyncadd.s32 $0xFFFFC000  }
0xd6: {  	[tilespmem:s26], [sflag:$0x2] =	stream.indirect.gather [hbm4b:s5+s25], $0x80, s13, s25, $0xb8;
	[tilespmem:$0x1E400] =	vst v63  }
0xd7: {  	_ =	swait.ge [sflag:s28], $0x4000  }
0xd8: {  	[sflag:s28] =	ssyncset.done $0x0  }
0xd9: {  	[sflag:s28] =	ssyncadd.s32 $0xFFFFC000  }
0xda: {  	[spmem:s1] =	stream.indirect.scatter.add.f32 [tilespmem:s22], [sflag:$0x3], $0x80, s30, s25, $0xb8;
	[tilespmem:$0x1E400] =	vst v63  }
0xdb: {  	_ =	swait.ge [sflag:s23], $0x4000  }
0xdc: {  	[sflag:s23] =	ssyncset.done $0x0  }
0xdd: {  	s12 =	simm.s32 $0x0;
	[sflag:s23] =	ssyncadd.s32 $0xFFFFC000  }
0xde: {  	[tilespmem:s22], [sflag:$0x1] =	stream.indirect.gather [hbm4b:s5+s25], $0x80, s12, s25, $0xb8;
	[tilespmem:$0x1E400] =	vst v63  }
0xdf: {  	_ =	swait.ge [sflag:s29], $0x4000  }
0xe0: {  	[sflag:s29] =	ssyncset.done $0x0  }
0xe1: {  	[sflag:s29] =	ssyncadd.s32 $0xFFFFC000  }
0xe2: {  	[spmem:s1] =	stream.indirect.scatter.add.f32 [tilespmem:s26], [sflag:$0x3], $0x80, s31, s25, $0xb8;
	[tilespmem:$0x1E400] =	vst v63  }
0xe3: {  	_ =	swait.ge [sflag:s23], $0x4000  }
0xe4: {  	[sflag:s23] =	ssyncset.done $0x0  }
0xe5: {  	[sflag:s23] =	ssyncadd.s32 $0xFFFFC000  }
0xe6: {  	[tilespmem:s26], [sflag:$0x2] =	stream.indirect.gather [hbm4b:s5+s25], $0x80, s25, s25, $0xb8;
	[tilespmem:$0x1E400] =	vst v63  }
0xe7: {  	_ =	swait.ge [sflag:s28], $0x4000  }
0xe8: {  	[sflag:s28] =	ssyncset.done $0x0  }
0xe9: {  	[sflag:s28] =	ssyncadd.s32 $0xFFFFC000  }
0xea: {  	_ =	swait.ge [sflag:s29], $0x4000  }
0xeb: {  	[sflag:s29] =	ssyncset.done $0x0  }
0xec: {  	[sflag:s29] =	ssyncadd.s32 $0xFFFFC000  }
0xed: {  	[bflag:$0x0] =	sbarrier.arrive $0xFFFF  }
0xee: {  	[hbm:s17], [sflag:s3] =	dma.local [spmem:s2], $0x2780  }
0xef: {  	_ =	swait.ge [sflag:s23], $0x2780  }
0xf0: {  	[sflag:s23] =	ssyncset.done $0x0  }
0xf1: {  	[sflag:s23] =	ssyncadd.s32 $0xFFFFD880  }
0xf2: {  	s13 =	simm.s32 $0x200;
	s12 =	simm.s32 $0x0;
	[bflag:$0x0] =	sbarrier.arrive $0xFFFF  }
.LBB2_10:
0xf3: {  	p0 =	sne.s32 s13, $0xFE00;
	[tilespmem:s12+$0x2870] =	vst v0  }
0xf4: {  	[tilespmem:s12+$0x2800] =	vst v0  }
0xf5: {  	[tilespmem:s12+$0x2810] =	vst v0  }
.Ltmp4:
0xf6: {  	[tilespmem:s12+$0x2820] =	vst v0;
	(pc) =	sbr.rel @p0 .LBB2_10-.Ltmp4, $4  }
0xf7: {  	[tilespmem:s12+$0x2830] =	vst v0  }
0xf8: {  	[tilespmem:s12+$0x2840] =	vst v0  }
0xf9: {  	[tilespmem:s12+$0x2850] =	vst v0  }
0xfa: {  	[tilespmem:s12+$0x2860] =	vst v0;
	s12 =	sshra.s32 s13, $0x2;
	s13 =	sadd.s32 $0x200, s13  }
0xfb: {  	[tilespmem:s12+$0x2870] =	vst v0  }
0xfc: {  	[tilespmem:s12+$0x2800] =	vst v0  }
0xfd: {  	[tilespmem:s12+$0x2810] =	vst v0  }
0xfe: {  	[tilespmem:s12+$0x2820] =	vst v0  }
0xff: {  	[tilespmem:s12+$0x2830] =	vst v0  }
0x100: {  	[tilespmem:s12+$0x2840] =	vst v0  }
0x101: {  	[tilespmem:s12+$0x2850] =	vst v0  }
0x102: {  	[tilespmem:s12+$0x2860] =	vst v0  }
0x103: {  	[spmem:s7] =	stream.linear.scatter [tilespmem:s22], [sflag:$0x3], $0x4000, $0x38;
	[tilespmem:$0x1E400] =	vst v63  }
0x104: {  	_ =	swait.ge [sflag:s23], $0x4000  }
0x105: {  	[sflag:s23] =	ssyncset.done $0x0  }
0x106: {  	[sflag:s23] =	ssyncadd.s32 $0xFFFFC000  }
0x107: {  	[spmem:s8] =	stream.linear.scatter [tilespmem:s22], [sflag:$0x3], $0x4000, $0x38;
	[tilespmem:$0x1E400] =	vst v63  }
0x108: {  	_ =	swait.ge [sflag:s23], $0x4000  }
0x109: {  	[sflag:s23] =	ssyncset.done $0x0  }
0x10a: {  	[sflag:s23] =	ssyncadd.s32 $0xFFFFC000  }
0x10b: {  	[spmem:s9] =	stream.linear.scatter [tilespmem:s22], [sflag:$0x3], $0x4000, $0x38;
	[tilespmem:$0x1E400] =	vst v63  }
0x10c: {  	_ =	swait.ge [sflag:s23], $0x4000  }
0x10d: {  	[sflag:s23] =	ssyncset.done $0x0  }
0x10e: {  	[sflag:s23] =	ssyncadd.s32 $0xFFFFC000  }
0x10f: {  	[spmem:s10] =	stream.linear.scatter [tilespmem:s22], [sflag:$0x3], $0x4000, $0x38;
	[tilespmem:$0x1E400] =	vst v63  }
0x110: {  	_ =	swait.ge [sflag:s23], $0x4000  }
0x111: {  	[sflag:s23] =	ssyncset.done $0x0  }
0x112: {  	[sflag:s23] =	ssyncadd.s32 $0xFFFFC000  }
0x113: {  	[spmem:s11] =	stream.linear.scatter [tilespmem:s22], [sflag:$0x3], $0x3C00, $0x38;
	[tilespmem:$0x1E400] =	vst v63  }
0x114: {  	_ =	swait.ge [sflag:s23], $0x3C00  }
0x115: {  	[sflag:s23] =	ssyncset.done $0x0  }
0x116: {  	[sflag:s23] =	ssyncadd.s32 $0xFFFFC400  }
0x117: {  	s13 =	simm.s32 $0x0;
	[bflag:$0x0] =	sbarrier.arrive $0xFFFF  }
0x118: {  	[tilespmem:s13], [sflag:$0x3] =	stream.linear.gather [hbm4b:s18+s13], $0x1400, $0x38;
	[tilespmem:$0x1E400] =	vst v63  }
0x119: {  	_ =	swait.ge [sflag:s23], $0x1400  }
0x11a: {  	[sflag:s23] =	ssyncset.done $0x0  }
0x11b: {  	[sflag:s23] =	ssyncadd.s32 $0xFFFFEC00  }
0x11c: {  	[tilespmem:s24], [sflag:$0x3] =	stream.linear.gather [hbm4b:s19+s13], $0x1400, $0x38;
	[tilespmem:$0x1E400] =	vst v63  }
0x11d: {  	_ =	swait.ge [sflag:s23], $0x1400  }
0x11e: {  	[sflag:s23] =	ssyncset.done $0x0  }
0x11f: {  	[sflag:s23] =	ssyncadd.s32 $0xFFFFEC00  }
0x120: {  	[tilespmem:s22], [sflag:$0x1] =	stream.indirect.gather [hbm4b:s6+s25], $0x80, s13, s25, $0xb8;
	[tilespmem:$0x1E400] =	vst v63  }
0x121: {  	_ = 	snop  }
0x122: {  	[tilespmem:s26], [sflag:$0x2] =	stream.indirect.gather [hbm4b:s6+s25], $0x80, s25, s25, $0xb8;
	[tilespmem:$0x1E400] =	vst v63  }
0x123: {  	_ =	swait.ge [sflag:s28], $0x4000  }
0x124: {  	[sflag:s28] =	ssyncset.done $0x0  }
0x125: {  	s14 =	simm.s32 $0x1400;
	[sflag:s28] =	ssyncadd.s32 $0xFFFFC000  }
0x126: {  	[spmem:s1] =	stream.indirect.scatter.add.f32 [tilespmem:s22], [sflag:$0x3], $0x80, s14, s25, $0xb8;
	[tilespmem:$0x1E400] =	vst v63  }
0x127: {  	_ =	swait.ge [sflag:s23], $0x4000  }
0x128: {  	[sflag:s23] =	ssyncset.done $0x0  }
0x129: {  	s13 =	simm.s32 $0x100;
	[sflag:s23] =	ssyncadd.s32 $0xFFFFC000  }
0x12a: {  	[tilespmem:s22], [sflag:$0x1] =	stream.indirect.gather [hbm4b:s6+s25], $0x80, s13, s25, $0xb8;
	[tilespmem:$0x1E400] =	vst v63  }
0x12b: {  	_ =	swait.ge [sflag:s29], $0x4000  }
0x12c: {  	[sflag:s29] =	ssyncset.done $0x0  }
0x12d: {  	s14 =	simm.s32 $0x1480;
	[sflag:s29] =	ssyncadd.s32 $0xFFFFC000  }
0x12e: {  	[spmem:s1] =	stream.indirect.scatter.add.f32 [tilespmem:s26], [sflag:$0x3], $0x80, s14, s25, $0xb8;
	[tilespmem:$0x1E400] =	vst v63  }
0x12f: {  	_ =	swait.ge [sflag:s23], $0x4000  }
0x130: {  	[sflag:s23] =	ssyncset.done $0x0  }
0x131: {  	s12 =	simm.s32 $0x400;
	s13 =	simm.s32 $0x180;
	[sflag:s23] =	ssyncadd.s32 $0xFFFFC000  }
.LBB2_12:
0x132: {  	[tilespmem:s26], [sflag:$0x2] =	stream.indirect.gather [hbm4b:s6+s25], $0x80, s13, s25, $0xb8;
	[tilespmem:$0x1E400] =	vst v63  }
0x133: {  	s13 =	smov.u32 s12  }
0x134: {  	p0 =	sne.s32 s12, $0x4800;
	s12 =	sadd.s32 $0x400, s12;
	_ =	swait.ge [sflag:s28], $0x4000  }
0x135: {  	s13 =	sshra.s32 s13, $0x2;
	[sflag:s28] =	ssyncset.done $0x0  }
0x136: {  	s14 =	sadd.s32 $0x1400, s13;
	[sflag:s28] =	ssyncadd.s32 $0xFFFFC000  }
0x137: {  	[spmem:s1] =	stream.indirect.scatter.add.f32 [tilespmem:s22], [sflag:$0x3], $0x80, s14, s25, $0xb8;
	[tilespmem:$0x1E400] =	vst v63  }
0x138: {  	_ =	swait.ge [sflag:s23], $0x4000  }
0x139: {  	[sflag:s23] =	ssyncset.done $0x0  }
0x13a: {  	s14 =	sadd.s32 $0x100, s13;
	[sflag:s23] =	ssyncadd.s32 $0xFFFFC000  }
0x13b: {  	[tilespmem:s22], [sflag:$0x1] =	stream.indirect.gather [hbm4b:s6+s25], $0x80, s14, s25, $0xb8;
	[tilespmem:$0x1E400] =	vst v63  }
0x13c: {  	_ =	swait.ge [sflag:s29], $0x4000  }
0x13d: {  	[sflag:s29] =	ssyncset.done $0x0  }
.Ltmp5:
0x13e: {  	s14 =	sadd.s32 $0x1480, s13;
	[sflag:s29] =	ssyncadd.s32 $0xFFFFC000;
	(pc) =	sbr.rel @p0 .LBB2_12-.Ltmp5, $4  }
0x13f: {  	[spmem:s1] =	stream.indirect.scatter.add.f32 [tilespmem:s26], [sflag:$0x3], $0x80, s14, s25, $0xb8;
	[tilespmem:$0x1E400] =	vst v63  }
0x140: {  	_ =	swait.ge [sflag:s23], $0x4000  }
0x141: {  	[sflag:s23] =	ssyncset.done $0x0  }
0x142: {  	s13 =	sadd.s32 $0x180, s13;
	[sflag:s23] =	ssyncadd.s32 $0xFFFFC000  }
0x143: {  	[tilespmem:s26], [sflag:$0x2] =	stream.indirect.gather [hbm4b:s6+s25], $0x80, s13, s25, $0xb8;
	[tilespmem:$0x1E400] =	vst v63  }
0x144: {  	_ =	swait.ge [sflag:s28], $0x4000  }
0x145: {  	[sflag:s28] =	ssyncset.done $0x0  }
0x146: {  	[sflag:s28] =	ssyncadd.s32 $0xFFFFC000  }
0x147: {  	[spmem:s1] =	stream.indirect.scatter.add.f32 [tilespmem:s22], [sflag:$0x3], $0x80, s30, s25, $0xb8;
	[tilespmem:$0x1E400] =	vst v63  }
0x148: {  	_ =	swait.ge [sflag:s23], $0x4000  }
0x149: {  	[sflag:s23] =	ssyncset.done $0x0  }
0x14a: {  	s12 =	simm.s32 $0x0;
	[sflag:s23] =	ssyncadd.s32 $0xFFFFC000  }
0x14b: {  	[tilespmem:s22], [sflag:$0x1] =	stream.indirect.gather [hbm4b:s6+s25], $0x80, s12, s25, $0xb8;
	[tilespmem:$0x1E400] =	vst v63  }
0x14c: {  	_ =	swait.ge [sflag:s29], $0x4000  }
0x14d: {  	[sflag:s29] =	ssyncset.done $0x0  }
0x14e: {  	[sflag:s29] =	ssyncadd.s32 $0xFFFFC000  }
0x14f: {  	[spmem:s1] =	stream.indirect.scatter.add.f32 [tilespmem:s26], [sflag:$0x3], $0x80, s31, s25, $0xb8;
	[tilespmem:$0x1E400] =	vst v63  }
0x150: {  	_ =	swait.ge [sflag:s23], $0x4000  }
0x151: {  	[sflag:s23] =	ssyncset.done $0x0  }
0x152: {  	[sflag:s23] =	ssyncadd.s32 $0xFFFFC000  }
0x153: {  	[tilespmem:s26], [sflag:$0x2] =	stream.indirect.gather [hbm4b:s6+s25], $0x80, s25, s25, $0xb8;
	[tilespmem:$0x1E400] =	vst v63  }
0x154: {  	_ =	swait.ge [sflag:s28], $0x4000  }
0x155: {  	[sflag:s28] =	ssyncset.done $0x0  }
0x156: {  	[sflag:s28] =	ssyncadd.s32 $0xFFFFC000  }
0x157: {  	_ =	swait.ge [sflag:s29], $0x4000  }
0x158: {  	[sflag:s29] =	ssyncset.done $0x0  }
0x159: {  	s0 =	sadd.s32 $0x1, s0;
	[sflag:s29] =	ssyncadd.s32 $0xFFFFC000  }
0x15a: {  	p0 =	sne.s32 s0, s21;
	[bflag:$0x0] =	sbarrier.arrive $0xFFFF  }
0x15b: {  	[hbm:s20], [sflag:s3] =	dma.local [spmem:s2], $0x2780  }
.Ltmp6:
0x15c: {  	_ =	swait.ge [sflag:s23], $0x2780;
	(pc) =	sbr.rel @p0 .LBB2_1-.Ltmp6, $3  }
0x15d: {  	[sflag:s23] =	ssyncset.done $0x0  }
0x15e: {  	[sflag:s23] =	ssyncadd.s32 $0xFFFFD880  }
0x15f: {  	[bflag:$0x0] =	sbarrier.arrive $0xFFFF;
	_ =	sdelay $0x1  }
0x160: {  	_ =	sfence.sel $0x180000  }
0x161: {  	[bflag:$0x0] =	sbarrier.arrive $0xFFFF  }
0x162: {  	_ =	strace $0x9000004A  }
0x163: {  	s0 =	stileid.u32;
	[bflag:$0x2] =	sbarrier.arrive $0xFFFF  }
0x164: {  	p0 =	sne.s32 s0, $0x0;
	s0 =	rddreg [dreg:$0x3]  }
0x165: {  	s0 =	sadd.s32 @!p0 $0x100000, s0  }
0x166: {  	[sflag:s0] =	ssyncadd.tile.s32 @!p0 $0x1;
	_ =	shalt  }
.Lfunc_end2:
_tile_overlayer_lowered:
.L_overlay_start_2:
0x167: {  	(tag) =	ssettag $0x2  }
0x168: {  	s0 =	rddreg [dreg:$0x0];
	s2 =	stileid.u32  }
0x169: {  	s1 =	rddreg [dreg:$0x1];
	p0 =	sne.s32 s2, $0x0  }
0x16a: {  	s3 =	rddreg [dreg:$0x2];
	[bflag:$0x3] =	sbarrier.arrive $0xFFFF;
	s2 =	simm.s32 @!p0 $0x1C03  }
0x16b: {  	[timem:s3], [sflag:s2] =	dma.local @!p0 [hbm:s0], s1  }
0x16c: {  	s0 =	simm.s32 @!p0 $0x3  }
0x16d: {  	_ =	swait.ge @!p0 [sflag:s0], s1  }
0x16e: {  	s1 =	ssub.s32 @!p0 $0x0, s1;
	[sflag:s0] =	ssyncset.done @!p0 $0x0  }
0x16f: {  	[sflag:s0] =	ssyncadd.s32 @!p0 s1  }
0x170: {  	[bflag:$0x3] =	sbarrier.arrive $0xFFFF  }
0x171: {  	_ =	shalt  }

// kernel: kernel.17.cloned.1.call-start
scs
__scs_entry_jumppad:
0x0: {  	(pc) =	sbr.rel $0x88, $3  }
0x1: {  	(tag) =	ssettag $0x0;
	lr =	simm.s32 $0x1  }
0x2: {  	[smem:$0x3F89] =	sst lr;
	_ =	strace $0xD0000000  }
0x3: {  	_ = 	snop  }
0x4: {  	_ = 	snop  }
0x5: {  	_ = 	snop  }
0x6: {  	_ = 	snop  }
0x7: {  	_ = 	snop  }
__scs_overlays_trampoline_lowered:
0x8: {  	[smem:$0x3F98] =	sst s0  }
0x9: {  	[smem:$0x3F99] =	sst s1  }
0xa: {  	[smem:$0x3F9A] =	sst s2  }
0xb: {  	[smem:$0x3F9B] =	sst s3  }
0xc: {  	[smem:$0x3F9C] =	sst s4  }
0xd: {  	[smem:$0x3F9D] =	sst s5  }
0xe: {  	[smem:$0x3F9E] =	sst s6  }
0xf: {  	[smem:$0x3F9F] =	sst s7  }
0x10: {  	[smem:$0x3FA0] =	sst s8  }
0x11: {  	[smem:$0x3FA1] =	sst s9;
	s0 =	simm.s32 @!p0 $0x0  }
0x12: {  	s1 =	sld [smem:$0x3F87];
	s0 =	simm.s32 @p0 $0x1  }
0x13: {  	[smem:$0x3FA2] =	sst s0;
	s0 =	simm.s32 @!p1 $0x0  }
0x14: {  	s2 =	sld [smem:$0x3F86];
	s0 =	simm.s32 @p1 $0x1  }
0x15: {  	[smem:$0x3FA3] =	sst s0;
	s0 =	simm.s32 @!p2 $0x0  }
0x16: {  	s3 =	sld [smem:$0x3FDB];
	s0 =	simm.s32 @p2 $0x1  }
0x17: {  	s4 =	simm.s32 $0x1BF5;
	[smem:$0x3FA5] =	sst s0  }
0x18: {  	s0 =	sld [smem:$0x3F88];
	_ =	swait.ge [sflag:s4], $0x0  }
0x19: {  	s7 =	sld [smem:$0x3F89]  }
0x1a: {  	s8 =	sadd.s32 $0xFFFFE003, lr  }
0x1b: {  	s9 =	sadd.s32 $0xFFFFFEF7, lr;
	s5 =	simm.s32 $0xFFFFFFFF;
	p2 =	slt.u32 s8, $0xFFFFF086  }
0x1c: {  	p1 =	slt.u32 s9, $0xF7A;
	s5 =	simm.s32 @!p2 $0x0  }
0x1d: {  	s5 =	simm.s32 @p1 $0x1;
	p0 =	seq.s32 s7, s2  }
0x1e: {  	s7 =	smul.u32 @!p0 $0xF7A, s2;
	p2 =	seq.s32 @!p0 s5, $0x0  }
0x1f: {  	s9 =	smul.u32 $0xF7A, s1;
	s8 =	simm.s32 @!p0 $0x1BF5;
	p2 =	por !p2, p0  }
0x20: {  	[sflag:s8] =	ssyncset.s32 @!p0 $0xFFFFF086;
	s6 =	sadd.s32 @!p0 s3, s7;
	s7 =	simm.s32 @!p0 $0x108  }
0x21: {  	s3 =	sadd.s32 s3, s9;
	s6 =	sadd.s32 @!p0 $0x88, s6;
	s7 =	simm.s32 @p2 $0x1082  }
0x22: {  	[simem:s7], [sflag:s8] =	dma.local @!p0 [hbm:s6], $0xF7A  }
0x23: {  	s9 =	sor.u32 $0xD0000000, s2;
	s6 =	simm.s32 $0x108;
	_ =	swait.ge @!p0 [sflag:s8], $0x0  }
0x24: {  	s3 =	sadd.s32 $0x88, s3;
	s6 =	simm.s32 @!p1 $0x1082;
	[sflag:s4] =	ssyncset.s32 $0xFFFFF086  }
0x25: {  	[simem:s6], [sflag:s4] =	dma.local [hbm:s3], $0xF7A  }
0x26: {  	[smem:$0x3F89] =	sst s1;
	(tag) =	ssettag s2;
	_ =	strace s9  }
0x27: {  	s1 =	sld [smem:$0x3F99]  }
0x28: {  	s2 =	sld [smem:$0x3F9A]  }
0x29: {  	s4 =	sld [smem:$0x3F9C]  }
0x2a: {  	p0 =	seq.s32 s5, $0x0;
	s5 =	sld [smem:$0x3F9D]  }
0x2b: {  	s6 =	sld [smem:$0x3F9E]  }
0x2c: {  	s7 =	sld [smem:$0x3F9F]  }
0x2d: {  	s3 =	simm.s32 $0x108;
	s8 =	sld [smem:$0x3FA0]  }
0x2e: {  	s3 =	simm.s32 @!p0 $0x1082;
	s9 =	sld [smem:$0x3FA1]  }
0x2f: {  	lr =	sadd.s32 s0, s3;
	s0 =	sld [smem:$0x3F98]  }
0x30: {  	s3 =	sld [smem:$0x3F9B]  }
0x31: {  	[smem:$0x3FA4] =	sst s10  }
0x32: {  	s10 =	sld [smem:$0x3FA2];
	_ =	sdelay $0x3  }
0x33: {  	p0 =	seq.s32 s10, $0x1;
	s10 =	sld [smem:$0x3FA4];
	_ =	sdelay $0x3  }
0x34: {  	[smem:$0x3FA4] =	sst s10  }
0x35: {  	s10 =	sld [smem:$0x3FA3];
	_ =	sdelay $0x3  }
0x36: {  	p1 =	seq.s32 s10, $0x1;
	s10 =	sld [smem:$0x3FA4];
	_ =	sdelay $0x3  }
0x37: {  	[smem:$0x3FA4] =	sst s10  }
0x38: {  	s10 =	sld [smem:$0x3FA5]  }
0x39: {  	_ = 	snop;
	(pc) =	sbr.ind lr, $3  }
0x3a: {  	_ = 	snop  }
0x3b: {  	_ = 	snop  }
0x3c: {  	p2 =	seq.s32 s10, $0x1;
	s10 =	sld [smem:$0x3FA4]  }
0x3d: {  	_ =	shalt  }
0x3e: {  	_ =	shalt  }
0x3f: {  	_ =	shalt  }
0x40: {  	_ =	shalt  }
0x41: {  	_ =	shalt  }
0x42: {  	_ =	shalt  }
0x43: {  	_ =	shalt  }
0x44: {  	_ =	shalt  }
0x45: {  	_ =	shalt  }
0x46: {  	_ =	shalt  }
0x47: {  	_ =	shalt  }
0x48: {  	_ =	shalt  }
0x49: {  	_ =	shalt  }
0x4a: {  	_ =	shalt  }
0x4b: {  	_ =	shalt  }
0x4c: {  	_ =	shalt  }
0x4d: {  	_ =	shalt  }
0x4e: {  	_ =	shalt  }
0x4f: {  	_ =	shalt  }
0x50: {  	_ =	shalt  }
0x51: {  	_ =	shalt  }
0x52: {  	_ =	shalt  }
0x53: {  	_ =	shalt  }
0x54: {  	_ =	shalt  }
0x55: {  	_ =	shalt  }
0x56: {  	_ =	shalt  }
0x57: {  	_ =	shalt  }
0x58: {  	_ =	shalt  }
0x59: {  	_ =	shalt  }
0x5a: {  	_ =	shalt  }
0x5b: {  	_ =	shalt  }
0x5c: {  	_ =	shalt  }
0x5d: {  	_ =	shalt  }
0x5e: {  	_ =	shalt  }
0x5f: {  	_ =	shalt  }
0x60: {  	_ =	shalt  }
0x61: {  	_ =	shalt  }
0x62: {  	_ =	shalt  }
0x63: {  	_ =	shalt  }
0x64: {  	_ =	shalt  }
0x65: {  	_ =	shalt  }
0x66: {  	_ =	shalt  }
0x67: {  	_ =	shalt  }
0x68: {  	_ =	shalt  }
0x69: {  	_ =	shalt  }
0x6a: {  	_ =	shalt  }
0x6b: {  	_ =	shalt  }
0x6c: {  	_ =	shalt  }
0x6d: {  	_ =	shalt  }
0x6e: {  	_ =	shalt  }
0x6f: {  	_ =	shalt  }
0x70: {  	_ =	shalt  }
0x71: {  	_ =	shalt  }
0x72: {  	_ =	shalt  }
0x73: {  	_ =	shalt  }
0x74: {  	_ =	shalt  }
0x75: {  	_ =	shalt  }
0x76: {  	_ =	shalt  }
0x77: {  	_ =	shalt  }
0x78: {  	_ =	shalt  }
0x79: {  	_ =	shalt  }
0x7a: {  	_ =	shalt  }
0x7b: {  	_ =	shalt  }
0x7c: {  	_ =	shalt  }
0x7d: {  	_ =	shalt  }
0x7e: {  	_ =	shalt  }
0x7f: {  	_ =	shalt  }
0x80: {  	_ =	shalt  }
0x81: {  	_ =	shalt  }
0x82: {  	_ =	shalt  }
0x83: {  	_ =	shalt  }
0x84: {  	_ =	shalt  }
0x85: {  	_ =	shalt  }
0x86: {  	_ =	shalt  }
0x87: {  	_ =	shalt  }
.Lfunc_end0:
.L_simem_size_0:
called_computation.2_lowered:
.L_overlay_start_0:
0x88: {  	s2 =	sld [smem:$0x3FD9]  }
0x89: {  	s3 =	sld [smem:$0x3FFE];
	_ =	sdelay $0x1  }
0x8a: {  	s1 =	srdreg.scid  }
0x8b: {  	s0 =	sand.u32 $0x1, s1  }
0x8c: {  	s17 =	sshll.u32 s0, $0xA;
	s2 =	sadd.s32 s3, s2  }
0x8d: {  	s2 =	sadd.s32 s2, s17  }
0x8e: {  	[smem:$0x3FB0] =	sst s2  }
0x8f: {  	_ = 	snop  }
0x90: {  	s2 =	sld [smem:$0x3FD0];
	(tm) =	ssettm $0x1  }
0x91: {  	s18 =	sld [smem:$0x3FFB];
	_ =	sdelay $0x3  }
0x92: {  	_ =	strace s18  }
0x93: {  	s3 =	sld [smem:$0x3FFC];
	_ =	sdelay $0x3  }
0x94: {  	_ =	strace s3  }
0x95: {  	s3 =	sld [smem:$0x3FFD];
	_ =	sdelay $0x3  }
0x96: {  	_ =	strace s3  }
0x97: {  	_ =	strace $0x8FFFFFFF  }
0x98: {  	s19 =	sld [smem:$0x3FDB];
	_ =	sdelay $0x1  }
0x99: {  	s4 =	simm.s32 $_scs_section_size  }
0x9a: {  	s5 =	simm.s32 $_size__tile_overlayer_lowered;
	s6 =	simm.s32 $_tile_overlayer_lowered  }
0x9b: {  	s22 =	simm.s32 $0x1BFF;
	s21 =	sshll.u32 s6, $0x1;
	s3 =	sadd.s32 s4, s19  }
0x9c: {  	s7 =	simm.s32 $0x0;
	s20 =	sshll.u32 s5, $0x1;
	s5 =	sadd.s32 s21, s3  }
0x9d: {  	[timem:s7], [sflag:s22] =	dma.local [hbm:s5], s20  }
0x9e: {  	_ =	swait.ge [sflag:s22], s20  }
0x9f: {  	s4 =	ssub.s32 $0x0, s20;
	[sflag:s22] =	ssyncset.done $0x0  }
0xa0: {  	[sflag:s22] =	ssyncadd.s32 s4;
	_ =	sdelay $0x1  }
0xa1: {  	s23 =	simm.s32 $0x1B8B  }
0xa2: {  	_ =	swait.ge [sflag:s23], $0x1  }
0xa3: {  	[sflag:s23] =	ssyncset.done $0x0  }
0xa4: {  	s25 =	simm.s32 $0x1B8E;
	s24 =	sld [smem:$0x3FFE];
	[sflag:s23] =	ssyncadd.s32 $0xFFFFFFFF  }
0xa5: {  	s26 =	simm.s32 $execute0_lowered;
	[smem:$0x3FD2] =	sst s25  }
0xa6: {  	s5 =	sshll.u32 s26, $0x1;
	_ =	strace $0x8000004C;
	[dreg:$0x1] =	wrdreg $0xFFFFFFFF  }
0xa7: {  	s28 =	simm.s32 $_size_execute0_lowered;
	s3 =	sadd.s32 s3, s5;
	[dreg:$0x0] =	wrdreg $0x0  }
0xa8: {  	s5 =	sshll.u32 s28, $0x1;
	[dreg:$0x2] =	wrdreg s3  }
0xa9: {  	[dreg:$0x3] =	wrdreg s5  }
0xaa: {  	[dreg:$0x4] =	wrdreg $0xC0  }
0xab: {  	_ =	task [dreg:s7], $0x5FFFF  }
0xac: {  	[dreg:$0x1] =	wrdreg $0xFFFFFFFF  }
0xad: {  	[dreg:$0x0] =	wrdreg $0x60  }
0xae: {  	[dreg:$0x2] =	wrdreg s24  }
0xaf: {  	[dreg:$0x3] =	wrdreg s2  }
0xb0: {  	[dreg:$0x4] =	wrdreg $0xA8000  }
0xb1: {  	[dreg:$0x5] =	wrdreg $0x9  }
0xb2: {  	_ =	task.clear_ibuf [dreg:s7], $0x6FFFF;
	_ =	strace $0x9000004C  }
0xb3: {  	s29 =	simm.s32 $0x9;
	_ =	strace $0x8000004E  }
0xb4: {  	_ =	swait.ge [sflag:s29], $0x1  }
0xb5: {  	[sflag:s29] =	ssyncadd.s32 $0xFFFFFFFF  }
0xb6: {  	_ =	strace $0x9000004E  }
0xb7: {  	_ =	sfence  }
0xb8: {  	s30 =	sld [smem:$0x0];
	_ =	sdelay $0x2  }
0xb9: {  	s31 =	sshll.u32 s1, $0xD;
	s1 =	sshrl.u32 s1, $0x2  }
0xba: {  	s3 =	sand.u32 $0x4000, s31;
	s1 =	sadd.s32 s1, s30  }
0xbb: {  	s0 =	sor.u32 s3, s0;
	s1 =	sshll.u32 s1, $0x11  }
0xbc: {  	s0 =	sor.u32 s1, s0  }
0xbd: {  	s0 =	sadd.s32 $0x8F2B, s0  }
0xbe: {  	[sflag:s0] =	ssyncadd.remote.s32 $0x1  }
0xbf: {  	_ =	sfence.sel $0xFFFF  }
0xc0: {  	[dreg:$0x0] =	wrdreg $0xFFFFFFFF;
	(pc) =	sbr.abs _section_cstart, $3  }
0xc1: {  	[dreg:$0x1] =	wrdreg $0xFFFFFFFF  }
0xc2: {  	_ =	task.clear_ibuf [dreg:s7], $0x2FFFF;
	_ =	strace $0x9FFFFFFF  }
0xc3: {  	(tm) =	ssettm $0x7FFFFFFF  }
tec
execute0_lowered:
.L_overlay_start_1:
0x0: {  	(tag) =	ssettag $0x1  }
0x1: {  	s0 =	rddreg [dreg:$0x0]  }
0x2: {  	s2 =	rddreg [dreg:$0x1]  }
0x3: {  	s1 =	rddreg [dreg:$0x2]  }
0x4: {  	s4 =	simm.s32 $0x0;
	s3 =	srdreg.scid;
	s10 =	stileid.u32  }
0x5: {  	s22 =	simm.s32 $0x2800;
	s28 =	simm.s32 $0x1;
	s29 =	simm.s32 $0x2  }
0x6: {  	s30 =	simm.s32 $0x2700;
	s31 =	simm.s32 $0x2780;
	[smem:$0x7FF] =	sst s4  }
0x7: {  	s3 =	sand.u32 $0x1, s3;
	s4 =	sadd.s32 $0x3A400, s0;
	s8 =	smul.u32 $0x13C00, s10  }
0x8: {  	s5 =	sadd.s32 $0x61C00, s0;
	s6 =	sadd.s32 $0x12C00, s0;
	s9 =	smul.u32 $0x4F000, s10  }
0x9: {  	s7 =	smul.u32 $0x13C000, s3;
	s23 =	sshll.u32 s3, $0x4;
	s3 =	ssub.s32 $0x2, s3  }
0xa: {  	s12 =	sadd.s32 $0x3C00, s0;
	_ =	strace $0x8000004D;
	s24 =	sshrl.u32 s3, $0x1  }
0xb: {  	s9 =	sshrl.u32 s9, $0x2;
	s7 =	sadd.s32 s8, s7;
	s8 =	sor.u32 s10, s23  }
0xc: {  	s3 =	ssub.s32 s3, s24;
	s23 =	simm.s32 $0x3;
	s7 =	sshrl.u32 s7, $0x3  }
0xd: {  	s11 =	smul.u32 $0x1400, s8;
	s0 =	sadd.s32 s7, s0;
	s7 =	sadd.s32 s9, s1  }
0xe: {  	s24 =	simm.s32 $0x1400;
	s21 =	smax.u32 s3, $0x1;
	s8 =	sadd.s32 $0x4000, s7  }
0xf: {  	s9 =	sadd.s32 $0x8000, s7;
	s13 =	sshrl.u32 s11, $0x3;
	s10 =	sadd.s32 $0xC000, s7  }
0x10: {  	s11 =	sadd.s32 $0x10000, s7;
	s26 =	sadd.s32 $0x89400, s0;
	s17 =	sadd.s32 $0xD8400, s0  }
0x11: {  	s20 =	sadd.s32 $0x127400, s0;
	s0 =	simm.s32 $0x0;
	s14 =	sadd.s32 s2, s13  }
0x12: {  	s25 =	sadd.s32 s12, s13;
	[dreg:$0x6] =	wrdreg s26;
	s16 =	sadd.s32 $0x5000, s13  }
0x13: {  	s13 =	sadd.s32 $0xA000, s13;
	s26 =	simm.s32 $0x6800;
	[dreg:$0x4] =	wrdreg s14  }
0x14: {  	[dreg:$0x5] =	wrdreg s25;
	s15 =	sadd.s32 s2, s16;
	s16 =	sadd.s32 s12, s16  }
0x15: {  	v0 =	vimm.f32 $0.0e+00;
	s18 =	sadd.s32 s2, s13;
	s19 =	sadd.s32 s12, s13;
	s25 =	simm.s32 $0x80  }
.LBB2_1:
0x16: {  	s2 =	simm.s32 $0x0;
	s3 =	simm.s32 $0x200  }
.LBB2_2:
0x17: {  	p0 =	sne.s32 s3, $0xFE00;
	[tilespmem:s2+$0x2870] =	vst v0  }
0x18: {  	[tilespmem:s2+$0x2800] =	vst v0  }
0x19: {  	[tilespmem:s2+$0x2810] =	vst v0  }
.Ltmp0:
0x1a: {  	[tilespmem:s2+$0x2820] =	vst v0;
	(pc) =	sbr.rel @p0 .LBB2_2-.Ltmp0, $4  }
0x1b: {  	[tilespmem:s2+$0x2830] =	vst v0  }
0x1c: {  	[tilespmem:s2+$0x2840] =	vst v0  }
0x1d: {  	[tilespmem:s2+$0x2850] =	vst v0  }
0x1e: {  	[tilespmem:s2+$0x2860] =	vst v0;
	s2 =	sshra.s32 s3, $0x2;
	s3 =	sadd.s32 $0x200, s3  }
0x1f: {  	[tilespmem:s2+$0x2870] =	vst v0  }
0x20: {  	[tilespmem:s2+$0x2800] =	vst v0  }
0x21: {  	[tilespmem:s2+$0x2810] =	vst v0  }
0x22: {  	[tilespmem:s2+$0x2820] =	vst v0  }
0x23: {  	[tilespmem:s2+$0x2830] =	vst v0  }
0x24: {  	[tilespmem:s2+$0x2840] =	vst v0  }
0x25: {  	[tilespmem:s2+$0x2850] =	vst v0  }
0x26: {  	[tilespmem:s2+$0x2860] =	vst v0  }
0x27: {  	[spmem:s7] =	stream.linear.scatter [tilespmem:s22], [sflag:$0x3], $0x4000, $0x38;
	[tilespmem:$0x1E400] =	vst v63  }
0x28: {  	_ =	swait.ge [sflag:s23], $0x4000  }
0x29: {  	[sflag:s23] =	ssyncset.done $0x0  }
0x2a: {  	[sflag:s23] =	ssyncadd.s32 $0xFFFFC000  }
0x2b: {  	[spmem:s8] =	stream.linear.scatter [tilespmem:s22], [sflag:$0x3], $0x4000, $0x38;
	[tilespmem:$0x1E400] =	vst v63  }
0x2c: {  	_ =	swait.ge [sflag:s23], $0x4000  }
0x2d: {  	[sflag:s23] =	ssyncset.done $0x0  }
0x2e: {  	[sflag:s23] =	ssyncadd.s32 $0xFFFFC000  }
0x2f: {  	[spmem:s9] =	stream.linear.scatter [tilespmem:s22], [sflag:$0x3], $0x4000, $0x38;
	[tilespmem:$0x1E400] =	vst v63  }
0x30: {  	_ =	swait.ge [sflag:s23], $0x4000  }
0x31: {  	[sflag:s23] =	ssyncset.done $0x0  }
0x32: {  	[sflag:s23] =	ssyncadd.s32 $0xFFFFC000  }
0x33: {  	[spmem:s10] =	stream.linear.scatter [tilespmem:s22], [sflag:$0x3], $0x4000, $0x38;
	[tilespmem:$0x1E400] =	vst v63  }
0x34: {  	_ =	swait.ge [sflag:s23], $0x4000  }
0x35: {  	[sflag:s23] =	ssyncset.done $0x0  }
0x36: {  	[sflag:s23] =	ssyncadd.s32 $0xFFFFC000  }
0x37: {  	[spmem:s11] =	stream.linear.scatter [tilespmem:s22], [sflag:$0x3], $0x3C00, $0x38;
	[tilespmem:$0x1E400] =	vst v63  }
0x38: {  	_ =	swait.ge [sflag:s23], $0x3C00  }
0x39: {  	[sflag:s23] =	ssyncset.done $0x0  }
0x3a: {  	[sflag:s23] =	ssyncadd.s32 $0xFFFFC400  }
0x3b: {  	[bflag:$0x0] =	sbarrier.arrive $0xFFFF  }
0x3c: {  	s13 =	simm.s32 $0x0;
	s3 =	rddreg [dreg:$0x4]  }
0x3d: {  	[tilespmem:s13], [sflag:$0x3] =	stream.linear.gather [hbm4b:s3+s13], $0x1400, $0x38;
	[tilespmem:$0x1E400] =	vst v63  }
0x3e: {  	_ =	swait.ge [sflag:s23], $0x1400  }
0x3f: {  	[sflag:s23] =	ssyncset.done $0x0  }
0x40: {  	s14 =	rddreg [dreg:$0x5];
	[sflag:s23] =	ssyncadd.s32 $0xFFFFEC00  }
0x41: {  	[tilespmem:s24], [sflag:$0x3] =	stream.linear.gather [hbm4b:s14+s13], $0x1400, $0x38;
	[tilespmem:$0x1E400] =	vst v63  }
0x42: {  	_ =	swait.ge [sflag:s23], $0x1400  }
0x43: {  	[sflag:s23] =	ssyncset.done $0x0  }
0x44: {  	[sflag:s23] =	ssyncadd.s32 $0xFFFFEC00  }
0x45: {  	[tilespmem:s22], [sflag:$0x1] =	stream.indirect.gather [hbm4b:s4+s25], $0x80, s13, s25, $0xb8;
	[tilespmem:$0x1E400] =	vst v63  }
0x46: {  	_ = 	snop  }
0x47: {  	[tilespmem:s26], [sflag:$0x2] =	stream.indirect.gather [hbm4b:s4+s25], $0x80, s25, s25, $0xb8;
	[tilespmem:$0x1E400] =	vst v63  }
0x48: {  	_ =	swait.ge [sflag:s28], $0x4000  }
0x49: {  	[sflag:s28] =	ssyncset.done $0x0  }
0x4a: {  	s12 =	simm.s32 $0x1400;
	[sflag:s28] =	ssyncadd.s32 $0xFFFFC000  }
0x4b: {  	[spmem:s1] =	stream.indirect.scatter.add.f32 [tilespmem:s22], [sflag:$0x3], $0x80, s12, s25, $0xb8;
	[tilespmem:$0x1E400] =	vst v63  }
0x4c: {  	_ =	swait.ge [sflag:s23], $0x4000  }
0x4d: {  	[sflag:s23] =	ssyncset.done $0x0  }
0x4e: {  	s13 =	simm.s32 $0x100;
	[sflag:s23] =	ssyncadd.s32 $0xFFFFC000  }
0x4f: {  	[tilespmem:s22], [sflag:$0x1] =	stream.indirect.gather [hbm4b:s4+s25], $0x80, s13, s25, $0xb8;
	[tilespmem:$0x1E400] =	vst v63  }
0x50: {  	_ =	swait.ge [sflag:s29], $0x4000  }
0x51: {  	[sflag:s29] =	ssyncset.done $0x0  }
0x52: {  	s14 =	simm.s32 $0x1480;
	[sflag:s29] =	ssyncadd.s32 $0xFFFFC000  }
0x53: {  	[spmem:s1] =	stream.indirect.scatter.add.f32 [tilespmem:s26], [sflag:$0x3], $0x80, s14, s25, $0xb8;
	[tilespmem:$0x1E400] =	vst v63  }
0x54: {  	_ =	swait.ge [sflag:s23], $0x4000  }
0x55: {  	[sflag:s23] =	ssyncset.done $0x0  }
0x56: {  	s2 =	simm.s32 $0x400;
	s3 =	simm.s32 $0x180;
	[sflag:s23] =	ssyncadd.s32 $0xFFFFC000  }
.LBB2_4:
0x57: {  	[tilespmem:s26], [sflag:$0x2] =	stream.indirect.gather [hbm4b:s4+s25], $0x80, s3, s25, $0xb8;
	[tilespmem:$0x1E400] =	vst v63  }
0x58: {  	s3 =	smov.u32 s2  }
0x59: {  	p0 =	sne.s32 s2, $0x4800;
	s2 =	sadd.s32 $0x400, s2;
	_ =	swait.ge [sflag:s28], $0x4000  }
0x5a: {  	s3 =	sshra.s32 s3, $0x2;
	[sflag:s28] =	ssyncset.done $0x0  }
0x5b: {  	s12 =	sadd.s32 $0x1400, s3;
	[sflag:s28] =	ssyncadd.s32 $0xFFFFC000  }
0x5c: {  	[spmem:s1] =	stream.indirect.scatter.add.f32 [tilespmem:s22], [sflag:$0x3], $0x80, s12, s25, $0xb8;
	[tilespmem:$0x1E400] =	vst v63  }
0x5d: {  	_ =	swait.ge [sflag:s23], $0x4000  }
0x5e: {  	[sflag:s23] =	ssyncset.done $0x0  }
0x5f: {  	s12 =	sadd.s32 $0x100, s3;
	[sflag:s23] =	ssyncadd.s32 $0xFFFFC000  }
0x60: {  	[tilespmem:s22], [sflag:$0x1] =	stream.indirect.gather [hbm4b:s4+s25], $0x80, s12, s25, $0xb8;
	[tilespmem:$0x1E400] =	vst v63  }
0x61: {  	_ =	swait.ge [sflag:s29], $0x4000  }
0x62: {  	[sflag:s29] =	ssyncset.done $0x0  }
.Ltmp1:
0x63: {  	s12 =	sadd.s32 $0x1480, s3;
	[sflag:s29] =	ssyncadd.s32 $0xFFFFC000;
	(pc) =	sbr.rel @p0 .LBB2_4-.Ltmp1, $4  }
0x64: {  	[spmem:s1] =	stream.indirect.scatter.add.f32 [tilespmem:s26], [sflag:$0x3], $0x80, s12, s25, $0xb8;
	[tilespmem:$0x1E400] =	vst v63  }
0x65: {  	_ =	swait.ge [sflag:s23], $0x4000  }
0x66: {  	[sflag:s23] =	ssyncset.done $0x0  }
0x67: {  	s3 =	sadd.s32 $0x180, s3;
	[sflag:s23] =	ssyncadd.s32 $0xFFFFC000  }
0x68: {  	[tilespmem:s26], [sflag:$0x2] =	stream.indirect.gather [hbm4b:s4+s25], $0x80, s3, s25, $0xb8;
	[tilespmem:$0x1E400] =	vst v63  }
0x69: {  	_ =	swait.ge [sflag:s28], $0x4000  }
0x6a: {  	[sflag:s28] =	ssyncset.done $0x0  }
0x6b: {  	[sflag:s28] =	ssyncadd.s32 $0xFFFFC000  }
0x6c: {  	[spmem:s1] =	stream.indirect.scatter.add.f32 [tilespmem:s22], [sflag:$0x3], $0x80, s30, s25, $0xb8;
	[tilespmem:$0x1E400] =	vst v63  }
0x6d: {  	_ =	swait.ge [sflag:s23], $0x4000  }
0x6e: {  	[sflag:s23] =	ssyncset.done $0x0  }
0x6f: {  	s2 =	simm.s32 $0x0;
	[sflag:s23] =	ssyncadd.s32 $0xFFFFC000  }
0x70: {  	[tilespmem:s22], [sflag:$0x1] =	stream.indirect.gather [hbm4b:s4+s25], $0x80, s2, s25, $0xb8;
	[tilespmem:$0x1E400] =	vst v63  }
0x71: {  	_ =	swait.ge [sflag:s29], $0x4000  }
0x72: {  	[sflag:s29] =	ssyncset.done $0x0  }
0x73: {  	[sflag:s29] =	ssyncadd.s32 $0xFFFFC000  }
0x74: {  	[spmem:s1] =	stream.indirect.scatter.add.f32 [tilespmem:s26], [sflag:$0x3], $0x80, s31, s25, $0xb8;
	[tilespmem:$0x1E400] =	vst v63  }
0x75: {  	_ =	swait.ge [sflag:s23], $0x4000  }
0x76: {  	[sflag:s23] =	ssyncset.done $0x0  }
0x77: {  	[sflag:s23] =	ssyncadd.s32 $0xFFFFC000  }
0x78: {  	[tilespmem:s26], [sflag:$0x2] =	stream.indirect.gather [hbm4b:s4+s25], $0x80, s25, s25, $0xb8;
	[tilespmem:$0x1E400] =	vst v63  }
0x79: {  	_ =	swait.ge [sflag:s28], $0x4000  }
0x7a: {  	[sflag:s28] =	ssyncset.done $0x0  }
0x7b: {  	[sflag:s28] =	ssyncadd.s32 $0xFFFFC000  }
0x7c: {  	_ =	swait.ge [sflag:s29], $0x4000  }
0x7d: {  	[sflag:s29] =	ssyncset.done $0x0  }
0x7e: {  	s14 =	stileid.u32;
	[sflag:s29] =	ssyncadd.s32 $0xFFFFC000  }
0x7f: {  	s2 =	sshll.u32 s14, $0x6;
	[bflag:$0x0] =	sbarrier.arrive $0xFFFF  }
0x80: {  	s3 =	sor.u32 $0x1C03, s2;
	s2 =	sshrl.u32 s7, $0x3;
	s12 =	rddreg [dreg:$0x6]  }
0x81: {  	[hbm:s12], [sflag:s3] =	dma.local [spmem:s2], $0x2780  }
0x82: {  	_ =	swait.ge [sflag:s23], $0x2780  }
0x83: {  	[sflag:s23] =	ssyncset.done $0x0  }
0x84: {  	[sflag:s23] =	ssyncadd.s32 $0xFFFFD880  }
0x85: {  	s13 =	simm.s32 $0x200;
	s12 =	simm.s32 $0x0;
	[bflag:$0x0] =	sbarrier.arrive $0xFFFF  }
.LBB2_6:
0x86: {  	p0 =	sne.s32 s13, $0xFE00;
	[tilespmem:s12+$0x2870] =	vst v0  }
0x87: {  	[tilespmem:s12+$0x2800] =	vst v0  }
0x88: {  	[tilespmem:s12+$0x2810] =	vst v0  }
.Ltmp2:
0x89: {  	[tilespmem:s12+$0x2820] =	vst v0;
	(pc) =	sbr.rel @p0 .LBB2_6-.Ltmp2, $4  }
0x8a: {  	[tilespmem:s12+$0x2830] =	vst v0  }
0x8b: {  	[tilespmem:s12+$0x2840] =	vst v0  }
0x8c: {  	[tilespmem:s12+$0x2850] =	vst v0  }
0x8d: {  	[tilespmem:s12+$0x2860] =	vst v0;
	s12 =	sshra.s32 s13, $0x2;
	s13 =	sadd.s32 $0x200, s13  }
0x8e: {  	[tilespmem:s12+$0x2870] =	vst v0  }
0x8f: {  	[tilespmem:s12+$0x2800] =	vst v0  }
0x90: {  	[tilespmem:s12+$0x2810] =	vst v0  }
0x91: {  	[tilespmem:s12+$0x2820] =	vst v0  }
0x92: {  	[tilespmem:s12+$0x2830] =	vst v0  }
0x93: {  	[tilespmem:s12+$0x2840] =	vst v0  }
0x94: {  	[tilespmem:s12+$0x2850] =	vst v0  }
0x95: {  	[tilespmem:s12+$0x2860] =	vst v0  }
0x96: {  	[spmem:s7] =	stream.linear.scatter [tilespmem:s22], [sflag:$0x3], $0x4000, $0x38;
	[tilespmem:$0x1E400] =	vst v63  }
0x97: {  	_ =	swait.ge [sflag:s23], $0x4000  }
0x98: {  	[sflag:s23] =	ssyncset.done $0x0  }
0x99: {  	[sflag:s23] =	ssyncadd.s32 $0xFFFFC000  }
0x9a: {  	[spmem:s8] =	stream.linear.scatter [tilespmem:s22], [sflag:$0x3], $0x4000, $0x38;
	[tilespmem:$0x1E400] =	vst v63  }
0x9b: {  	_ =	swait.ge [sflag:s23], $0x4000  }
0x9c: {  	[sflag:s23] =	ssyncset.done $0x0  }
0x9d: {  	[sflag:s23] =	ssyncadd.s32 $0xFFFFC000  }
0x9e: {  	[spmem:s9] =	stream.linear.scatter [tilespmem:s22], [sflag:$0x3], $0x4000, $0x38;
	[tilespmem:$0x1E400] =	vst v63  }
0x9f: {  	_ =	swait.ge [sflag:s23], $0x4000  }
0xa0: {  	[sflag:s23] =	ssyncset.done $0x0  }
0xa1: {  	[sflag:s23] =	ssyncadd.s32 $0xFFFFC000  }
0xa2: {  	[spmem:s10] =	stream.linear.scatter [tilespmem:s22], [sflag:$0x3], $0x4000, $0x38;
	[tilespmem:$0x1E400] =	vst v63  }
0xa3: {  	_ =	swait.ge [sflag:s23], $0x4000  }
0xa4: {  	[sflag:s23] =	ssyncset.done $0x0  }
0xa5: {  	[sflag:s23] =	ssyncadd.s32 $0xFFFFC000  }
0xa6: {  	[spmem:s11] =	stream.linear.scatter [tilespmem:s22], [sflag:$0x3], $0x3C00, $0x38;
	[tilespmem:$0x1E400] =	vst v63  }
0xa7: {  	_ =	swait.ge [sflag:s23], $0x3C00  }
0xa8: {  	[sflag:s23] =	ssyncset.done $0x0  }
0xa9: {  	[sflag:s23] =	ssyncadd.s32 $0xFFFFC400  }
0xaa: {  	s13 =	simm.s32 $0x0;
	[bflag:$0x0] =	sbarrier.arrive $0xFFFF  }
0xab: {  	[tilespmem:s13], [sflag:$0x3] =	stream.linear.gather [hbm4b:s15+s13], $0x1400, $0x38;
	[tilespmem:$0x1E400] =	vst v63  }
0xac: {  	_ =	swait.ge [sflag:s23], $0x1400  }
0xad: {  	[sflag:s23] =	ssyncset.done $0x0  }
0xae: {  	[sflag:s23] =	ssyncadd.s32 $0xFFFFEC00  }
0xaf: {  	[tilespmem:s24], [sflag:$0x3] =	stream.linear.gather [hbm4b:s16+s13], $0x1400, $0x38;
	[tilespmem:$0x1E400] =	vst v63  }
0xb0: {  	_ =	swait.ge [sflag:s23], $0x1400  }
0xb1: {  	[sflag:s23] =	ssyncset.done $0x0  }
0xb2: {  	[sflag:s23] =	ssyncadd.s32 $0xFFFFEC00  }
0xb3: {  	[tilespmem:s22], [sflag:$0x1] =	stream.indirect.gather [hbm4b:s5+s25], $0x80, s13, s25, $0xb8;
	[tilespmem:$0x1E400] =	vst v63  }
0xb4: {  	_ = 	snop  }
0xb5: {  	[tilespmem:s26], [sflag:$0x2] =	stream.indirect.gather [hbm4b:s5+s25], $0x80, s25, s25, $0xb8;
	[tilespmem:$0x1E400] =	vst v63  }
0xb6: {  	_ =	swait.ge [sflag:s28], $0x4000  }
0xb7: {  	[sflag:s28] =	ssyncset.done $0x0  }
0xb8: {  	s14 =	simm.s32 $0x1400;
	[sflag:s28] =	ssyncadd.s32 $0xFFFFC000  }
0xb9: {  	[spmem:s1] =	stream.indirect.scatter.add.f32 [tilespmem:s22], [sflag:$0x3], $0x80, s14, s25, $0xb8;
	[tilespmem:$0x1E400] =	vst v63  }
0xba: {  	_ =	swait.ge [sflag:s23], $0x4000  }
0xbb: {  	[sflag:s23] =	ssyncset.done $0x0  }
0xbc: {  	s13 =	simm.s32 $0x100;
	[sflag:s23] =	ssyncadd.s32 $0xFFFFC000  }
0xbd: {  	[tilespmem:s22], [sflag:$0x1] =	stream.indirect.gather [hbm4b:s5+s25], $0x80, s13, s25, $0xb8;
	[tilespmem:$0x1E400] =	vst v63  }
0xbe: {  	_ =	swait.ge [sflag:s29], $0x4000  }
0xbf: {  	[sflag:s29] =	ssyncset.done $0x0  }
0xc0: {  	s14 =	simm.s32 $0x1480;
	[sflag:s29] =	ssyncadd.s32 $0xFFFFC000  }
0xc1: {  	[spmem:s1] =	stream.indirect.scatter.add.f32 [tilespmem:s26], [sflag:$0x3], $0x80, s14, s25, $0xb8;
	[tilespmem:$0x1E400] =	vst v63  }
0xc2: {  	_ =	swait.ge [sflag:s23], $0x4000  }
0xc3: {  	[sflag:s23] =	ssyncset.done $0x0  }
0xc4: {  	s12 =	simm.s32 $0x400;
	s13 =	simm.s32 $0x180;
	[sflag:s23] =	ssyncadd.s32 $0xFFFFC000  }
.LBB2_8:
0xc5: {  	[tilespmem:s26], [sflag:$0x2] =	stream.indirect.gather [hbm4b:s5+s25], $0x80, s13, s25, $0xb8;
	[tilespmem:$0x1E400] =	vst v63  }
0xc6: {  	s13 =	smov.u32 s12  }
0xc7: {  	p0 =	sne.s32 s12, $0x4800;
	s12 =	sadd.s32 $0x400, s12;
	_ =	swait.ge [sflag:s28], $0x4000  }
0xc8: {  	s13 =	sshra.s32 s13, $0x2;
	[sflag:s28] =	ssyncset.done $0x0  }
0xc9: {  	s14 =	sadd.s32 $0x1400, s13;
	[sflag:s28] =	ssyncadd.s32 $0xFFFFC000  }
0xca: {  	[spmem:s1] =	stream.indirect.scatter.add.f32 [tilespmem:s22], [sflag:$0x3], $0x80, s14, s25, $0xb8;
	[tilespmem:$0x1E400] =	vst v63  }
0xcb: {  	_ =	swait.ge [sflag:s23], $0x4000  }
0xcc: {  	[sflag:s23] =	ssyncset.done $0x0  }
0xcd: {  	s14 =	sadd.s32 $0x100, s13;
	[sflag:s23] =	ssyncadd.s32 $0xFFFFC000  }
0xce: {  	[tilespmem:s22], [sflag:$0x1] =	stream.indirect.gather [hbm4b:s5+s25], $0x80, s14, s25, $0xb8;
	[tilespmem:$0x1E400] =	vst v63  }
0xcf: {  	_ =	swait.ge [sflag:s29], $0x4000  }
0xd0: {  	[sflag:s29] =	ssyncset.done $0x0  }
.Ltmp3:
0xd1: {  	s14 =	sadd.s32 $0x1480, s13;
	[sflag:s29] =	ssyncadd.s32 $0xFFFFC000;
	(pc) =	sbr.rel @p0 .LBB2_8-.Ltmp3, $4  }
0xd2: {  	[spmem:s1] =	stream.indirect.scatter.add.f32 [tilespmem:s26], [sflag:$0x3], $0x80, s14, s25, $0xb8;
	[tilespmem:$0x1E400] =	vst v63  }
0xd3: {  	_ =	swait.ge [sflag:s23], $0x4000  }
0xd4: {  	[sflag:s23] =	ssyncset.done $0x0  }
0xd5: {  	s13 =	sadd.s32 $0x180, s13;
	[sflag:s23] =	ssyncadd.s32 $0xFFFFC000  }
0xd6: {  	[tilespmem:s26], [sflag:$0x2] =	stream.indirect.gather [hbm4b:s5+s25], $0x80, s13, s25, $0xb8;
	[tilespmem:$0x1E400] =	vst v63  }
0xd7: {  	_ =	swait.ge [sflag:s28], $0x4000  }
0xd8: {  	[sflag:s28] =	ssyncset.done $0x0  }
0xd9: {  	[sflag:s28] =	ssyncadd.s32 $0xFFFFC000  }
0xda: {  	[spmem:s1] =	stream.indirect.scatter.add.f32 [tilespmem:s22], [sflag:$0x3], $0x80, s30, s25, $0xb8;
	[tilespmem:$0x1E400] =	vst v63  }
0xdb: {  	_ =	swait.ge [sflag:s23], $0x4000  }
0xdc: {  	[sflag:s23] =	ssyncset.done $0x0  }
0xdd: {  	s12 =	simm.s32 $0x0;
	[sflag:s23] =	ssyncadd.s32 $0xFFFFC000  }
0xde: {  	[tilespmem:s22], [sflag:$0x1] =	stream.indirect.gather [hbm4b:s5+s25], $0x80, s12, s25, $0xb8;
	[tilespmem:$0x1E400] =	vst v63  }
0xdf: {  	_ =	swait.ge [sflag:s29], $0x4000  }
0xe0: {  	[sflag:s29] =	ssyncset.done $0x0  }
0xe1: {  	[sflag:s29] =	ssyncadd.s32 $0xFFFFC000  }
0xe2: {  	[spmem:s1] =	stream.indirect.scatter.add.f32 [tilespmem:s26], [sflag:$0x3], $0x80, s31, s25, $0xb8;
	[tilespmem:$0x1E400] =	vst v63  }
0xe3: {  	_ =	swait.ge [sflag:s23], $0x4000  }
0xe4: {  	[sflag:s23] =	ssyncset.done $0x0  }
0xe5: {  	[sflag:s23] =	ssyncadd.s32 $0xFFFFC000  }
0xe6: {  	[tilespmem:s26], [sflag:$0x2] =	stream.indirect.gather [hbm4b:s5+s25], $0x80, s25, s25, $0xb8;
	[tilespmem:$0x1E400] =	vst v63  }
0xe7: {  	_ =	swait.ge [sflag:s28], $0x4000  }
0xe8: {  	[sflag:s28] =	ssyncset.done $0x0  }
0xe9: {  	[sflag:s28] =	ssyncadd.s32 $0xFFFFC000  }
0xea: {  	_ =	swait.ge [sflag:s29], $0x4000  }
0xeb: {  	[sflag:s29] =	ssyncset.done $0x0  }
0xec: {  	[sflag:s29] =	ssyncadd.s32 $0xFFFFC000  }
0xed: {  	[bflag:$0x0] =	sbarrier.arrive $0xFFFF  }
0xee: {  	[hbm:s17], [sflag:s3] =	dma.local [spmem:s2], $0x2780  }
0xef: {  	_ =	swait.ge [sflag:s23], $0x2780  }
0xf0: {  	[sflag:s23] =	ssyncset.done $0x0  }
0xf1: {  	[sflag:s23] =	ssyncadd.s32 $0xFFFFD880  }
0xf2: {  	s13 =	simm.s32 $0x200;
	s12 =	simm.s32 $0x0;
	[bflag:$0x0] =	sbarrier.arrive $0xFFFF  }
.LBB2_10:
0xf3: {  	p0 =	sne.s32 s13, $0xFE00;
	[tilespmem:s12+$0x2870] =	vst v0  }
0xf4: {  	[tilespmem:s12+$0x2800] =	vst v0  }
0xf5: {  	[tilespmem:s12+$0x2810] =	vst v0  }
.Ltmp4:
0xf6: {  	[tilespmem:s12+$0x2820] =	vst v0;
	(pc) =	sbr.rel @p0 .LBB2_10-.Ltmp4, $4  }
0xf7: {  	[tilespmem:s12+$0x2830] =	vst v0  }
0xf8: {  	[tilespmem:s12+$0x2840] =	vst v0  }
0xf9: {  	[tilespmem:s12+$0x2850] =	vst v0  }
0xfa: {  	[tilespmem:s12+$0x2860] =	vst v0;
	s12 =	sshra.s32 s13, $0x2;
	s13 =	sadd.s32 $0x200, s13  }
0xfb: {  	[tilespmem:s12+$0x2870] =	vst v0  }
0xfc: {  	[tilespmem:s12+$0x2800] =	vst v0  }
0xfd: {  	[tilespmem:s12+$0x2810] =	vst v0  }
0xfe: {  	[tilespmem:s12+$0x2820] =	vst v0  }
0xff: {  	[tilespmem:s12+$0x2830] =	vst v0  }
0x100: {  	[tilespmem:s12+$0x2840] =	vst v0  }
0x101: {  	[tilespmem:s12+$0x2850] =	vst v0  }
0x102: {  	[tilespmem:s12+$0x2860] =	vst v0  }
0x103: {  	[spmem:s7] =	stream.linear.scatter [tilespmem:s22], [sflag:$0x3], $0x4000, $0x38;
	[tilespmem:$0x1E400] =	vst v63  }
0x104: {  	_ =	swait.ge [sflag:s23], $0x4000  }
0x105: {  	[sflag:s23] =	ssyncset.done $0x0  }
0x106: {  	[sflag:s23] =	ssyncadd.s32 $0xFFFFC000  }
0x107: {  	[spmem:s8] =	stream.linear.scatter [tilespmem:s22], [sflag:$0x3], $0x4000, $0x38;
	[tilespmem:$0x1E400] =	vst v63  }
0x108: {  	_ =	swait.ge [sflag:s23], $0x4000  }
0x109: {  	[sflag:s23] =	ssyncset.done $0x0  }
0x10a: {  	[sflag:s23] =	ssyncadd.s32 $0xFFFFC000  }
0x10b: {  	[spmem:s9] =	stream.linear.scatter [tilespmem:s22], [sflag:$0x3], $0x4000, $0x38;
	[tilespmem:$0x1E400] =	vst v63  }
0x10c: {  	_ =	swait.ge [sflag:s23], $0x4000  }
0x10d: {  	[sflag:s23] =	ssyncset.done $0x0  }
0x10e: {  	[sflag:s23] =	ssyncadd.s32 $0xFFFFC000  }
0x10f: {  	[spmem:s10] =	stream.linear.scatter [tilespmem:s22], [sflag:$0x3], $0x4000, $0x38;
	[tilespmem:$0x1E400] =	vst v63  }
0x110: {  	_ =	swait.ge [sflag:s23], $0x4000  }
0x111: {  	[sflag:s23] =	ssyncset.done $0x0  }
0x112: {  	[sflag:s23] =	ssyncadd.s32 $0xFFFFC000  }
0x113: {  	[spmem:s11] =	stream.linear.scatter [tilespmem:s22], [sflag:$0x3], $0x3C00, $0x38;
	[tilespmem:$0x1E400] =	vst v63  }
0x114: {  	_ =	swait.ge [sflag:s23], $0x3C00  }
0x115: {  	[sflag:s23] =	ssyncset.done $0x0  }
0x116: {  	[sflag:s23] =	ssyncadd.s32 $0xFFFFC400  }
0x117: {  	s13 =	simm.s32 $0x0;
	[bflag:$0x0] =	sbarrier.arrive $0xFFFF  }
0x118: {  	[tilespmem:s13], [sflag:$0x3] =	stream.linear.gather [hbm4b:s18+s13], $0x1400, $0x38;
	[tilespmem:$0x1E400] =	vst v63  }
0x119: {  	_ =	swait.ge [sflag:s23], $0x1400  }
0x11a: {  	[sflag:s23] =	ssyncset.done $0x0  }
0x11b: {  	[sflag:s23] =	ssyncadd.s32 $0xFFFFEC00  }
0x11c: {  	[tilespmem:s24], [sflag:$0x3] =	stream.linear.gather [hbm4b:s19+s13], $0x1400, $0x38;
	[tilespmem:$0x1E400] =	vst v63  }
0x11d: {  	_ =	swait.ge [sflag:s23], $0x1400  }
0x11e: {  	[sflag:s23] =	ssyncset.done $0x0  }
0x11f: {  	[sflag:s23] =	ssyncadd.s32 $0xFFFFEC00  }
0x120: {  	[tilespmem:s22], [sflag:$0x1] =	stream.indirect.gather [hbm4b:s6+s25], $0x80, s13, s25, $0xb8;
	[tilespmem:$0x1E400] =	vst v63  }
0x121: {  	_ = 	snop  }
0x122: {  	[tilespmem:s26], [sflag:$0x2] =	stream.indirect.gather [hbm4b:s6+s25], $0x80, s25, s25, $0xb8;
	[tilespmem:$0x1E400] =	vst v63  }
0x123: {  	_ =	swait.ge [sflag:s28], $0x4000  }
0x124: {  	[sflag:s28] =	ssyncset.done $0x0  }
0x125: {  	s14 =	simm.s32 $0x1400;
	[sflag:s28] =	ssyncadd.s32 $0xFFFFC000  }
0x126: {  	[spmem:s1] =	stream.indirect.scatter.add.f32 [tilespmem:s22], [sflag:$0x3], $0x80, s14, s25, $0xb8;
	[tilespmem:$0x1E400] =	vst v63  }
0x127: {  	_ =	swait.ge [sflag:s23], $0x4000  }
0x128: {  	[sflag:s23] =	ssyncset.done $0x0  }
0x129: {  	s13 =	simm.s32 $0x100;
	[sflag:s23] =	ssyncadd.s32 $0xFFFFC000  }
0x12a: {  	[tilespmem:s22], [sflag:$0x1] =	stream.indirect.gather [hbm4b:s6+s25], $0x80, s13, s25, $0xb8;
	[tilespmem:$0x1E400] =	vst v63  }
0x12b: {  	_ =	swait.ge [sflag:s29], $0x4000  }
0x12c: {  	[sflag:s29] =	ssyncset.done $0x0  }
0x12d: {  	s14 =	simm.s32 $0x1480;
	[sflag:s29] =	ssyncadd.s32 $0xFFFFC000  }
0x12e: {  	[spmem:s1] =	stream.indirect.scatter.add.f32 [tilespmem:s26], [sflag:$0x3], $0x80, s14, s25, $0xb8;
	[tilespmem:$0x1E400] =	vst v63  }
0x12f: {  	_ =	swait.ge [sflag:s23], $0x4000  }
0x130: {  	[sflag:s23] =	ssyncset.done $0x0  }
0x131: {  	s12 =	simm.s32 $0x400;
	s13 =	simm.s32 $0x180;
	[sflag:s23] =	ssyncadd.s32 $0xFFFFC000  }
.LBB2_12:
0x132: {  	[tilespmem:s26], [sflag:$0x2] =	stream.indirect.gather [hbm4b:s6+s25], $0x80, s13, s25, $0xb8;
	[tilespmem:$0x1E400] =	vst v63  }
0x133: {  	s13 =	smov.u32 s12  }
0x134: {  	p0 =	sne.s32 s12, $0x4800;
	s12 =	sadd.s32 $0x400, s12;
	_ =	swait.ge [sflag:s28], $0x4000  }
0x135: {  	s13 =	sshra.s32 s13, $0x2;
	[sflag:s28] =	ssyncset.done $0x0  }
0x136: {  	s14 =	sadd.s32 $0x1400, s13;
	[sflag:s28] =	ssyncadd.s32 $0xFFFFC000  }
0x137: {  	[spmem:s1] =	stream.indirect.scatter.add.f32 [tilespmem:s22], [sflag:$0x3], $0x80, s14, s25, $0xb8;
	[tilespmem:$0x1E400] =	vst v63  }
0x138: {  	_ =	swait.ge [sflag:s23], $0x4000  }
0x139: {  	[sflag:s23] =	ssyncset.done $0x0  }
0x13a: {  	s14 =	sadd.s32 $0x100, s13;
	[sflag:s23] =	ssyncadd.s32 $0xFFFFC000  }
0x13b: {  	[tilespmem:s22], [sflag:$0x1] =	stream.indirect.gather [hbm4b:s6+s25], $0x80, s14, s25, $0xb8;
	[tilespmem:$0x1E400] =	vst v63  }
0x13c: {  	_ =	swait.ge [sflag:s29], $0x4000  }
0x13d: {  	[sflag:s29] =	ssyncset.done $0x0  }
.Ltmp5:
0x13e: {  	s14 =	sadd.s32 $0x1480, s13;
	[sflag:s29] =	ssyncadd.s32 $0xFFFFC000;
	(pc) =	sbr.rel @p0 .LBB2_12-.Ltmp5, $4  }
0x13f: {  	[spmem:s1] =	stream.indirect.scatter.add.f32 [tilespmem:s26], [sflag:$0x3], $0x80, s14, s25, $0xb8;
	[tilespmem:$0x1E400] =	vst v63  }
0x140: {  	_ =	swait.ge [sflag:s23], $0x4000  }
0x141: {  	[sflag:s23] =	ssyncset.done $0x0  }
0x142: {  	s13 =	sadd.s32 $0x180, s13;
	[sflag:s23] =	ssyncadd.s32 $0xFFFFC000  }
0x143: {  	[tilespmem:s26], [sflag:$0x2] =	stream.indirect.gather [hbm4b:s6+s25], $0x80, s13, s25, $0xb8;
	[tilespmem:$0x1E400] =	vst v63  }
0x144: {  	_ =	swait.ge [sflag:s28], $0x4000  }
0x145: {  	[sflag:s28] =	ssyncset.done $0x0  }
0x146: {  	[sflag:s28] =	ssyncadd.s32 $0xFFFFC000  }
0x147: {  	[spmem:s1] =	stream.indirect.scatter.add.f32 [tilespmem:s22], [sflag:$0x3], $0x80, s30, s25, $0xb8;
	[tilespmem:$0x1E400] =	vst v63  }
0x148: {  	_ =	swait.ge [sflag:s23], $0x4000  }
0x149: {  	[sflag:s23] =	ssyncset.done $0x0  }
0x14a: {  	s12 =	simm.s32 $0x0;
	[sflag:s23] =	ssyncadd.s32 $0xFFFFC000  }
0x14b: {  	[tilespmem:s22], [sflag:$0x1] =	stream.indirect.gather [hbm4b:s6+s25], $0x80, s12, s25, $0xb8;
	[tilespmem:$0x1E400] =	vst v63  }
0x14c: {  	_ =	swait.ge [sflag:s29], $0x4000  }
0x14d: {  	[sflag:s29] =	ssyncset.done $0x0  }
0x14e: {  	[sflag:s29] =	ssyncadd.s32 $0xFFFFC000  }
0x14f: {  	[spmem:s1] =	stream.indirect.scatter.add.f32 [tilespmem:s26], [sflag:$0x3], $0x80, s31, s25, $0xb8;
	[tilespmem:$0x1E400] =	vst v63  }
0x150: {  	_ =	swait.ge [sflag:s23], $0x4000  }
0x151: {  	[sflag:s23] =	ssyncset.done $0x0  }
0x152: {  	[sflag:s23] =	ssyncadd.s32 $0xFFFFC000  }
0x153: {  	[tilespmem:s26], [sflag:$0x2] =	stream.indirect.gather [hbm4b:s6+s25], $0x80, s25, s25, $0xb8;
	[tilespmem:$0x1E400] =	vst v63  }
0x154: {  	_ =	swait.ge [sflag:s28], $0x4000  }
0x155: {  	[sflag:s28] =	ssyncset.done $0x0  }
0x156: {  	[sflag:s28] =	ssyncadd.s32 $0xFFFFC000  }
0x157: {  	_ =	swait.ge [sflag:s29], $0x4000  }
0x158: {  	[sflag:s29] =	ssyncset.done $0x0  }
0x159: {  	s0 =	sadd.s32 $0x1, s0;
	[sflag:s29] =	ssyncadd.s32 $0xFFFFC000  }
0x15a: {  	p0 =	sne.s32 s0, s21;
	[bflag:$0x0] =	sbarrier.arrive $0xFFFF  }
0x15b: {  	[hbm:s20], [sflag:s3] =	dma.local [spmem:s2], $0x2780  }
.Ltmp6:
0x15c: {  	_ =	swait.ge [sflag:s23], $0x2780;
	(pc) =	sbr.rel @p0 .LBB2_1-.Ltmp6, $3  }
0x15d: {  	[sflag:s23] =	ssyncset.done $0x0  }
0x15e: {  	[sflag:s23] =	ssyncadd.s32 $0xFFFFD880  }
0x15f: {  	[bflag:$0x0] =	sbarrier.arrive $0xFFFF;
	_ =	sdelay $0x1  }
0x160: {  	_ =	sfence.sel $0x180000  }
0x161: {  	[bflag:$0x0] =	sbarrier.arrive $0xFFFF  }
0x162: {  	_ =	strace $0x9000004D  }
0x163: {  	s0 =	stileid.u32;
	[bflag:$0x2] =	sbarrier.arrive $0xFFFF  }
0x164: {  	p0 =	sne.s32 s0, $0x0;
	s0 =	rddreg [dreg:$0x3]  }
0x165: {  	s0 =	sadd.s32 @!p0 $0x100000, s0  }
0x166: {  	[sflag:s0] =	ssyncadd.tile.s32 @!p0 $0x1;
	_ =	shalt  }
.Lfunc_end2:
_tile_overlayer_lowered:
.L_overlay_start_2:
0x167: {  	(tag) =	ssettag $0x2  }
0x168: {  	s0 =	rddreg [dreg:$0x0];
	s2 =	stileid.u32  }
0x169: {  	s1 =	rddreg [dreg:$0x1];
	p0 =	sne.s32 s2, $0x0  }
0x16a: {  	s3 =	rddreg [dreg:$0x2];
	[bflag:$0x3] =	sbarrier.arrive $0xFFFF;
	s2 =	simm.s32 @!p0 $0x1C03  }
0x16b: {  	[timem:s3], [sflag:s2] =	dma.local @!p0 [hbm:s0], s1  }
0x16c: {  	s0 =	simm.s32 @!p0 $0x3  }
0x16d: {  	_ =	swait.ge @!p0 [sflag:s0], s1  }
0x16e: {  	s1 =	ssub.s32 @!p0 $0x0, s1;
	[sflag:s0] =	ssyncset.done @!p0 $0x0  }
0x16f: {  	[sflag:s0] =	ssyncadd.s32 @!p0 s1  }
0x170: {  	[bflag:$0x3] =	sbarrier.arrive $0xFFFF  }
0x171: {  	_ =	shalt  }

</sc_bundles>
